<compile_context>
chip_gen: v7x
topology: tpu7x:2x2x1
jax: 0.10.2.dev20260603
libtpu: 0.0.44.dev20260713+nightly
codegen_flags: <defaults>
</compile_context>

<pallas_src>
import functools

import jax
import jax.numpy as jnp
from jax import lax
from jax.experimental import pallas as pl
from jax.experimental.pallas import tpu as pltpu
from jax.experimental.pallas import tpu_sc as plsc

BATCH = 64
SEQ = 512
HIDDEN = 768
EPS = 1e-12
L = 16
NCHUNK = HIDDEN // L
RC = 32
NSLOT = 4
NCK = 32

_INFO = plsc.get_sparse_core_info()
NC = _INFO.num_cores
NS = _INFO.num_subcores
NW = NC * NS
S_PER_W = SEQ // NW


def _rsqrt_vec(x):
    i = lax.bitcast_convert_type(x, jnp.int32)
    i = jnp.int32(0x5F3759DF) - lax.shift_right_logical(i, 1)
    y = lax.bitcast_convert_type(i, jnp.float32)
    for _ in range(3):
        y = y * (1.5 - 0.5 * x * y * y)
    return y


_MESH = plsc.VectorSubcoreMesh(core_axis_name="c", subcore_axis_name="s")


@functools.partial(
    pl.kernel,
    mesh=_MESH,
    compiler_params=pltpu.CompilerParams(needs_layout_passes=False),
    out_type=jax.ShapeDtypeStruct((BATCH, SEQ, HIDDEN), jnp.float32),
    scratch_types=[
        pltpu.VMEM((S_PER_W, BATCH), jnp.int32),
        pltpu.VMEM((NSLOT * RC, HIDDEN), jnp.float32),
        pltpu.VMEM((S_PER_W, HIDDEN // 2), jnp.float32),
        pltpu.VMEM((RC, L), jnp.float32),
        pltpu.VMEM((RC, L), jnp.float32),
        pltpu.SemaphoreType.DMA,
        pltpu.SemaphoreType.DMA,
        pltpu.SemaphoreType.DMA,
        pltpu.SemaphoreType.DMA,
        pltpu.SemaphoreType.DMA,
        pltpu.SemaphoreType.DMA,
        pltpu.SemaphoreType.DMA,
        pltpu.SemaphoreType.DMA,
    ],
)
def _sc_embed(ids_hbm, word_hbm, pos_hbm, gamma_hbm, beta_hbm, out_hbm,
              ids_v, bufall, pos_v, mv_buf, rv_buf,
              sg0, sg1, sg2, sg3, ss0, ss1, ss2, ss3):
    del gamma_hbm, beta_hbm
    sgs = [sg0, sg1, sg2, sg3]
    sss = [ss0, ss1, ss2, ss3]

    wid = lax.axis_index("s") * NC + lax.axis_index("c")
    base_s = wid * S_PER_W

    pltpu.sync_copy(ids_hbm.at[pl.ds(base_s, S_PER_W), :], ids_v)
    pltpu.sync_copy(pos_hbm.at[pl.ds(base_s, S_PER_W)], pos_v)

    def slot_rows(i):
        return bufall.at[pl.ds(i * RC, RC), :]

    def chunk_ids(i, j):
        return ids_v.at[j, pl.ds((i % 2) * RC, RC)]

    def fetch(i, j):
        pltpu.async_copy(word_hbm.at[chunk_ids(i, j)], slot_rows(i), sgs[i])

    def wait_gather(i, j):
        pltpu.make_async_copy(word_hbm.at[chunk_ids(i, j)], slot_rows(i),
                              sgs[i]).wait()

    def start_scatter(i, j):
        h = i % 2
        pltpu.async_copy(
            slot_rows(i), out_hbm.at[pl.ds(h * RC, RC), base_s + j, :],
            sss[i])

    def wait_scatter(i):
        pltpu.make_async_copy(
            slot_rows(i), out_hbm.at[pl.ds(0, RC), base_s, :], sss[i]).wait()

    def compute(soff, j):
        @plsc.parallel_loop(0, RC, 1, unroll=2)
        def stats_body(r):
            sacc = jnp.zeros((L,), jnp.float32)
            qacc = jnp.zeros((L,), jnp.float32)
            for k2 in range(NCHUNK // 2):
                pa, pb = plsc.unpack(
                    plsc.bitcast(pos_v[j, pl.ds(k2 * L, L)], jnp.bfloat16),
                    format=plsc.PackFormat.INTERLEAVED,
                    preferred_element_type=jnp.float32)
                x0 = bufall[soff + r, pl.ds(k2 * 2 * L, L)] + pa
                x1 = bufall[soff + r, pl.ds(k2 * 2 * L + L, L)] + pb
                bufall[soff + r, pl.ds(k2 * 2 * L, L)] = plsc.bitcast(
                    plsc.pack(x0, x1, format=plsc.PackFormat.INTERLEAVED),
                    jnp.float32)
                sacc = sacc + x0
                qacc = qacc + x0 * x0
                sacc = sacc + x1
                qacc = qacc + x1 * x1
            s1 = jnp.sum(sacc)
            s2 = jnp.sum(qacc)
            mean = s1 * (1.0 / HIDDEN)
            var = s2 * (1.0 / HIDDEN) - mean * mean
            mv_buf[r, pl.ds(0, L)] = jnp.full((L,), mean, jnp.float32)
            rv_buf[r, pl.ds(0, L)] = _rsqrt_vec(
                jnp.full((L,), var + EPS, jnp.float32))

        def norm_body(r, c2):
            mvec = mv_buf[r, pl.ds(0, L)]
            rvec = rv_buf[r, pl.ds(0, L)]
            for k2 in range(NCHUNK // 2):
                x0, x1 = plsc.unpack(
                    plsc.bitcast(
                        bufall[soff + r, pl.ds(k2 * 2 * L, L)],
                        jnp.bfloat16),
                    format=plsc.PackFormat.INTERLEAVED,
                    preferred_element_type=jnp.float32)
                bufall[soff + r, pl.ds(k2 * 2 * L, L)] = (x0 - mvec) * rvec
                bufall[soff + r, pl.ds(k2 * 2 * L + L, L)] = (
                    (x1 - mvec) * rvec)
            return c2

        lax.fori_loop(0, RC, norm_body, 0)

    fetch(0, 0)
    fetch(1, 0)

    def ring_body(n, carry):
        slot = lax.rem(n, NSLOT)
        j = lax.div(n, 2)

        for i in range(NSLOT):
            i2 = (i + 2) % NSLOT

            @pl.when(slot == i)
            def _():
                @pl.when(n <= NCK - 3)
                def _():
                    @pl.when(n >= 2)
                    def _():
                        wait_scatter(i2)

                    fetch(i2, j + 1)

                wait_gather(i, j)

        compute(lax.mul(slot, RC), j)

        for i in range(NSLOT):
            @pl.when(slot == i)
            def _():
                start_scatter(i, j)

        return carry

    lax.fori_loop(0, NCK, ring_body, 0)

    wait_scatter(0)
    wait_scatter(1)
    wait_scatter(2)
    wait_scatter(3)


def kernel(input_ids, word_emb, pos_emb, gamma, beta):
    ids_t = jnp.transpose(input_ids).astype(jnp.int32)
    max_pos = pos_emb.shape[0]
    pos_pairs = (
        pos_emb.astype(jnp.bfloat16)
        .reshape(max_pos, HIDDEN // (2 * L), 2, L)
        .transpose(0, 1, 3, 2))
    pos_packed = lax.bitcast_convert_type(pos_pairs, jnp.float32).reshape(
        max_pos, HIDDEN // 2)
    return _sc_embed(ids_t, word_emb, pos_packed, gamma, beta)

# --- scband reference (transcript-rebuilt; emitter-appended) ---
"""Pipeline reference for scband-tfblip-text-embeddings-23484881175188 (READ-ONLY COPY).

The authoritative reference and input builder live on the scoring server;
editing this copy changes nothing except your own understanding.
"""

import jax, jax.numpy as jnp
import numpy as np

VOCAB = 30524
HIDDEN = 768
MAX_POS = 512
BATCH = 64
SEQ = 512
EPS = 1e-12


def setup_inputs(seed: int = 0) -> dict:
    key = jax.random.key(seed)
    k1, k2, k3 = jax.random.split(key, 3)
    input_ids = jax.random.randint(k1, (BATCH, SEQ), 0, VOCAB, dtype=jnp.int64 if jax.config.jax_enable_x64 else jnp.int32)
    word_emb = jax.random.normal(k2, (VOCAB, HIDDEN), dtype=jnp.float32) * 0.02
    pos_emb = jax.random.normal(k3, (MAX_POS, HIDDEN), dtype=jnp.float32) * 0.02
    gamma = jnp.ones((HIDDEN,), dtype=jnp.float32)
    beta = jnp.zeros((HIDDEN,), dtype=jnp.float32)
    return {"input_ids": input_ids, "word_emb": word_emb, "pos_emb": pos_emb, "gamma": gamma, "beta": beta}


def reference(input_ids, word_emb, pos_emb, gamma, beta):
    # word embedding lookup (gather)
    inputs_embeds = jnp.take(word_emb, input_ids, axis=0)  # [B, S, H]
    # absolute position embeddings (past_key_values_length = 0)
    seq_len = input_ids.shape[1]
    position_ids = jnp.arange(seq_len)  # [S]
    position_embeddings = jnp.take(pos_emb, position_ids, axis=0)  # [S, H]
    embeddings = inputs_embeds + position_embeddings[None, :, :]
    # LayerNorm over last axis (Keras LayerNormalization semantics)
    mean = jnp.mean(embeddings, axis=-1, keepdims=True)
    var = jnp.mean(jnp.square(embeddings - mean), axis=-1, keepdims=True)
    normed = (embeddings - mean) * jax.lax.rsqrt(var + EPS)
    out = normed * gamma + beta
    # dropout is identity in inference (training=None/False)
    return out

if __name__ == "__main__":
    import jax
    _d = setup_inputs()
    print(jax.jit(kernel)(*tuple(_d.values())))

</pallas_src>

<mosaic_0001>
#map = affine_map<(d0, d1) -> (0, 0)>
#map1 = affine_map<(d0, d1) -> (0)>
#map2 = affine_map<(d0, d1) -> (0, 0, 0)>
module attributes {stable_mosaic.version = 14 : i64} {
  func.func @_sc_embed(%arg0: i32, %arg1: i32, %arg2: memref<512x64xi32, #tpu.memory_space<hbm>>, %arg3: memref<30524x768xf32, #tpu.memory_space<hbm>>, %arg4: memref<512x384xf32, #tpu.memory_space<hbm>>, %arg5: memref<768xf32, #tpu.memory_space<hbm>>, %arg6: memref<768xf32, #tpu.memory_space<hbm>>, %arg7: memref<64x512x768xf32, #tpu.memory_space<hbm>>, %arg8: memref<16x64xi32, #tpu.memory_space<vmem>>, %arg9: memref<128x768xf32, #tpu.memory_space<vmem>>, %arg10: memref<16x384xf32, #tpu.memory_space<vmem>>, %arg11: memref<32x16xf32, #tpu.memory_space<vmem>>, %arg12: memref<32x16xf32, #tpu.memory_space<vmem>>, %arg13: memref<!tpu.dma_semaphore, #tpu.memory_space<semaphore_mem>>, %arg14: memref<!tpu.dma_semaphore, #tpu.memory_space<semaphore_mem>>, %arg15: memref<!tpu.dma_semaphore, #tpu.memory_space<semaphore_mem>>, %arg16: memref<!tpu.dma_semaphore, #tpu.memory_space<semaphore_mem>>, %arg17: memref<!tpu.dma_semaphore, #tpu.memory_space<semaphore_mem>>, %arg18: memref<!tpu.dma_semaphore, #tpu.memory_space<semaphore_mem>>, %arg19: memref<!tpu.dma_semaphore, #tpu.memory_space<semaphore_mem>>, %arg20: memref<!tpu.dma_semaphore, #tpu.memory_space<semaphore_mem>>) attributes {dimension_semantics = [#tpu.dimension_semantics<core_parallel>, #tpu.dimension_semantics<subcore_parallel>], iteration_bounds = array<i64: 2, 16>, scalar_prefetch = 0 : i64, scratch_operands = 13 : i64, tpu.core_type = #tpu.core_type<sc_vector_subcore>, window_params = [{transform_indices = #map}, {transform_indices = #map}, {transform_indices = #map}, {transform_indices = #map1}, {transform_indices = #map1}, {transform_indices = #map2}]} {
    %mul3A = arith.constant 2 : i32
    %mul3A_0 = arith.muli %arg1, %mul3A : i32
    %add3A = arith.addi %mul3A_0, %arg0 : i32
    %mul3A_1 = arith.constant 16 : i32
    %mul3A_2 = arith.muli %add3A, %mul3A_1 : i32
    "tpu.region"() ({
      %run_scoped3A = tpu.sem_alloc : memref<!tpu.dma_semaphore, #tpu.memory_space<semaphore_mem>>
      %dma_start3A_82 = arith.constant 0 : i32
      %dma_start3A_83 = tpu.memref_slice %arg2[%mul3A_2, %dma_start3A_82] : memref<512x64xi32, #tpu.memory_space<hbm>> -> memref<16x64xi32, #tpu.memory_space<hbm>>
      %dma_start3A_84 = arith.constant 0 : i32
      %dma_start3A_85 = tpu.memref_slice %arg2[%mul3A_2, %dma_start3A_84] : memref<512x64xi32, #tpu.memory_space<hbm>> -> memref<16x64xi32, #tpu.memory_space<hbm>>
      tpu.enqueue_dma source(%dma_start3A_85 : memref<16x64xi32, #tpu.memory_space<hbm>>) target(%arg8 : memref<16x64xi32, #tpu.memory_space<vmem>>) target_semaphore(%run_scoped3A : memref<!tpu.dma_semaphore, #tpu.memory_space<semaphore_mem>>)
      %dma_wait3A_86 = arith.constant 0 : i32
      %dma_wait3A_87 = tpu.memref_slice %arg2[%mul3A_2, %dma_wait3A_86] : memref<512x64xi32, #tpu.memory_space<hbm>> -> memref<16x64xi32, #tpu.memory_space<hbm>>
      %dma_wait3A_88 = arith.constant 0 : i32
      %dma_wait3A_89 = tpu.memref_slice %arg2[%mul3A_2, %dma_wait3A_88] : memref<512x64xi32, #tpu.memory_space<hbm>> -> memref<16x64xi32, #tpu.memory_space<hbm>>
      tpu.wait_dma2 semaphore(%run_scoped3A : memref<!tpu.dma_semaphore, #tpu.memory_space<semaphore_mem>>) src(%dma_wait3A_89 : memref<16x64xi32, #tpu.memory_space<hbm>>) dst(%arg8 : memref<16x64xi32, #tpu.memory_space<vmem>>)
      tpu.yield
    }) : () -> ()
    "tpu.region"() ({
      %run_scoped3A = tpu.sem_alloc : memref<!tpu.dma_semaphore, #tpu.memory_space<semaphore_mem>>
      %dma_start3A_82 = arith.constant 0 : i32
      %dma_start3A_83 = tpu.memref_slice %arg4[%mul3A_2, %dma_start3A_82] : memref<512x384xf32, #tpu.memory_space<hbm>> -> memref<16x384xf32, #tpu.memory_space<hbm>>
      %dma_start3A_84 = arith.constant 0 : i32
      %dma_start3A_85 = tpu.memref_slice %arg4[%mul3A_2, %dma_start3A_84] : memref<512x384xf32, #tpu.memory_space<hbm>> -> memref<16x384xf32, #tpu.memory_space<hbm>>
      tpu.enqueue_dma source(%dma_start3A_85 : memref<16x384xf32, #tpu.memory_space<hbm>>) target(%arg10 : memref<16x384xf32, #tpu.memory_space<vmem>>) target_semaphore(%run_scoped3A : memref<!tpu.dma_semaphore, #tpu.memory_space<semaphore_mem>>)
      %dma_wait3A_86 = arith.constant 0 : i32
      %dma_wait3A_87 = tpu.memref_slice %arg4[%mul3A_2, %dma_wait3A_86] : memref<512x384xf32, #tpu.memory_space<hbm>> -> memref<16x384xf32, #tpu.memory_space<hbm>>
      %dma_wait3A_88 = arith.constant 0 : i32
      %dma_wait3A_89 = tpu.memref_slice %arg4[%mul3A_2, %dma_wait3A_88] : memref<512x384xf32, #tpu.memory_space<hbm>> -> memref<16x384xf32, #tpu.memory_space<hbm>>
      tpu.wait_dma2 semaphore(%run_scoped3A : memref<!tpu.dma_semaphore, #tpu.memory_space<semaphore_mem>>) src(%dma_wait3A_89 : memref<16x384xf32, #tpu.memory_space<hbm>>) dst(%arg10 : memref<16x384xf32, #tpu.memory_space<vmem>>)
      tpu.yield
    }) : () -> ()
    %dma_start3A = arith.constant 0 : i32
    %dma_start3A_3 = arith.constant 0 : i32
    %dma_start3A_4 = arith.constant 0 : i32
    %dma_start3A_5 = tpu.memref_slice %arg9[%dma_start3A_3, %dma_start3A_4] : memref<128x768xf32, #tpu.memory_space<vmem>> -> memref<32x768xf32, #tpu.memory_space<vmem>>
    %dma_start3A_6 = arith.constant 0 : i32
    %dma_start3A_7 = tpu.memref_slice %arg8[%dma_start3A, %dma_start3A_6] : memref<16x64xi32, #tpu.memory_space<vmem>> -> memref<1x32xi32, #tpu.memory_space<vmem>>
    %dma_start3A_8 = tpu.memref_squeeze %dma_start3A_7 : memref<1x32xi32, #tpu.memory_space<vmem>> -> memref<32xi32, #tpu.memory_space<vmem>>
    %dma_start3A_9 = arith.constant 0 : i32
    %dma_start3A_10 = arith.constant 0 : i32
    %dma_start3A_11 = tpu.memref_slice %arg3[%dma_start3A_9, %dma_start3A_10] : memref<30524x768xf32, #tpu.memory_space<hbm>> -> memref<30524x768xf32, #tpu.memory_space<hbm>>
    tpu.enqueue_indirect_dma source(%dma_start3A_11 : memref<30524x768xf32, #tpu.memory_space<hbm>>) target(%dma_start3A_5 : memref<32x768xf32, #tpu.memory_space<vmem>>) offsets(%dma_start3A_8 : memref<32xi32, #tpu.memory_space<vmem>>) semaphore(%arg13 : memref<!tpu.dma_semaphore, #tpu.memory_space<semaphore_mem>>)
    %dma_start3A_12 = arith.constant 0 : i32
    %dma_start3A_13 = arith.constant 32 : i32
    %dma_start3A_14 = arith.constant 0 : i32
    %dma_start3A_15 = tpu.memref_slice %arg9[%dma_start3A_13, %dma_start3A_14] : memref<128x768xf32, #tpu.memory_space<vmem>> -> memref<32x768xf32, #tpu.memory_space<vmem>>
    %dma_start3A_16 = arith.constant 32 : i32
    %dma_start3A_17 = tpu.memref_slice %arg8[%dma_start3A_12, %dma_start3A_16] : memref<16x64xi32, #tpu.memory_space<vmem>> -> memref<1x32xi32, #tpu.memory_space<vmem>>
    %dma_start3A_18 = tpu.memref_squeeze %dma_start3A_17 : memref<1x32xi32, #tpu.memory_space<vmem>> -> memref<32xi32, #tpu.memory_space<vmem>>
    %dma_start3A_19 = arith.constant 0 : i32
    %dma_start3A_20 = arith.constant 0 : i32
    %dma_start3A_21 = tpu.memref_slice %arg3[%dma_start3A_19, %dma_start3A_20] : memref<30524x768xf32, #tpu.memory_space<hbm>> -> memref<30524x768xf32, #tpu.memory_space<hbm>>
    tpu.enqueue_indirect_dma source(%dma_start3A_21 : memref<30524x768xf32, #tpu.memory_space<hbm>>) target(%dma_start3A_15 : memref<32x768xf32, #tpu.memory_space<vmem>>) offsets(%dma_start3A_18 : memref<32xi32, #tpu.memory_space<vmem>>) semaphore(%arg14 : memref<!tpu.dma_semaphore, #tpu.memory_space<semaphore_mem>>)
    %scan3A = arith.constant 0 : i32
    %scan3A_22 = arith.constant 0 : i32
    %scan3A_23 = arith.constant 32 : i32
    %scan3A_24 = arith.addi %scan3A_22, %scan3A_23 : i32
    %scan3A_25 = arith.constant 1 : i32
    scf.for %scan3A_82 = %scan3A_22 to %scan3A_24 step %scan3A_25  : i32 {
      %rem3A = arith.constant 4 : i32
      %rem3A_83 = arith.remsi %scan3A_82, %rem3A : i32
      %div3A = arith.constant 2 : i32
      %div3A_84 = arith.divsi %scan3A_82, %div3A : i32
      %eq3A = arith.constant 0 : i32
      %eq3A_85 = arith.cmpi eq, %rem3A_83, %eq3A : i32
      %convert_element_type3A = arith.extui %eq3A_85 : i1 to i32
      %cond3A = arith.constant 0 : i32
      %cond3A_86 = arith.cmpi ne, %convert_element_type3A, %cond3A : i32
      scf.if %cond3A_86 {
        %le3A = arith.constant 29 : i32
        %le3A_132 = arith.cmpi sle, %scan3A_82, %le3A : i32
        %convert_element_type3A_133 = arith.extui %le3A_132 : i1 to i32
        %cond3A_134 = arith.constant 0 : i32
        %cond3A_135 = arith.cmpi ne, %convert_element_type3A_133, %cond3A_134 : i32
        scf.if %cond3A_135 {
          %ge3A = arith.constant 2 : i32
          %ge3A_145 = arith.cmpi sge, %scan3A_82, %ge3A : i32
          %convert_element_type3A_146 = arith.extui %ge3A_145 : i1 to i32
          %cond3A_147 = arith.constant 0 : i32
          %cond3A_148 = arith.cmpi ne, %convert_element_type3A_146, %cond3A_147 : i32
          scf.if %cond3A_148 {
            %dma_wait3A_160 = arith.constant 64 : i32
            %dma_wait3A_161 = arith.constant 0 : i32
            %dma_wait3A_162 = tpu.memref_slice %arg9[%dma_wait3A_160, %dma_wait3A_161] : memref<128x768xf32, #tpu.memory_space<vmem>> -> memref<32x768xf32, #tpu.memory_space<vmem>>
            %dma_wait3A_163 = arith.constant 0 : i32
            %dma_wait3A_164 = arith.constant 0 : i32
            %dma_wait3A_165 = tpu.memref_slice %arg7[%dma_wait3A_163, %mul3A_2, %dma_wait3A_164] : memref<64x512x768xf32, #tpu.memory_space<hbm>> -> memref<32x1x768xf32, #tpu.memory_space<hbm>>
            %dma_wait3A_166 = tpu.memref_squeeze %dma_wait3A_165 : memref<32x1x768xf32, #tpu.memory_space<hbm>> -> memref<32x768xf32, #tpu.memory_space<hbm>>
            %dma_wait3A_167 = arith.constant 0 : i32
            %dma_wait3A_168 = arith.constant 0 : i32
            %dma_wait3A_169 = tpu.memref_slice %arg7[%dma_wait3A_167, %mul3A_2, %dma_wait3A_168] : memref<64x512x768xf32, #tpu.memory_space<hbm>> -> memref<32x1x768xf32, #tpu.memory_space<hbm>>
            %dma_wait3A_170 = tpu.memref_squeeze %dma_wait3A_169 : memref<32x1x768xf32, #tpu.memory_space<hbm>> -> memref<32x768xf32, #tpu.memory_space<hbm>>
            %dma_wait3A_171 = arith.constant 64 : i32
            %dma_wait3A_172 = arith.constant 0 : i32
            %dma_wait3A_173 = tpu.memref_slice %arg9[%dma_wait3A_171, %dma_wait3A_172] : memref<128x768xf32, #tpu.memory_space<vmem>> -> memref<32x768xf32, #tpu.memory_space<vmem>>
            tpu.wait_dma2 semaphore(%arg19 : memref<!tpu.dma_semaphore, #tpu.memory_space<semaphore_mem>>) src(%dma_wait3A_173 : memref<32x768xf32, #tpu.memory_space<vmem>>) dst(%dma_wait3A_170 : memref<32x768xf32, #tpu.memory_space<hbm>>)
          } else {
          }
          %add3A_149 = arith.constant 1 : i32
          %add3A_150 = arith.addi %div3A_84, %add3A_149 : i32
          %dma_start3A_151 = arith.constant 64 : i32
          %dma_start3A_152 = arith.constant 0 : i32
          %dma_start3A_153 = tpu.memref_slice %arg9[%dma_start3A_151, %dma_start3A_152] : memref<128x768xf32, #tpu.memory_space<vmem>> -> memref<32x768xf32, #tpu.memory_space<vmem>>
          %dma_start3A_154 = arith.constant 0 : i32
          %dma_start3A_155 = tpu.memref_slice %arg8[%add3A_150, %dma_start3A_154] : memref<16x64xi32, #tpu.memory_space<vmem>> -> memref<1x32xi32, #tpu.memory_space<vmem>>
          %dma_start3A_156 = tpu.memref_squeeze %dma_start3A_155 : memref<1x32xi32, #tpu.memory_space<vmem>> -> memref<32xi32, #tpu.memory_space<vmem>>
          %dma_start3A_157 = arith.constant 0 : i32
          %dma_start3A_158 = arith.constant 0 : i32
          %dma_start3A_159 = tpu.memref_slice %arg3[%dma_start3A_157, %dma_start3A_158] : memref<30524x768xf32, #tpu.memory_space<hbm>> -> memref<30524x768xf32, #tpu.memory_space<hbm>>
          tpu.enqueue_indirect_dma source(%dma_start3A_159 : memref<30524x768xf32, #tpu.memory_space<hbm>>) target(%dma_start3A_153 : memref<32x768xf32, #tpu.memory_space<vmem>>) offsets(%dma_start3A_156 : memref<32xi32, #tpu.memory_space<vmem>>) semaphore(%arg15 : memref<!tpu.dma_semaphore, #tpu.memory_space<semaphore_mem>>)
        } else {
        }
        %dma_wait3A_136 = arith.constant 0 : i32
        %dma_wait3A_137 = arith.constant 0 : i32
        %dma_wait3A_138 = tpu.memref_slice %arg9[%dma_wait3A_136, %dma_wait3A_137] : memref<128x768xf32, #tpu.memory_space<vmem>> -> memref<32x768xf32, #tpu.memory_space<vmem>>
        %dma_wait3A_139 = arith.constant 0 : i32
        %dma_wait3A_140 = tpu.memref_slice %arg8[%div3A_84, %dma_wait3A_139] : memref<16x64xi32, #tpu.memory_space<vmem>> -> memref<1x32xi32, #tpu.memory_space<vmem>>
        %dma_wait3A_141 = tpu.memref_squeeze %dma_wait3A_140 : memref<1x32xi32, #tpu.memory_space<vmem>> -> memref<32xi32, #tpu.memory_space<vmem>>
        %dma_wait3A_142 = arith.constant 0 : i32
        %dma_wait3A_143 = arith.constant 0 : i32
        %dma_wait3A_144 = tpu.memref_slice %arg3[%dma_wait3A_142, %dma_wait3A_143] : memref<30524x768xf32, #tpu.memory_space<hbm>> -> memref<30524x768xf32, #tpu.memory_space<hbm>>
        tpu.wait_indirect_dma semaphore(%arg13 : memref<!tpu.dma_semaphore, #tpu.memory_space<semaphore_mem>>) src(%dma_wait3A_144 : memref<30524x768xf32, #tpu.memory_space<hbm>>) dst(%dma_wait3A_138 : memref<32x768xf32, #tpu.memory_space<vmem>>)
      } else {
      }
      %eq3A_87 = arith.constant 1 : i32
      %eq3A_88 = arith.cmpi eq, %rem3A_83, %eq3A_87 : i32
      %convert_element_type3A_89 = arith.extui %eq3A_88 : i1 to i32
      %cond3A_90 = arith.constant 0 : i32
      %cond3A_91 = arith.cmpi ne, %convert_element_type3A_89, %cond3A_90 : i32
      scf.if %cond3A_91 {
        %le3A = arith.constant 29 : i32
        %le3A_132 = arith.cmpi sle, %scan3A_82, %le3A : i32
        %convert_element_type3A_133 = arith.extui %le3A_132 : i1 to i32
        %cond3A_134 = arith.constant 0 : i32
        %cond3A_135 = arith.cmpi ne, %convert_element_type3A_133, %cond3A_134 : i32
        scf.if %cond3A_135 {
          %ge3A = arith.constant 2 : i32
          %ge3A_145 = arith.cmpi sge, %scan3A_82, %ge3A : i32
          %convert_element_type3A_146 = arith.extui %ge3A_145 : i1 to i32
          %cond3A_147 = arith.constant 0 : i32
          %cond3A_148 = arith.cmpi ne, %convert_element_type3A_146, %cond3A_147 : i32
          scf.if %cond3A_148 {
            %dma_wait3A_160 = arith.constant 96 : i32
            %dma_wait3A_161 = arith.constant 0 : i32
            %dma_wait3A_162 = tpu.memref_slice %arg9[%dma_wait3A_160, %dma_wait3A_161] : memref<128x768xf32, #tpu.memory_space<vmem>> -> memref<32x768xf32, #tpu.memory_space<vmem>>
            %dma_wait3A_163 = arith.constant 0 : i32
            %dma_wait3A_164 = arith.constant 0 : i32
            %dma_wait3A_165 = tpu.memref_slice %arg7[%dma_wait3A_163, %mul3A_2, %dma_wait3A_164] : memref<64x512x768xf32, #tpu.memory_space<hbm>> -> memref<32x1x768xf32, #tpu.memory_space<hbm>>
            %dma_wait3A_166 = tpu.memref_squeeze %dma_wait3A_165 : memref<32x1x768xf32, #tpu.memory_space<hbm>> -> memref<32x768xf32, #tpu.memory_space<hbm>>
            %dma_wait3A_167 = arith.constant 0 : i32
            %dma_wait3A_168 = arith.constant 0 : i32
            %dma_wait3A_169 = tpu.memref_slice %arg7[%dma_wait3A_167, %mul3A_2, %dma_wait3A_168] : memref<64x512x768xf32, #tpu.memory_space<hbm>> -> memref<32x1x768xf32, #tpu.memory_space<hbm>>
            %dma_wait3A_170 = tpu.memref_squeeze %dma_wait3A_169 : memref<32x1x768xf32, #tpu.memory_space<hbm>> -> memref<32x768xf32, #tpu.memory_space<hbm>>
            %dma_wait3A_171 = arith.constant 96 : i32
            %dma_wait3A_172 = arith.constant 0 : i32
            %dma_wait3A_173 = tpu.memref_slice %arg9[%dma_wait3A_171, %dma_wait3A_172] : memref<128x768xf32, #tpu.memory_space<vmem>> -> memref<32x768xf32, #tpu.memory_space<vmem>>
            tpu.wait_dma2 semaphore(%arg20 : memref<!tpu.dma_semaphore, #tpu.memory_space<semaphore_mem>>) src(%dma_wait3A_173 : memref<32x768xf32, #tpu.memory_space<vmem>>) dst(%dma_wait3A_170 : memref<32x768xf32, #tpu.memory_space<hbm>>)
          } else {
          }
          %add3A_149 = arith.constant 1 : i32
          %add3A_150 = arith.addi %div3A_84, %add3A_149 : i32
          %dma_start3A_151 = arith.constant 96 : i32
          %dma_start3A_152 = arith.constant 0 : i32
          %dma_start3A_153 = tpu.memref_slice %arg9[%dma_start3A_151, %dma_start3A_152] : memref<128x768xf32, #tpu.memory_space<vmem>> -> memref<32x768xf32, #tpu.memory_space<vmem>>
          %dma_start3A_154 = arith.constant 32 : i32
          %dma_start3A_155 = tpu.memref_slice %arg8[%add3A_150, %dma_start3A_154] : memref<16x64xi32, #tpu.memory_space<vmem>> -> memref<1x32xi32, #tpu.memory_space<vmem>>
          %dma_start3A_156 = tpu.memref_squeeze %dma_start3A_155 : memref<1x32xi32, #tpu.memory_space<vmem>> -> memref<32xi32, #tpu.memory_space<vmem>>
          %dma_start3A_157 = arith.constant 0 : i32
          %dma_start3A_158 = arith.constant 0 : i32
          %dma_start3A_159 = tpu.memref_slice %arg3[%dma_start3A_157, %dma_start3A_158] : memref<30524x768xf32, #tpu.memory_space<hbm>> -> memref<30524x768xf32, #tpu.memory_space<hbm>>
          tpu.enqueue_indirect_dma source(%dma_start3A_159 : memref<30524x768xf32, #tpu.memory_space<hbm>>) target(%dma_start3A_153 : memref<32x768xf32, #tpu.memory_space<vmem>>) offsets(%dma_start3A_156 : memref<32xi32, #tpu.memory_space<vmem>>) semaphore(%arg16 : memref<!tpu.dma_semaphore, #tpu.memory_space<semaphore_mem>>)
        } else {
        }
        %dma_wait3A_136 = arith.constant 32 : i32
        %dma_wait3A_137 = arith.constant 0 : i32
        %dma_wait3A_138 = tpu.memref_slice %arg9[%dma_wait3A_136, %dma_wait3A_137] : memref<128x768xf32, #tpu.memory_space<vmem>> -> memref<32x768xf32, #tpu.memory_space<vmem>>
        %dma_wait3A_139 = arith.constant 32 : i32
        %dma_wait3A_140 = tpu.memref_slice %arg8[%div3A_84, %dma_wait3A_139] : memref<16x64xi32, #tpu.memory_space<vmem>> -> memref<1x32xi32, #tpu.memory_space<vmem>>
        %dma_wait3A_141 = tpu.memref_squeeze %dma_wait3A_140 : memref<1x32xi32, #tpu.memory_space<vmem>> -> memref<32xi32, #tpu.memory_space<vmem>>
        %dma_wait3A_142 = arith.constant 0 : i32
        %dma_wait3A_143 = arith.constant 0 : i32
        %dma_wait3A_144 = tpu.memref_slice %arg3[%dma_wait3A_142, %dma_wait3A_143] : memref<30524x768xf32, #tpu.memory_space<hbm>> -> memref<30524x768xf32, #tpu.memory_space<hbm>>
        tpu.wait_indirect_dma semaphore(%arg14 : memref<!tpu.dma_semaphore, #tpu.memory_space<semaphore_mem>>) src(%dma_wait3A_144 : memref<30524x768xf32, #tpu.memory_space<hbm>>) dst(%dma_wait3A_138 : memref<32x768xf32, #tpu.memory_space<vmem>>)
      } else {
      }
      %eq3A_92 = arith.constant 2 : i32
      %eq3A_93 = arith.cmpi eq, %rem3A_83, %eq3A_92 : i32
      %convert_element_type3A_94 = arith.extui %eq3A_93 : i1 to i32
      %cond3A_95 = arith.constant 0 : i32
      %cond3A_96 = arith.cmpi ne, %convert_element_type3A_94, %cond3A_95 : i32
      scf.if %cond3A_96 {
        %le3A = arith.constant 29 : i32
        %le3A_132 = arith.cmpi sle, %scan3A_82, %le3A : i32
        %convert_element_type3A_133 = arith.extui %le3A_132 : i1 to i32
        %cond3A_134 = arith.constant 0 : i32
        %cond3A_135 = arith.cmpi ne, %convert_element_type3A_133, %cond3A_134 : i32
        scf.if %cond3A_135 {
          %ge3A = arith.constant 2 : i32
          %ge3A_145 = arith.cmpi sge, %scan3A_82, %ge3A : i32
          %convert_element_type3A_146 = arith.extui %ge3A_145 : i1 to i32
          %cond3A_147 = arith.constant 0 : i32
          %cond3A_148 = arith.cmpi ne, %convert_element_type3A_146, %cond3A_147 : i32
          scf.if %cond3A_148 {
            %dma_wait3A_160 = arith.constant 0 : i32
            %dma_wait3A_161 = arith.constant 0 : i32
            %dma_wait3A_162 = tpu.memref_slice %arg9[%dma_wait3A_160, %dma_wait3A_161] : memref<128x768xf32, #tpu.memory_space<vmem>> -> memref<32x768xf32, #tpu.memory_space<vmem>>
            %dma_wait3A_163 = arith.constant 0 : i32
            %dma_wait3A_164 = arith.constant 0 : i32
            %dma_wait3A_165 = tpu.memref_slice %arg7[%dma_wait3A_163, %mul3A_2, %dma_wait3A_164] : memref<64x512x768xf32, #tpu.memory_space<hbm>> -> memref<32x1x768xf32, #tpu.memory_space<hbm>>
            %dma_wait3A_166 = tpu.memref_squeeze %dma_wait3A_165 : memref<32x1x768xf32, #tpu.memory_space<hbm>> -> memref<32x768xf32, #tpu.memory_space<hbm>>
            %dma_wait3A_167 = arith.constant 0 : i32
            %dma_wait3A_168 = arith.constant 0 : i32
            %dma_wait3A_169 = tpu.memref_slice %arg7[%dma_wait3A_167, %mul3A_2, %dma_wait3A_168] : memref<64x512x768xf32, #tpu.memory_space<hbm>> -> memref<32x1x768xf32, #tpu.memory_space<hbm>>
            %dma_wait3A_170 = tpu.memref_squeeze %dma_wait3A_169 : memref<32x1x768xf32, #tpu.memory_space<hbm>> -> memref<32x768xf32, #tpu.memory_space<hbm>>
            %dma_wait3A_171 = arith.constant 0 : i32
            %dma_wait3A_172 = arith.constant 0 : i32
            %dma_wait3A_173 = tpu.memref_slice %arg9[%dma_wait3A_171, %dma_wait3A_172] : memref<128x768xf32, #tpu.memory_space<vmem>> -> memref<32x768xf32, #tpu.memory_space<vmem>>
            tpu.wait_dma2 semaphore(%arg17 : memref<!tpu.dma_semaphore, #tpu.memory_space<semaphore_mem>>) src(%dma_wait3A_173 : memref<32x768xf32, #tpu.memory_space<vmem>>) dst(%dma_wait3A_170 : memref<32x768xf32, #tpu.memory_space<hbm>>)
          } else {
          }
          %add3A_149 = arith.constant 1 : i32
          %add3A_150 = arith.addi %div3A_84, %add3A_149 : i32
          %dma_start3A_151 = arith.constant 0 : i32
          %dma_start3A_152 = arith.constant 0 : i32
          %dma_start3A_153 = tpu.memref_slice %arg9[%dma_start3A_151, %dma_start3A_152] : memref<128x768xf32, #tpu.memory_space<vmem>> -> memref<32x768xf32, #tpu.memory_space<vmem>>
          %dma_start3A_154 = arith.constant 0 : i32
          %dma_start3A_155 = tpu.memref_slice %arg8[%add3A_150, %dma_start3A_154] : memref<16x64xi32, #tpu.memory_space<vmem>> -> memref<1x32xi32, #tpu.memory_space<vmem>>
          %dma_start3A_156 = tpu.memref_squeeze %dma_start3A_155 : memref<1x32xi32, #tpu.memory_space<vmem>> -> memref<32xi32, #tpu.memory_space<vmem>>
          %dma_start3A_157 = arith.constant 0 : i32
          %dma_start3A_158 = arith.constant 0 : i32
          %dma_start3A_159 = tpu.memref_slice %arg3[%dma_start3A_157, %dma_start3A_158] : memref<30524x768xf32, #tpu.memory_space<hbm>> -> memref<30524x768xf32, #tpu.memory_space<hbm>>
          tpu.enqueue_indirect_dma source(%dma_start3A_159 : memref<30524x768xf32, #tpu.memory_space<hbm>>) target(%dma_start3A_153 : memref<32x768xf32, #tpu.memory_space<vmem>>) offsets(%dma_start3A_156 : memref<32xi32, #tpu.memory_space<vmem>>) semaphore(%arg13 : memref<!tpu.dma_semaphore, #tpu.memory_space<semaphore_mem>>)
        } else {
        }
        %dma_wait3A_136 = arith.constant 64 : i32
        %dma_wait3A_137 = arith.constant 0 : i32
        %dma_wait3A_138 = tpu.memref_slice %arg9[%dma_wait3A_136, %dma_wait3A_137] : memref<128x768xf32, #tpu.memory_space<vmem>> -> memref<32x768xf32, #tpu.memory_space<vmem>>
        %dma_wait3A_139 = arith.constant 0 : i32
        %dma_wait3A_140 = tpu.memref_slice %arg8[%div3A_84, %dma_wait3A_139] : memref<16x64xi32, #tpu.memory_space<vmem>> -> memref<1x32xi32, #tpu.memory_space<vmem>>
        %dma_wait3A_141 = tpu.memref_squeeze %dma_wait3A_140 : memref<1x32xi32, #tpu.memory_space<vmem>> -> memref<32xi32, #tpu.memory_space<vmem>>
        %dma_wait3A_142 = arith.constant 0 : i32
        %dma_wait3A_143 = arith.constant 0 : i32
        %dma_wait3A_144 = tpu.memref_slice %arg3[%dma_wait3A_142, %dma_wait3A_143] : memref<30524x768xf32, #tpu.memory_space<hbm>> -> memref<30524x768xf32, #tpu.memory_space<hbm>>
        tpu.wait_indirect_dma semaphore(%arg15 : memref<!tpu.dma_semaphore, #tpu.memory_space<semaphore_mem>>) src(%dma_wait3A_144 : memref<30524x768xf32, #tpu.memory_space<hbm>>) dst(%dma_wait3A_138 : memref<32x768xf32, #tpu.memory_space<vmem>>)
      } else {
      }
      %eq3A_97 = arith.constant 3 : i32
      %eq3A_98 = arith.cmpi eq, %rem3A_83, %eq3A_97 : i32
      %convert_element_type3A_99 = arith.extui %eq3A_98 : i1 to i32
      %cond3A_100 = arith.constant 0 : i32
      %cond3A_101 = arith.cmpi ne, %convert_element_type3A_99, %cond3A_100 : i32
      scf.if %cond3A_101 {
        %le3A = arith.constant 29 : i32
        %le3A_132 = arith.cmpi sle, %scan3A_82, %le3A : i32
        %convert_element_type3A_133 = arith.extui %le3A_132 : i1 to i32
        %cond3A_134 = arith.constant 0 : i32
        %cond3A_135 = arith.cmpi ne, %convert_element_type3A_133, %cond3A_134 : i32
        scf.if %cond3A_135 {
          %ge3A = arith.constant 2 : i32
          %ge3A_145 = arith.cmpi sge, %scan3A_82, %ge3A : i32
          %convert_element_type3A_146 = arith.extui %ge3A_145 : i1 to i32
          %cond3A_147 = arith.constant 0 : i32
          %cond3A_148 = arith.cmpi ne, %convert_element_type3A_146, %cond3A_147 : i32
          scf.if %cond3A_148 {
            %dma_wait3A_160 = arith.constant 32 : i32
            %dma_wait3A_161 = arith.constant 0 : i32
            %dma_wait3A_162 = tpu.memref_slice %arg9[%dma_wait3A_160, %dma_wait3A_161] : memref<128x768xf32, #tpu.memory_space<vmem>> -> memref<32x768xf32, #tpu.memory_space<vmem>>
            %dma_wait3A_163 = arith.constant 0 : i32
            %dma_wait3A_164 = arith.constant 0 : i32
            %dma_wait3A_165 = tpu.memref_slice %arg7[%dma_wait3A_163, %mul3A_2, %dma_wait3A_164] : memref<64x512x768xf32, #tpu.memory_space<hbm>> -> memref<32x1x768xf32, #tpu.memory_space<hbm>>
            %dma_wait3A_166 = tpu.memref_squeeze %dma_wait3A_165 : memref<32x1x768xf32, #tpu.memory_space<hbm>> -> memref<32x768xf32, #tpu.memory_space<hbm>>
            %dma_wait3A_167 = arith.constant 0 : i32
            %dma_wait3A_168 = arith.constant 0 : i32
            %dma_wait3A_169 = tpu.memref_slice %arg7[%dma_wait3A_167, %mul3A_2, %dma_wait3A_168] : memref<64x512x768xf32, #tpu.memory_space<hbm>> -> memref<32x1x768xf32, #tpu.memory_space<hbm>>
            %dma_wait3A_170 = tpu.memref_squeeze %dma_wait3A_169 : memref<32x1x768xf32, #tpu.memory_space<hbm>> -> memref<32x768xf32, #tpu.memory_space<hbm>>
            %dma_wait3A_171 = arith.constant 32 : i32
            %dma_wait3A_172 = arith.constant 0 : i32
            %dma_wait3A_173 = tpu.memref_slice %arg9[%dma_wait3A_171, %dma_wait3A_172] : memref<128x768xf32, #tpu.memory_space<vmem>> -> memref<32x768xf32, #tpu.memory_space<vmem>>
            tpu.wait_dma2 semaphore(%arg18 : memref<!tpu.dma_semaphore, #tpu.memory_space<semaphore_mem>>) src(%dma_wait3A_173 : memref<32x768xf32, #tpu.memory_space<vmem>>) dst(%dma_wait3A_170 : memref<32x768xf32, #tpu.memory_space<hbm>>)
          } else {
          }
          %add3A_149 = arith.constant 1 : i32
          %add3A_150 = arith.addi %div3A_84, %add3A_149 : i32
          %dma_start3A_151 = arith.constant 32 : i32
          %dma_start3A_152 = arith.constant 0 : i32
          %dma_start3A_153 = tpu.memref_slice %arg9[%dma_start3A_151, %dma_start3A_152] : memref<128x768xf32, #tpu.memory_space<vmem>> -> memref<32x768xf32, #tpu.memory_space<vmem>>
          %dma_start3A_154 = arith.constant 32 : i32
          %dma_start3A_155 = tpu.memref_slice %arg8[%add3A_150, %dma_start3A_154] : memref<16x64xi32, #tpu.memory_space<vmem>> -> memref<1x32xi32, #tpu.memory_space<vmem>>
          %dma_start3A_156 = tpu.memref_squeeze %dma_start3A_155 : memref<1x32xi32, #tpu.memory_space<vmem>> -> memref<32xi32, #tpu.memory_space<vmem>>
          %dma_start3A_157 = arith.constant 0 : i32
          %dma_start3A_158 = arith.constant 0 : i32
          %dma_start3A_159 = tpu.memref_slice %arg3[%dma_start3A_157, %dma_start3A_158] : memref<30524x768xf32, #tpu.memory_space<hbm>> -> memref<30524x768xf32, #tpu.memory_space<hbm>>
          tpu.enqueue_indirect_dma source(%dma_start3A_159 : memref<30524x768xf32, #tpu.memory_space<hbm>>) target(%dma_start3A_153 : memref<32x768xf32, #tpu.memory_space<vmem>>) offsets(%dma_start3A_156 : memref<32xi32, #tpu.memory_space<vmem>>) semaphore(%arg14 : memref<!tpu.dma_semaphore, #tpu.memory_space<semaphore_mem>>)
        } else {
        }
        %dma_wait3A_136 = arith.constant 96 : i32
        %dma_wait3A_137 = arith.constant 0 : i32
        %dma_wait3A_138 = tpu.memref_slice %arg9[%dma_wait3A_136, %dma_wait3A_137] : memref<128x768xf32, #tpu.memory_space<vmem>> -> memref<32x768xf32, #tpu.memory_space<vmem>>
        %dma_wait3A_139 = arith.constant 32 : i32
        %dma_wait3A_140 = tpu.memref_slice %arg8[%div3A_84, %dma_wait3A_139] : memref<16x64xi32, #tpu.memory_space<vmem>> -> memref<1x32xi32, #tpu.memory_space<vmem>>
        %dma_wait3A_141 = tpu.memref_squeeze %dma_wait3A_140 : memref<1x32xi32, #tpu.memory_space<vmem>> -> memref<32xi32, #tpu.memory_space<vmem>>
        %dma_wait3A_142 = arith.constant 0 : i32
        %dma_wait3A_143 = arith.constant 0 : i32
        %dma_wait3A_144 = tpu.memref_slice %arg3[%dma_wait3A_142, %dma_wait3A_143] : memref<30524x768xf32, #tpu.memory_space<hbm>> -> memref<30524x768xf32, #tpu.memory_space<hbm>>
        tpu.wait_indirect_dma semaphore(%arg16 : memref<!tpu.dma_semaphore, #tpu.memory_space<semaphore_mem>>) src(%dma_wait3A_144 : memref<30524x768xf32, #tpu.memory_space<hbm>>) dst(%dma_wait3A_138 : memref<32x768xf32, #tpu.memory_space<vmem>>)
      } else {
      }
      %mul3A_102 = arith.constant 32 : i32
      %mul3A_103 = arith.muli %rem3A_83, %mul3A_102 : i32
      %parallel_loop3A = arith.constant 0 : i32
      %parallel_loop3A_104 = arith.constant 32 : i32
      %parallel_loop3A_105 = arith.constant 1 : i32
      scf.for %parallel_loop3A_132 = %parallel_loop3A to %parallel_loop3A_104 step %parallel_loop3A_105  : i32 {
        %parallel_loop3A_133 = arith.constant 0.000000e+00 : f32
        %parallel_loop3A_134 = vector.broadcast %parallel_loop3A_133 : f32 to vector<16xf32>
        %parallel_loop3A_135 = arith.constant 0.000000e+00 : f32
        %parallel_loop3A_136 = vector.broadcast %parallel_loop3A_135 : f32 to vector<16xf32>
        %parallel_loop3A_137 = arith.index_cast %div3A_84 : i32 to index
        %parallel_loop3A_138 = arith.constant 0 : index
        %parallel_loop3A_139 = tpu.vector_load %arg10[%parallel_loop3A_137, %parallel_loop3A_138] {strides = array<i32>} : memref<16x384xf32, #tpu.memory_space<vmem>>, vector<16xf32>,
        %parallel_loop3A_140 = vector.bitcast %parallel_loop3A_139 : vector<16xf32> to vector<32xbf16>
        %parallel_loop3A_141 = tpu.unpack_subelements %parallel_loop3A_140, 0 {pack_format = #tpu.pack_format<interleaved>} : vector<32xbf16> -> vector<16xf32>
        %parallel_loop3A_142 = tpu.unpack_subelements %parallel_loop3A_140, 1 {pack_format = #tpu.pack_format<interleaved>} : vector<32xbf16> -> vector<16xf32>
        %parallel_loop3A_143 = arith.addi %mul3A_103, %parallel_loop3A_132 : i32
        %parallel_loop3A_144 = arith.index_cast %parallel_loop3A_143 : i32 to index
        %parallel_loop3A_145 = arith.constant 0 : index
        %parallel_loop3A_146 = tpu.vector_load %arg9[%parallel_loop3A_144, %parallel_loop3A_145] {strides = array<i32>} : memref<128x768xf32, #tpu.memory_space<vmem>>, vector<16xf32>,
        %parallel_loop3A_147 = arith.addf %parallel_loop3A_146, %parallel_loop3A_141 : vector<16xf32>
        %parallel_loop3A_148 = arith.addi %mul3A_103, %parallel_loop3A_132 : i32
        %parallel_loop3A_149 = arith.index_cast %parallel_loop3A_148 : i32 to index
        %parallel_loop3A_150 = arith.constant 16 : index
        %parallel_loop3A_151 = tpu.vector_load %arg9[%parallel_loop3A_149, %parallel_loop3A_150] {strides = array<i32>} : memref<128x768xf32, #tpu.memory_space<vmem>>, vector<16xf32>,
        %parallel_loop3A_152 = arith.addf %parallel_loop3A_151, %parallel_loop3A_142 : vector<16xf32>
        %parallel_loop3A_153 = tpu.pack_subelements %parallel_loop3A_147, %parallel_loop3A_152 {pack_format = #tpu.pack_format<interleaved>, positions = array<i32: 0, 1>} : vector<16xf32>, vector<16xf32> -> vector<32xbf16>
        %parallel_loop3A_154 = vector.bitcast %parallel_loop3A_153 : vector<32xbf16> to vector<16xf32>
        %parallel_loop3A_155 = arith.addi %mul3A_103, %parallel_loop3A_132 : i32
        %parallel_loop3A_156 = arith.index_cast %parallel_loop3A_155 : i32 to index
        %parallel_loop3A_157 = arith.constant 0 : index
        %parallel_loop3A_158 = tpu.vector_load %arg9[%parallel_loop3A_156, %parallel_loop3A_157] {strides = array<i32>} : memref<128x768xf32, #tpu.memory_space<vmem>>, vector<16xf32>,
        tpu.vector_store %arg9[%parallel_loop3A_156, %parallel_loop3A_157], %parallel_loop3A_154 {strides = array<i32>} : memref<128x768xf32, #tpu.memory_space<vmem>>, vector<16xf32>,
        %parallel_loop3A_159 = arith.addf %parallel_loop3A_134, %parallel_loop3A_147 : vector<16xf32>
        %parallel_loop3A_160 = arith.mulf %parallel_loop3A_147, %parallel_loop3A_147 : vector<16xf32>
        %parallel_loop3A_161 = arith.addf %parallel_loop3A_136, %parallel_loop3A_160 : vector<16xf32>
        %parallel_loop3A_162 = arith.addf %parallel_loop3A_159, %parallel_loop3A_152 : vector<16xf32>
        %parallel_loop3A_163 = arith.mulf %parallel_loop3A_152, %parallel_loop3A_152 : vector<16xf32>
        %parallel_loop3A_164 = arith.addf %parallel_loop3A_161, %parallel_loop3A_163 : vector<16xf32>
        %parallel_loop3A_165 = arith.index_cast %div3A_84 : i32 to index
        %parallel_loop3A_166 = arith.constant 16 : index
        %parallel_loop3A_167 = tpu.vector_load %arg10[%parallel_loop3A_165, %parallel_loop3A_166] {strides = array<i32>} : memref<16x384xf32, #tpu.memory_space<vmem>>, vector<16xf32>,
        %parallel_loop3A_168 = vector.bitcast %parallel_loop3A_167 : vector<16xf32> to vector<32xbf16>
        %parallel_loop3A_169 = tpu.unpack_subelements %parallel_loop3A_168, 0 {pack_format = #tpu.pack_format<interleaved>} : vector<32xbf16> -> vector<16xf32>
        %parallel_loop3A_170 = tpu.unpack_subelements %parallel_loop3A_168, 1 {pack_format = #tpu.pack_format<interleaved>} : vector<32xbf16> -> vector<16xf32>
        %parallel_loop3A_171 = arith.addi %mul3A_103, %parallel_loop3A_132 : i32
        %parallel_loop3A_172 = arith.index_cast %parallel_loop3A_171 : i32 to index
        %parallel_loop3A_173 = arith.constant 32 : index
        %parallel_loop3A_174 = tpu.vector_load %arg9[%parallel_loop3A_172, %parallel_loop3A_173] {strides = array<i32>} : memref<128x768xf32, #tpu.memory_space<vmem>>, vector<16xf32>,
        %parallel_loop3A_175 = arith.addf %parallel_loop3A_174, %parallel_loop3A_169 : vector<16xf32>
        %parallel_loop3A_176 = arith.addi %mul3A_103, %parallel_loop3A_132 : i32
        %parallel_loop3A_177 = arith.index_cast %parallel_loop3A_176 : i32 to index
        %parallel_loop3A_178 = arith.constant 48 : index
        %parallel_loop3A_179 = tpu.vector_load %arg9[%parallel_loop3A_177, %parallel_loop3A_178] {strides = array<i32>} : memref<128x768xf32, #tpu.memory_space<vmem>>, vector<16xf32>,
        %parallel_loop3A_180 = arith.addf %parallel_loop3A_179, %parallel_loop3A_170 : vector<16xf32>
        %parallel_loop3A_181 = tpu.pack_subelements %parallel_loop3A_175, %parallel_loop3A_180 {pack_format = #tpu.pack_format<interleaved>, positions = array<i32: 0, 1>} : vector<16xf32>, vector<16xf32> -> vector<32xbf16>
        %parallel_loop3A_182 = vector.bitcast %parallel_loop3A_181 : vector<32xbf16> to vector<16xf32>
        %parallel_loop3A_183 = arith.addi %mul3A_103, %parallel_loop3A_132 : i32
        %parallel_loop3A_184 = arith.index_cast %parallel_loop3A_183 : i32 to index
        %parallel_loop3A_185 = arith.constant 32 : index
        %parallel_loop3A_186 = tpu.vector_load %arg9[%parallel_loop3A_184, %parallel_loop3A_185] {strides = array<i32>} : memref<128x768xf32, #tpu.memory_space<vmem>>, vector<16xf32>,
        tpu.vector_store %arg9[%parallel_loop3A_184, %parallel_loop3A_185], %parallel_loop3A_182 {strides = array<i32>} : memref<128x768xf32, #tpu.memory_space<vmem>>, vector<16xf32>,
        %parallel_loop3A_187 = arith.addf %parallel_loop3A_162, %parallel_loop3A_175 : vector<16xf32>
        %parallel_loop3A_188 = arith.mulf %parallel_loop3A_175, %parallel_loop3A_175 : vector<16xf32>
        %parallel_loop3A_189 = arith.addf %parallel_loop3A_164, %parallel_loop3A_188 : vector<16xf32>
        %parallel_loop3A_190 = arith.addf %parallel_loop3A_187, %parallel_loop3A_180 : vector<16xf32>
        %parallel_loop3A_191 = arith.mulf %parallel_loop3A_180, %parallel_loop3A_180 : vector<16xf32>
        %parallel_loop3A_192 = arith.addf %parallel_loop3A_189, %parallel_loop3A_191 : vector<16xf32>
        %parallel_loop3A_193 = arith.index_cast %div3A_84 : i32 to index
        %parallel_loop3A_194 = arith.constant 32 : index
        %parallel_loop3A_195 = tpu.vector_load %arg10[%parallel_loop3A_193, %parallel_loop3A_194] {strides = array<i32>} : memref<16x384xf32, #tpu.memory_space<vmem>>, vector<16xf32>,
        %parallel_loop3A_196 = vector.bitcast %parallel_loop3A_195 : vector<16xf32> to vector<32xbf16>
        %parallel_loop3A_197 = tpu.unpack_subelements %parallel_loop3A_196, 0 {pack_format = #tpu.pack_format<interleaved>} : vector<32xbf16> -> vector<16xf32>
        %parallel_loop3A_198 = tpu.unpack_subelements %parallel_loop3A_196, 1 {pack_format = #tpu.pack_format<interleaved>} : vector<32xbf16> -> vector<16xf32>
        %parallel_loop3A_199 = arith.addi %mul3A_103, %parallel_loop3A_132 : i32
        %parallel_loop3A_200 = arith.index_cast %parallel_loop3A_199 : i32 to index
        %parallel_loop3A_201 = arith.constant 64 : index
        %parallel_loop3A_202 = tpu.vector_load %arg9[%parallel_loop3A_200, %parallel_loop3A_201] {strides = array<i32>} : memref<128x768xf32, #tpu.memory_space<vmem>>, vector<16xf32>,
        %parallel_loop3A_203 = arith.addf %parallel_loop3A_202, %parallel_loop3A_197 : vector<16xf32>
        %parallel_loop3A_204 = arith.addi %mul3A_103, %parallel_loop3A_132 : i32
        %parallel_loop3A_205 = arith.index_cast %parallel_loop3A_204 : i32 to index
        %parallel_loop3A_206 = arith.constant 80 : index
        %parallel_loop3A_207 = tpu.vector_load %arg9[%parallel_loop3A_205, %parallel_loop3A_206] {strides = array<i32>} : memref<128x768xf32, #tpu.memory_space<vmem>>, vector<16xf32>,
        %parallel_loop3A_208 = arith.addf %parallel_loop3A_207, %parallel_loop3A_198 : vector<16xf32>
        %parallel_loop3A_209 = tpu.pack_subelements %parallel_loop3A_203, %parallel_loop3A_208 {pack_format = #tpu.pack_format<interleaved>, positions = array<i32: 0, 1>} : vector<16xf32>, vector<16xf32> -> vector<32xbf16>
        %parallel_loop3A_210 = vector.bitcast %parallel_loop3A_209 : vector<32xbf16> to vector<16xf32>
        %parallel_loop3A_211 = arith.addi %mul3A_103, %parallel_loop3A_132 : i32
        %parallel_loop3A_212 = arith.index_cast %parallel_loop3A_211 : i32 to index
        %parallel_loop3A_213 = arith.constant 64 : index
        %parallel_loop3A_214 = tpu.vector_load %arg9[%parallel_loop3A_212, %parallel_loop3A_213] {strides = array<i32>} : memref<128x768xf32, #tpu.memory_space<vmem>>, vector<16xf32>,
        tpu.vector_store %arg9[%parallel_loop3A_212, %parallel_loop3A_213], %parallel_loop3A_210 {strides = array<i32>} : memref<128x768xf32, #tpu.memory_space<vmem>>, vector<16xf32>,
        %parallel_loop3A_215 = arith.addf %parallel_loop3A_190, %parallel_loop3A_203 : vector<16xf32>
        %parallel_loop3A_216 = arith.mulf %parallel_loop3A_203, %parallel_loop3A_203 : vector<16xf32>
        %parallel_loop3A_217 = arith.addf %parallel_loop3A_192, %parallel_loop3A_216 : vector<16xf32>
        %parallel_loop3A_218 = arith.addf %parallel_loop3A_215, %parallel_loop3A_208 : vector<16xf32>
        %parallel_loop3A_219 = arith.mulf %parallel_loop3A_208, %parallel_loop3A_208 : vector<16xf32>
        %parallel_loop3A_220 = arith.addf %parallel_loop3A_217, %parallel_loop3A_219 : vector<16xf32>
        %parallel_loop3A_221 = arith.index_cast %div3A_84 : i32 to index
        %parallel_loop3A_222 = arith.constant 48 : index
        %parallel_loop3A_223 = tpu.vector_load %arg10[%parallel_loop3A_221, %parallel_loop3A_222] {strides = array<i32>} : memref<16x384xf32, #tpu.memory_space<vmem>>, vector<16xf32>,
        %parallel_loop3A_224 = vector.bitcast %parallel_loop3A_223 : vector<16xf32> to vector<32xbf16>
        %parallel_loop3A_225 = tpu.unpack_subelements %parallel_loop3A_224, 0 {pack_format = #tpu.pack_format<interleaved>} : vector<32xbf16> -> vector<16xf32>
        %parallel_loop3A_226 = tpu.unpack_subelements %parallel_loop3A_224, 1 {pack_format = #tpu.pack_format<interleaved>} : vector<32xbf16> -> vector<16xf32>
        %parallel_loop3A_227 = arith.addi %mul3A_103, %parallel_loop3A_132 : i32
        %parallel_loop3A_228 = arith.index_cast %parallel_loop3A_227 : i32 to index
        %parallel_loop3A_229 = arith.constant 96 : index
        %parallel_loop3A_230 = tpu.vector_load %arg9[%parallel_loop3A_228, %parallel_loop3A_229] {strides = array<i32>} : memref<128x768xf32, #tpu.memory_space<vmem>>, vector<16xf32>,
        %parallel_loop3A_231 = arith.addf %parallel_loop3A_230, %parallel_loop3A_225 : vector<16xf32>
        %parallel_loop3A_232 = arith.addi %mul3A_103, %parallel_loop3A_132 : i32
        %parallel_loop3A_233 = arith.index_cast %parallel_loop3A_232 : i32 to index
        %parallel_loop3A_234 = arith.constant 112 : index
        %parallel_loop3A_235 = tpu.vector_load %arg9[%parallel_loop3A_233, %parallel_loop3A_234] {strides = array<i32>} : memref<128x768xf32, #tpu.memory_space<vmem>>, vector<16xf32>,
        %parallel_loop3A_236 = arith.addf %parallel_loop3A_235, %parallel_loop3A_226 : vector<16xf32>
        %parallel_loop3A_237 = tpu.pack_subelements %parallel_loop3A_231, %parallel_loop3A_236 {pack_format = #tpu.pack_format<interleaved>, positions = array<i32: 0, 1>} : vector<16xf32>, vector<16xf32> -> vector<32xbf16>
        %parallel_loop3A_238 = vector.bitcast %parallel_loop3A_237 : vector<32xbf16> to vector<16xf32>
        %parallel_loop3A_239 = arith.addi %mul3A_103, %parallel_loop3A_132 : i32
        %parallel_loop3A_240 = arith.index_cast %parallel_loop3A_239 : i32 to index
        %parallel_loop3A_241 = arith.constant 96 : index
        %parallel_loop3A_242 = tpu.vector_load %arg9[%parallel_loop3A_240, %parallel_loop3A_241] {strides = array<i32>} : memref<128x768xf32, #tpu.memory_space<vmem>>, vector<16xf32>,
        tpu.vector_store %arg9[%parallel_loop3A_240, %parallel_loop3A_241], %parallel_loop3A_238 {strides = array<i32>} : memref<128x768xf32, #tpu.memory_space<vmem>>, vector<16xf32>,
        %parallel_loop3A_243 = arith.addf %parallel_loop3A_218, %parallel_loop3A_231 : vector<16xf32>
        %parallel_loop3A_244 = arith.mulf %parallel_loop3A_231, %parallel_loop3A_231 : vector<16xf32>
        %parallel_loop3A_245 = arith.addf %parallel_loop3A_220, %parallel_loop3A_244 : vector<16xf32>
        %parallel_loop3A_246 = arith.addf %parallel_loop3A_243, %parallel_loop3A_236 : vector<16xf32>
        %parallel_loop3A_247 = arith.mulf %parallel_loop3A_236, %parallel_loop3A_236 : vector<16xf32>
        %parallel_loop3A_248 = arith.addf %parallel_loop3A_245, %parallel_loop3A_247 : vector<16xf32>
        %parallel_loop3A_249 = arith.index_cast %div3A_84 : i32 to index
        %parallel_loop3A_250 = arith.constant 64 : index
        %parallel_loop3A_251 = tpu.vector_load %arg10[%parallel_loop3A_249, %parallel_loop3A_250] {strides = array<i32>} : memref<16x384xf32, #tpu.memory_space<vmem>>, vector<16xf32>,
        %parallel_loop3A_252 = vector.bitcast %parallel_loop3A_251 : vector<16xf32> to vector<32xbf16>
        %parallel_loop3A_253 = tpu.unpack_subelements %parallel_loop3A_252, 0 {pack_format = #tpu.pack_format<interleaved>} : vector<32xbf16> -> vector<16xf32>
        %parallel_loop3A_254 = tpu.unpack_subelements %parallel_loop3A_252, 1 {pack_format = #tpu.pack_format<interleaved>} : vector<32xbf16> -> vector<16xf32>
        %parallel_loop3A_255 = arith.addi %mul3A_103, %parallel_loop3A_132 : i32
        %parallel_loop3A_256 = arith.index_cast %parallel_loop3A_255 : i32 to index
        %parallel_loop3A_257 = arith.constant 128 : index
        %parallel_loop3A_258 = tpu.vector_load %arg9[%parallel_loop3A_256, %parallel_loop3A_257] {strides = array<i32>} : memref<128x768xf32, #tpu.memory_space<vmem>>, vector<16xf32>,
        %parallel_loop3A_259 = arith.addf %parallel_loop3A_258, %parallel_loop3A_253 : vector<16xf32>
        %parallel_loop3A_260 = arith.addi %mul3A_103, %parallel_loop3A_132 : i32
        %parallel_loop3A_261 = arith.index_cast %parallel_loop3A_260 : i32 to index
        %parallel_loop3A_262 = arith.constant 144 : index
        %parallel_loop3A_263 = tpu.vector_load %arg9[%parallel_loop3A_261, %parallel_loop3A_262] {strides = array<i32>} : memref<128x768xf32, #tpu.memory_space<vmem>>, vector<16xf32>,
        %parallel_loop3A_264 = arith.addf %parallel_loop3A_263, %parallel_loop3A_254 : vector<16xf32>
        %parallel_loop3A_265 = tpu.pack_subelements %parallel_loop3A_259, %parallel_loop3A_264 {pack_format = #tpu.pack_format<interleaved>, positions = array<i32: 0, 1>} : vector<16xf32>, vector<16xf32> -> vector<32xbf16>
        %parallel_loop3A_266 = vector.bitcast %parallel_loop3A_265 : vector<32xbf16> to vector<16xf32>
        %parallel_loop3A_267 = arith.addi %mul3A_103, %parallel_loop3A_132 : i32
        %parallel_loop3A_268 = arith.index_cast %parallel_loop3A_267 : i32 to index
        %parallel_loop3A_269 = arith.constant 128 : index
        %parallel_loop3A_270 = tpu.vector_load %arg9[%parallel_loop3A_268, %parallel_loop3A_269] {strides = array<i32>} : memref<128x768xf32, #tpu.memory_space<vmem>>, vector<16xf32>,
        tpu.vector_store %arg9[%parallel_loop3A_268, %parallel_loop3A_269], %parallel_loop3A_266 {strides = array<i32>} : memref<128x768xf32, #tpu.memory_space<vmem>>, vector<16xf32>,
        %parallel_loop3A_271 = arith.addf %parallel_loop3A_246, %parallel_loop3A_259 : vector<16xf32>
        %parallel_loop3A_272 = arith.mulf %parallel_loop3A_259, %parallel_loop3A_259 : vector<16xf32>
        %parallel_loop3A_273 = arith.addf %parallel_loop3A_248, %parallel_loop3A_272 : vector<16xf32>
        %parallel_loop3A_274 = arith.addf %parallel_loop3A_271, %parallel_loop3A_264 : vector<16xf32>
        %parallel_loop3A_275 = arith.mulf %parallel_loop3A_264, %parallel_loop3A_264 : vector<16xf32>
        %parallel_loop3A_276 = arith.addf %parallel_loop3A_273, %parallel_loop3A_275 : vector<16xf32>
        %parallel_loop3A_277 = arith.index_cast %div3A_84 : i32 to index
        %parallel_loop3A_278 = arith.constant 80 : index
        %parallel_loop3A_279 = tpu.vector_load %arg10[%parallel_loop3A_277, %parallel_loop3A_278] {strides = array<i32>} : memref<16x384xf32, #tpu.memory_space<vmem>>, vector<16xf32>,
        %parallel_loop3A_280 = vector.bitcast %parallel_loop3A_279 : vector<16xf32> to vector<32xbf16>
        %parallel_loop3A_281 = tpu.unpack_subelements %parallel_loop3A_280, 0 {pack_format = #tpu.pack_format<interleaved>} : vector<32xbf16> -> vector<16xf32>
        %parallel_loop3A_282 = tpu.unpack_subelements %parallel_loop3A_280, 1 {pack_format = #tpu.pack_format<interleaved>} : vector<32xbf16> -> vector<16xf32>
        %parallel_loop3A_283 = arith.addi %mul3A_103, %parallel_loop3A_132 : i32
        %parallel_loop3A_284 = arith.index_cast %parallel_loop3A_283 : i32 to index
        %parallel_loop3A_285 = arith.constant 160 : index
        %parallel_loop3A_286 = tpu.vector_load %arg9[%parallel_loop3A_284, %parallel_loop3A_285] {strides = array<i32>} : memref<128x768xf32, #tpu.memory_space<vmem>>, vector<16xf32>,
        %parallel_loop3A_287 = arith.addf %parallel_loop3A_286, %parallel_loop3A_281 : vector<16xf32>
        %parallel_loop3A_288 = arith.addi %mul3A_103, %parallel_loop3A_132 : i32
        %parallel_loop3A_289 = arith.index_cast %parallel_loop3A_288 : i32 to index
        %parallel_loop3A_290 = arith.constant 176 : index
        %parallel_loop3A_291 = tpu.vector_load %arg9[%parallel_loop3A_289, %parallel_loop3A_290] {strides = array<i32>} : memref<128x768xf32, #tpu.memory_space<vmem>>, vector<16xf32>,
        %parallel_loop3A_292 = arith.addf %parallel_loop3A_291, %parallel_loop3A_282 : vector<16xf32>
        %parallel_loop3A_293 = tpu.pack_subelements %parallel_loop3A_287, %parallel_loop3A_292 {pack_format = #tpu.pack_format<interleaved>, positions = array<i32: 0, 1>} : vector<16xf32>, vector<16xf32> -> vector<32xbf16>
        %parallel_loop3A_294 = vector.bitcast %parallel_loop3A_293 : vector<32xbf16> to vector<16xf32>
        %parallel_loop3A_295 = arith.addi %mul3A_103, %parallel_loop3A_132 : i32
        %parallel_loop3A_296 = arith.index_cast %parallel_loop3A_295 : i32 to index
        %parallel_loop3A_297 = arith.constant 160 : index
        %parallel_loop3A_298 = tpu.vector_load %arg9[%parallel_loop3A_296, %parallel_loop3A_297] {strides = array<i32>} : memref<128x768xf32, #tpu.memory_space<vmem>>, vector<16xf32>,
        tpu.vector_store %arg9[%parallel_loop3A_296, %parallel_loop3A_297], %parallel_loop3A_294 {strides = array<i32>} : memref<128x768xf32, #tpu.memory_space<vmem>>, vector<16xf32>,
        %parallel_loop3A_299 = arith.addf %parallel_loop3A_274, %parallel_loop3A_287 : vector<16xf32>
        %parallel_loop3A_300 = arith.mulf %parallel_loop3A_287, %parallel_loop3A_287 : vector<16xf32>
        %parallel_loop3A_301 = arith.addf %parallel_loop3A_276, %parallel_loop3A_300 : vector<16xf32>
        %parallel_loop3A_302 = arith.addf %parallel_loop3A_299, %parallel_loop3A_292 : vector<16xf32>
        %parallel_loop3A_303 = arith.mulf %parallel_loop3A_292, %parallel_loop3A_292 : vector<16xf32>
        %parallel_loop3A_304 = arith.addf %parallel_loop3A_301, %parallel_loop3A_303 : vector<16xf32>
        %parallel_loop3A_305 = arith.index_cast %div3A_84 : i32 to index
        %parallel_loop3A_306 = arith.constant 96 : index
        %parallel_loop3A_307 = tpu.vector_load %arg10[%parallel_loop3A_305, %parallel_loop3A_306] {strides = array<i32>} : memref<16x384xf32, #tpu.memory_space<vmem>>, vector<16xf32>,
        %parallel_loop3A_308 = vector.bitcast %parallel_loop3A_307 : vector<16xf32> to vector<32xbf16>
        %parallel_loop3A_309 = tpu.unpack_subelements %parallel_loop3A_308, 0 {pack_format = #tpu.pack_format<interleaved>} : vector<32xbf16> -> vector<16xf32>
        %parallel_loop3A_310 = tpu.unpack_subelements %parallel_loop3A_308, 1 {pack_format = #tpu.pack_format<interleaved>} : vector<32xbf16> -> vector<16xf32>
        %parallel_loop3A_311 = arith.addi %mul3A_103, %parallel_loop3A_132 : i32
        %parallel_loop3A_312 = arith.index_cast %parallel_loop3A_311 : i32 to index
        %parallel_loop3A_313 = arith.constant 192 : index
        %parallel_loop3A_314 = tpu.vector_load %arg9[%parallel_loop3A_312, %parallel_loop3A_313] {strides = array<i32>} : memref<128x768xf32, #tpu.memory_space<vmem>>, vector<16xf32>,
        %parallel_loop3A_315 = arith.addf %parallel_loop3A_314, %parallel_loop3A_309 : vector<16xf32>
        %parallel_loop3A_316 = arith.addi %mul3A_103, %parallel_loop3A_132 : i32
        %parallel_loop3A_317 = arith.index_cast %parallel_loop3A_316 : i32 to index
        %parallel_loop3A_318 = arith.constant 208 : index
        %parallel_loop3A_319 = tpu.vector_load %arg9[%parallel_loop3A_317, %parallel_loop3A_318] {strides = array<i32>} : memref<128x768xf32, #tpu.memory_space<vmem>>, vector<16xf32>,
        %parallel_loop3A_320 = arith.addf %parallel_loop3A_319, %parallel_loop3A_310 : vector<16xf32>
        %parallel_loop3A_321 = tpu.pack_subelements %parallel_loop3A_315, %parallel_loop3A_320 {pack_format = #tpu.pack_format<interleaved>, positions = array<i32: 0, 1>} : vector<16xf32>, vector<16xf32> -> vector<32xbf16>
        %parallel_loop3A_322 = vector.bitcast %parallel_loop3A_321 : vector<32xbf16> to vector<16xf32>
        %parallel_loop3A_323 = arith.addi %mul3A_103, %parallel_loop3A_132 : i32
        %parallel_loop3A_324 = arith.index_cast %parallel_loop3A_323 : i32 to index
        %parallel_loop3A_325 = arith.constant 192 : index
        %parallel_loop3A_326 = tpu.vector_load %arg9[%parallel_loop3A_324, %parallel_loop3A_325] {strides = array<i32>} : memref<128x768xf32, #tpu.memory_space<vmem>>, vector<16xf32>,
        tpu.vector_store %arg9[%parallel_loop3A_324, %parallel_loop3A_325], %parallel_loop3A_322 {strides = array<i32>} : memref<128x768xf32, #tpu.memory_space<vmem>>, vector<16xf32>,
        %parallel_loop3A_327 = arith.addf %parallel_loop3A_302, %parallel_loop3A_315 : vector<16xf32>
        %parallel_loop3A_328 = arith.mulf %parallel_loop3A_315, %parallel_loop3A_315 : vector<16xf32>
        %parallel_loop3A_329 = arith.addf %parallel_loop3A_304, %parallel_loop3A_328 : vector<16xf32>
        %parallel_loop3A_330 = arith.addf %parallel_loop3A_327, %parallel_loop3A_320 : vector<16xf32>
        %parallel_loop3A_331 = arith.mulf %parallel_loop3A_320, %parallel_loop3A_320 : vector<16xf32>
        %parallel_loop3A_332 = arith.addf %parallel_loop3A_329, %parallel_loop3A_331 : vector<16xf32>
        %parallel_loop3A_333 = arith.index_cast %div3A_84 : i32 to index
        %parallel_loop3A_334 = arith.constant 112 : index
        %parallel_loop3A_335 = tpu.vector_load %arg10[%parallel_loop3A_333, %parallel_loop3A_334] {strides = array<i32>} : memref<16x384xf32, #tpu.memory_space<vmem>>, vector<16xf32>,
        %parallel_loop3A_336 = vector.bitcast %parallel_loop3A_335 : vector<16xf32> to vector<32xbf16>
        %parallel_loop3A_337 = tpu.unpack_subelements %parallel_loop3A_336, 0 {pack_format = #tpu.pack_format<interleaved>} : vector<32xbf16> -> vector<16xf32>
        %parallel_loop3A_338 = tpu.unpack_subelements %parallel_loop3A_336, 1 {pack_format = #tpu.pack_format<interleaved>} : vector<32xbf16> -> vector<16xf32>
        %parallel_loop3A_339 = arith.addi %mul3A_103, %parallel_loop3A_132 : i32
        %parallel_loop3A_340 = arith.index_cast %parallel_loop3A_339 : i32 to index
        %parallel_loop3A_341 = arith.constant 224 : index
        %parallel_loop3A_342 = tpu.vector_load %arg9[%parallel_loop3A_340, %parallel_loop3A_341] {strides = array<i32>} : memref<128x768xf32, #tpu.memory_space<vmem>>, vector<16xf32>,
        %parallel_loop3A_343 = arith.addf %parallel_loop3A_342, %parallel_loop3A_337 : vector<16xf32>
        %parallel_loop3A_344 = arith.addi %mul3A_103, %parallel_loop3A_132 : i32
        %parallel_loop3A_345 = arith.index_cast %parallel_loop3A_344 : i32 to index
        %parallel_loop3A_346 = arith.constant 240 : index
        %parallel_loop3A_347 = tpu.vector_load %arg9[%parallel_loop3A_345, %parallel_loop3A_346] {strides = array<i32>} : memref<128x768xf32, #tpu.memory_space<vmem>>, vector<16xf32>,
        %parallel_loop3A_348 = arith.addf %parallel_loop3A_347, %parallel_loop3A_338 : vector<16xf32>
        %parallel_loop3A_349 = tpu.pack_subelements %parallel_loop3A_343, %parallel_loop3A_348 {pack_format = #tpu.pack_format<interleaved>, positions = array<i32: 0, 1>} : vector<16xf32>, vector<16xf32> -> vector<32xbf16>
        %parallel_loop3A_350 = vector.bitcast %parallel_loop3A_349 : vector<32xbf16> to vector<16xf32>
        %parallel_loop3A_351 = arith.addi %mul3A_103, %parallel_loop3A_132 : i32
        %parallel_loop3A_352 = arith.index_cast %parallel_loop3A_351 : i32 to index
        %parallel_loop3A_353 = arith.constant 224 : index
        %parallel_loop3A_354 = tpu.vector_load %arg9[%parallel_loop3A_352, %parallel_loop3A_353] {strides = array<i32>} : memref<128x768xf32, #tpu.memory_space<vmem>>, vector<16xf32>,
        tpu.vector_store %arg9[%parallel_loop3A_352, %parallel_loop3A_353], %parallel_loop3A_350 {strides = array<i32>} : memref<128x768xf32, #tpu.memory_space<vmem>>, vector<16xf32>,
        %parallel_loop3A_355 = arith.addf %parallel_loop3A_330, %parallel_loop3A_343 : vector<16xf32>
        %parallel_loop3A_356 = arith.mulf %parallel_loop3A_343, %parallel_loop3A_343 : vector<16xf32>
        %parallel_loop3A_357 = arith.addf %parallel_loop3A_332, %parallel_loop3A_356 : vector<16xf32>
        %parallel_loop3A_358 = arith.addf %parallel_loop3A_355, %parallel_loop3A_348 : vector<16xf32>
        %parallel_loop3A_359 = arith.mulf %parallel_loop3A_348, %parallel_loop3A_348 : vector<16xf32>
        %parallel_loop3A_360 = arith.addf %parallel_loop3A_357, %parallel_loop3A_359 : vector<16xf32>
        %parallel_loop3A_361 = arith.index_cast %div3A_84 : i32 to index
        %parallel_loop3A_362 = arith.constant 128 : index
        %parallel_loop3A_363 = tpu.vector_load %arg10[%parallel_loop3A_361, %parallel_loop3A_362] {strides = array<i32>} : memref<16x384xf32, #tpu.memory_space<vmem>>, vector<16xf32>,
        %parallel_loop3A_364 = vector.bitcast %parallel_loop3A_363 : vector<16xf32> to vector<32xbf16>
        %parallel_loop3A_365 = tpu.unpack_subelements %parallel_loop3A_364, 0 {pack_format = #tpu.pack_format<interleaved>} : vector<32xbf16> -> vector<16xf32>
        %parallel_loop3A_366 = tpu.unpack_subelements %parallel_loop3A_364, 1 {pack_format = #tpu.pack_format<interleaved>} : vector<32xbf16> -> vector<16xf32>
        %parallel_loop3A_367 = arith.addi %mul3A_103, %parallel_loop3A_132 : i32
        %parallel_loop3A_368 = arith.index_cast %parallel_loop3A_367 : i32 to index
        %parallel_loop3A_369 = arith.constant 256 : index
        %parallel_loop3A_370 = tpu.vector_load %arg9[%parallel_loop3A_368, %parallel_loop3A_369] {strides = array<i32>} : memref<128x768xf32, #tpu.memory_space<vmem>>, vector<16xf32>,
        %parallel_loop3A_371 = arith.addf %parallel_loop3A_370, %parallel_loop3A_365 : vector<16xf32>
        %parallel_loop3A_372 = arith.addi %mul3A_103, %parallel_loop3A_132 : i32
        %parallel_loop3A_373 = arith.index_cast %parallel_loop3A_372 : i32 to index
        %parallel_loop3A_374 = arith.constant 272 : index
        %parallel_loop3A_375 = tpu.vector_load %arg9[%parallel_loop3A_373, %parallel_loop3A_374] {strides = array<i32>} : memref<128x768xf32, #tpu.memory_space<vmem>>, vector<16xf32>,
        %parallel_loop3A_376 = arith.addf %parallel_loop3A_375, %parallel_loop3A_366 : vector<16xf32>
        %parallel_loop3A_377 = tpu.pack_subelements %parallel_loop3A_371, %parallel_loop3A_376 {pack_format = #tpu.pack_format<interleaved>, positions = array<i32: 0, 1>} : vector<16xf32>, vector<16xf32> -> vector<32xbf16>
        %parallel_loop3A_378 = vector.bitcast %parallel_loop3A_377 : vector<32xbf16> to vector<16xf32>
        %parallel_loop3A_379 = arith.addi %mul3A_103, %parallel_loop3A_132 : i32
        %parallel_loop3A_380 = arith.index_cast %parallel_loop3A_379 : i32 to index
        %parallel_loop3A_381 = arith.constant 256 : index
        %parallel_loop3A_382 = tpu.vector_load %arg9[%parallel_loop3A_380, %parallel_loop3A_381] {strides = array<i32>} : memref<128x768xf32, #tpu.memory_space<vmem>>, vector<16xf32>,
        tpu.vector_store %arg9[%parallel_loop3A_380, %parallel_loop3A_381], %parallel_loop3A_378 {strides = array<i32>} : memref<128x768xf32, #tpu.memory_space<vmem>>, vector<16xf32>,
        %parallel_loop3A_383 = arith.addf %parallel_loop3A_358, %parallel_loop3A_371 : vector<16xf32>
        %parallel_loop3A_384 = arith.mulf %parallel_loop3A_371, %parallel_loop3A_371 : vector<16xf32>
        %parallel_loop3A_385 = arith.addf %parallel_loop3A_360, %parallel_loop3A_384 : vector<16xf32>
        %parallel_loop3A_386 = arith.addf %parallel_loop3A_383, %parallel_loop3A_376 : vector<16xf32>
        %parallel_loop3A_387 = arith.mulf %parallel_loop3A_376, %parallel_loop3A_376 : vector<16xf32>
        %parallel_loop3A_388 = arith.addf %parallel_loop3A_385, %parallel_loop3A_387 : vector<16xf32>
        %parallel_loop3A_389 = arith.index_cast %div3A_84 : i32 to index
        %parallel_loop3A_390 = arith.constant 144 : index
        %parallel_loop3A_391 = tpu.vector_load %arg10[%parallel_loop3A_389, %parallel_loop3A_390] {strides = array<i32>} : memref<16x384xf32, #tpu.memory_space<vmem>>, vector<16xf32>,
        %parallel_loop3A_392 = vector.bitcast %parallel_loop3A_391 : vector<16xf32> to vector<32xbf16>
        %parallel_loop3A_393 = tpu.unpack_subelements %parallel_loop3A_392, 0 {pack_format = #tpu.pack_format<interleaved>} : vector<32xbf16> -> vector<16xf32>
        %parallel_loop3A_394 = tpu.unpack_subelements %parallel_loop3A_392, 1 {pack_format = #tpu.pack_format<interleaved>} : vector<32xbf16> -> vector<16xf32>
        %parallel_loop3A_395 = arith.addi %mul3A_103, %parallel_loop3A_132 : i32
        %parallel_loop3A_396 = arith.index_cast %parallel_loop3A_395 : i32 to index
        %parallel_loop3A_397 = arith.constant 288 : index
        %parallel_loop3A_398 = tpu.vector_load %arg9[%parallel_loop3A_396, %parallel_loop3A_397] {strides = array<i32>} : memref<128x768xf32, #tpu.memory_space<vmem>>, vector<16xf32>,
        %parallel_loop3A_399 = arith.addf %parallel_loop3A_398, %parallel_loop3A_393 : vector<16xf32>
        %parallel_loop3A_400 = arith.addi %mul3A_103, %parallel_loop3A_132 : i32
        %parallel_loop3A_401 = arith.index_cast %parallel_loop3A_400 : i32 to index
        %parallel_loop3A_402 = arith.constant 304 : index
        %parallel_loop3A_403 = tpu.vector_load %arg9[%parallel_loop3A_401, %parallel_loop3A_402] {strides = array<i32>} : memref<128x768xf32, #tpu.memory_space<vmem>>, vector<16xf32>,
        %parallel_loop3A_404 = arith.addf %parallel_loop3A_403, %parallel_loop3A_394 : vector<16xf32>
        %parallel_loop3A_405 = tpu.pack_subelements %parallel_loop3A_399, %parallel_loop3A_404 {pack_format = #tpu.pack_format<interleaved>, positions = array<i32: 0, 1>} : vector<16xf32>, vector<16xf32> -> vector<32xbf16>
        %parallel_loop3A_406 = vector.bitcast %parallel_loop3A_405 : vector<32xbf16> to vector<16xf32>
        %parallel_loop3A_407 = arith.addi %mul3A_103, %parallel_loop3A_132 : i32
        %parallel_loop3A_408 = arith.index_cast %parallel_loop3A_407 : i32 to index
        %parallel_loop3A_409 = arith.constant 288 : index
        %parallel_loop3A_410 = tpu.vector_load %arg9[%parallel_loop3A_408, %parallel_loop3A_409] {strides = array<i32>} : memref<128x768xf32, #tpu.memory_space<vmem>>, vector<16xf32>,
        tpu.vector_store %arg9[%parallel_loop3A_408, %parallel_loop3A_409], %parallel_loop3A_406 {strides = array<i32>} : memref<128x768xf32, #tpu.memory_space<vmem>>, vector<16xf32>,
        %parallel_loop3A_411 = arith.addf %parallel_loop3A_386, %parallel_loop3A_399 : vector<16xf32>
        %parallel_loop3A_412 = arith.mulf %parallel_loop3A_399, %parallel_loop3A_399 : vector<16xf32>
        %parallel_loop3A_413 = arith.addf %parallel_loop3A_388, %parallel_loop3A_412 : vector<16xf32>
        %parallel_loop3A_414 = arith.addf %parallel_loop3A_411, %parallel_loop3A_404 : vector<16xf32>
        %parallel_loop3A_415 = arith.mulf %parallel_loop3A_404, %parallel_loop3A_404 : vector<16xf32>
        %parallel_loop3A_416 = arith.addf %parallel_loop3A_413, %parallel_loop3A_415 : vector<16xf32>
        %parallel_loop3A_417 = arith.index_cast %div3A_84 : i32 to index
        %parallel_loop3A_418 = arith.constant 160 : index
        %parallel_loop3A_419 = tpu.vector_load %arg10[%parallel_loop3A_417, %parallel_loop3A_418] {strides = array<i32>} : memref<16x384xf32, #tpu.memory_space<vmem>>, vector<16xf32>,
        %parallel_loop3A_420 = vector.bitcast %parallel_loop3A_419 : vector<16xf32> to vector<32xbf16>
        %parallel_loop3A_421 = tpu.unpack_subelements %parallel_loop3A_420, 0 {pack_format = #tpu.pack_format<interleaved>} : vector<32xbf16> -> vector<16xf32>
        %parallel_loop3A_422 = tpu.unpack_subelements %parallel_loop3A_420, 1 {pack_format = #tpu.pack_format<interleaved>} : vector<32xbf16> -> vector<16xf32>
        %parallel_loop3A_423 = arith.addi %mul3A_103, %parallel_loop3A_132 : i32
        %parallel_loop3A_424 = arith.index_cast %parallel_loop3A_423 : i32 to index
        %parallel_loop3A_425 = arith.constant 320 : index
        %parallel_loop3A_426 = tpu.vector_load %arg9[%parallel_loop3A_424, %parallel_loop3A_425] {strides = array<i32>} : memref<128x768xf32, #tpu.memory_space<vmem>>, vector<16xf32>,
        %parallel_loop3A_427 = arith.addf %parallel_loop3A_426, %parallel_loop3A_421 : vector<16xf32>
        %parallel_loop3A_428 = arith.addi %mul3A_103, %parallel_loop3A_132 : i32
        %parallel_loop3A_429 = arith.index_cast %parallel_loop3A_428 : i32 to index
        %parallel_loop3A_430 = arith.constant 336 : index
        %parallel_loop3A_431 = tpu.vector_load %arg9[%parallel_loop3A_429, %parallel_loop3A_430] {strides = array<i32>} : memref<128x768xf32, #tpu.memory_space<vmem>>, vector<16xf32>,
        %parallel_loop3A_432 = arith.addf %parallel_loop3A_431, %parallel_loop3A_422 : vector<16xf32>
        %parallel_loop3A_433 = tpu.pack_subelements %parallel_loop3A_427, %parallel_loop3A_432 {pack_format = #tpu.pack_format<interleaved>, positions = array<i32: 0, 1>} : vector<16xf32>, vector<16xf32> -> vector<32xbf16>
        %parallel_loop3A_434 = vector.bitcast %parallel_loop3A_433 : vector<32xbf16> to vector<16xf32>
        %parallel_loop3A_435 = arith.addi %mul3A_103, %parallel_loop3A_132 : i32
        %parallel_loop3A_436 = arith.index_cast %parallel_loop3A_435 : i32 to index
        %parallel_loop3A_437 = arith.constant 320 : index
        %parallel_loop3A_438 = tpu.vector_load %arg9[%parallel_loop3A_436, %parallel_loop3A_437] {strides = array<i32>} : memref<128x768xf32, #tpu.memory_space<vmem>>, vector<16xf32>,
        tpu.vector_store %arg9[%parallel_loop3A_436, %parallel_loop3A_437], %parallel_loop3A_434 {strides = array<i32>} : memref<128x768xf32, #tpu.memory_space<vmem>>, vector<16xf32>,
        %parallel_loop3A_439 = arith.addf %parallel_loop3A_414, %parallel_loop3A_427 : vector<16xf32>
        %parallel_loop3A_440 = arith.mulf %parallel_loop3A_427, %parallel_loop3A_427 : vector<16xf32>
        %parallel_loop3A_441 = arith.addf %parallel_loop3A_416, %parallel_loop3A_440 : vector<16xf32>
        %parallel_loop3A_442 = arith.addf %parallel_loop3A_439, %parallel_loop3A_432 : vector<16xf32>
        %parallel_loop3A_443 = arith.mulf %parallel_loop3A_432, %parallel_loop3A_432 : vector<16xf32>
        %parallel_loop3A_444 = arith.addf %parallel_loop3A_441, %parallel_loop3A_443 : vector<16xf32>
        %parallel_loop3A_445 = arith.index_cast %div3A_84 : i32 to index
        %parallel_loop3A_446 = arith.constant 176 : index
        %parallel_loop3A_447 = tpu.vector_load %arg10[%parallel_loop3A_445, %parallel_loop3A_446] {strides = array<i32>} : memref<16x384xf32, #tpu.memory_space<vmem>>, vector<16xf32>,
        %parallel_loop3A_448 = vector.bitcast %parallel_loop3A_447 : vector<16xf32> to vector<32xbf16>
        %parallel_loop3A_449 = tpu.unpack_subelements %parallel_loop3A_448, 0 {pack_format = #tpu.pack_format<interleaved>} : vector<32xbf16> -> vector<16xf32>
        %parallel_loop3A_450 = tpu.unpack_subelements %parallel_loop3A_448, 1 {pack_format = #tpu.pack_format<interleaved>} : vector<32xbf16> -> vector<16xf32>
        %parallel_loop3A_451 = arith.addi %mul3A_103, %parallel_loop3A_132 : i32
        %parallel_loop3A_452 = arith.index_cast %parallel_loop3A_451 : i32 to index
        %parallel_loop3A_453 = arith.constant 352 : index
        %parallel_loop3A_454 = tpu.vector_load %arg9[%parallel_loop3A_452, %parallel_loop3A_453] {strides = array<i32>} : memref<128x768xf32, #tpu.memory_space<vmem>>, vector<16xf32>,
        %parallel_loop3A_455 = arith.addf %parallel_loop3A_454, %parallel_loop3A_449 : vector<16xf32>
        %parallel_loop3A_456 = arith.addi %mul3A_103, %parallel_loop3A_132 : i32
        %parallel_loop3A_457 = arith.index_cast %parallel_loop3A_456 : i32 to index
        %parallel_loop3A_458 = arith.constant 368 : index
        %parallel_loop3A_459 = tpu.vector_load %arg9[%parallel_loop3A_457, %parallel_loop3A_458] {strides = array<i32>} : memref<128x768xf32, #tpu.memory_space<vmem>>, vector<16xf32>,
        %parallel_loop3A_460 = arith.addf %parallel_loop3A_459, %parallel_loop3A_450 : vector<16xf32>
        %parallel_loop3A_461 = tpu.pack_subelements %parallel_loop3A_455, %parallel_loop3A_460 {pack_format = #tpu.pack_format<interleaved>, positions = array<i32: 0, 1>} : vector<16xf32>, vector<16xf32> -> vector<32xbf16>
        %parallel_loop3A_462 = vector.bitcast %parallel_loop3A_461 : vector<32xbf16> to vector<16xf32>
        %parallel_loop3A_463 = arith.addi %mul3A_103, %parallel_loop3A_132 : i32
        %parallel_loop3A_464 = arith.index_cast %parallel_loop3A_463 : i32 to index
        %parallel_loop3A_465 = arith.constant 352 : index
        %parallel_loop3A_466 = tpu.vector_load %arg9[%parallel_loop3A_464, %parallel_loop3A_465] {strides = array<i32>} : memref<128x768xf32, #tpu.memory_space<vmem>>, vector<16xf32>,
        tpu.vector_store %arg9[%parallel_loop3A_464, %parallel_loop3A_465], %parallel_loop3A_462 {strides = array<i32>} : memref<128x768xf32, #tpu.memory_space<vmem>>, vector<16xf32>,
        %parallel_loop3A_467 = arith.addf %parallel_loop3A_442, %parallel_loop3A_455 : vector<16xf32>
        %parallel_loop3A_468 = arith.mulf %parallel_loop3A_455, %parallel_loop3A_455 : vector<16xf32>
        %parallel_loop3A_469 = arith.addf %parallel_loop3A_444, %parallel_loop3A_468 : vector<16xf32>
        %parallel_loop3A_470 = arith.addf %parallel_loop3A_467, %parallel_loop3A_460 : vector<16xf32>
        %parallel_loop3A_471 = arith.mulf %parallel_loop3A_460, %parallel_loop3A_460 : vector<16xf32>
        %parallel_loop3A_472 = arith.addf %parallel_loop3A_469, %parallel_loop3A_471 : vector<16xf32>
        %parallel_loop3A_473 = arith.index_cast %div3A_84 : i32 to index
        %parallel_loop3A_474 = arith.constant 192 : index
        %parallel_loop3A_475 = tpu.vector_load %arg10[%parallel_loop3A_473, %parallel_loop3A_474] {strides = array<i32>} : memref<16x384xf32, #tpu.memory_space<vmem>>, vector<16xf32>,
        %parallel_loop3A_476 = vector.bitcast %parallel_loop3A_475 : vector<16xf32> to vector<32xbf16>
        %parallel_loop3A_477 = tpu.unpack_subelements %parallel_loop3A_476, 0 {pack_format = #tpu.pack_format<interleaved>} : vector<32xbf16> -> vector<16xf32>
        %parallel_loop3A_478 = tpu.unpack_subelements %parallel_loop3A_476, 1 {pack_format = #tpu.pack_format<interleaved>} : vector<32xbf16> -> vector<16xf32>
        %parallel_loop3A_479 = arith.addi %mul3A_103, %parallel_loop3A_132 : i32
        %parallel_loop3A_480 = arith.index_cast %parallel_loop3A_479 : i32 to index
        %parallel_loop3A_481 = arith.constant 384 : index
        %parallel_loop3A_482 = tpu.vector_load %arg9[%parallel_loop3A_480, %parallel_loop3A_481] {strides = array<i32>} : memref<128x768xf32, #tpu.memory_space<vmem>>, vector<16xf32>,
        %parallel_loop3A_483 = arith.addf %parallel_loop3A_482, %parallel_loop3A_477 : vector<16xf32>
        %parallel_loop3A_484 = arith.addi %mul3A_103, %parallel_loop3A_132 : i32
        %parallel_loop3A_485 = arith.index_cast %parallel_loop3A_484 : i32 to index
        %parallel_loop3A_486 = arith.constant 400 : index
        %parallel_loop3A_487 = tpu.vector_load %arg9[%parallel_loop3A_485, %parallel_loop3A_486] {strides = array<i32>} : memref<128x768xf32, #tpu.memory_space<vmem>>, vector<16xf32>,
        %parallel_loop3A_488 = arith.addf %parallel_loop3A_487, %parallel_loop3A_478 : vector<16xf32>
        %parallel_loop3A_489 = tpu.pack_subelements %parallel_loop3A_483, %parallel_loop3A_488 {pack_format = #tpu.pack_format<interleaved>, positions = array<i32: 0, 1>} : vector<16xf32>, vector<16xf32> -> vector<32xbf16>
        %parallel_loop3A_490 = vector.bitcast %parallel_loop3A_489 : vector<32xbf16> to vector<16xf32>
        %parallel_loop3A_491 = arith.addi %mul3A_103, %parallel_loop3A_132 : i32
        %parallel_loop3A_492 = arith.index_cast %parallel_loop3A_491 : i32 to index
        %parallel_loop3A_493 = arith.constant 384 : index
        %parallel_loop3A_494 = tpu.vector_load %arg9[%parallel_loop3A_492, %parallel_loop3A_493] {strides = array<i32>} : memref<128x768xf32, #tpu.memory_space<vmem>>, vector<16xf32>,
        tpu.vector_store %arg9[%parallel_loop3A_492, %parallel_loop3A_493], %parallel_loop3A_490 {strides = array<i32>} : memref<128x768xf32, #tpu.memory_space<vmem>>, vector<16xf32>,
        %parallel_loop3A_495 = arith.addf %parallel_loop3A_470, %parallel_loop3A_483 : vector<16xf32>
        %parallel_loop3A_496 = arith.mulf %parallel_loop3A_483, %parallel_loop3A_483 : vector<16xf32>
        %parallel_loop3A_497 = arith.addf %parallel_loop3A_472, %parallel_loop3A_496 : vector<16xf32>
        %parallel_loop3A_498 = arith.addf %parallel_loop3A_495, %parallel_loop3A_488 : vector<16xf32>
        %parallel_loop3A_499 = arith.mulf %parallel_loop3A_488, %parallel_loop3A_488 : vector<16xf32>
        %parallel_loop3A_500 = arith.addf %parallel_loop3A_497, %parallel_loop3A_499 : vector<16xf32>
        %parallel_loop3A_501 = arith.index_cast %div3A_84 : i32 to index
        %parallel_loop3A_502 = arith.constant 208 : index
        %parallel_loop3A_503 = tpu.vector_load %arg10[%parallel_loop3A_501, %parallel_loop3A_502] {strides = array<i32>} : memref<16x384xf32, #tpu.memory_space<vmem>>, vector<16xf32>,
        %parallel_loop3A_504 = vector.bitcast %parallel_loop3A_503 : vector<16xf32> to vector<32xbf16>
        %parallel_loop3A_505 = tpu.unpack_subelements %parallel_loop3A_504, 0 {pack_format = #tpu.pack_format<interleaved>} : vector<32xbf16> -> vector<16xf32>
        %parallel_loop3A_506 = tpu.unpack_subelements %parallel_loop3A_504, 1 {pack_format = #tpu.pack_format<interleaved>} : vector<32xbf16> -> vector<16xf32>
        %parallel_loop3A_507 = arith.addi %mul3A_103, %parallel_loop3A_132 : i32
        %parallel_loop3A_508 = arith.index_cast %parallel_loop3A_507 : i32 to index
        %parallel_loop3A_509 = arith.constant 416 : index
        %parallel_loop3A_510 = tpu.vector_load %arg9[%parallel_loop3A_508, %parallel_loop3A_509] {strides = array<i32>} : memref<128x768xf32, #tpu.memory_space<vmem>>, vector<16xf32>,
        %parallel_loop3A_511 = arith.addf %parallel_loop3A_510, %parallel_loop3A_505 : vector<16xf32>
        %parallel_loop3A_512 = arith.addi %mul3A_103, %parallel_loop3A_132 : i32
        %parallel_loop3A_513 = arith.index_cast %parallel_loop3A_512 : i32 to index
        %parallel_loop3A_514 = arith.constant 432 : index
        %parallel_loop3A_515 = tpu.vector_load %arg9[%parallel_loop3A_513, %parallel_loop3A_514] {strides = array<i32>} : memref<128x768xf32, #tpu.memory_space<vmem>>, vector<16xf32>,
        %parallel_loop3A_516 = arith.addf %parallel_loop3A_515, %parallel_loop3A_506 : vector<16xf32>
        %parallel_loop3A_517 = tpu.pack_subelements %parallel_loop3A_511, %parallel_loop3A_516 {pack_format = #tpu.pack_format<interleaved>, positions = array<i32: 0, 1>} : vector<16xf32>, vector<16xf32> -> vector<32xbf16>
        %parallel_loop3A_518 = vector.bitcast %parallel_loop3A_517 : vector<32xbf16> to vector<16xf32>
        %parallel_loop3A_519 = arith.addi %mul3A_103, %parallel_loop3A_132 : i32
        %parallel_loop3A_520 = arith.index_cast %parallel_loop3A_519 : i32 to index
        %parallel_loop3A_521 = arith.constant 416 : index
        %parallel_loop3A_522 = tpu.vector_load %arg9[%parallel_loop3A_520, %parallel_loop3A_521] {strides = array<i32>} : memref<128x768xf32, #tpu.memory_space<vmem>>, vector<16xf32>,
        tpu.vector_store %arg9[%parallel_loop3A_520, %parallel_loop3A_521], %parallel_loop3A_518 {strides = array<i32>} : memref<128x768xf32, #tpu.memory_space<vmem>>, vector<16xf32>,
        %parallel_loop3A_523 = arith.addf %parallel_loop3A_498, %parallel_loop3A_511 : vector<16xf32>
        %parallel_loop3A_524 = arith.mulf %parallel_loop3A_511, %parallel_loop3A_511 : vector<16xf32>
        %parallel_loop3A_525 = arith.addf %parallel_loop3A_500, %parallel_loop3A_524 : vector<16xf32>
        %parallel_loop3A_526 = arith.addf %parallel_loop3A_523, %parallel_loop3A_516 : vector<16xf32>
        %parallel_loop3A_527 = arith.mulf %parallel_loop3A_516, %parallel_loop3A_516 : vector<16xf32>
        %parallel_loop3A_528 = arith.addf %parallel_loop3A_525, %parallel_loop3A_527 : vector<16xf32>
        %parallel_loop3A_529 = arith.index_cast %div3A_84 : i32 to index
        %parallel_loop3A_530 = arith.constant 224 : index
        %parallel_loop3A_531 = tpu.vector_load %arg10[%parallel_loop3A_529, %parallel_loop3A_530] {strides = array<i32>} : memref<16x384xf32, #tpu.memory_space<vmem>>, vector<16xf32>,
        %parallel_loop3A_532 = vector.bitcast %parallel_loop3A_531 : vector<16xf32> to vector<32xbf16>
        %parallel_loop3A_533 = tpu.unpack_subelements %parallel_loop3A_532, 0 {pack_format = #tpu.pack_format<interleaved>} : vector<32xbf16> -> vector<16xf32>
        %parallel_loop3A_534 = tpu.unpack_subelements %parallel_loop3A_532, 1 {pack_format = #tpu.pack_format<interleaved>} : vector<32xbf16> -> vector<16xf32>
        %parallel_loop3A_535 = arith.addi %mul3A_103, %parallel_loop3A_132 : i32
        %parallel_loop3A_536 = arith.index_cast %parallel_loop3A_535 : i32 to index
        %parallel_loop3A_537 = arith.constant 448 : index
        %parallel_loop3A_538 = tpu.vector_load %arg9[%parallel_loop3A_536, %parallel_loop3A_537] {strides = array<i32>} : memref<128x768xf32, #tpu.memory_space<vmem>>, vector<16xf32>,
        %parallel_loop3A_539 = arith.addf %parallel_loop3A_538, %parallel_loop3A_533 : vector<16xf32>
        %parallel_loop3A_540 = arith.addi %mul3A_103, %parallel_loop3A_132 : i32
        %parallel_loop3A_541 = arith.index_cast %parallel_loop3A_540 : i32 to index
        %parallel_loop3A_542 = arith.constant 464 : index
        %parallel_loop3A_543 = tpu.vector_load %arg9[%parallel_loop3A_541, %parallel_loop3A_542] {strides = array<i32>} : memref<128x768xf32, #tpu.memory_space<vmem>>, vector<16xf32>,
        %parallel_loop3A_544 = arith.addf %parallel_loop3A_543, %parallel_loop3A_534 : vector<16xf32>
        %parallel_loop3A_545 = tpu.pack_subelements %parallel_loop3A_539, %parallel_loop3A_544 {pack_format = #tpu.pack_format<interleaved>, positions = array<i32: 0, 1>} : vector<16xf32>, vector<16xf32> -> vector<32xbf16>
        %parallel_loop3A_546 = vector.bitcast %parallel_loop3A_545 : vector<32xbf16> to vector<16xf32>
        %parallel_loop3A_547 = arith.addi %mul3A_103, %parallel_loop3A_132 : i32
        %parallel_loop3A_548 = arith.index_cast %parallel_loop3A_547 : i32 to index
        %parallel_loop3A_549 = arith.constant 448 : index
        %parallel_loop3A_550 = tpu.vector_load %arg9[%parallel_loop3A_548, %parallel_loop3A_549] {strides = array<i32>} : memref<128x768xf32, #tpu.memory_space<vmem>>, vector<16xf32>,
        tpu.vector_store %arg9[%parallel_loop3A_548, %parallel_loop3A_549], %parallel_loop3A_546 {strides = array<i32>} : memref<128x768xf32, #tpu.memory_space<vmem>>, vector<16xf32>,
        %parallel_loop3A_551 = arith.addf %parallel_loop3A_526, %parallel_loop3A_539 : vector<16xf32>
        %parallel_loop3A_552 = arith.mulf %parallel_loop3A_539, %parallel_loop3A_539 : vector<16xf32>
        %parallel_loop3A_553 = arith.addf %parallel_loop3A_528, %parallel_loop3A_552 : vector<16xf32>
        %parallel_loop3A_554 = arith.addf %parallel_loop3A_551, %parallel_loop3A_544 : vector<16xf32>
        %parallel_loop3A_555 = arith.mulf %parallel_loop3A_544, %parallel_loop3A_544 : vector<16xf32>
        %parallel_loop3A_556 = arith.addf %parallel_loop3A_553, %parallel_loop3A_555 : vector<16xf32>
        %parallel_loop3A_557 = arith.index_cast %div3A_84 : i32 to index
        %parallel_loop3A_558 = arith.constant 240 : index
        %parallel_loop3A_559 = tpu.vector_load %arg10[%parallel_loop3A_557, %parallel_loop3A_558] {strides = array<i32>} : memref<16x384xf32, #tpu.memory_space<vmem>>, vector<16xf32>,
        %parallel_loop3A_560 = vector.bitcast %parallel_loop3A_559 : vector<16xf32> to vector<32xbf16>
        %parallel_loop3A_561 = tpu.unpack_subelements %parallel_loop3A_560, 0 {pack_format = #tpu.pack_format<interleaved>} : vector<32xbf16> -> vector<16xf32>
        %parallel_loop3A_562 = tpu.unpack_subelements %parallel_loop3A_560, 1 {pack_format = #tpu.pack_format<interleaved>} : vector<32xbf16> -> vector<16xf32>
        %parallel_loop3A_563 = arith.addi %mul3A_103, %parallel_loop3A_132 : i32
        %parallel_loop3A_564 = arith.index_cast %parallel_loop3A_563 : i32 to index
        %parallel_loop3A_565 = arith.constant 480 : index
        %parallel_loop3A_566 = tpu.vector_load %arg9[%parallel_loop3A_564, %parallel_loop3A_565] {strides = array<i32>} : memref<128x768xf32, #tpu.memory_space<vmem>>, vector<16xf32>,
        %parallel_loop3A_567 = arith.addf %parallel_loop3A_566, %parallel_loop3A_561 : vector<16xf32>
        %parallel_loop3A_568 = arith.addi %mul3A_103, %parallel_loop3A_132 : i32
        %parallel_loop3A_569 = arith.index_cast %parallel_loop3A_568 : i32 to index
        %parallel_loop3A_570 = arith.constant 496 : index
        %parallel_loop3A_571 = tpu.vector_load %arg9[%parallel_loop3A_569, %parallel_loop3A_570] {strides = array<i32>} : memref<128x768xf32, #tpu.memory_space<vmem>>, vector<16xf32>,
        %parallel_loop3A_572 = arith.addf %parallel_loop3A_571, %parallel_loop3A_562 : vector<16xf32>
        %parallel_loop3A_573 = tpu.pack_subelements %parallel_loop3A_567, %parallel_loop3A_572 {pack_format = #tpu.pack_format<interleaved>, positions = array<i32: 0, 1>} : vector<16xf32>, vector<16xf32> -> vector<32xbf16>
        %parallel_loop3A_574 = vector.bitcast %parallel_loop3A_573 : vector<32xbf16> to vector<16xf32>
        %parallel_loop3A_575 = arith.addi %mul3A_103, %parallel_loop3A_132 : i32
        %parallel_loop3A_576 = arith.index_cast %parallel_loop3A_575 : i32 to index
        %parallel_loop3A_577 = arith.constant 480 : index
        %parallel_loop3A_578 = tpu.vector_load %arg9[%parallel_loop3A_576, %parallel_loop3A_577] {strides = array<i32>} : memref<128x768xf32, #tpu.memory_space<vmem>>, vector<16xf32>,
        tpu.vector_store %arg9[%parallel_loop3A_576, %parallel_loop3A_577], %parallel_loop3A_574 {strides = array<i32>} : memref<128x768xf32, #tpu.memory_space<vmem>>, vector<16xf32>,
        %parallel_loop3A_579 = arith.addf %parallel_loop3A_554, %parallel_loop3A_567 : vector<16xf32>
        %parallel_loop3A_580 = arith.mulf %parallel_loop3A_567, %parallel_loop3A_567 : vector<16xf32>
        %parallel_loop3A_581 = arith.addf %parallel_loop3A_556, %parallel_loop3A_580 : vector<16xf32>
        %parallel_loop3A_582 = arith.addf %parallel_loop3A_579, %parallel_loop3A_572 : vector<16xf32>
        %parallel_loop3A_583 = arith.mulf %parallel_loop3A_572, %parallel_loop3A_572 : vector<16xf32>
        %parallel_loop3A_584 = arith.addf %parallel_loop3A_581, %parallel_loop3A_583 : vector<16xf32>
        %parallel_loop3A_585 = arith.index_cast %div3A_84 : i32 to index
        %parallel_loop3A_586 = arith.constant 256 : index
        %parallel_loop3A_587 = tpu.vector_load %arg10[%parallel_loop3A_585, %parallel_loop3A_586] {strides = array<i32>} : memref<16x384xf32, #tpu.memory_space<vmem>>, vector<16xf32>,
        %parallel_loop3A_588 = vector.bitcast %parallel_loop3A_587 : vector<16xf32> to vector<32xbf16>
        %parallel_loop3A_589 = tpu.unpack_subelements %parallel_loop3A_588, 0 {pack_format = #tpu.pack_format<interleaved>} : vector<32xbf16> -> vector<16xf32>
        %parallel_loop3A_590 = tpu.unpack_subelements %parallel_loop3A_588, 1 {pack_format = #tpu.pack_format<interleaved>} : vector<32xbf16> -> vector<16xf32>
        %parallel_loop3A_591 = arith.addi %mul3A_103, %parallel_loop3A_132 : i32
        %parallel_loop3A_592 = arith.index_cast %parallel_loop3A_591 : i32 to index
        %parallel_loop3A_593 = arith.constant 512 : index
        %parallel_loop3A_594 = tpu.vector_load %arg9[%parallel_loop3A_592, %parallel_loop3A_593] {strides = array<i32>} : memref<128x768xf32, #tpu.memory_space<vmem>>, vector<16xf32>,
        %parallel_loop3A_595 = arith.addf %parallel_loop3A_594, %parallel_loop3A_589 : vector<16xf32>
        %parallel_loop3A_596 = arith.addi %mul3A_103, %parallel_loop3A_132 : i32
        %parallel_loop3A_597 = arith.index_cast %parallel_loop3A_596 : i32 to index
        %parallel_loop3A_598 = arith.constant 528 : index
        %parallel_loop3A_599 = tpu.vector_load %arg9[%parallel_loop3A_597, %parallel_loop3A_598] {strides = array<i32>} : memref<128x768xf32, #tpu.memory_space<vmem>>, vector<16xf32>,
        %parallel_loop3A_600 = arith.addf %parallel_loop3A_599, %parallel_loop3A_590 : vector<16xf32>
        %parallel_loop3A_601 = tpu.pack_subelements %parallel_loop3A_595, %parallel_loop3A_600 {pack_format = #tpu.pack_format<interleaved>, positions = array<i32: 0, 1>} : vector<16xf32>, vector<16xf32> -> vector<32xbf16>
        %parallel_loop3A_602 = vector.bitcast %parallel_loop3A_601 : vector<32xbf16> to vector<16xf32>
        %parallel_loop3A_603 = arith.addi %mul3A_103, %parallel_loop3A_132 : i32
        %parallel_loop3A_604 = arith.index_cast %parallel_loop3A_603 : i32 to index
        %parallel_loop3A_605 = arith.constant 512 : index
        %parallel_loop3A_606 = tpu.vector_load %arg9[%parallel_loop3A_604, %parallel_loop3A_605] {strides = array<i32>} : memref<128x768xf32, #tpu.memory_space<vmem>>, vector<16xf32>,
        tpu.vector_store %arg9[%parallel_loop3A_604, %parallel_loop3A_605], %parallel_loop3A_602 {strides = array<i32>} : memref<128x768xf32, #tpu.memory_space<vmem>>, vector<16xf32>,
        %parallel_loop3A_607 = arith.addf %parallel_loop3A_582, %parallel_loop3A_595 : vector<16xf32>
        %parallel_loop3A_608 = arith.mulf %parallel_loop3A_595, %parallel_loop3A_595 : vector<16xf32>
        %parallel_loop3A_609 = arith.addf %parallel_loop3A_584, %parallel_loop3A_608 : vector<16xf32>
        %parallel_loop3A_610 = arith.addf %parallel_loop3A_607, %parallel_loop3A_600 : vector<16xf32>
        %parallel_loop3A_611 = arith.mulf %parallel_loop3A_600, %parallel_loop3A_600 : vector<16xf32>
        %parallel_loop3A_612 = arith.addf %parallel_loop3A_609, %parallel_loop3A_611 : vector<16xf32>
        %parallel_loop3A_613 = arith.index_cast %div3A_84 : i32 to index
        %parallel_loop3A_614 = arith.constant 272 : index
        %parallel_loop3A_615 = tpu.vector_load %arg10[%parallel_loop3A_613, %parallel_loop3A_614] {strides = array<i32>} : memref<16x384xf32, #tpu.memory_space<vmem>>, vector<16xf32>,
        %parallel_loop3A_616 = vector.bitcast %parallel_loop3A_615 : vector<16xf32> to vector<32xbf16>
        %parallel_loop3A_617 = tpu.unpack_subelements %parallel_loop3A_616, 0 {pack_format = #tpu.pack_format<interleaved>} : vector<32xbf16> -> vector<16xf32>
        %parallel_loop3A_618 = tpu.unpack_subelements %parallel_loop3A_616, 1 {pack_format = #tpu.pack_format<interleaved>} : vector<32xbf16> -> vector<16xf32>
        %parallel_loop3A_619 = arith.addi %mul3A_103, %parallel_loop3A_132 : i32
        %parallel_loop3A_620 = arith.index_cast %parallel_loop3A_619 : i32 to index
        %parallel_loop3A_621 = arith.constant 544 : index
        %parallel_loop3A_622 = tpu.vector_load %arg9[%parallel_loop3A_620, %parallel_loop3A_621] {strides = array<i32>} : memref<128x768xf32, #tpu.memory_space<vmem>>, vector<16xf32>,
        %parallel_loop3A_623 = arith.addf %parallel_loop3A_622, %parallel_loop3A_617 : vector<16xf32>
        %parallel_loop3A_624 = arith.addi %mul3A_103, %parallel_loop3A_132 : i32
        %parallel_loop3A_625 = arith.index_cast %parallel_loop3A_624 : i32 to index
        %parallel_loop3A_626 = arith.constant 560 : index
        %parallel_loop3A_627 = tpu.vector_load %arg9[%parallel_loop3A_625, %parallel_loop3A_626] {strides = array<i32>} : memref<128x768xf32, #tpu.memory_space<vmem>>, vector<16xf32>,
        %parallel_loop3A_628 = arith.addf %parallel_loop3A_627, %parallel_loop3A_618 : vector<16xf32>
        %parallel_loop3A_629 = tpu.pack_subelements %parallel_loop3A_623, %parallel_loop3A_628 {pack_format = #tpu.pack_format<interleaved>, positions = array<i32: 0, 1>} : vector<16xf32>, vector<16xf32> -> vector<32xbf16>
        %parallel_loop3A_630 = vector.bitcast %parallel_loop3A_629 : vector<32xbf16> to vector<16xf32>
        %parallel_loop3A_631 = arith.addi %mul3A_103, %parallel_loop3A_132 : i32
        %parallel_loop3A_632 = arith.index_cast %parallel_loop3A_631 : i32 to index
        %parallel_loop3A_633 = arith.constant 544 : index
        %parallel_loop3A_634 = tpu.vector_load %arg9[%parallel_loop3A_632, %parallel_loop3A_633] {strides = array<i32>} : memref<128x768xf32, #tpu.memory_space<vmem>>, vector<16xf32>,
        tpu.vector_store %arg9[%parallel_loop3A_632, %parallel_loop3A_633], %parallel_loop3A_630 {strides = array<i32>} : memref<128x768xf32, #tpu.memory_space<vmem>>, vector<16xf32>,
        %parallel_loop3A_635 = arith.addf %parallel_loop3A_610, %parallel_loop3A_623 : vector<16xf32>
        %parallel_loop3A_636 = arith.mulf %parallel_loop3A_623, %parallel_loop3A_623 : vector<16xf32>
        %parallel_loop3A_637 = arith.addf %parallel_loop3A_612, %parallel_loop3A_636 : vector<16xf32>
        %parallel_loop3A_638 = arith.addf %parallel_loop3A_635, %parallel_loop3A_628 : vector<16xf32>
        %parallel_loop3A_639 = arith.mulf %parallel_loop3A_628, %parallel_loop3A_628 : vector<16xf32>
        %parallel_loop3A_640 = arith.addf %parallel_loop3A_637, %parallel_loop3A_639 : vector<16xf32>
        %parallel_loop3A_641 = arith.index_cast %div3A_84 : i32 to index
        %parallel_loop3A_642 = arith.constant 288 : index
        %parallel_loop3A_643 = tpu.vector_load %arg10[%parallel_loop3A_641, %parallel_loop3A_642] {strides = array<i32>} : memref<16x384xf32, #tpu.memory_space<vmem>>, vector<16xf32>,
        %parallel_loop3A_644 = vector.bitcast %parallel_loop3A_643 : vector<16xf32> to vector<32xbf16>
        %parallel_loop3A_645 = tpu.unpack_subelements %parallel_loop3A_644, 0 {pack_format = #tpu.pack_format<interleaved>} : vector<32xbf16> -> vector<16xf32>
        %parallel_loop3A_646 = tpu.unpack_subelements %parallel_loop3A_644, 1 {pack_format = #tpu.pack_format<interleaved>} : vector<32xbf16> -> vector<16xf32>
        %parallel_loop3A_647 = arith.addi %mul3A_103, %parallel_loop3A_132 : i32
        %parallel_loop3A_648 = arith.index_cast %parallel_loop3A_647 : i32 to index
        %parallel_loop3A_649 = arith.constant 576 : index
        %parallel_loop3A_650 = tpu.vector_load %arg9[%parallel_loop3A_648, %parallel_loop3A_649] {strides = array<i32>} : memref<128x768xf32, #tpu.memory_space<vmem>>, vector<16xf32>,
        %parallel_loop3A_651 = arith.addf %parallel_loop3A_650, %parallel_loop3A_645 : vector<16xf32>
        %parallel_loop3A_652 = arith.addi %mul3A_103, %parallel_loop3A_132 : i32
        %parallel_loop3A_653 = arith.index_cast %parallel_loop3A_652 : i32 to index
        %parallel_loop3A_654 = arith.constant 592 : index
        %parallel_loop3A_655 = tpu.vector_load %arg9[%parallel_loop3A_653, %parallel_loop3A_654] {strides = array<i32>} : memref<128x768xf32, #tpu.memory_space<vmem>>, vector<16xf32>,
        %parallel_loop3A_656 = arith.addf %parallel_loop3A_655, %parallel_loop3A_646 : vector<16xf32>
        %parallel_loop3A_657 = tpu.pack_subelements %parallel_loop3A_651, %parallel_loop3A_656 {pack_format = #tpu.pack_format<interleaved>, positions = array<i32: 0, 1>} : vector<16xf32>, vector<16xf32> -> vector<32xbf16>
        %parallel_loop3A_658 = vector.bitcast %parallel_loop3A_657 : vector<32xbf16> to vector<16xf32>
        %parallel_loop3A_659 = arith.addi %mul3A_103, %parallel_loop3A_132 : i32
        %parallel_loop3A_660 = arith.index_cast %parallel_loop3A_659 : i32 to index
        %parallel_loop3A_661 = arith.constant 576 : index
        %parallel_loop3A_662 = tpu.vector_load %arg9[%parallel_loop3A_660, %parallel_loop3A_661] {strides = array<i32>} : memref<128x768xf32, #tpu.memory_space<vmem>>, vector<16xf32>,
        tpu.vector_store %arg9[%parallel_loop3A_660, %parallel_loop3A_661], %parallel_loop3A_658 {strides = array<i32>} : memref<128x768xf32, #tpu.memory_space<vmem>>, vector<16xf32>,
        %parallel_loop3A_663 = arith.addf %parallel_loop3A_638, %parallel_loop3A_651 : vector<16xf32>
        %parallel_loop3A_664 = arith.mulf %parallel_loop3A_651, %parallel_loop3A_651 : vector<16xf32>
        %parallel_loop3A_665 = arith.addf %parallel_loop3A_640, %parallel_loop3A_664 : vector<16xf32>
        %parallel_loop3A_666 = arith.addf %parallel_loop3A_663, %parallel_loop3A_656 : vector<16xf32>
        %parallel_loop3A_667 = arith.mulf %parallel_loop3A_656, %parallel_loop3A_656 : vector<16xf32>
        %parallel_loop3A_668 = arith.addf %parallel_loop3A_665, %parallel_loop3A_667 : vector<16xf32>
        %parallel_loop3A_669 = arith.index_cast %div3A_84 : i32 to index
        %parallel_loop3A_670 = arith.constant 304 : index
        %parallel_loop3A_671 = tpu.vector_load %arg10[%parallel_loop3A_669, %parallel_loop3A_670] {strides = array<i32>} : memref<16x384xf32, #tpu.memory_space<vmem>>, vector<16xf32>,
        %parallel_loop3A_672 = vector.bitcast %parallel_loop3A_671 : vector<16xf32> to vector<32xbf16>
        %parallel_loop3A_673 = tpu.unpack_subelements %parallel_loop3A_672, 0 {pack_format = #tpu.pack_format<interleaved>} : vector<32xbf16> -> vector<16xf32>
        %parallel_loop3A_674 = tpu.unpack_subelements %parallel_loop3A_672, 1 {pack_format = #tpu.pack_format<interleaved>} : vector<32xbf16> -> vector<16xf32>
        %parallel_loop3A_675 = arith.addi %mul3A_103, %parallel_loop3A_132 : i32
        %parallel_loop3A_676 = arith.index_cast %parallel_loop3A_675 : i32 to index
        %parallel_loop3A_677 = arith.constant 608 : index
        %parallel_loop3A_678 = tpu.vector_load %arg9[%parallel_loop3A_676, %parallel_loop3A_677] {strides = array<i32>} : memref<128x768xf32, #tpu.memory_space<vmem>>, vector<16xf32>,
        %parallel_loop3A_679 = arith.addf %parallel_loop3A_678, %parallel_loop3A_673 : vector<16xf32>
        %parallel_loop3A_680 = arith.addi %mul3A_103, %parallel_loop3A_132 : i32
        %parallel_loop3A_681 = arith.index_cast %parallel_loop3A_680 : i32 to index
        %parallel_loop3A_682 = arith.constant 624 : index
        %parallel_loop3A_683 = tpu.vector_load %arg9[%parallel_loop3A_681, %parallel_loop3A_682] {strides = array<i32>} : memref<128x768xf32, #tpu.memory_space<vmem>>, vector<16xf32>,
        %parallel_loop3A_684 = arith.addf %parallel_loop3A_683, %parallel_loop3A_674 : vector<16xf32>
        %parallel_loop3A_685 = tpu.pack_subelements %parallel_loop3A_679, %parallel_loop3A_684 {pack_format = #tpu.pack_format<interleaved>, positions = array<i32: 0, 1>} : vector<16xf32>, vector<16xf32> -> vector<32xbf16>
        %parallel_loop3A_686 = vector.bitcast %parallel_loop3A_685 : vector<32xbf16> to vector<16xf32>
        %parallel_loop3A_687 = arith.addi %mul3A_103, %parallel_loop3A_132 : i32
        %parallel_loop3A_688 = arith.index_cast %parallel_loop3A_687 : i32 to index
        %parallel_loop3A_689 = arith.constant 608 : index
        %parallel_loop3A_690 = tpu.vector_load %arg9[%parallel_loop3A_688, %parallel_loop3A_689] {strides = array<i32>} : memref<128x768xf32, #tpu.memory_space<vmem>>, vector<16xf32>,
        tpu.vector_store %arg9[%parallel_loop3A_688, %parallel_loop3A_689], %parallel_loop3A_686 {strides = array<i32>} : memref<128x768xf32, #tpu.memory_space<vmem>>, vector<16xf32>,
        %parallel_loop3A_691 = arith.addf %parallel_loop3A_666, %parallel_loop3A_679 : vector<16xf32>
        %parallel_loop3A_692 = arith.mulf %parallel_loop3A_679, %parallel_loop3A_679 : vector<16xf32>
        %parallel_loop3A_693 = arith.addf %parallel_loop3A_668, %parallel_loop3A_692 : vector<16xf32>
        %parallel_loop3A_694 = arith.addf %parallel_loop3A_691, %parallel_loop3A_684 : vector<16xf32>
        %parallel_loop3A_695 = arith.mulf %parallel_loop3A_684, %parallel_loop3A_684 : vector<16xf32>
        %parallel_loop3A_696 = arith.addf %parallel_loop3A_693, %parallel_loop3A_695 : vector<16xf32>
        %parallel_loop3A_697 = arith.index_cast %div3A_84 : i32 to index
        %parallel_loop3A_698 = arith.constant 320 : index
        %parallel_loop3A_699 = tpu.vector_load %arg10[%parallel_loop3A_697, %parallel_loop3A_698] {strides = array<i32>} : memref<16x384xf32, #tpu.memory_space<vmem>>, vector<16xf32>,
        %parallel_loop3A_700 = vector.bitcast %parallel_loop3A_699 : vector<16xf32> to vector<32xbf16>
        %parallel_loop3A_701 = tpu.unpack_subelements %parallel_loop3A_700, 0 {pack_format = #tpu.pack_format<interleaved>} : vector<32xbf16> -> vector<16xf32>
        %parallel_loop3A_702 = tpu.unpack_subelements %parallel_loop3A_700, 1 {pack_format = #tpu.pack_format<interleaved>} : vector<32xbf16> -> vector<16xf32>
        %parallel_loop3A_703 = arith.addi %mul3A_103, %parallel_loop3A_132 : i32
        %parallel_loop3A_704 = arith.index_cast %parallel_loop3A_703 : i32 to index
        %parallel_loop3A_705 = arith.constant 640 : index
        %parallel_loop3A_706 = tpu.vector_load %arg9[%parallel_loop3A_704, %parallel_loop3A_705] {strides = array<i32>} : memref<128x768xf32, #tpu.memory_space<vmem>>, vector<16xf32>,
        %parallel_loop3A_707 = arith.addf %parallel_loop3A_706, %parallel_loop3A_701 : vector<16xf32>
        %parallel_loop3A_708 = arith.addi %mul3A_103, %parallel_loop3A_132 : i32
        %parallel_loop3A_709 = arith.index_cast %parallel_loop3A_708 : i32 to index
        %parallel_loop3A_710 = arith.constant 656 : index
        %parallel_loop3A_711 = tpu.vector_load %arg9[%parallel_loop3A_709, %parallel_loop3A_710] {strides = array<i32>} : memref<128x768xf32, #tpu.memory_space<vmem>>, vector<16xf32>,
        %parallel_loop3A_712 = arith.addf %parallel_loop3A_711, %parallel_loop3A_702 : vector<16xf32>
        %parallel_loop3A_713 = tpu.pack_subelements %parallel_loop3A_707, %parallel_loop3A_712 {pack_format = #tpu.pack_format<interleaved>, positions = array<i32: 0, 1>} : vector<16xf32>, vector<16xf32> -> vector<32xbf16>
        %parallel_loop3A_714 = vector.bitcast %parallel_loop3A_713 : vector<32xbf16> to vector<16xf32>
        %parallel_loop3A_715 = arith.addi %mul3A_103, %parallel_loop3A_132 : i32
        %parallel_loop3A_716 = arith.index_cast %parallel_loop3A_715 : i32 to index
        %parallel_loop3A_717 = arith.constant 640 : index
        %parallel_loop3A_718 = tpu.vector_load %arg9[%parallel_loop3A_716, %parallel_loop3A_717] {strides = array<i32>} : memref<128x768xf32, #tpu.memory_space<vmem>>, vector<16xf32>,
        tpu.vector_store %arg9[%parallel_loop3A_716, %parallel_loop3A_717], %parallel_loop3A_714 {strides = array<i32>} : memref<128x768xf32, #tpu.memory_space<vmem>>, vector<16xf32>,
        %parallel_loop3A_719 = arith.addf %parallel_loop3A_694, %parallel_loop3A_707 : vector<16xf32>
        %parallel_loop3A_720 = arith.mulf %parallel_loop3A_707, %parallel_loop3A_707 : vector<16xf32>
        %parallel_loop3A_721 = arith.addf %parallel_loop3A_696, %parallel_loop3A_720 : vector<16xf32>
        %parallel_loop3A_722 = arith.addf %parallel_loop3A_719, %parallel_loop3A_712 : vector<16xf32>
        %parallel_loop3A_723 = arith.mulf %parallel_loop3A_712, %parallel_loop3A_712 : vector<16xf32>
        %parallel_loop3A_724 = arith.addf %parallel_loop3A_721, %parallel_loop3A_723 : vector<16xf32>
        %parallel_loop3A_725 = arith.index_cast %div3A_84 : i32 to index
        %parallel_loop3A_726 = arith.constant 336 : index
        %parallel_loop3A_727 = tpu.vector_load %arg10[%parallel_loop3A_725, %parallel_loop3A_726] {strides = array<i32>} : memref<16x384xf32, #tpu.memory_space<vmem>>, vector<16xf32>,
        %parallel_loop3A_728 = vector.bitcast %parallel_loop3A_727 : vector<16xf32> to vector<32xbf16>
        %parallel_loop3A_729 = tpu.unpack_subelements %parallel_loop3A_728, 0 {pack_format = #tpu.pack_format<interleaved>} : vector<32xbf16> -> vector<16xf32>
        %parallel_loop3A_730 = tpu.unpack_subelements %parallel_loop3A_728, 1 {pack_format = #tpu.pack_format<interleaved>} : vector<32xbf16> -> vector<16xf32>
        %parallel_loop3A_731 = arith.addi %mul3A_103, %parallel_loop3A_132 : i32
        %parallel_loop3A_732 = arith.index_cast %parallel_loop3A_731 : i32 to index
        %parallel_loop3A_733 = arith.constant 672 : index
        %parallel_loop3A_734 = tpu.vector_load %arg9[%parallel_loop3A_732, %parallel_loop3A_733] {strides = array<i32>} : memref<128x768xf32, #tpu.memory_space<vmem>>, vector<16xf32>,
        %parallel_loop3A_735 = arith.addf %parallel_loop3A_734, %parallel_loop3A_729 : vector<16xf32>
        %parallel_loop3A_736 = arith.addi %mul3A_103, %parallel_loop3A_132 : i32
        %parallel_loop3A_737 = arith.index_cast %parallel_loop3A_736 : i32 to index
        %parallel_loop3A_738 = arith.constant 688 : index
        %parallel_loop3A_739 = tpu.vector_load %arg9[%parallel_loop3A_737, %parallel_loop3A_738] {strides = array<i32>} : memref<128x768xf32, #tpu.memory_space<vmem>>, vector<16xf32>,
        %parallel_loop3A_740 = arith.addf %parallel_loop3A_739, %parallel_loop3A_730 : vector<16xf32>
        %parallel_loop3A_741 = tpu.pack_subelements %parallel_loop3A_735, %parallel_loop3A_740 {pack_format = #tpu.pack_format<interleaved>, positions = array<i32: 0, 1>} : vector<16xf32>, vector<16xf32> -> vector<32xbf16>
        %parallel_loop3A_742 = vector.bitcast %parallel_loop3A_741 : vector<32xbf16> to vector<16xf32>
        %parallel_loop3A_743 = arith.addi %mul3A_103, %parallel_loop3A_132 : i32
        %parallel_loop3A_744 = arith.index_cast %parallel_loop3A_743 : i32 to index
        %parallel_loop3A_745 = arith.constant 672 : index
        %parallel_loop3A_746 = tpu.vector_load %arg9[%parallel_loop3A_744, %parallel_loop3A_745] {strides = array<i32>} : memref<128x768xf32, #tpu.memory_space<vmem>>, vector<16xf32>,
        tpu.vector_store %arg9[%parallel_loop3A_744, %parallel_loop3A_745], %parallel_loop3A_742 {strides = array<i32>} : memref<128x768xf32, #tpu.memory_space<vmem>>, vector<16xf32>,
        %parallel_loop3A_747 = arith.addf %parallel_loop3A_722, %parallel_loop3A_735 : vector<16xf32>
        %parallel_loop3A_748 = arith.mulf %parallel_loop3A_735, %parallel_loop3A_735 : vector<16xf32>
        %parallel_loop3A_749 = arith.addf %parallel_loop3A_724, %parallel_loop3A_748 : vector<16xf32>
        %parallel_loop3A_750 = arith.addf %parallel_loop3A_747, %parallel_loop3A_740 : vector<16xf32>
        %parallel_loop3A_751 = arith.mulf %parallel_loop3A_740, %parallel_loop3A_740 : vector<16xf32>
        %parallel_loop3A_752 = arith.addf %parallel_loop3A_749, %parallel_loop3A_751 : vector<16xf32>
        %parallel_loop3A_753 = arith.index_cast %div3A_84 : i32 to index
        %parallel_loop3A_754 = arith.constant 352 : index
        %parallel_loop3A_755 = tpu.vector_load %arg10[%parallel_loop3A_753, %parallel_loop3A_754] {strides = array<i32>} : memref<16x384xf32, #tpu.memory_space<vmem>>, vector<16xf32>,
        %parallel_loop3A_756 = vector.bitcast %parallel_loop3A_755 : vector<16xf32> to vector<32xbf16>
        %parallel_loop3A_757 = tpu.unpack_subelements %parallel_loop3A_756, 0 {pack_format = #tpu.pack_format<interleaved>} : vector<32xbf16> -> vector<16xf32>
        %parallel_loop3A_758 = tpu.unpack_subelements %parallel_loop3A_756, 1 {pack_format = #tpu.pack_format<interleaved>} : vector<32xbf16> -> vector<16xf32>
        %parallel_loop3A_759 = arith.addi %mul3A_103, %parallel_loop3A_132 : i32
        %parallel_loop3A_760 = arith.index_cast %parallel_loop3A_759 : i32 to index
        %parallel_loop3A_761 = arith.constant 704 : index
        %parallel_loop3A_762 = tpu.vector_load %arg9[%parallel_loop3A_760, %parallel_loop3A_761] {strides = array<i32>} : memref<128x768xf32, #tpu.memory_space<vmem>>, vector<16xf32>,
        %parallel_loop3A_763 = arith.addf %parallel_loop3A_762, %parallel_loop3A_757 : vector<16xf32>
        %parallel_loop3A_764 = arith.addi %mul3A_103, %parallel_loop3A_132 : i32
        %parallel_loop3A_765 = arith.index_cast %parallel_loop3A_764 : i32 to index
        %parallel_loop3A_766 = arith.constant 720 : index
        %parallel_loop3A_767 = tpu.vector_load %arg9[%parallel_loop3A_765, %parallel_loop3A_766] {strides = array<i32>} : memref<128x768xf32, #tpu.memory_space<vmem>>, vector<16xf32>,
        %parallel_loop3A_768 = arith.addf %parallel_loop3A_767, %parallel_loop3A_758 : vector<16xf32>
        %parallel_loop3A_769 = tpu.pack_subelements %parallel_loop3A_763, %parallel_loop3A_768 {pack_format = #tpu.pack_format<interleaved>, positions = array<i32: 0, 1>} : vector<16xf32>, vector<16xf32> -> vector<32xbf16>
        %parallel_loop3A_770 = vector.bitcast %parallel_loop3A_769 : vector<32xbf16> to vector<16xf32>
        %parallel_loop3A_771 = arith.addi %mul3A_103, %parallel_loop3A_132 : i32
        %parallel_loop3A_772 = arith.index_cast %parallel_loop3A_771 : i32 to index
        %parallel_loop3A_773 = arith.constant 704 : index
        %parallel_loop3A_774 = tpu.vector_load %arg9[%parallel_loop3A_772, %parallel_loop3A_773] {strides = array<i32>} : memref<128x768xf32, #tpu.memory_space<vmem>>, vector<16xf32>,
        tpu.vector_store %arg9[%parallel_loop3A_772, %parallel_loop3A_773], %parallel_loop3A_770 {strides = array<i32>} : memref<128x768xf32, #tpu.memory_space<vmem>>, vector<16xf32>,
        %parallel_loop3A_775 = arith.addf %parallel_loop3A_750, %parallel_loop3A_763 : vector<16xf32>
        %parallel_loop3A_776 = arith.mulf %parallel_loop3A_763, %parallel_loop3A_763 : vector<16xf32>
        %parallel_loop3A_777 = arith.addf %parallel_loop3A_752, %parallel_loop3A_776 : vector<16xf32>
        %parallel_loop3A_778 = arith.addf %parallel_loop3A_775, %parallel_loop3A_768 : vector<16xf32>
        %parallel_loop3A_779 = arith.mulf %parallel_loop3A_768, %parallel_loop3A_768 : vector<16xf32>
        %parallel_loop3A_780 = arith.addf %parallel_loop3A_777, %parallel_loop3A_779 : vector<16xf32>
        %parallel_loop3A_781 = arith.index_cast %div3A_84 : i32 to index
        %parallel_loop3A_782 = arith.constant 368 : index
        %parallel_loop3A_783 = tpu.vector_load %arg10[%parallel_loop3A_781, %parallel_loop3A_782] {strides = array<i32>} : memref<16x384xf32, #tpu.memory_space<vmem>>, vector<16xf32>,
        %parallel_loop3A_784 = vector.bitcast %parallel_loop3A_783 : vector<16xf32> to vector<32xbf16>
        %parallel_loop3A_785 = tpu.unpack_subelements %parallel_loop3A_784, 0 {pack_format = #tpu.pack_format<interleaved>} : vector<32xbf16> -> vector<16xf32>
        %parallel_loop3A_786 = tpu.unpack_subelements %parallel_loop3A_784, 1 {pack_format = #tpu.pack_format<interleaved>} : vector<32xbf16> -> vector<16xf32>
        %parallel_loop3A_787 = arith.addi %mul3A_103, %parallel_loop3A_132 : i32
        %parallel_loop3A_788 = arith.index_cast %parallel_loop3A_787 : i32 to index
        %parallel_loop3A_789 = arith.constant 736 : index
        %parallel_loop3A_790 = tpu.vector_load %arg9[%parallel_loop3A_788, %parallel_loop3A_789] {strides = array<i32>} : memref<128x768xf32, #tpu.memory_space<vmem>>, vector<16xf32>,
        %parallel_loop3A_791 = arith.addf %parallel_loop3A_790, %parallel_loop3A_785 : vector<16xf32>
        %parallel_loop3A_792 = arith.addi %mul3A_103, %parallel_loop3A_132 : i32
        %parallel_loop3A_793 = arith.index_cast %parallel_loop3A_792 : i32 to index
        %parallel_loop3A_794 = arith.constant 752 : index
        %parallel_loop3A_795 = tpu.vector_load %arg9[%parallel_loop3A_793, %parallel_loop3A_794] {strides = array<i32>} : memref<128x768xf32, #tpu.memory_space<vmem>>, vector<16xf32>,
        %parallel_loop3A_796 = arith.addf %parallel_loop3A_795, %parallel_loop3A_786 : vector<16xf32>
        %parallel_loop3A_797 = tpu.pack_subelements %parallel_loop3A_791, %parallel_loop3A_796 {pack_format = #tpu.pack_format<interleaved>, positions = array<i32: 0, 1>} : vector<16xf32>, vector<16xf32> -> vector<32xbf16>
        %parallel_loop3A_798 = vector.bitcast %parallel_loop3A_797 : vector<32xbf16> to vector<16xf32>
        %parallel_loop3A_799 = arith.addi %mul3A_103, %parallel_loop3A_132 : i32
        %parallel_loop3A_800 = arith.index_cast %parallel_loop3A_799 : i32 to index
        %parallel_loop3A_801 = arith.constant 736 : index
        %parallel_loop3A_802 = tpu.vector_load %arg9[%parallel_loop3A_800, %parallel_loop3A_801] {strides = array<i32>} : memref<128x768xf32, #tpu.memory_space<vmem>>, vector<16xf32>,
        tpu.vector_store %arg9[%parallel_loop3A_800, %parallel_loop3A_801], %parallel_loop3A_798 {strides = array<i32>} : memref<128x768xf32, #tpu.memory_space<vmem>>, vector<16xf32>,
        %parallel_loop3A_803 = arith.addf %parallel_loop3A_778, %parallel_loop3A_791 : vector<16xf32>
        %parallel_loop3A_804 = arith.mulf %parallel_loop3A_791, %parallel_loop3A_791 : vector<16xf32>
        %parallel_loop3A_805 = arith.addf %parallel_loop3A_780, %parallel_loop3A_804 : vector<16xf32>
        %parallel_loop3A_806 = arith.addf %parallel_loop3A_803, %parallel_loop3A_796 : vector<16xf32>
        %parallel_loop3A_807 = arith.mulf %parallel_loop3A_796, %parallel_loop3A_796 : vector<16xf32>
        %parallel_loop3A_808 = arith.addf %parallel_loop3A_805, %parallel_loop3A_807 : vector<16xf32>
        %parallel_loop3A_809 = arith.constant true
        %parallel_loop3A_810 = vector.broadcast %parallel_loop3A_809 : i1 to vector<16xi1>
        %parallel_loop3A_811 = tpu.scan <sum>, %parallel_loop3A_806 masked %parallel_loop3A_810 : vector<16xf32>, vector<16xi1> -> vector<16xf32>
        %parallel_loop3A_812 = vector.extract %parallel_loop3A_811[15] : f32 from vector<16xf32>
        %parallel_loop3A_813 = arith.constant true
        %parallel_loop3A_814 = vector.broadcast %parallel_loop3A_813 : i1 to vector<16xi1>
        %parallel_loop3A_815 = tpu.scan <sum>, %parallel_loop3A_808 masked %parallel_loop3A_814 : vector<16xf32>, vector<16xi1> -> vector<16xf32>
        %parallel_loop3A_816 = vector.extract %parallel_loop3A_815[15] : f32 from vector<16xf32>
        %parallel_loop3A_817 = arith.constant 0.00130208337 : f32
        %parallel_loop3A_818 = arith.mulf %parallel_loop3A_812, %parallel_loop3A_817 : f32
        %parallel_loop3A_819 = arith.constant 0.00130208337 : f32
        %parallel_loop3A_820 = arith.mulf %parallel_loop3A_816, %parallel_loop3A_819 : f32
        %parallel_loop3A_821 = arith.mulf %parallel_loop3A_818, %parallel_loop3A_818 : f32
        %parallel_loop3A_822 = arith.subf %parallel_loop3A_820, %parallel_loop3A_821 : f32
        %parallel_loop3A_823 = vector.broadcast %parallel_loop3A_818 : f32 to vector<16xf32>
        %parallel_loop3A_824 = arith.index_cast %parallel_loop3A_132 : i32 to index
        %parallel_loop3A_825 = arith.constant 0 : index
        %parallel_loop3A_826 = tpu.vector_load %arg11[%parallel_loop3A_824, %parallel_loop3A_825] {strides = array<i32>} : memref<32x16xf32, #tpu.memory_space<vmem>>, vector<16xf32>,
        tpu.vector_store %arg11[%parallel_loop3A_824, %parallel_loop3A_825], %parallel_loop3A_823 {strides = array<i32>} : memref<32x16xf32, #tpu.memory_space<vmem>>, vector<16xf32>,
        %parallel_loop3A_827 = arith.constant 9.99999996E-13 : f32
        %parallel_loop3A_828 = arith.addf %parallel_loop3A_822, %parallel_loop3A_827 : f32
        %parallel_loop3A_829 = vector.broadcast %parallel_loop3A_828 : f32 to vector<16xf32>
        %parallel_loop3A_830 = tpu.bitcast %parallel_loop3A_829 : vector<16xf32> -> vector<16xi32>
        %parallel_loop3A_831 = arith.constant 1 : i32
        %parallel_loop3A_832 = vector.broadcast %parallel_loop3A_831 : i32 to vector<16xi32>
        %parallel_loop3A_833 = arith.shrui %parallel_loop3A_830, %parallel_loop3A_832 : vector<16xi32>
        %parallel_loop3A_834 = arith.constant 1597463007 : i32
        %parallel_loop3A_835 = vector.broadcast %parallel_loop3A_834 : i32 to vector<16xi32>
        %parallel_loop3A_836 = arith.subi %parallel_loop3A_835, %parallel_loop3A_833 : vector<16xi32>
        %parallel_loop3A_837 = tpu.bitcast %parallel_loop3A_836 : vector<16xi32> -> vector<16xf32>
        %parallel_loop3A_838 = arith.constant 5.000000e-01 : f32
        %parallel_loop3A_839 = vector.broadcast %parallel_loop3A_838 : f32 to vector<16xf32>
        %parallel_loop3A_840 = arith.mulf %parallel_loop3A_839, %parallel_loop3A_829 : vector<16xf32>
        %parallel_loop3A_841 = arith.mulf %parallel_loop3A_840, %parallel_loop3A_837 : vector<16xf32>
        %parallel_loop3A_842 = arith.mulf %parallel_loop3A_841, %parallel_loop3A_837 : vector<16xf32>
        %parallel_loop3A_843 = arith.constant 1.500000e+00 : f32
        %parallel_loop3A_844 = vector.broadcast %parallel_loop3A_843 : f32 to vector<16xf32>
        %parallel_loop3A_845 = arith.subf %parallel_loop3A_844, %parallel_loop3A_842 : vector<16xf32>
        %parallel_loop3A_846 = arith.mulf %parallel_loop3A_837, %parallel_loop3A_845 : vector<16xf32>
        %parallel_loop3A_847 = arith.constant 5.000000e-01 : f32
        %parallel_loop3A_848 = vector.broadcast %parallel_loop3A_847 : f32 to vector<16xf32>
        %parallel_loop3A_849 = arith.mulf %parallel_loop3A_848, %parallel_loop3A_829 : vector<16xf32>
        %parallel_loop3A_850 = arith.mulf %parallel_loop3A_849, %parallel_loop3A_846 : vector<16xf32>
        %parallel_loop3A_851 = arith.mulf %parallel_loop3A_850, %parallel_loop3A_846 : vector<16xf32>
        %parallel_loop3A_852 = arith.constant 1.500000e+00 : f32
        %parallel_loop3A_853 = vector.broadcast %parallel_loop3A_852 : f32 to vector<16xf32>
        %parallel_loop3A_854 = arith.subf %parallel_loop3A_853, %parallel_loop3A_851 : vector<16xf32>
        %parallel_loop3A_855 = arith.mulf %parallel_loop3A_846, %parallel_loop3A_854 : vector<16xf32>
        %parallel_loop3A_856 = arith.constant 5.000000e-01 : f32
        %parallel_loop3A_857 = vector.broadcast %parallel_loop3A_856 : f32 to vector<16xf32>
        %parallel_loop3A_858 = arith.mulf %parallel_loop3A_857, %parallel_loop3A_829 : vector<16xf32>
        %parallel_loop3A_859 = arith.mulf %parallel_loop3A_858, %parallel_loop3A_855 : vector<16xf32>
        %parallel_loop3A_860 = arith.mulf %parallel_loop3A_859, %parallel_loop3A_855 : vector<16xf32>
        %parallel_loop3A_861 = arith.constant 1.500000e+00 : f32
        %parallel_loop3A_862 = vector.broadcast %parallel_loop3A_861 : f32 to vector<16xf32>
        %parallel_loop3A_863 = arith.subf %parallel_loop3A_862, %parallel_loop3A_860 : vector<16xf32>
        %parallel_loop3A_864 = arith.mulf %parallel_loop3A_855, %parallel_loop3A_863 : vector<16xf32>
        %parallel_loop3A_865 = arith.index_cast %parallel_loop3A_132 : i32 to index
        %parallel_loop3A_866 = arith.constant 0 : index
        %parallel_loop3A_867 = tpu.vector_load %arg12[%parallel_loop3A_865, %parallel_loop3A_866] {strides = array<i32>} : memref<32x16xf32, #tpu.memory_space<vmem>>, vector<16xf32>,
        tpu.vector_store %arg12[%parallel_loop3A_865, %parallel_loop3A_866], %parallel_loop3A_864 {strides = array<i32>} : memref<32x16xf32, #tpu.memory_space<vmem>>, vector<16xf32>,
      } {sc.loop_unroll_factor = 2 : i64, sc.parallel_access}
      %scan3A_106 = arith.constant 0 : i32
      %scan3A_107 = arith.constant 0 : i32
      %scan3A_108 = arith.constant 32 : i32
      %scan3A_109 = arith.addi %scan3A_107, %scan3A_108 : i32
      %scan3A_110 = arith.constant 1 : i32
      scf.for %scan3A_132 = %scan3A_107 to %scan3A_109 step %scan3A_110  : i32 {
        %get3A = arith.index_cast %scan3A_132 : i32 to index
        %get3A_133 = arith.constant 0 : index
        %get3A_134 = tpu.vector_load %arg11[%get3A, %get3A_133] {strides = array<i32>} : memref<32x16xf32, #tpu.memory_space<vmem>>, vector<16xf32>,
        %get3A_135 = arith.index_cast %scan3A_132 : i32 to index
        %get3A_136 = arith.constant 0 : index
        %get3A_137 = tpu.vector_load %arg12[%get3A_135, %get3A_136] {strides = array<i32>} : memref<32x16xf32, #tpu.memory_space<vmem>>, vector<16xf32>,
        %add3A_138 = arith.addi %mul3A_103, %scan3A_132 : i32
        %get3A_139 = arith.index_cast %add3A_138 : i32 to index
        %get3A_140 = arith.constant 0 : index
        %get3A_141 = tpu.vector_load %arg9[%get3A_139, %get3A_140] {strides = array<i32>} : memref<128x768xf32, #tpu.memory_space<vmem>>, vector<16xf32>,
        %bitcast3A = vector.bitcast %get3A_141 : vector<16xf32> to vector<32xbf16>
        %unpack3A = tpu.unpack_subelements %bitcast3A, 0 {pack_format = #tpu.pack_format<interleaved>} : vector<32xbf16> -> vector<16xf32>
        %unpack3A_142 = tpu.unpack_subelements %bitcast3A, 1 {pack_format = #tpu.pack_format<interleaved>} : vector<32xbf16> -> vector<16xf32>
        %sub3A = arith.subf %unpack3A, %get3A_134 : vector<16xf32>
        %mul3A_143 = arith.mulf %sub3A, %get3A_137 : vector<16xf32>
        %add3A_144 = arith.addi %mul3A_103, %scan3A_132 : i32
        %swap3A = arith.index_cast %add3A_144 : i32 to index
        %swap3A_145 = arith.constant 0 : index
        %swap3A_146 = tpu.vector_load %arg9[%swap3A, %swap3A_145] {strides = array<i32>} : memref<128x768xf32, #tpu.memory_space<vmem>>, vector<16xf32>,
        tpu.vector_store %arg9[%swap3A, %swap3A_145], %mul3A_143 {strides = array<i32>} : memref<128x768xf32, #tpu.memory_space<vmem>>, vector<16xf32>,
        %sub3A_147 = arith.subf %unpack3A_142, %get3A_134 : vector<16xf32>
        %mul3A_148 = arith.mulf %sub3A_147, %get3A_137 : vector<16xf32>
        %add3A_149 = arith.addi %mul3A_103, %scan3A_132 : i32
        %swap3A_150 = arith.index_cast %add3A_149 : i32 to index
        %swap3A_151 = arith.constant 16 : index
        %swap3A_152 = tpu.vector_load %arg9[%swap3A_150, %swap3A_151] {strides = array<i32>} : memref<128x768xf32, #tpu.memory_space<vmem>>, vector<16xf32>,
        tpu.vector_store %arg9[%swap3A_150, %swap3A_151], %mul3A_148 {strides = array<i32>} : memref<128x768xf32, #tpu.memory_space<vmem>>, vector<16xf32>,
        %add3A_153 = arith.addi %mul3A_103, %scan3A_132 : i32
        %get3A_154 = arith.index_cast %add3A_153 : i32 to index
        %get3A_155 = arith.constant 32 : index
        %get3A_156 = tpu.vector_load %arg9[%get3A_154, %get3A_155] {strides = array<i32>} : memref<128x768xf32, #tpu.memory_space<vmem>>, vector<16xf32>,
        %bitcast3A_157 = vector.bitcast %get3A_156 : vector<16xf32> to vector<32xbf16>
        %unpack3A_158 = tpu.unpack_subelements %bitcast3A_157, 0 {pack_format = #tpu.pack_format<interleaved>} : vector<32xbf16> -> vector<16xf32>
        %unpack3A_159 = tpu.unpack_subelements %bitcast3A_157, 1 {pack_format = #tpu.pack_format<interleaved>} : vector<32xbf16> -> vector<16xf32>
        %sub3A_160 = arith.subf %unpack3A_158, %get3A_134 : vector<16xf32>
        %mul3A_161 = arith.mulf %sub3A_160, %get3A_137 : vector<16xf32>
        %add3A_162 = arith.addi %mul3A_103, %scan3A_132 : i32
        %swap3A_163 = arith.index_cast %add3A_162 : i32 to index
        %swap3A_164 = arith.constant 32 : index
        %swap3A_165 = tpu.vector_load %arg9[%swap3A_163, %swap3A_164] {strides = array<i32>} : memref<128x768xf32, #tpu.memory_space<vmem>>, vector<16xf32>,
        tpu.vector_store %arg9[%swap3A_163, %swap3A_164], %mul3A_161 {strides = array<i32>} : memref<128x768xf32, #tpu.memory_space<vmem>>, vector<16xf32>,
        %sub3A_166 = arith.subf %unpack3A_159, %get3A_134 : vector<16xf32>
        %mul3A_167 = arith.mulf %sub3A_166, %get3A_137 : vector<16xf32>
        %add3A_168 = arith.addi %mul3A_103, %scan3A_132 : i32
        %swap3A_169 = arith.index_cast %add3A_168 : i32 to index
        %swap3A_170 = arith.constant 48 : index
        %swap3A_171 = tpu.vector_load %arg9[%swap3A_169, %swap3A_170] {strides = array<i32>} : memref<128x768xf32, #tpu.memory_space<vmem>>, vector<16xf32>,
        tpu.vector_store %arg9[%swap3A_169, %swap3A_170], %mul3A_167 {strides = array<i32>} : memref<128x768xf32, #tpu.memory_space<vmem>>, vector<16xf32>,
        %add3A_172 = arith.addi %mul3A_103, %scan3A_132 : i32
        %get3A_173 = arith.index_cast %add3A_172 : i32 to index
        %get3A_174 = arith.constant 64 : index
        %get3A_175 = tpu.vector_load %arg9[%get3A_173, %get3A_174] {strides = array<i32>} : memref<128x768xf32, #tpu.memory_space<vmem>>, vector<16xf32>,
        %bitcast3A_176 = vector.bitcast %get3A_175 : vector<16xf32> to vector<32xbf16>
        %unpack3A_177 = tpu.unpack_subelements %bitcast3A_176, 0 {pack_format = #tpu.pack_format<interleaved>} : vector<32xbf16> -> vector<16xf32>
        %unpack3A_178 = tpu.unpack_subelements %bitcast3A_176, 1 {pack_format = #tpu.pack_format<interleaved>} : vector<32xbf16> -> vector<16xf32>
        %sub3A_179 = arith.subf %unpack3A_177, %get3A_134 : vector<16xf32>
        %mul3A_180 = arith.mulf %sub3A_179, %get3A_137 : vector<16xf32>
        %add3A_181 = arith.addi %mul3A_103, %scan3A_132 : i32
        %swap3A_182 = arith.index_cast %add3A_181 : i32 to index
        %swap3A_183 = arith.constant 64 : index
        %swap3A_184 = tpu.vector_load %arg9[%swap3A_182, %swap3A_183] {strides = array<i32>} : memref<128x768xf32, #tpu.memory_space<vmem>>, vector<16xf32>,
        tpu.vector_store %arg9[%swap3A_182, %swap3A_183], %mul3A_180 {strides = array<i32>} : memref<128x768xf32, #tpu.memory_space<vmem>>, vector<16xf32>,
        %sub3A_185 = arith.subf %unpack3A_178, %get3A_134 : vector<16xf32>
        %mul3A_186 = arith.mulf %sub3A_185, %get3A_137 : vector<16xf32>
        %add3A_187 = arith.addi %mul3A_103, %scan3A_132 : i32
        %swap3A_188 = arith.index_cast %add3A_187 : i32 to index
        %swap3A_189 = arith.constant 80 : index
        %swap3A_190 = tpu.vector_load %arg9[%swap3A_188, %swap3A_189] {strides = array<i32>} : memref<128x768xf32, #tpu.memory_space<vmem>>, vector<16xf32>,
        tpu.vector_store %arg9[%swap3A_188, %swap3A_189], %mul3A_186 {strides = array<i32>} : memref<128x768xf32, #tpu.memory_space<vmem>>, vector<16xf32>,
        %add3A_191 = arith.addi %mul3A_103, %scan3A_132 : i32
        %get3A_192 = arith.index_cast %add3A_191 : i32 to index
        %get3A_193 = arith.constant 96 : index
        %get3A_194 = tpu.vector_load %arg9[%get3A_192, %get3A_193] {strides = array<i32>} : memref<128x768xf32, #tpu.memory_space<vmem>>, vector<16xf32>,
        %bitcast3A_195 = vector.bitcast %get3A_194 : vector<16xf32> to vector<32xbf16>
        %unpack3A_196 = tpu.unpack_subelements %bitcast3A_195, 0 {pack_format = #tpu.pack_format<interleaved>} : vector<32xbf16> -> vector<16xf32>
        %unpack3A_197 = tpu.unpack_subelements %bitcast3A_195, 1 {pack_format = #tpu.pack_format<interleaved>} : vector<32xbf16> -> vector<16xf32>
        %sub3A_198 = arith.subf %unpack3A_196, %get3A_134 : vector<16xf32>
        %mul3A_199 = arith.mulf %sub3A_198, %get3A_137 : vector<16xf32>
        %add3A_200 = arith.addi %mul3A_103, %scan3A_132 : i32
        %swap3A_201 = arith.index_cast %add3A_200 : i32 to index
        %swap3A_202 = arith.constant 96 : index
        %swap3A_203 = tpu.vector_load %arg9[%swap3A_201, %swap3A_202] {strides = array<i32>} : memref<128x768xf32, #tpu.memory_space<vmem>>, vector<16xf32>,
        tpu.vector_store %arg9[%swap3A_201, %swap3A_202], %mul3A_199 {strides = array<i32>} : memref<128x768xf32, #tpu.memory_space<vmem>>, vector<16xf32>,
        %sub3A_204 = arith.subf %unpack3A_197, %get3A_134 : vector<16xf32>
        %mul3A_205 = arith.mulf %sub3A_204, %get3A_137 : vector<16xf32>
        %add3A_206 = arith.addi %mul3A_103, %scan3A_132 : i32
        %swap3A_207 = arith.index_cast %add3A_206 : i32 to index
        %swap3A_208 = arith.constant 112 : index
        %swap3A_209 = tpu.vector_load %arg9[%swap3A_207, %swap3A_208] {strides = array<i32>} : memref<128x768xf32, #tpu.memory_space<vmem>>, vector<16xf32>,
        tpu.vector_store %arg9[%swap3A_207, %swap3A_208], %mul3A_205 {strides = array<i32>} : memref<128x768xf32, #tpu.memory_space<vmem>>, vector<16xf32>,
        %add3A_210 = arith.addi %mul3A_103, %scan3A_132 : i32
        %get3A_211 = arith.index_cast %add3A_210 : i32 to index
        %get3A_212 = arith.constant 128 : index
        %get3A_213 = tpu.vector_load %arg9[%get3A_211, %get3A_212] {strides = array<i32>} : memref<128x768xf32, #tpu.memory_space<vmem>>, vector<16xf32>,
        %bitcast3A_214 = vector.bitcast %get3A_213 : vector<16xf32> to vector<32xbf16>
        %unpack3A_215 = tpu.unpack_subelements %bitcast3A_214, 0 {pack_format = #tpu.pack_format<interleaved>} : vector<32xbf16> -> vector<16xf32>
        %unpack3A_216 = tpu.unpack_subelements %bitcast3A_214, 1 {pack_format = #tpu.pack_format<interleaved>} : vector<32xbf16> -> vector<16xf32>
        %sub3A_217 = arith.subf %unpack3A_215, %get3A_134 : vector<16xf32>
        %mul3A_218 = arith.mulf %sub3A_217, %get3A_137 : vector<16xf32>
        %add3A_219 = arith.addi %mul3A_103, %scan3A_132 : i32
        %swap3A_220 = arith.index_cast %add3A_219 : i32 to index
        %swap3A_221 = arith.constant 128 : index
        %swap3A_222 = tpu.vector_load %arg9[%swap3A_220, %swap3A_221] {strides = array<i32>} : memref<128x768xf32, #tpu.memory_space<vmem>>, vector<16xf32>,
        tpu.vector_store %arg9[%swap3A_220, %swap3A_221], %mul3A_218 {strides = array<i32>} : memref<128x768xf32, #tpu.memory_space<vmem>>, vector<16xf32>,
        %sub3A_223 = arith.subf %unpack3A_216, %get3A_134 : vector<16xf32>
        %mul3A_224 = arith.mulf %sub3A_223, %get3A_137 : vector<16xf32>
        %add3A_225 = arith.addi %mul3A_103, %scan3A_132 : i32
        %swap3A_226 = arith.index_cast %add3A_225 : i32 to index
        %swap3A_227 = arith.constant 144 : index
        %swap3A_228 = tpu.vector_load %arg9[%swap3A_226, %swap3A_227] {strides = array<i32>} : memref<128x768xf32, #tpu.memory_space<vmem>>, vector<16xf32>,
        tpu.vector_store %arg9[%swap3A_226, %swap3A_227], %mul3A_224 {strides = array<i32>} : memref<128x768xf32, #tpu.memory_space<vmem>>, vector<16xf32>,
        %add3A_229 = arith.addi %mul3A_103, %scan3A_132 : i32
        %get3A_230 = arith.index_cast %add3A_229 : i32 to index
        %get3A_231 = arith.constant 160 : index
        %get3A_232 = tpu.vector_load %arg9[%get3A_230, %get3A_231] {strides = array<i32>} : memref<128x768xf32, #tpu.memory_space<vmem>>, vector<16xf32>,
        %bitcast3A_233 = vector.bitcast %get3A_232 : vector<16xf32> to vector<32xbf16>
        %unpack3A_234 = tpu.unpack_subelements %bitcast3A_233, 0 {pack_format = #tpu.pack_format<interleaved>} : vector<32xbf16> -> vector<16xf32>
        %unpack3A_235 = tpu.unpack_subelements %bitcast3A_233, 1 {pack_format = #tpu.pack_format<interleaved>} : vector<32xbf16> -> vector<16xf32>
        %sub3A_236 = arith.subf %unpack3A_234, %get3A_134 : vector<16xf32>
        %mul3A_237 = arith.mulf %sub3A_236, %get3A_137 : vector<16xf32>
        %add3A_238 = arith.addi %mul3A_103, %scan3A_132 : i32
        %swap3A_239 = arith.index_cast %add3A_238 : i32 to index
        %swap3A_240 = arith.constant 160 : index
        %swap3A_241 = tpu.vector_load %arg9[%swap3A_239, %swap3A_240] {strides = array<i32>} : memref<128x768xf32, #tpu.memory_space<vmem>>, vector<16xf32>,
        tpu.vector_store %arg9[%swap3A_239, %swap3A_240], %mul3A_237 {strides = array<i32>} : memref<128x768xf32, #tpu.memory_space<vmem>>, vector<16xf32>,
        %sub3A_242 = arith.subf %unpack3A_235, %get3A_134 : vector<16xf32>
        %mul3A_243 = arith.mulf %sub3A_242, %get3A_137 : vector<16xf32>
        %add3A_244 = arith.addi %mul3A_103, %scan3A_132 : i32
        %swap3A_245 = arith.index_cast %add3A_244 : i32 to index
        %swap3A_246 = arith.constant 176 : index
        %swap3A_247 = tpu.vector_load %arg9[%swap3A_245, %swap3A_246] {strides = array<i32>} : memref<128x768xf32, #tpu.memory_space<vmem>>, vector<16xf32>,
        tpu.vector_store %arg9[%swap3A_245, %swap3A_246], %mul3A_243 {strides = array<i32>} : memref<128x768xf32, #tpu.memory_space<vmem>>, vector<16xf32>,
        %add3A_248 = arith.addi %mul3A_103, %scan3A_132 : i32
        %get3A_249 = arith.index_cast %add3A_248 : i32 to index
        %get3A_250 = arith.constant 192 : index
        %get3A_251 = tpu.vector_load %arg9[%get3A_249, %get3A_250] {strides = array<i32>} : memref<128x768xf32, #tpu.memory_space<vmem>>, vector<16xf32>,
        %bitcast3A_252 = vector.bitcast %get3A_251 : vector<16xf32> to vector<32xbf16>
        %unpack3A_253 = tpu.unpack_subelements %bitcast3A_252, 0 {pack_format = #tpu.pack_format<interleaved>} : vector<32xbf16> -> vector<16xf32>
        %unpack3A_254 = tpu.unpack_subelements %bitcast3A_252, 1 {pack_format = #tpu.pack_format<interleaved>} : vector<32xbf16> -> vector<16xf32>
        %sub3A_255 = arith.subf %unpack3A_253, %get3A_134 : vector<16xf32>
        %mul3A_256 = arith.mulf %sub3A_255, %get3A_137 : vector<16xf32>
        %add3A_257 = arith.addi %mul3A_103, %scan3A_132 : i32
        %swap3A_258 = arith.index_cast %add3A_257 : i32 to index
        %swap3A_259 = arith.constant 192 : index
        %swap3A_260 = tpu.vector_load %arg9[%swap3A_258, %swap3A_259] {strides = array<i32>} : memref<128x768xf32, #tpu.memory_space<vmem>>, vector<16xf32>,
        tpu.vector_store %arg9[%swap3A_258, %swap3A_259], %mul3A_256 {strides = array<i32>} : memref<128x768xf32, #tpu.memory_space<vmem>>, vector<16xf32>,
        %sub3A_261 = arith.subf %unpack3A_254, %get3A_134 : vector<16xf32>
        %mul3A_262 = arith.mulf %sub3A_261, %get3A_137 : vector<16xf32>
        %add3A_263 = arith.addi %mul3A_103, %scan3A_132 : i32
        %swap3A_264 = arith.index_cast %add3A_263 : i32 to index
        %swap3A_265 = arith.constant 208 : index
        %swap3A_266 = tpu.vector_load %arg9[%swap3A_264, %swap3A_265] {strides = array<i32>} : memref<128x768xf32, #tpu.memory_space<vmem>>, vector<16xf32>,
        tpu.vector_store %arg9[%swap3A_264, %swap3A_265], %mul3A_262 {strides = array<i32>} : memref<128x768xf32, #tpu.memory_space<vmem>>, vector<16xf32>,
        %add3A_267 = arith.addi %mul3A_103, %scan3A_132 : i32
        %get3A_268 = arith.index_cast %add3A_267 : i32 to index
        %get3A_269 = arith.constant 224 : index
        %get3A_270 = tpu.vector_load %arg9[%get3A_268, %get3A_269] {strides = array<i32>} : memref<128x768xf32, #tpu.memory_space<vmem>>, vector<16xf32>,
        %bitcast3A_271 = vector.bitcast %get3A_270 : vector<16xf32> to vector<32xbf16>
        %unpack3A_272 = tpu.unpack_subelements %bitcast3A_271, 0 {pack_format = #tpu.pack_format<interleaved>} : vector<32xbf16> -> vector<16xf32>
        %unpack3A_273 = tpu.unpack_subelements %bitcast3A_271, 1 {pack_format = #tpu.pack_format<interleaved>} : vector<32xbf16> -> vector<16xf32>
        %sub3A_274 = arith.subf %unpack3A_272, %get3A_134 : vector<16xf32>
        %mul3A_275 = arith.mulf %sub3A_274, %get3A_137 : vector<16xf32>
        %add3A_276 = arith.addi %mul3A_103, %scan3A_132 : i32
        %swap3A_277 = arith.index_cast %add3A_276 : i32 to index
        %swap3A_278 = arith.constant 224 : index
        %swap3A_279 = tpu.vector_load %arg9[%swap3A_277, %swap3A_278] {strides = array<i32>} : memref<128x768xf32, #tpu.memory_space<vmem>>, vector<16xf32>,
        tpu.vector_store %arg9[%swap3A_277, %swap3A_278], %mul3A_275 {strides = array<i32>} : memref<128x768xf32, #tpu.memory_space<vmem>>, vector<16xf32>,
        %sub3A_280 = arith.subf %unpack3A_273, %get3A_134 : vector<16xf32>
        %mul3A_281 = arith.mulf %sub3A_280, %get3A_137 : vector<16xf32>
        %add3A_282 = arith.addi %mul3A_103, %scan3A_132 : i32
        %swap3A_283 = arith.index_cast %add3A_282 : i32 to index
        %swap3A_284 = arith.constant 240 : index
        %swap3A_285 = tpu.vector_load %arg9[%swap3A_283, %swap3A_284] {strides = array<i32>} : memref<128x768xf32, #tpu.memory_space<vmem>>, vector<16xf32>,
        tpu.vector_store %arg9[%swap3A_283, %swap3A_284], %mul3A_281 {strides = array<i32>} : memref<128x768xf32, #tpu.memory_space<vmem>>, vector<16xf32>,
        %add3A_286 = arith.addi %mul3A_103, %scan3A_132 : i32
        %get3A_287 = arith.index_cast %add3A_286 : i32 to index
        %get3A_288 = arith.constant 256 : index
        %get3A_289 = tpu.vector_load %arg9[%get3A_287, %get3A_288] {strides = array<i32>} : memref<128x768xf32, #tpu.memory_space<vmem>>, vector<16xf32>,
        %bitcast3A_290 = vector.bitcast %get3A_289 : vector<16xf32> to vector<32xbf16>
        %unpack3A_291 = tpu.unpack_subelements %bitcast3A_290, 0 {pack_format = #tpu.pack_format<interleaved>} : vector<32xbf16> -> vector<16xf32>
        %unpack3A_292 = tpu.unpack_subelements %bitcast3A_290, 1 {pack_format = #tpu.pack_format<interleaved>} : vector<32xbf16> -> vector<16xf32>
        %sub3A_293 = arith.subf %unpack3A_291, %get3A_134 : vector<16xf32>
        %mul3A_294 = arith.mulf %sub3A_293, %get3A_137 : vector<16xf32>
        %add3A_295 = arith.addi %mul3A_103, %scan3A_132 : i32
        %swap3A_296 = arith.index_cast %add3A_295 : i32 to index
        %swap3A_297 = arith.constant 256 : index
        %swap3A_298 = tpu.vector_load %arg9[%swap3A_296, %swap3A_297] {strides = array<i32>} : memref<128x768xf32, #tpu.memory_space<vmem>>, vector<16xf32>,
        tpu.vector_store %arg9[%swap3A_296, %swap3A_297], %mul3A_294 {strides = array<i32>} : memref<128x768xf32, #tpu.memory_space<vmem>>, vector<16xf32>,
        %sub3A_299 = arith.subf %unpack3A_292, %get3A_134 : vector<16xf32>
        %mul3A_300 = arith.mulf %sub3A_299, %get3A_137 : vector<16xf32>
        %add3A_301 = arith.addi %mul3A_103, %scan3A_132 : i32
        %swap3A_302 = arith.index_cast %add3A_301 : i32 to index
        %swap3A_303 = arith.constant 272 : index
        %swap3A_304 = tpu.vector_load %arg9[%swap3A_302, %swap3A_303] {strides = array<i32>} : memref<128x768xf32, #tpu.memory_space<vmem>>, vector<16xf32>,
        tpu.vector_store %arg9[%swap3A_302, %swap3A_303], %mul3A_300 {strides = array<i32>} : memref<128x768xf32, #tpu.memory_space<vmem>>, vector<16xf32>,
        %add3A_305 = arith.addi %mul3A_103, %scan3A_132 : i32
        %get3A_306 = arith.index_cast %add3A_305 : i32 to index
        %get3A_307 = arith.constant 288 : index
        %get3A_308 = tpu.vector_load %arg9[%get3A_306, %get3A_307] {strides = array<i32>} : memref<128x768xf32, #tpu.memory_space<vmem>>, vector<16xf32>,
        %bitcast3A_309 = vector.bitcast %get3A_308 : vector<16xf32> to vector<32xbf16>
        %unpack3A_310 = tpu.unpack_subelements %bitcast3A_309, 0 {pack_format = #tpu.pack_format<interleaved>} : vector<32xbf16> -> vector<16xf32>
        %unpack3A_311 = tpu.unpack_subelements %bitcast3A_309, 1 {pack_format = #tpu.pack_format<interleaved>} : vector<32xbf16> -> vector<16xf32>
        %sub3A_312 = arith.subf %unpack3A_310, %get3A_134 : vector<16xf32>
        %mul3A_313 = arith.mulf %sub3A_312, %get3A_137 : vector<16xf32>
        %add3A_314 = arith.addi %mul3A_103, %scan3A_132 : i32
        %swap3A_315 = arith.index_cast %add3A_314 : i32 to index
        %swap3A_316 = arith.constant 288 : index
        %swap3A_317 = tpu.vector_load %arg9[%swap3A_315, %swap3A_316] {strides = array<i32>} : memref<128x768xf32, #tpu.memory_space<vmem>>, vector<16xf32>,
        tpu.vector_store %arg9[%swap3A_315, %swap3A_316], %mul3A_313 {strides = array<i32>} : memref<128x768xf32, #tpu.memory_space<vmem>>, vector<16xf32>,
        %sub3A_318 = arith.subf %unpack3A_311, %get3A_134 : vector<16xf32>
        %mul3A_319 = arith.mulf %sub3A_318, %get3A_137 : vector<16xf32>
        %add3A_320 = arith.addi %mul3A_103, %scan3A_132 : i32
        %swap3A_321 = arith.index_cast %add3A_320 : i32 to index
        %swap3A_322 = arith.constant 304 : index
        %swap3A_323 = tpu.vector_load %arg9[%swap3A_321, %swap3A_322] {strides = array<i32>} : memref<128x768xf32, #tpu.memory_space<vmem>>, vector<16xf32>,
        tpu.vector_store %arg9[%swap3A_321, %swap3A_322], %mul3A_319 {strides = array<i32>} : memref<128x768xf32, #tpu.memory_space<vmem>>, vector<16xf32>,
        %add3A_324 = arith.addi %mul3A_103, %scan3A_132 : i32
        %get3A_325 = arith.index_cast %add3A_324 : i32 to index
        %get3A_326 = arith.constant 320 : index
        %get3A_327 = tpu.vector_load %arg9[%get3A_325, %get3A_326] {strides = array<i32>} : memref<128x768xf32, #tpu.memory_space<vmem>>, vector<16xf32>,
        %bitcast3A_328 = vector.bitcast %get3A_327 : vector<16xf32> to vector<32xbf16>
        %unpack3A_329 = tpu.unpack_subelements %bitcast3A_328, 0 {pack_format = #tpu.pack_format<interleaved>} : vector<32xbf16> -> vector<16xf32>
        %unpack3A_330 = tpu.unpack_subelements %bitcast3A_328, 1 {pack_format = #tpu.pack_format<interleaved>} : vector<32xbf16> -> vector<16xf32>
        %sub3A_331 = arith.subf %unpack3A_329, %get3A_134 : vector<16xf32>
        %mul3A_332 = arith.mulf %sub3A_331, %get3A_137 : vector<16xf32>
        %add3A_333 = arith.addi %mul3A_103, %scan3A_132 : i32
        %swap3A_334 = arith.index_cast %add3A_333 : i32 to index
        %swap3A_335 = arith.constant 320 : index
        %swap3A_336 = tpu.vector_load %arg9[%swap3A_334, %swap3A_335] {strides = array<i32>} : memref<128x768xf32, #tpu.memory_space<vmem>>, vector<16xf32>,
        tpu.vector_store %arg9[%swap3A_334, %swap3A_335], %mul3A_332 {strides = array<i32>} : memref<128x768xf32, #tpu.memory_space<vmem>>, vector<16xf32>,
        %sub3A_337 = arith.subf %unpack3A_330, %get3A_134 : vector<16xf32>
        %mul3A_338 = arith.mulf %sub3A_337, %get3A_137 : vector<16xf32>
        %add3A_339 = arith.addi %mul3A_103, %scan3A_132 : i32
        %swap3A_340 = arith.index_cast %add3A_339 : i32 to index
        %swap3A_341 = arith.constant 336 : index
        %swap3A_342 = tpu.vector_load %arg9[%swap3A_340, %swap3A_341] {strides = array<i32>} : memref<128x768xf32, #tpu.memory_space<vmem>>, vector<16xf32>,
        tpu.vector_store %arg9[%swap3A_340, %swap3A_341], %mul3A_338 {strides = array<i32>} : memref<128x768xf32, #tpu.memory_space<vmem>>, vector<16xf32>,
        %add3A_343 = arith.addi %mul3A_103, %scan3A_132 : i32
        %get3A_344 = arith.index_cast %add3A_343 : i32 to index
        %get3A_345 = arith.constant 352 : index
        %get3A_346 = tpu.vector_load %arg9[%get3A_344, %get3A_345] {strides = array<i32>} : memref<128x768xf32, #tpu.memory_space<vmem>>, vector<16xf32>,
        %bitcast3A_347 = vector.bitcast %get3A_346 : vector<16xf32> to vector<32xbf16>
        %unpack3A_348 = tpu.unpack_subelements %bitcast3A_347, 0 {pack_format = #tpu.pack_format<interleaved>} : vector<32xbf16> -> vector<16xf32>
        %unpack3A_349 = tpu.unpack_subelements %bitcast3A_347, 1 {pack_format = #tpu.pack_format<interleaved>} : vector<32xbf16> -> vector<16xf32>
        %sub3A_350 = arith.subf %unpack3A_348, %get3A_134 : vector<16xf32>
        %mul3A_351 = arith.mulf %sub3A_350, %get3A_137 : vector<16xf32>
        %add3A_352 = arith.addi %mul3A_103, %scan3A_132 : i32
        %swap3A_353 = arith.index_cast %add3A_352 : i32 to index
        %swap3A_354 = arith.constant 352 : index
        %swap3A_355 = tpu.vector_load %arg9[%swap3A_353, %swap3A_354] {strides = array<i32>} : memref<128x768xf32, #tpu.memory_space<vmem>>, vector<16xf32>,
        tpu.vector_store %arg9[%swap3A_353, %swap3A_354], %mul3A_351 {strides = array<i32>} : memref<128x768xf32, #tpu.memory_space<vmem>>, vector<16xf32>,
        %sub3A_356 = arith.subf %unpack3A_349, %get3A_134 : vector<16xf32>
        %mul3A_357 = arith.mulf %sub3A_356, %get3A_137 : vector<16xf32>
        %add3A_358 = arith.addi %mul3A_103, %scan3A_132 : i32
        %swap3A_359 = arith.index_cast %add3A_358 : i32 to index
        %swap3A_360 = arith.constant 368 : index
        %swap3A_361 = tpu.vector_load %arg9[%swap3A_359, %swap3A_360] {strides = array<i32>} : memref<128x768xf32, #tpu.memory_space<vmem>>, vector<16xf32>,
        tpu.vector_store %arg9[%swap3A_359, %swap3A_360], %mul3A_357 {strides = array<i32>} : memref<128x768xf32, #tpu.memory_space<vmem>>, vector<16xf32>,
        %add3A_362 = arith.addi %mul3A_103, %scan3A_132 : i32
        %get3A_363 = arith.index_cast %add3A_362 : i32 to index
        %get3A_364 = arith.constant 384 : index
        %get3A_365 = tpu.vector_load %arg9[%get3A_363, %get3A_364] {strides = array<i32>} : memref<128x768xf32, #tpu.memory_space<vmem>>, vector<16xf32>,
        %bitcast3A_366 = vector.bitcast %get3A_365 : vector<16xf32> to vector<32xbf16>
        %unpack3A_367 = tpu.unpack_subelements %bitcast3A_366, 0 {pack_format = #tpu.pack_format<interleaved>} : vector<32xbf16> -> vector<16xf32>
        %unpack3A_368 = tpu.unpack_subelements %bitcast3A_366, 1 {pack_format = #tpu.pack_format<interleaved>} : vector<32xbf16> -> vector<16xf32>
        %sub3A_369 = arith.subf %unpack3A_367, %get3A_134 : vector<16xf32>
        %mul3A_370 = arith.mulf %sub3A_369, %get3A_137 : vector<16xf32>
        %add3A_371 = arith.addi %mul3A_103, %scan3A_132 : i32
        %swap3A_372 = arith.index_cast %add3A_371 : i32 to index
        %swap3A_373 = arith.constant 384 : index
        %swap3A_374 = tpu.vector_load %arg9[%swap3A_372, %swap3A_373] {strides = array<i32>} : memref<128x768xf32, #tpu.memory_space<vmem>>, vector<16xf32>,
        tpu.vector_store %arg9[%swap3A_372, %swap3A_373], %mul3A_370 {strides = array<i32>} : memref<128x768xf32, #tpu.memory_space<vmem>>, vector<16xf32>,
        %sub3A_375 = arith.subf %unpack3A_368, %get3A_134 : vector<16xf32>
        %mul3A_376 = arith.mulf %sub3A_375, %get3A_137 : vector<16xf32>
        %add3A_377 = arith.addi %mul3A_103, %scan3A_132 : i32
        %swap3A_378 = arith.index_cast %add3A_377 : i32 to index
        %swap3A_379 = arith.constant 400 : index
        %swap3A_380 = tpu.vector_load %arg9[%swap3A_378, %swap3A_379] {strides = array<i32>} : memref<128x768xf32, #tpu.memory_space<vmem>>, vector<16xf32>,
        tpu.vector_store %arg9[%swap3A_378, %swap3A_379], %mul3A_376 {strides = array<i32>} : memref<128x768xf32, #tpu.memory_space<vmem>>, vector<16xf32>,
        %add3A_381 = arith.addi %mul3A_103, %scan3A_132 : i32
        %get3A_382 = arith.index_cast %add3A_381 : i32 to index
        %get3A_383 = arith.constant 416 : index
        %get3A_384 = tpu.vector_load %arg9[%get3A_382, %get3A_383] {strides = array<i32>} : memref<128x768xf32, #tpu.memory_space<vmem>>, vector<16xf32>,
        %bitcast3A_385 = vector.bitcast %get3A_384 : vector<16xf32> to vector<32xbf16>
        %unpack3A_386 = tpu.unpack_subelements %bitcast3A_385, 0 {pack_format = #tpu.pack_format<interleaved>} : vector<32xbf16> -> vector<16xf32>
        %unpack3A_387 = tpu.unpack_subelements %bitcast3A_385, 1 {pack_format = #tpu.pack_format<interleaved>} : vector<32xbf16> -> vector<16xf32>
        %sub3A_388 = arith.subf %unpack3A_386, %get3A_134 : vector<16xf32>
        %mul3A_389 = arith.mulf %sub3A_388, %get3A_137 : vector<16xf32>
        %add3A_390 = arith.addi %mul3A_103, %scan3A_132 : i32
        %swap3A_391 = arith.index_cast %add3A_390 : i32 to index
        %swap3A_392 = arith.constant 416 : index
        %swap3A_393 = tpu.vector_load %arg9[%swap3A_391, %swap3A_392] {strides = array<i32>} : memref<128x768xf32, #tpu.memory_space<vmem>>, vector<16xf32>,
        tpu.vector_store %arg9[%swap3A_391, %swap3A_392], %mul3A_389 {strides = array<i32>} : memref<128x768xf32, #tpu.memory_space<vmem>>, vector<16xf32>,
        %sub3A_394 = arith.subf %unpack3A_387, %get3A_134 : vector<16xf32>
        %mul3A_395 = arith.mulf %sub3A_394, %get3A_137 : vector<16xf32>
        %add3A_396 = arith.addi %mul3A_103, %scan3A_132 : i32
        %swap3A_397 = arith.index_cast %add3A_396 : i32 to index
        %swap3A_398 = arith.constant 432 : index
        %swap3A_399 = tpu.vector_load %arg9[%swap3A_397, %swap3A_398] {strides = array<i32>} : memref<128x768xf32, #tpu.memory_space<vmem>>, vector<16xf32>,
        tpu.vector_store %arg9[%swap3A_397, %swap3A_398], %mul3A_395 {strides = array<i32>} : memref<128x768xf32, #tpu.memory_space<vmem>>, vector<16xf32>,
        %add3A_400 = arith.addi %mul3A_103, %scan3A_132 : i32
        %get3A_401 = arith.index_cast %add3A_400 : i32 to index
        %get3A_402 = arith.constant 448 : index
        %get3A_403 = tpu.vector_load %arg9[%get3A_401, %get3A_402] {strides = array<i32>} : memref<128x768xf32, #tpu.memory_space<vmem>>, vector<16xf32>,
        %bitcast3A_404 = vector.bitcast %get3A_403 : vector<16xf32> to vector<32xbf16>
        %unpack3A_405 = tpu.unpack_subelements %bitcast3A_404, 0 {pack_format = #tpu.pack_format<interleaved>} : vector<32xbf16> -> vector<16xf32>
        %unpack3A_406 = tpu.unpack_subelements %bitcast3A_404, 1 {pack_format = #tpu.pack_format<interleaved>} : vector<32xbf16> -> vector<16xf32>
        %sub3A_407 = arith.subf %unpack3A_405, %get3A_134 : vector<16xf32>
        %mul3A_408 = arith.mulf %sub3A_407, %get3A_137 : vector<16xf32>
        %add3A_409 = arith.addi %mul3A_103, %scan3A_132 : i32
        %swap3A_410 = arith.index_cast %add3A_409 : i32 to index
        %swap3A_411 = arith.constant 448 : index
        %swap3A_412 = tpu.vector_load %arg9[%swap3A_410, %swap3A_411] {strides = array<i32>} : memref<128x768xf32, #tpu.memory_space<vmem>>, vector<16xf32>,
        tpu.vector_store %arg9[%swap3A_410, %swap3A_411], %mul3A_408 {strides = array<i32>} : memref<128x768xf32, #tpu.memory_space<vmem>>, vector<16xf32>,
        %sub3A_413 = arith.subf %unpack3A_406, %get3A_134 : vector<16xf32>
        %mul3A_414 = arith.mulf %sub3A_413, %get3A_137 : vector<16xf32>
        %add3A_415 = arith.addi %mul3A_103, %scan3A_132 : i32
        %swap3A_416 = arith.index_cast %add3A_415 : i32 to index
        %swap3A_417 = arith.constant 464 : index
        %swap3A_418 = tpu.vector_load %arg9[%swap3A_416, %swap3A_417] {strides = array<i32>} : memref<128x768xf32, #tpu.memory_space<vmem>>, vector<16xf32>,
        tpu.vector_store %arg9[%swap3A_416, %swap3A_417], %mul3A_414 {strides = array<i32>} : memref<128x768xf32, #tpu.memory_space<vmem>>, vector<16xf32>,
        %add3A_419 = arith.addi %mul3A_103, %scan3A_132 : i32
        %get3A_420 = arith.index_cast %add3A_419 : i32 to index
        %get3A_421 = arith.constant 480 : index
        %get3A_422 = tpu.vector_load %arg9[%get3A_420, %get3A_421] {strides = array<i32>} : memref<128x768xf32, #tpu.memory_space<vmem>>, vector<16xf32>,
        %bitcast3A_423 = vector.bitcast %get3A_422 : vector<16xf32> to vector<32xbf16>
        %unpack3A_424 = tpu.unpack_subelements %bitcast3A_423, 0 {pack_format = #tpu.pack_format<interleaved>} : vector<32xbf16> -> vector<16xf32>
        %unpack3A_425 = tpu.unpack_subelements %bitcast3A_423, 1 {pack_format = #tpu.pack_format<interleaved>} : vector<32xbf16> -> vector<16xf32>
        %sub3A_426 = arith.subf %unpack3A_424, %get3A_134 : vector<16xf32>
        %mul3A_427 = arith.mulf %sub3A_426, %get3A_137 : vector<16xf32>
        %add3A_428 = arith.addi %mul3A_103, %scan3A_132 : i32
        %swap3A_429 = arith.index_cast %add3A_428 : i32 to index
        %swap3A_430 = arith.constant 480 : index
        %swap3A_431 = tpu.vector_load %arg9[%swap3A_429, %swap3A_430] {strides = array<i32>} : memref<128x768xf32, #tpu.memory_space<vmem>>, vector<16xf32>,
        tpu.vector_store %arg9[%swap3A_429, %swap3A_430], %mul3A_427 {strides = array<i32>} : memref<128x768xf32, #tpu.memory_space<vmem>>, vector<16xf32>,
        %sub3A_432 = arith.subf %unpack3A_425, %get3A_134 : vector<16xf32>
        %mul3A_433 = arith.mulf %sub3A_432, %get3A_137 : vector<16xf32>
        %add3A_434 = arith.addi %mul3A_103, %scan3A_132 : i32
        %swap3A_435 = arith.index_cast %add3A_434 : i32 to index
        %swap3A_436 = arith.constant 496 : index
        %swap3A_437 = tpu.vector_load %arg9[%swap3A_435, %swap3A_436] {strides = array<i32>} : memref<128x768xf32, #tpu.memory_space<vmem>>, vector<16xf32>,
        tpu.vector_store %arg9[%swap3A_435, %swap3A_436], %mul3A_433 {strides = array<i32>} : memref<128x768xf32, #tpu.memory_space<vmem>>, vector<16xf32>,
        %add3A_438 = arith.addi %mul3A_103, %scan3A_132 : i32
        %get3A_439 = arith.index_cast %add3A_438 : i32 to index
        %get3A_440 = arith.constant 512 : index
        %get3A_441 = tpu.vector_load %arg9[%get3A_439, %get3A_440] {strides = array<i32>} : memref<128x768xf32, #tpu.memory_space<vmem>>, vector<16xf32>,
        %bitcast3A_442 = vector.bitcast %get3A_441 : vector<16xf32> to vector<32xbf16>
        %unpack3A_443 = tpu.unpack_subelements %bitcast3A_442, 0 {pack_format = #tpu.pack_format<interleaved>} : vector<32xbf16> -> vector<16xf32>
        %unpack3A_444 = tpu.unpack_subelements %bitcast3A_442, 1 {pack_format = #tpu.pack_format<interleaved>} : vector<32xbf16> -> vector<16xf32>
        %sub3A_445 = arith.subf %unpack3A_443, %get3A_134 : vector<16xf32>
        %mul3A_446 = arith.mulf %sub3A_445, %get3A_137 : vector<16xf32>
        %add3A_447 = arith.addi %mul3A_103, %scan3A_132 : i32
        %swap3A_448 = arith.index_cast %add3A_447 : i32 to index
        %swap3A_449 = arith.constant 512 : index
        %swap3A_450 = tpu.vector_load %arg9[%swap3A_448, %swap3A_449] {strides = array<i32>} : memref<128x768xf32, #tpu.memory_space<vmem>>, vector<16xf32>,
        tpu.vector_store %arg9[%swap3A_448, %swap3A_449], %mul3A_446 {strides = array<i32>} : memref<128x768xf32, #tpu.memory_space<vmem>>, vector<16xf32>,
        %sub3A_451 = arith.subf %unpack3A_444, %get3A_134 : vector<16xf32>
        %mul3A_452 = arith.mulf %sub3A_451, %get3A_137 : vector<16xf32>
        %add3A_453 = arith.addi %mul3A_103, %scan3A_132 : i32
        %swap3A_454 = arith.index_cast %add3A_453 : i32 to index
        %swap3A_455 = arith.constant 528 : index
        %swap3A_456 = tpu.vector_load %arg9[%swap3A_454, %swap3A_455] {strides = array<i32>} : memref<128x768xf32, #tpu.memory_space<vmem>>, vector<16xf32>,
        tpu.vector_store %arg9[%swap3A_454, %swap3A_455], %mul3A_452 {strides = array<i32>} : memref<128x768xf32, #tpu.memory_space<vmem>>, vector<16xf32>,
        %add3A_457 = arith.addi %mul3A_103, %scan3A_132 : i32
        %get3A_458 = arith.index_cast %add3A_457 : i32 to index
        %get3A_459 = arith.constant 544 : index
        %get3A_460 = tpu.vector_load %arg9[%get3A_458, %get3A_459] {strides = array<i32>} : memref<128x768xf32, #tpu.memory_space<vmem>>, vector<16xf32>,
        %bitcast3A_461 = vector.bitcast %get3A_460 : vector<16xf32> to vector<32xbf16>
        %unpack3A_462 = tpu.unpack_subelements %bitcast3A_461, 0 {pack_format = #tpu.pack_format<interleaved>} : vector<32xbf16> -> vector<16xf32>
        %unpack3A_463 = tpu.unpack_subelements %bitcast3A_461, 1 {pack_format = #tpu.pack_format<interleaved>} : vector<32xbf16> -> vector<16xf32>
        %sub3A_464 = arith.subf %unpack3A_462, %get3A_134 : vector<16xf32>
        %mul3A_465 = arith.mulf %sub3A_464, %get3A_137 : vector<16xf32>
        %add3A_466 = arith.addi %mul3A_103, %scan3A_132 : i32
        %swap3A_467 = arith.index_cast %add3A_466 : i32 to index
        %swap3A_468 = arith.constant 544 : index
        %swap3A_469 = tpu.vector_load %arg9[%swap3A_467, %swap3A_468] {strides = array<i32>} : memref<128x768xf32, #tpu.memory_space<vmem>>, vector<16xf32>,
        tpu.vector_store %arg9[%swap3A_467, %swap3A_468], %mul3A_465 {strides = array<i32>} : memref<128x768xf32, #tpu.memory_space<vmem>>, vector<16xf32>,
        %sub3A_470 = arith.subf %unpack3A_463, %get3A_134 : vector<16xf32>
        %mul3A_471 = arith.mulf %sub3A_470, %get3A_137 : vector<16xf32>
        %add3A_472 = arith.addi %mul3A_103, %scan3A_132 : i32
        %swap3A_473 = arith.index_cast %add3A_472 : i32 to index
        %swap3A_474 = arith.constant 560 : index
        %swap3A_475 = tpu.vector_load %arg9[%swap3A_473, %swap3A_474] {strides = array<i32>} : memref<128x768xf32, #tpu.memory_space<vmem>>, vector<16xf32>,
        tpu.vector_store %arg9[%swap3A_473, %swap3A_474], %mul3A_471 {strides = array<i32>} : memref<128x768xf32, #tpu.memory_space<vmem>>, vector<16xf32>,
        %add3A_476 = arith.addi %mul3A_103, %scan3A_132 : i32
        %get3A_477 = arith.index_cast %add3A_476 : i32 to index
        %get3A_478 = arith.constant 576 : index
        %get3A_479 = tpu.vector_load %arg9[%get3A_477, %get3A_478] {strides = array<i32>} : memref<128x768xf32, #tpu.memory_space<vmem>>, vector<16xf32>,
        %bitcast3A_480 = vector.bitcast %get3A_479 : vector<16xf32> to vector<32xbf16>
        %unpack3A_481 = tpu.unpack_subelements %bitcast3A_480, 0 {pack_format = #tpu.pack_format<interleaved>} : vector<32xbf16> -> vector<16xf32>
        %unpack3A_482 = tpu.unpack_subelements %bitcast3A_480, 1 {pack_format = #tpu.pack_format<interleaved>} : vector<32xbf16> -> vector<16xf32>
        %sub3A_483 = arith.subf %unpack3A_481, %get3A_134 : vector<16xf32>
        %mul3A_484 = arith.mulf %sub3A_483, %get3A_137 : vector<16xf32>
        %add3A_485 = arith.addi %mul3A_103, %scan3A_132 : i32
        %swap3A_486 = arith.index_cast %add3A_485 : i32 to index
        %swap3A_487 = arith.constant 576 : index
        %swap3A_488 = tpu.vector_load %arg9[%swap3A_486, %swap3A_487] {strides = array<i32>} : memref<128x768xf32, #tpu.memory_space<vmem>>, vector<16xf32>,
        tpu.vector_store %arg9[%swap3A_486, %swap3A_487], %mul3A_484 {strides = array<i32>} : memref<128x768xf32, #tpu.memory_space<vmem>>, vector<16xf32>,
        %sub3A_489 = arith.subf %unpack3A_482, %get3A_134 : vector<16xf32>
        %mul3A_490 = arith.mulf %sub3A_489, %get3A_137 : vector<16xf32>
        %add3A_491 = arith.addi %mul3A_103, %scan3A_132 : i32
        %swap3A_492 = arith.index_cast %add3A_491 : i32 to index
        %swap3A_493 = arith.constant 592 : index
        %swap3A_494 = tpu.vector_load %arg9[%swap3A_492, %swap3A_493] {strides = array<i32>} : memref<128x768xf32, #tpu.memory_space<vmem>>, vector<16xf32>,
        tpu.vector_store %arg9[%swap3A_492, %swap3A_493], %mul3A_490 {strides = array<i32>} : memref<128x768xf32, #tpu.memory_space<vmem>>, vector<16xf32>,
        %add3A_495 = arith.addi %mul3A_103, %scan3A_132 : i32
        %get3A_496 = arith.index_cast %add3A_495 : i32 to index
        %get3A_497 = arith.constant 608 : index
        %get3A_498 = tpu.vector_load %arg9[%get3A_496, %get3A_497] {strides = array<i32>} : memref<128x768xf32, #tpu.memory_space<vmem>>, vector<16xf32>,
        %bitcast3A_499 = vector.bitcast %get3A_498 : vector<16xf32> to vector<32xbf16>
        %unpack3A_500 = tpu.unpack_subelements %bitcast3A_499, 0 {pack_format = #tpu.pack_format<interleaved>} : vector<32xbf16> -> vector<16xf32>
        %unpack3A_501 = tpu.unpack_subelements %bitcast3A_499, 1 {pack_format = #tpu.pack_format<interleaved>} : vector<32xbf16> -> vector<16xf32>
        %sub3A_502 = arith.subf %unpack3A_500, %get3A_134 : vector<16xf32>
        %mul3A_503 = arith.mulf %sub3A_502, %get3A_137 : vector<16xf32>
        %add3A_504 = arith.addi %mul3A_103, %scan3A_132 : i32
        %swap3A_505 = arith.index_cast %add3A_504 : i32 to index
        %swap3A_506 = arith.constant 608 : index
        %swap3A_507 = tpu.vector_load %arg9[%swap3A_505, %swap3A_506] {strides = array<i32>} : memref<128x768xf32, #tpu.memory_space<vmem>>, vector<16xf32>,
        tpu.vector_store %arg9[%swap3A_505, %swap3A_506], %mul3A_503 {strides = array<i32>} : memref<128x768xf32, #tpu.memory_space<vmem>>, vector<16xf32>,
        %sub3A_508 = arith.subf %unpack3A_501, %get3A_134 : vector<16xf32>
        %mul3A_509 = arith.mulf %sub3A_508, %get3A_137 : vector<16xf32>
        %add3A_510 = arith.addi %mul3A_103, %scan3A_132 : i32
        %swap3A_511 = arith.index_cast %add3A_510 : i32 to index
        %swap3A_512 = arith.constant 624 : index
        %swap3A_513 = tpu.vector_load %arg9[%swap3A_511, %swap3A_512] {strides = array<i32>} : memref<128x768xf32, #tpu.memory_space<vmem>>, vector<16xf32>,
        tpu.vector_store %arg9[%swap3A_511, %swap3A_512], %mul3A_509 {strides = array<i32>} : memref<128x768xf32, #tpu.memory_space<vmem>>, vector<16xf32>,
        %add3A_514 = arith.addi %mul3A_103, %scan3A_132 : i32
        %get3A_515 = arith.index_cast %add3A_514 : i32 to index
        %get3A_516 = arith.constant 640 : index
        %get3A_517 = tpu.vector_load %arg9[%get3A_515, %get3A_516] {strides = array<i32>} : memref<128x768xf32, #tpu.memory_space<vmem>>, vector<16xf32>,
        %bitcast3A_518 = vector.bitcast %get3A_517 : vector<16xf32> to vector<32xbf16>
        %unpack3A_519 = tpu.unpack_subelements %bitcast3A_518, 0 {pack_format = #tpu.pack_format<interleaved>} : vector<32xbf16> -> vector<16xf32>
        %unpack3A_520 = tpu.unpack_subelements %bitcast3A_518, 1 {pack_format = #tpu.pack_format<interleaved>} : vector<32xbf16> -> vector<16xf32>
        %sub3A_521 = arith.subf %unpack3A_519, %get3A_134 : vector<16xf32>
        %mul3A_522 = arith.mulf %sub3A_521, %get3A_137 : vector<16xf32>
        %add3A_523 = arith.addi %mul3A_103, %scan3A_132 : i32
        %swap3A_524 = arith.index_cast %add3A_523 : i32 to index
        %swap3A_525 = arith.constant 640 : index
        %swap3A_526 = tpu.vector_load %arg9[%swap3A_524, %swap3A_525] {strides = array<i32>} : memref<128x768xf32, #tpu.memory_space<vmem>>, vector<16xf32>,
        tpu.vector_store %arg9[%swap3A_524, %swap3A_525], %mul3A_522 {strides = array<i32>} : memref<128x768xf32, #tpu.memory_space<vmem>>, vector<16xf32>,
        %sub3A_527 = arith.subf %unpack3A_520, %get3A_134 : vector<16xf32>
        %mul3A_528 = arith.mulf %sub3A_527, %get3A_137 : vector<16xf32>
        %add3A_529 = arith.addi %mul3A_103, %scan3A_132 : i32
        %swap3A_530 = arith.index_cast %add3A_529 : i32 to index
        %swap3A_531 = arith.constant 656 : index
        %swap3A_532 = tpu.vector_load %arg9[%swap3A_530, %swap3A_531] {strides = array<i32>} : memref<128x768xf32, #tpu.memory_space<vmem>>, vector<16xf32>,
        tpu.vector_store %arg9[%swap3A_530, %swap3A_531], %mul3A_528 {strides = array<i32>} : memref<128x768xf32, #tpu.memory_space<vmem>>, vector<16xf32>,
        %add3A_533 = arith.addi %mul3A_103, %scan3A_132 : i32
        %get3A_534 = arith.index_cast %add3A_533 : i32 to index
        %get3A_535 = arith.constant 672 : index
        %get3A_536 = tpu.vector_load %arg9[%get3A_534, %get3A_535] {strides = array<i32>} : memref<128x768xf32, #tpu.memory_space<vmem>>, vector<16xf32>,
        %bitcast3A_537 = vector.bitcast %get3A_536 : vector<16xf32> to vector<32xbf16>
        %unpack3A_538 = tpu.unpack_subelements %bitcast3A_537, 0 {pack_format = #tpu.pack_format<interleaved>} : vector<32xbf16> -> vector<16xf32>
        %unpack3A_539 = tpu.unpack_subelements %bitcast3A_537, 1 {pack_format = #tpu.pack_format<interleaved>} : vector<32xbf16> -> vector<16xf32>
        %sub3A_540 = arith.subf %unpack3A_538, %get3A_134 : vector<16xf32>
        %mul3A_541 = arith.mulf %sub3A_540, %get3A_137 : vector<16xf32>
        %add3A_542 = arith.addi %mul3A_103, %scan3A_132 : i32
        %swap3A_543 = arith.index_cast %add3A_542 : i32 to index
        %swap3A_544 = arith.constant 672 : index
        %swap3A_545 = tpu.vector_load %arg9[%swap3A_543, %swap3A_544] {strides = array<i32>} : memref<128x768xf32, #tpu.memory_space<vmem>>, vector<16xf32>,
        tpu.vector_store %arg9[%swap3A_543, %swap3A_544], %mul3A_541 {strides = array<i32>} : memref<128x768xf32, #tpu.memory_space<vmem>>, vector<16xf32>,
        %sub3A_546 = arith.subf %unpack3A_539, %get3A_134 : vector<16xf32>
        %mul3A_547 = arith.mulf %sub3A_546, %get3A_137 : vector<16xf32>
        %add3A_548 = arith.addi %mul3A_103, %scan3A_132 : i32
        %swap3A_549 = arith.index_cast %add3A_548 : i32 to index
        %swap3A_550 = arith.constant 688 : index
        %swap3A_551 = tpu.vector_load %arg9[%swap3A_549, %swap3A_550] {strides = array<i32>} : memref<128x768xf32, #tpu.memory_space<vmem>>, vector<16xf32>,
        tpu.vector_store %arg9[%swap3A_549, %swap3A_550], %mul3A_547 {strides = array<i32>} : memref<128x768xf32, #tpu.memory_space<vmem>>, vector<16xf32>,
        %add3A_552 = arith.addi %mul3A_103, %scan3A_132 : i32
        %get3A_553 = arith.index_cast %add3A_552 : i32 to index
        %get3A_554 = arith.constant 704 : index
        %get3A_555 = tpu.vector_load %arg9[%get3A_553, %get3A_554] {strides = array<i32>} : memref<128x768xf32, #tpu.memory_space<vmem>>, vector<16xf32>,
        %bitcast3A_556 = vector.bitcast %get3A_555 : vector<16xf32> to vector<32xbf16>
        %unpack3A_557 = tpu.unpack_subelements %bitcast3A_556, 0 {pack_format = #tpu.pack_format<interleaved>} : vector<32xbf16> -> vector<16xf32>
        %unpack3A_558 = tpu.unpack_subelements %bitcast3A_556, 1 {pack_format = #tpu.pack_format<interleaved>} : vector<32xbf16> -> vector<16xf32>
        %sub3A_559 = arith.subf %unpack3A_557, %get3A_134 : vector<16xf32>
        %mul3A_560 = arith.mulf %sub3A_559, %get3A_137 : vector<16xf32>
        %add3A_561 = arith.addi %mul3A_103, %scan3A_132 : i32
        %swap3A_562 = arith.index_cast %add3A_561 : i32 to index
        %swap3A_563 = arith.constant 704 : index
        %swap3A_564 = tpu.vector_load %arg9[%swap3A_562, %swap3A_563] {strides = array<i32>} : memref<128x768xf32, #tpu.memory_space<vmem>>, vector<16xf32>,
        tpu.vector_store %arg9[%swap3A_562, %swap3A_563], %mul3A_560 {strides = array<i32>} : memref<128x768xf32, #tpu.memory_space<vmem>>, vector<16xf32>,
        %sub3A_565 = arith.subf %unpack3A_558, %get3A_134 : vector<16xf32>
        %mul3A_566 = arith.mulf %sub3A_565, %get3A_137 : vector<16xf32>
        %add3A_567 = arith.addi %mul3A_103, %scan3A_132 : i32
        %swap3A_568 = arith.index_cast %add3A_567 : i32 to index
        %swap3A_569 = arith.constant 720 : index
        %swap3A_570 = tpu.vector_load %arg9[%swap3A_568, %swap3A_569] {strides = array<i32>} : memref<128x768xf32, #tpu.memory_space<vmem>>, vector<16xf32>,
        tpu.vector_store %arg9[%swap3A_568, %swap3A_569], %mul3A_566 {strides = array<i32>} : memref<128x768xf32, #tpu.memory_space<vmem>>, vector<16xf32>,
        %add3A_571 = arith.addi %mul3A_103, %scan3A_132 : i32
        %get3A_572 = arith.index_cast %add3A_571 : i32 to index
        %get3A_573 = arith.constant 736 : index
        %get3A_574 = tpu.vector_load %arg9[%get3A_572, %get3A_573] {strides = array<i32>} : memref<128x768xf32, #tpu.memory_space<vmem>>, vector<16xf32>,
        %bitcast3A_575 = vector.bitcast %get3A_574 : vector<16xf32> to vector<32xbf16>
        %unpack3A_576 = tpu.unpack_subelements %bitcast3A_575, 0 {pack_format = #tpu.pack_format<interleaved>} : vector<32xbf16> -> vector<16xf32>
        %unpack3A_577 = tpu.unpack_subelements %bitcast3A_575, 1 {pack_format = #tpu.pack_format<interleaved>} : vector<32xbf16> -> vector<16xf32>
        %sub3A_578 = arith.subf %unpack3A_576, %get3A_134 : vector<16xf32>
        %mul3A_579 = arith.mulf %sub3A_578, %get3A_137 : vector<16xf32>
        %add3A_580 = arith.addi %mul3A_103, %scan3A_132 : i32
        %swap3A_581 = arith.index_cast %add3A_580 : i32 to index
        %swap3A_582 = arith.constant 736 : index
        %swap3A_583 = tpu.vector_load %arg9[%swap3A_581, %swap3A_582] {strides = array<i32>} : memref<128x768xf32, #tpu.memory_space<vmem>>, vector<16xf32>,
        tpu.vector_store %arg9[%swap3A_581, %swap3A_582], %mul3A_579 {strides = array<i32>} : memref<128x768xf32, #tpu.memory_space<vmem>>, vector<16xf32>,
        %sub3A_584 = arith.subf %unpack3A_577, %get3A_134 : vector<16xf32>
        %mul3A_585 = arith.mulf %sub3A_584, %get3A_137 : vector<16xf32>
        %add3A_586 = arith.addi %mul3A_103, %scan3A_132 : i32
        %swap3A_587 = arith.index_cast %add3A_586 : i32 to index
        %swap3A_588 = arith.constant 752 : index
        %swap3A_589 = tpu.vector_load %arg9[%swap3A_587, %swap3A_588] {strides = array<i32>} : memref<128x768xf32, #tpu.memory_space<vmem>>, vector<16xf32>,
        tpu.vector_store %arg9[%swap3A_587, %swap3A_588], %mul3A_585 {strides = array<i32>} : memref<128x768xf32, #tpu.memory_space<vmem>>, vector<16xf32>,
      }
      %scan3A_111 = arith.constant 32 : i32
      %eq3A_112 = arith.constant 0 : i32
      %eq3A_113 = arith.cmpi eq, %rem3A_83, %eq3A_112 : i32
      %convert_element_type3A_114 = arith.extui %eq3A_113 : i1 to i32
      %cond3A_115 = arith.constant 0 : i32
      %cond3A_116 = arith.cmpi ne, %convert_element_type3A_114, %cond3A_115 : i32
      scf.if %cond3A_116 {
        %add3A_132 = arith.addi %mul3A_2, %div3A_84 : i32
        %dma_start3A_133 = arith.constant 0 : i32
        %dma_start3A_134 = arith.constant 0 : i32
        %dma_start3A_135 = tpu.memref_slice %arg9[%dma_start3A_133, %dma_start3A_134] : memref<128x768xf32, #tpu.memory_space<vmem>> -> memref<32x768xf32, #tpu.memory_space<vmem>>
        %dma_start3A_136 = arith.constant 0 : i32
        %dma_start3A_137 = arith.constant 0 : i32
        %dma_start3A_138 = tpu.memref_slice %arg7[%dma_start3A_136, %add3A_132, %dma_start3A_137] : memref<64x512x768xf32, #tpu.memory_space<hbm>> -> memref<32x1x768xf32, #tpu.memory_space<hbm>>
        %dma_start3A_139 = tpu.memref_squeeze %dma_start3A_138 : memref<32x1x768xf32, #tpu.memory_space<hbm>> -> memref<32x768xf32, #tpu.memory_space<hbm>>
        %dma_start3A_140 = arith.constant 0 : i32
        %dma_start3A_141 = arith.constant 0 : i32
        %dma_start3A_142 = tpu.memref_slice %arg7[%dma_start3A_140, %add3A_132, %dma_start3A_141] : memref<64x512x768xf32, #tpu.memory_space<hbm>> -> memref<32x1x768xf32, #tpu.memory_space<hbm>>
        %dma_start3A_143 = tpu.memref_squeeze %dma_start3A_142 : memref<32x1x768xf32, #tpu.memory_space<hbm>> -> memref<32x768xf32, #tpu.memory_space<hbm>>
        %dma_start3A_144 = arith.constant 0 : i32
        %dma_start3A_145 = arith.constant 0 : i32
        %dma_start3A_146 = tpu.memref_slice %arg9[%dma_start3A_144, %dma_start3A_145] : memref<128x768xf32, #tpu.memory_space<vmem>> -> memref<32x768xf32, #tpu.memory_space<vmem>>
        tpu.enqueue_dma source(%dma_start3A_146 : memref<32x768xf32, #tpu.memory_space<vmem>>) target(%dma_start3A_143 : memref<32x768xf32, #tpu.memory_space<hbm>>) target_semaphore(%arg17 : memref<!tpu.dma_semaphore, #tpu.memory_space<semaphore_mem>>)
      } else {
      }
      %eq3A_117 = arith.constant 1 : i32
      %eq3A_118 = arith.cmpi eq, %rem3A_83, %eq3A_117 : i32
      %convert_element_type3A_119 = arith.extui %eq3A_118 : i1 to i32
      %cond3A_120 = arith.constant 0 : i32
      %cond3A_121 = arith.cmpi ne, %convert_element_type3A_119, %cond3A_120 : i32
      scf.if %cond3A_121 {
        %add3A_132 = arith.addi %mul3A_2, %div3A_84 : i32
        %dma_start3A_133 = arith.constant 32 : i32
        %dma_start3A_134 = arith.constant 0 : i32
        %dma_start3A_135 = tpu.memref_slice %arg9[%dma_start3A_133, %dma_start3A_134] : memref<128x768xf32, #tpu.memory_space<vmem>> -> memref<32x768xf32, #tpu.memory_space<vmem>>
        %dma_start3A_136 = arith.constant 32 : i32
        %dma_start3A_137 = arith.constant 0 : i32
        %dma_start3A_138 = tpu.memref_slice %arg7[%dma_start3A_136, %add3A_132, %dma_start3A_137] : memref<64x512x768xf32, #tpu.memory_space<hbm>> -> memref<32x1x768xf32, #tpu.memory_space<hbm>>
        %dma_start3A_139 = tpu.memref_squeeze %dma_start3A_138 : memref<32x1x768xf32, #tpu.memory_space<hbm>> -> memref<32x768xf32, #tpu.memory_space<hbm>>
        %dma_start3A_140 = arith.constant 32 : i32
        %dma_start3A_141 = arith.constant 0 : i32
        %dma_start3A_142 = tpu.memref_slice %arg7[%dma_start3A_140, %add3A_132, %dma_start3A_141] : memref<64x512x768xf32, #tpu.memory_space<hbm>> -> memref<32x1x768xf32, #tpu.memory_space<hbm>>
        %dma_start3A_143 = tpu.memref_squeeze %dma_start3A_142 : memref<32x1x768xf32, #tpu.memory_space<hbm>> -> memref<32x768xf32, #tpu.memory_space<hbm>>
        %dma_start3A_144 = arith.constant 32 : i32
        %dma_start3A_145 = arith.constant 0 : i32
        %dma_start3A_146 = tpu.memref_slice %arg9[%dma_start3A_144, %dma_start3A_145] : memref<128x768xf32, #tpu.memory_space<vmem>> -> memref<32x768xf32, #tpu.memory_space<vmem>>
        tpu.enqueue_dma source(%dma_start3A_146 : memref<32x768xf32, #tpu.memory_space<vmem>>) target(%dma_start3A_143 : memref<32x768xf32, #tpu.memory_space<hbm>>) target_semaphore(%arg18 : memref<!tpu.dma_semaphore, #tpu.memory_space<semaphore_mem>>)
      } else {
      }
      %eq3A_122 = arith.constant 2 : i32
      %eq3A_123 = arith.cmpi eq, %rem3A_83, %eq3A_122 : i32
      %convert_element_type3A_124 = arith.extui %eq3A_123 : i1 to i32
      %cond3A_125 = arith.constant 0 : i32
      %cond3A_126 = arith.cmpi ne, %convert_element_type3A_124, %cond3A_125 : i32
      scf.if %cond3A_126 {
        %add3A_132 = arith.addi %mul3A_2, %div3A_84 : i32
        %dma_start3A_133 = arith.constant 64 : i32
        %dma_start3A_134 = arith.constant 0 : i32
        %dma_start3A_135 = tpu.memref_slice %arg9[%dma_start3A_133, %dma_start3A_134] : memref<128x768xf32, #tpu.memory_space<vmem>> -> memref<32x768xf32, #tpu.memory_space<vmem>>
        %dma_start3A_136 = arith.constant 0 : i32
        %dma_start3A_137 = arith.constant 0 : i32
        %dma_start3A_138 = tpu.memref_slice %arg7[%dma_start3A_136, %add3A_132, %dma_start3A_137] : memref<64x512x768xf32, #tpu.memory_space<hbm>> -> memref<32x1x768xf32, #tpu.memory_space<hbm>>
        %dma_start3A_139 = tpu.memref_squeeze %dma_start3A_138 : memref<32x1x768xf32, #tpu.memory_space<hbm>> -> memref<32x768xf32, #tpu.memory_space<hbm>>
        %dma_start3A_140 = arith.constant 0 : i32
        %dma_start3A_141 = arith.constant 0 : i32
        %dma_start3A_142 = tpu.memref_slice %arg7[%dma_start3A_140, %add3A_132, %dma_start3A_141] : memref<64x512x768xf32, #tpu.memory_space<hbm>> -> memref<32x1x768xf32, #tpu.memory_space<hbm>>
        %dma_start3A_143 = tpu.memref_squeeze %dma_start3A_142 : memref<32x1x768xf32, #tpu.memory_space<hbm>> -> memref<32x768xf32, #tpu.memory_space<hbm>>
        %dma_start3A_144 = arith.constant 64 : i32
        %dma_start3A_145 = arith.constant 0 : i32
        %dma_start3A_146 = tpu.memref_slice %arg9[%dma_start3A_144, %dma_start3A_145] : memref<128x768xf32, #tpu.memory_space<vmem>> -> memref<32x768xf32, #tpu.memory_space<vmem>>
        tpu.enqueue_dma source(%dma_start3A_146 : memref<32x768xf32, #tpu.memory_space<vmem>>) target(%dma_start3A_143 : memref<32x768xf32, #tpu.memory_space<hbm>>) target_semaphore(%arg19 : memref<!tpu.dma_semaphore, #tpu.memory_space<semaphore_mem>>)
      } else {
      }
      %eq3A_127 = arith.constant 3 : i32
      %eq3A_128 = arith.cmpi eq, %rem3A_83, %eq3A_127 : i32
      %convert_element_type3A_129 = arith.extui %eq3A_128 : i1 to i32
      %cond3A_130 = arith.constant 0 : i32
      %cond3A_131 = arith.cmpi ne, %convert_element_type3A_129, %cond3A_130 : i32
      scf.if %cond3A_131 {
        %add3A_132 = arith.addi %mul3A_2, %div3A_84 : i32
        %dma_start3A_133 = arith.constant 96 : i32
        %dma_start3A_134 = arith.constant 0 : i32
        %dma_start3A_135 = tpu.memref_slice %arg9[%dma_start3A_133, %dma_start3A_134] : memref<128x768xf32, #tpu.memory_space<vmem>> -> memref<32x768xf32, #tpu.memory_space<vmem>>
        %dma_start3A_136 = arith.constant 32 : i32
        %dma_start3A_137 = arith.constant 0 : i32
        %dma_start3A_138 = tpu.memref_slice %arg7[%dma_start3A_136, %add3A_132, %dma_start3A_137] : memref<64x512x768xf32, #tpu.memory_space<hbm>> -> memref<32x1x768xf32, #tpu.memory_space<hbm>>
        %dma_start3A_139 = tpu.memref_squeeze %dma_start3A_138 : memref<32x1x768xf32, #tpu.memory_space<hbm>> -> memref<32x768xf32, #tpu.memory_space<hbm>>
        %dma_start3A_140 = arith.constant 32 : i32
        %dma_start3A_141 = arith.constant 0 : i32
        %dma_start3A_142 = tpu.memref_slice %arg7[%dma_start3A_140, %add3A_132, %dma_start3A_141] : memref<64x512x768xf32, #tpu.memory_space<hbm>> -> memref<32x1x768xf32, #tpu.memory_space<hbm>>
        %dma_start3A_143 = tpu.memref_squeeze %dma_start3A_142 : memref<32x1x768xf32, #tpu.memory_space<hbm>> -> memref<32x768xf32, #tpu.memory_space<hbm>>
        %dma_start3A_144 = arith.constant 96 : i32
        %dma_start3A_145 = arith.constant 0 : i32
        %dma_start3A_146 = tpu.memref_slice %arg9[%dma_start3A_144, %dma_start3A_145] : memref<128x768xf32, #tpu.memory_space<vmem>> -> memref<32x768xf32, #tpu.memory_space<vmem>>
        tpu.enqueue_dma source(%dma_start3A_146 : memref<32x768xf32, #tpu.memory_space<vmem>>) target(%dma_start3A_143 : memref<32x768xf32, #tpu.memory_space<hbm>>) target_semaphore(%arg20 : memref<!tpu.dma_semaphore, #tpu.memory_space<semaphore_mem>>)
      } else {
      }
    }
    %scan3A_26 = arith.constant 32 : i32
    %dma_wait3A = arith.constant 0 : i32
    %dma_wait3A_27 = arith.constant 0 : i32
    %dma_wait3A_28 = tpu.memref_slice %arg9[%dma_wait3A, %dma_wait3A_27] : memref<128x768xf32, #tpu.memory_space<vmem>> -> memref<32x768xf32, #tpu.memory_space<vmem>>
    %dma_wait3A_29 = arith.constant 0 : i32
    %dma_wait3A_30 = arith.constant 0 : i32
    %dma_wait3A_31 = tpu.memref_slice %arg7[%dma_wait3A_29, %mul3A_2, %dma_wait3A_30] : memref<64x512x768xf32, #tpu.memory_space<hbm>> -> memref<32x1x768xf32, #tpu.memory_space<hbm>>
    %dma_wait3A_32 = tpu.memref_squeeze %dma_wait3A_31 : memref<32x1x768xf32, #tpu.memory_space<hbm>> -> memref<32x768xf32, #tpu.memory_space<hbm>>
    %dma_wait3A_33 = arith.constant 0 : i32
    %dma_wait3A_34 = arith.constant 0 : i32
    %dma_wait3A_35 = tpu.memref_slice %arg7[%dma_wait3A_33, %mul3A_2, %dma_wait3A_34] : memref<64x512x768xf32, #tpu.memory_space<hbm>> -> memref<32x1x768xf32, #tpu.memory_space<hbm>>
    %dma_wait3A_36 = tpu.memref_squeeze %dma_wait3A_35 : memref<32x1x768xf32, #tpu.memory_space<hbm>> -> memref<32x768xf32, #tpu.memory_space<hbm>>
    %dma_wait3A_37 = arith.constant 0 : i32
    %dma_wait3A_38 = arith.constant 0 : i32
    %dma_wait3A_39 = tpu.memref_slice %arg9[%dma_wait3A_37, %dma_wait3A_38] : memref<128x768xf32, #tpu.memory_space<vmem>> -> memref<32x768xf32, #tpu.memory_space<vmem>>
    tpu.wait_dma2 semaphore(%arg17 : memref<!tpu.dma_semaphore, #tpu.memory_space<semaphore_mem>>) src(%dma_wait3A_39 : memref<32x768xf32, #tpu.memory_space<vmem>>) dst(%dma_wait3A_36 : memref<32x768xf32, #tpu.memory_space<hbm>>)
    %dma_wait3A_40 = arith.constant 32 : i32
    %dma_wait3A_41 = arith.constant 0 : i32
    %dma_wait3A_42 = tpu.memref_slice %arg9[%dma_wait3A_40, %dma_wait3A_41] : memref<128x768xf32, #tpu.memory_space<vmem>> -> memref<32x768xf32, #tpu.memory_space<vmem>>
    %dma_wait3A_43 = arith.constant 0 : i32
    %dma_wait3A_44 = arith.constant 0 : i32
    %dma_wait3A_45 = tpu.memref_slice %arg7[%dma_wait3A_43, %mul3A_2, %dma_wait3A_44] : memref<64x512x768xf32, #tpu.memory_space<hbm>> -> memref<32x1x768xf32, #tpu.memory_space<hbm>>
    %dma_wait3A_46 = tpu.memref_squeeze %dma_wait3A_45 : memref<32x1x768xf32, #tpu.memory_space<hbm>> -> memref<32x768xf32, #tpu.memory_space<hbm>>
    %dma_wait3A_47 = arith.constant 0 : i32
    %dma_wait3A_48 = arith.constant 0 : i32
    %dma_wait3A_49 = tpu.memref_slice %arg7[%dma_wait3A_47, %mul3A_2, %dma_wait3A_48] : memref<64x512x768xf32, #tpu.memory_space<hbm>> -> memref<32x1x768xf32, #tpu.memory_space<hbm>>
    %dma_wait3A_50 = tpu.memref_squeeze %dma_wait3A_49 : memref<32x1x768xf32, #tpu.memory_space<hbm>> -> memref<32x768xf32, #tpu.memory_space<hbm>>
    %dma_wait3A_51 = arith.constant 32 : i32
    %dma_wait3A_52 = arith.constant 0 : i32
    %dma_wait3A_53 = tpu.memref_slice %arg9[%dma_wait3A_51, %dma_wait3A_52] : memref<128x768xf32, #tpu.memory_space<vmem>> -> memref<32x768xf32, #tpu.memory_space<vmem>>
    tpu.wait_dma2 semaphore(%arg18 : memref<!tpu.dma_semaphore, #tpu.memory_space<semaphore_mem>>) src(%dma_wait3A_53 : memref<32x768xf32, #tpu.memory_space<vmem>>) dst(%dma_wait3A_50 : memref<32x768xf32, #tpu.memory_space<hbm>>)
    %dma_wait3A_54 = arith.constant 64 : i32
    %dma_wait3A_55 = arith.constant 0 : i32
    %dma_wait3A_56 = tpu.memref_slice %arg9[%dma_wait3A_54, %dma_wait3A_55] : memref<128x768xf32, #tpu.memory_space<vmem>> -> memref<32x768xf32, #tpu.memory_space<vmem>>
    %dma_wait3A_57 = arith.constant 0 : i32
    %dma_wait3A_58 = arith.constant 0 : i32
    %dma_wait3A_59 = tpu.memref_slice %arg7[%dma_wait3A_57, %mul3A_2, %dma_wait3A_58] : memref<64x512x768xf32, #tpu.memory_space<hbm>> -> memref<32x1x768xf32, #tpu.memory_space<hbm>>
    %dma_wait3A_60 = tpu.memref_squeeze %dma_wait3A_59 : memref<32x1x768xf32, #tpu.memory_space<hbm>> -> memref<32x768xf32, #tpu.memory_space<hbm>>
    %dma_wait3A_61 = arith.constant 0 : i32
    %dma_wait3A_62 = arith.constant 0 : i32
    %dma_wait3A_63 = tpu.memref_slice %arg7[%dma_wait3A_61, %mul3A_2, %dma_wait3A_62] : memref<64x512x768xf32, #tpu.memory_space<hbm>> -> memref<32x1x768xf32, #tpu.memory_space<hbm>>
    %dma_wait3A_64 = tpu.memref_squeeze %dma_wait3A_63 : memref<32x1x768xf32, #tpu.memory_space<hbm>> -> memref<32x768xf32, #tpu.memory_space<hbm>>
    %dma_wait3A_65 = arith.constant 64 : i32
    %dma_wait3A_66 = arith.constant 0 : i32
    %dma_wait3A_67 = tpu.memref_slice %arg9[%dma_wait3A_65, %dma_wait3A_66] : memref<128x768xf32, #tpu.memory_space<vmem>> -> memref<32x768xf32, #tpu.memory_space<vmem>>
    tpu.wait_dma2 semaphore(%arg19 : memref<!tpu.dma_semaphore, #tpu.memory_space<semaphore_mem>>) src(%dma_wait3A_67 : memref<32x768xf32, #tpu.memory_space<vmem>>) dst(%dma_wait3A_64 : memref<32x768xf32, #tpu.memory_space<hbm>>)
    %dma_wait3A_68 = arith.constant 96 : i32
    %dma_wait3A_69 = arith.constant 0 : i32
    %dma_wait3A_70 = tpu.memref_slice %arg9[%dma_wait3A_68, %dma_wait3A_69] : memref<128x768xf32, #tpu.memory_space<vmem>> -> memref<32x768xf32, #tpu.memory_space<vmem>>
    %dma_wait3A_71 = arith.constant 0 : i32
    %dma_wait3A_72 = arith.constant 0 : i32
    %dma_wait3A_73 = tpu.memref_slice %arg7[%dma_wait3A_71, %mul3A_2, %dma_wait3A_72] : memref<64x512x768xf32, #tpu.memory_space<hbm>> -> memref<32x1x768xf32, #tpu.memory_space<hbm>>
    %dma_wait3A_74 = tpu.memref_squeeze %dma_wait3A_73 : memref<32x1x768xf32, #tpu.memory_space<hbm>> -> memref<32x768xf32, #tpu.memory_space<hbm>>
    %dma_wait3A_75 = arith.constant 0 : i32
    %dma_wait3A_76 = arith.constant 0 : i32
    %dma_wait3A_77 = tpu.memref_slice %arg7[%dma_wait3A_75, %mul3A_2, %dma_wait3A_76] : memref<64x512x768xf32, #tpu.memory_space<hbm>> -> memref<32x1x768xf32, #tpu.memory_space<hbm>>
    %dma_wait3A_78 = tpu.memref_squeeze %dma_wait3A_77 : memref<32x1x768xf32, #tpu.memory_space<hbm>> -> memref<32x768xf32, #tpu.memory_space<hbm>>
    %dma_wait3A_79 = arith.constant 96 : i32
    %dma_wait3A_80 = arith.constant 0 : i32
    %dma_wait3A_81 = tpu.memref_slice %arg9[%dma_wait3A_79, %dma_wait3A_80] : memref<128x768xf32, #tpu.memory_space<vmem>> -> memref<32x768xf32, #tpu.memory_space<vmem>>
    tpu.wait_dma2 semaphore(%arg20 : memref<!tpu.dma_semaphore, #tpu.memory_space<semaphore_mem>>) src(%dma_wait3A_81 : memref<32x768xf32, #tpu.memory_space<vmem>>) dst(%dma_wait3A_78 : memref<32x768xf32, #tpu.memory_space<hbm>>)
    return
  }
}

</mosaic_0001>

<sc_bundles>
// kernel: kernel.3.cloned.1.call-start
scs
__scs_entry_jumppad:
0x0: {  	(pc) =	sbr.rel $0x88, $3  }
0x1: {  	(tag) =	ssettag $0x0;
	lr =	simm.s32 $0x1  }
0x2: {  	[smem:$0x3F9C] =	sst lr;
	_ =	strace $0xD0000000  }
0x3: {  	_ = 	snop  }
0x4: {  	_ = 	snop  }
0x5: {  	_ = 	snop  }
0x6: {  	_ = 	snop  }
0x7: {  	_ = 	snop  }
__scs_overlays_trampoline_lowered:
0x8: {  	[smem:$0x3FAB] =	sst s0  }
0x9: {  	[smem:$0x3FAC] =	sst s1  }
0xa: {  	[smem:$0x3FAD] =	sst s2  }
0xb: {  	[smem:$0x3FAE] =	sst s3  }
0xc: {  	[smem:$0x3FAF] =	sst s4  }
0xd: {  	[smem:$0x3FB0] =	sst s5  }
0xe: {  	[smem:$0x3FB1] =	sst s6  }
0xf: {  	[smem:$0x3FB2] =	sst s7  }
0x10: {  	[smem:$0x3FB3] =	sst s8  }
0x11: {  	[smem:$0x3FB4] =	sst s9;
	s0 =	simm.s32 @!p0 $0x0  }
0x12: {  	s1 =	sld [smem:$0x3F9A];
	s0 =	simm.s32 @p0 $0x1  }
0x13: {  	[smem:$0x3FB5] =	sst s0;
	s0 =	simm.s32 @!p1 $0x0  }
0x14: {  	s2 =	sld [smem:$0x3F99];
	s0 =	simm.s32 @p1 $0x1  }
0x15: {  	[smem:$0x3FB6] =	sst s0;
	s0 =	simm.s32 @!p2 $0x0  }
0x16: {  	s3 =	sld [smem:$0x3FDB];
	s0 =	simm.s32 @p2 $0x1  }
0x17: {  	s4 =	simm.s32 $0x1BF5;
	[smem:$0x3FB8] =	sst s0  }
0x18: {  	s0 =	sld [smem:$0x3F9B];
	_ =	swait.ge [sflag:s4], $0x0  }
0x19: {  	s7 =	sld [smem:$0x3F9C]  }
0x1a: {  	s8 =	sadd.s32 $0xFFFFE003, lr  }
0x1b: {  	s9 =	sadd.s32 $0xFFFFFEF7, lr;
	s5 =	simm.s32 $0xFFFFFFFF;
	p2 =	slt.u32 s8, $0xFFFFF086  }
0x1c: {  	p1 =	slt.u32 s9, $0xF7A;
	s5 =	simm.s32 @!p2 $0x0  }
0x1d: {  	s5 =	simm.s32 @p1 $0x1;
	p0 =	seq.s32 s7, s2  }
0x1e: {  	s7 =	smul.u32 @!p0 $0xF7A, s2;
	p2 =	seq.s32 @!p0 s5, $0x0  }
0x1f: {  	s9 =	smul.u32 $0xF7A, s1;
	s8 =	simm.s32 @!p0 $0x1BF5;
	p2 =	por !p2, p0  }
0x20: {  	[sflag:s8] =	ssyncset.s32 @!p0 $0xFFFFF086;
	s6 =	sadd.s32 @!p0 s3, s7;
	s7 =	simm.s32 @!p0 $0x108  }
0x21: {  	s3 =	sadd.s32 s3, s9;
	s6 =	sadd.s32 @!p0 $0x88, s6;
	s7 =	simm.s32 @p2 $0x1082  }
0x22: {  	[simem:s7], [sflag:s8] =	dma.local @!p0 [hbm:s6], $0xF7A  }
0x23: {  	s9 =	sor.u32 $0xD0000000, s2;
	s6 =	simm.s32 $0x108;
	_ =	swait.ge @!p0 [sflag:s8], $0x0  }
0x24: {  	s3 =	sadd.s32 $0x88, s3;
	s6 =	simm.s32 @!p1 $0x1082;
	[sflag:s4] =	ssyncset.s32 $0xFFFFF086  }
0x25: {  	[simem:s6], [sflag:s4] =	dma.local [hbm:s3], $0xF7A  }
0x26: {  	[smem:$0x3F9C] =	sst s1;
	(tag) =	ssettag s2;
	_ =	strace s9  }
0x27: {  	s1 =	sld [smem:$0x3FAC]  }
0x28: {  	s2 =	sld [smem:$0x3FAD]  }
0x29: {  	s4 =	sld [smem:$0x3FAF]  }
0x2a: {  	p0 =	seq.s32 s5, $0x0;
	s5 =	sld [smem:$0x3FB0]  }
0x2b: {  	s6 =	sld [smem:$0x3FB1]  }
0x2c: {  	s7 =	sld [smem:$0x3FB2]  }
0x2d: {  	s3 =	simm.s32 $0x108;
	s8 =	sld [smem:$0x3FB3]  }
0x2e: {  	s3 =	simm.s32 @!p0 $0x1082;
	s9 =	sld [smem:$0x3FB4]  }
0x2f: {  	lr =	sadd.s32 s0, s3;
	s0 =	sld [smem:$0x3FAB]  }
0x30: {  	s3 =	sld [smem:$0x3FAE]  }
0x31: {  	[smem:$0x3FB7] =	sst s10  }
0x32: {  	s10 =	sld [smem:$0x3FB5];
	_ =	sdelay $0x3  }
0x33: {  	p0 =	seq.s32 s10, $0x1;
	s10 =	sld [smem:$0x3FB7];
	_ =	sdelay $0x3  }
0x34: {  	[smem:$0x3FB7] =	sst s10  }
0x35: {  	s10 =	sld [smem:$0x3FB6];
	_ =	sdelay $0x3  }
0x36: {  	p1 =	seq.s32 s10, $0x1;
	s10 =	sld [smem:$0x3FB7];
	_ =	sdelay $0x3  }
0x37: {  	[smem:$0x3FB7] =	sst s10  }
0x38: {  	s10 =	sld [smem:$0x3FB8]  }
0x39: {  	_ = 	snop;
	(pc) =	sbr.ind lr, $3  }
0x3a: {  	_ = 	snop  }
0x3b: {  	_ = 	snop  }
0x3c: {  	p2 =	seq.s32 s10, $0x1;
	s10 =	sld [smem:$0x3FB7]  }
0x3d: {  	_ =	shalt  }
0x3e: {  	_ =	shalt  }
0x3f: {  	_ =	shalt  }
0x40: {  	_ =	shalt  }
0x41: {  	_ =	shalt  }
0x42: {  	_ =	shalt  }
0x43: {  	_ =	shalt  }
0x44: {  	_ =	shalt  }
0x45: {  	_ =	shalt  }
0x46: {  	_ =	shalt  }
0x47: {  	_ =	shalt  }
0x48: {  	_ =	shalt  }
0x49: {  	_ =	shalt  }
0x4a: {  	_ =	shalt  }
0x4b: {  	_ =	shalt  }
0x4c: {  	_ =	shalt  }
0x4d: {  	_ =	shalt  }
0x4e: {  	_ =	shalt  }
0x4f: {  	_ =	shalt  }
0x50: {  	_ =	shalt  }
0x51: {  	_ =	shalt  }
0x52: {  	_ =	shalt  }
0x53: {  	_ =	shalt  }
0x54: {  	_ =	shalt  }
0x55: {  	_ =	shalt  }
0x56: {  	_ =	shalt  }
0x57: {  	_ =	shalt  }
0x58: {  	_ =	shalt  }
0x59: {  	_ =	shalt  }
0x5a: {  	_ =	shalt  }
0x5b: {  	_ =	shalt  }
0x5c: {  	_ =	shalt  }
0x5d: {  	_ =	shalt  }
0x5e: {  	_ =	shalt  }
0x5f: {  	_ =	shalt  }
0x60: {  	_ =	shalt  }
0x61: {  	_ =	shalt  }
0x62: {  	_ =	shalt  }
0x63: {  	_ =	shalt  }
0x64: {  	_ =	shalt  }
0x65: {  	_ =	shalt  }
0x66: {  	_ =	shalt  }
0x67: {  	_ =	shalt  }
0x68: {  	_ =	shalt  }
0x69: {  	_ =	shalt  }
0x6a: {  	_ =	shalt  }
0x6b: {  	_ =	shalt  }
0x6c: {  	_ =	shalt  }
0x6d: {  	_ =	shalt  }
0x6e: {  	_ =	shalt  }
0x6f: {  	_ =	shalt  }
0x70: {  	_ =	shalt  }
0x71: {  	_ =	shalt  }
0x72: {  	_ =	shalt  }
0x73: {  	_ =	shalt  }
0x74: {  	_ =	shalt  }
0x75: {  	_ =	shalt  }
0x76: {  	_ =	shalt  }
0x77: {  	_ =	shalt  }
0x78: {  	_ =	shalt  }
0x79: {  	_ =	shalt  }
0x7a: {  	_ =	shalt  }
0x7b: {  	_ =	shalt  }
0x7c: {  	_ =	shalt  }
0x7d: {  	_ =	shalt  }
0x7e: {  	_ =	shalt  }
0x7f: {  	_ =	shalt  }
0x80: {  	_ =	shalt  }
0x81: {  	_ =	shalt  }
0x82: {  	_ =	shalt  }
0x83: {  	_ =	shalt  }
0x84: {  	_ =	shalt  }
0x85: {  	_ =	shalt  }
0x86: {  	_ =	shalt  }
0x87: {  	_ =	shalt  }
.Lfunc_end0:
.L_simem_size_0:
called_computation_lowered:
.L_overlay_start_0:
0x88: {  	s2 =	sld [smem:$0x3FD9]  }
0x89: {  	s3 =	sld [smem:$0x3FFE];
	_ =	sdelay $0x1  }
0x8a: {  	s1 =	srdreg.scid  }
0x8b: {  	s0 =	sand.u32 $0x1, s1  }
0x8c: {  	s17 =	sshll.u32 s0, $0xA;
	s2 =	sadd.s32 s3, s2  }
0x8d: {  	s2 =	sadd.s32 s2, s17  }
0x8e: {  	[smem:$0x3FC3] =	sst s2  }
0x8f: {  	_ = 	snop  }
0x90: {  	s2 =	sld [smem:$0x3FC8]  }
0x91: {  	s18 =	sld [smem:$0x3FD0];
	(tm) =	ssettm $0x1  }
0x92: {  	s4 =	sld [smem:$0x3FFB];
	_ =	sdelay $0x3  }
0x93: {  	_ =	strace s4  }
0x94: {  	s4 =	sld [smem:$0x3FFC];
	_ =	sdelay $0x3  }
0x95: {  	_ =	strace s4  }
0x96: {  	s4 =	sld [smem:$0x3FFD];
	_ =	sdelay $0x3  }
0x97: {  	_ =	strace s4  }
0x98: {  	_ =	strace $0x8FFFFFFF  }
0x99: {  	s19 =	sld [smem:$0x3FDB];
	_ =	sdelay $0x1  }
0x9a: {  	s5 =	simm.s32 $_scs_section_size  }
0x9b: {  	s6 =	simm.s32 $_size__tile_overlayer_lowered;
	s7 =	simm.s32 $_tile_overlayer_lowered  }
0x9c: {  	s22 =	simm.s32 $0x1BFF;
	s21 =	sshll.u32 s7, $0x1;
	s4 =	sadd.s32 s5, s19  }
0x9d: {  	s8 =	simm.s32 $0x0;
	s20 =	sshll.u32 s6, $0x1;
	s6 =	sadd.s32 s21, s4  }
0x9e: {  	[timem:s8], [sflag:s22] =	dma.local [hbm:s6], s20  }
0x9f: {  	_ =	swait.ge [sflag:s22], s20  }
0xa0: {  	s5 =	ssub.s32 $0x0, s20;
	[sflag:s22] =	ssyncset.done $0x0  }
0xa1: {  	[sflag:s22] =	ssyncadd.s32 s5;
	_ =	sdelay $0x1  }
0xa2: {  	s23 =	simm.s32 $0x1B8B  }
0xa3: {  	_ =	swait.ge [sflag:s23], $0x1  }
0xa4: {  	[sflag:s23] =	ssyncset.done $0x0  }
0xa5: {  	s25 =	simm.s32 $0x1B8E;
	s24 =	sld [smem:$0x3FFE];
	[sflag:s23] =	ssyncadd.s32 $0xFFFFFFFF  }
0xa6: {  	s26 =	simm.s32 $execute0_lowered;
	[smem:$0x3FD2] =	sst s25  }
0xa7: {  	s6 =	sshll.u32 s26, $0x1;
	_ =	strace $0x80000046;
	[dreg:$0x1] =	wrdreg $0xFFFFFFFF  }
0xa8: {  	s28 =	simm.s32 $_size_execute0_lowered;
	s4 =	sadd.s32 s4, s6;
	[dreg:$0x0] =	wrdreg $0x0  }
0xa9: {  	s6 =	sshll.u32 s28, $0x1;
	[dreg:$0x2] =	wrdreg s4  }
0xaa: {  	[dreg:$0x3] =	wrdreg s6  }
0xab: {  	[dreg:$0x4] =	wrdreg $0xC0  }
0xac: {  	_ =	task [dreg:s8], $0x5FFFF  }
0xad: {  	[dreg:$0x1] =	wrdreg $0xFFFFFFFF  }
0xae: {  	[dreg:$0x0] =	wrdreg $0x60  }
0xaf: {  	[dreg:$0x2] =	wrdreg s24  }
0xb0: {  	[dreg:$0x3] =	wrdreg s2  }
0xb1: {  	[dreg:$0x4] =	wrdreg s18  }
0xb2: {  	[dreg:$0x5] =	wrdreg $0x9  }
0xb3: {  	_ =	task.clear_ibuf [dreg:s8], $0x6FFFF;
	_ =	strace $0x90000046  }
0xb4: {  	s29 =	simm.s32 $0x9;
	_ =	strace $0x80000048  }
0xb5: {  	_ =	swait.ge [sflag:s29], $0x1  }
0xb6: {  	[sflag:s29] =	ssyncadd.s32 $0xFFFFFFFF  }
0xb7: {  	_ =	strace $0x90000048  }
0xb8: {  	_ =	sfence  }
0xb9: {  	s30 =	sld [smem:$0x0];
	_ =	sdelay $0x2  }
0xba: {  	s31 =	sshll.u32 s1, $0xD;
	s1 =	sshrl.u32 s1, $0x2  }
0xbb: {  	s3 =	sand.u32 $0x4000, s31;
	s1 =	sadd.s32 s1, s30  }
0xbc: {  	s0 =	sor.u32 s3, s0;
	s1 =	sshll.u32 s1, $0x11  }
0xbd: {  	s0 =	sor.u32 s1, s0  }
0xbe: {  	s0 =	sadd.s32 $0x8F2B, s0  }
0xbf: {  	[sflag:s0] =	ssyncadd.remote.s32 $0x1  }
0xc0: {  	_ =	sfence.sel $0xFFFF  }
0xc1: {  	[dreg:$0x0] =	wrdreg $0xFFFFFFFF;
	(pc) =	sbr.abs _section_cstart, $3  }
0xc2: {  	[dreg:$0x1] =	wrdreg $0xFFFFFFFF  }
0xc3: {  	_ =	task.clear_ibuf [dreg:s8], $0x2FFFF;
	_ =	strace $0x9FFFFFFF  }
0xc4: {  	(tm) =	ssettm $0x7FFFFFFF  }
0xc5: {  	_ =	shalt  }
tec
execute0_lowered:
.L_overlay_start_1:
0x0: {  	(tag) =	ssettag $0x1  }
0x1: {  	s0 =	srdreg.scid;
	s1 =	rddreg [dreg:$0x0]  }
0x2: {  	s2 =	stileid.u32;
	s5 =	rddreg [dreg:$0x1];
	s0 =	sand.u32 $0x1, s0  }
0x3: {  	s28 =	simm.s32 $0x0;
	s2 =	sshll.u32 s2, $0x5;
	s3 =	sshll.u32 s0, $0x4  }
0x4: {  	s11 =	simm.s32 $0x80;
	[smem:$0x7FF] =	sst s28;
	s4 =	sor.u32 s3, s2  }
0x5: {  	s31 =	sadd.s32 $0x100, s5;
	s0 =	ssub.s32 $0x2, s0;
	s2 =	sshrl.u32 s4, $0x3  }
0x6: {  	_ =	strace $0x80000047;
	s29 =	sshrl.u32 s0, $0x1;
	s2 =	smul.u32 $0x180, s2  }
.Ltmp0:
0x7: {  	[dreg:$0x7] =	wrdreg s31;
	s0 =	ssub.s32 s0, s29;
	(pc) =	sbr.rel .LBB2_1-.Ltmp0, $4  }
0x8: {  	[dreg:$0x4] =	wrdreg s4;
	s4 =	sshll.u32 s4, $0x4;
	s0 =	smax.u32 s0, $0x1  }
0x9: {  	v2 =	vlaneseq.u32;
	[dreg:$0x8] =	wrdreg s0;
	s2 =	sadd.s32 s2, s1;
	s1 =	sadd.s32 s1, s4  }
0xa: {  	s13 =	simm.s32 $0x60000;
	vm0 =	vmmov $0xffff;
	v1 =	vshrl.u32 v2, $0x3;
	[dreg:$0x5] =	wrdreg s1;
	s30 =	sadd.s32 $0x2000, s2  }
0xb: {  	s9 =	sadd.s32 $0x200, s5;
	v0 =	vand.u32 $0x7, v2;
	v2 =	vor.u32 $0x8, v2;
	v1 =	vmul.u32 $0x8, v1;
	s2 =	simm.s32 $0x0;
	[dreg:$0x6] =	wrdreg s30  }
.LBB2_22:
0xc: {  	s0 =	simm.s32 $0x5  }
0xd: {  	_ =	swait.ge [sflag:s0], $0x6000  }
0xe: {  	[sflag:s0] =	ssyncset.done $0x0  }
0xf: {  	s29 =	simm.s32 $0x6;
	[sflag:s0] =	ssyncadd.s32 $0xFFFFA000  }
0x10: {  	_ =	swait.ge [sflag:s29], $0x6000  }
0x11: {  	[sflag:s29] =	ssyncset.done $0x0  }
0x12: {  	s30 =	simm.s32 $0x7;
	[sflag:s29] =	ssyncadd.s32 $0xFFFFA000  }
0x13: {  	_ =	swait.ge [sflag:s30], $0x6000  }
0x14: {  	[sflag:s30] =	ssyncset.done $0x0  }
0x15: {  	s1 =	simm.s32 $0x8;
	[sflag:s30] =	ssyncadd.s32 $0xFFFFA000  }
0x16: {  	_ =	swait.ge [sflag:s1], $0x6000  }
0x17: {  	s2 =	rddreg [dreg:$0x9]  }
0x18: {  	s31 =	rddreg [dreg:$0x8];
	s2 =	sadd.s32 $0x1, s2  }
0x19: {  	p0 =	sne.s32 s2, s31  }
.Ltmp1:
0x1a: {  	_ = 	snop;
	(pc) =	sbr.rel @!p0 .LBB2_23-.Ltmp1, $3  }
0x1b: {  	_ =	sdelay $0x1  }
0x1c: {  	[sflag:s1] =	ssyncset.done $0x0  }
0x1d: {  	[sflag:s1] =	ssyncadd.s32 $0xFFFFA000  }
.LBB2_1:
0x1e: {  	[dreg:$0x9] =	wrdreg s2  }
0x1f: {  	s1 =	simm.s32 $0x0;
	s0 =	rddreg [dreg:$0x5];
	s29 =	simm.s32 $0x9  }
0x20: {  	[tilespmem:s1], [sflag:$0x9] =	stream.linear.gather [hbm4b:s0+s1], $0x800, $0x38;
	[tilespmem:$0x1C000] =	vst v63  }
0x21: {  	_ =	swait.ge [sflag:s29], $0x800  }
0x22: {  	[sflag:s29] =	ssyncset.done $0x0  }
0x23: {  	s3 =	simm.s32 $0x18800;
	s30 =	rddreg [dreg:$0x6];
	[sflag:s29] =	ssyncadd.s32 $0xFFFFF800  }
0x24: {  	[tilespmem:s3], [sflag:$0x9] =	stream.linear.gather [hbm4b:s30+s1], $0x1800, $0x38;
	[tilespmem:$0x1C000] =	vst v63  }
0x25: {  	_ =	swait.ge [sflag:s29], $0x1800  }
0x26: {  	[sflag:s29] =	ssyncset.done $0x0  }
0x27: {  	[sflag:s29] =	ssyncadd.s32 $0xFFFFE800  }
0x28: {  	v3 =	vld [tilespmem:$0x0];
	_ =	sdelay $0x4  }
0x29: {  	v4 =	vshrl.u32 v3, $0x3  }
0x2a: {  	v4 =	vmul.u32 $0x30, v4  }
0x2b: {  	v3 =	vand.u32 $0x7, v3  }
0x2c: {  	v3 =	vor.u32 v3, v4  }
0x2d: {  	v4 =	vperm.xlane v3, v0;
	_ =	sdelay $0x1  }
0x2e: {  	v4 =	vadd.s32 v1, v4;
	_ =	sdelay $0x3  }
0x2f: {  	s3 =	simm.s32 $0x800;
	s31 =	rddreg [dreg:$0x1];
	v3 =	vperm.xlane v3, v2  }
0x30: {  	[tilespmem:s3], [sflag:$0x1] =	stream.indirect_vreg.gather [hbm4b:s31+s1], $0x80, v4, vm0, $0xb8;
	[tilespmem:$0x1C000] =	vst v63  }
0x31: {  	s5 =	simm.s32 $0x1000;
	s4 =	rddreg [dreg:$0x7];
	v3 =	vadd.s32 v1, v3  }
0x32: {  	[tilespmem:s5], [sflag:$0x1] =	stream.indirect_vreg.gather [hbm4b:s4+s1], $0x80, v4, vm0, $0xb8;
	[tilespmem:$0x1C000] =	vst v63  }
0x33: {  	s6 =	simm.s32 $0x1800  }
0x34: {  	[tilespmem:s6], [sflag:$0x1] =	stream.indirect_vreg.gather [hbm4b:s9+s1], $0x80, v4, vm0, $0xb8;
	[tilespmem:$0x1C000] =	vst v63  }
0x35: {  	s7 =	simm.s32 $0x2000  }
0x36: {  	[tilespmem:s7], [sflag:$0x1] =	stream.indirect_vreg.gather [hbm4b:s31+s1], $0x80, v3, vm0, $0xb8;
	[tilespmem:$0x1C000] =	vst v63  }
0x37: {  	s8 =	simm.s32 $0x2800  }
0x38: {  	[tilespmem:s8], [sflag:$0x1] =	stream.indirect_vreg.gather [hbm4b:s4+s1], $0x80, v3, vm0, $0xb8;
	[tilespmem:$0x1C000] =	vst v63  }
0x39: {  	s10 =	simm.s32 $0x3000  }
0x3a: {  	[tilespmem:s10], [sflag:$0x1] =	stream.indirect_vreg.gather [hbm4b:s9+s1], $0x80, v3, vm0, $0xb8;
	[tilespmem:$0x1C000] =	vst v63  }
0x3b: {  	v3 =	vld [tilespmem:$0x10];
	_ =	sdelay $0x4  }
0x3c: {  	v61 =	vshrl.u32 v3, $0x3  }
0x3d: {  	v4 =	vmul.u32 $0x30, v61  }
0x3e: {  	v3 =	vand.u32 $0x7, v3  }
0x3f: {  	v3 =	vor.u32 v3, v4  }
0x40: {  	v4 =	vperm.xlane v3, v0;
	_ =	sdelay $0x1  }
0x41: {  	v4 =	vadd.s32 v1, v4;
	_ =	sdelay $0x3  }
0x42: {  	s12 =	simm.s32 $0x3800;
	v3 =	vperm.xlane v3, v2  }
0x43: {  	[tilespmem:s12], [sflag:$0x1] =	stream.indirect_vreg.gather [hbm4b:s31+s1], $0x80, v4, vm0, $0xb8;
	[tilespmem:$0x1C000] =	vst v63  }
0x44: {  	s14 =	simm.s32 $0x4000;
	v3 =	vadd.s32 v1, v3  }
0x45: {  	[tilespmem:s14], [sflag:$0x1] =	stream.indirect_vreg.gather [hbm4b:s4+s1], $0x80, v4, vm0, $0xb8;
	[tilespmem:$0x1C000] =	vst v63  }
0x46: {  	s15 =	simm.s32 $0x4800  }
0x47: {  	[tilespmem:s15], [sflag:$0x1] =	stream.indirect_vreg.gather [hbm4b:s9+s1], $0x80, v4, vm0, $0xb8;
	[tilespmem:$0x1C000] =	vst v63  }
0x48: {  	s16 =	simm.s32 $0x5000  }
0x49: {  	[tilespmem:s16], [sflag:$0x1] =	stream.indirect_vreg.gather [hbm4b:s31+s1], $0x80, v3, vm0, $0xb8;
	[tilespmem:$0x1C000] =	vst v63  }
0x4a: {  	s17 =	simm.s32 $0x5800  }
0x4b: {  	[tilespmem:s17], [sflag:$0x1] =	stream.indirect_vreg.gather [hbm4b:s4+s1], $0x80, v3, vm0, $0xb8;
	[tilespmem:$0x1C000] =	vst v63  }
0x4c: {  	s18 =	simm.s32 $0x6000  }
0x4d: {  	[tilespmem:s18], [sflag:$0x1] =	stream.indirect_vreg.gather [hbm4b:s9+s1], $0x80, v3, vm0, $0xb8;
	[tilespmem:$0x1C000] =	vst v63  }
0x4e: {  	v3 =	vld [tilespmem:$0x20];
	_ =	sdelay $0x4  }
0x4f: {  	v62 =	vshrl.u32 v3, $0x3  }
0x50: {  	v4 =	vmul.u32 $0x30, v62  }
0x51: {  	v3 =	vand.u32 $0x7, v3  }
0x52: {  	v3 =	vor.u32 v3, v4  }
0x53: {  	v4 =	vperm.xlane v3, v0;
	_ =	sdelay $0x1  }
0x54: {  	v4 =	vadd.s32 v1, v4;
	_ =	sdelay $0x3  }
0x55: {  	s19 =	simm.s32 $0x6800;
	v3 =	vperm.xlane v3, v2  }
0x56: {  	[tilespmem:s19], [sflag:$0x2] =	stream.indirect_vreg.gather [hbm4b:s31+s1], $0x80, v4, vm0, $0xb8;
	[tilespmem:$0x1C000] =	vst v63  }
0x57: {  	s20 =	simm.s32 $0x7000;
	v3 =	vadd.s32 v1, v3  }
0x58: {  	[tilespmem:s20], [sflag:$0x2] =	stream.indirect_vreg.gather [hbm4b:s4+s1], $0x80, v4, vm0, $0xb8;
	[tilespmem:$0x1C000] =	vst v63  }
0x59: {  	s21 =	simm.s32 $0x7800  }
0x5a: {  	[tilespmem:s21], [sflag:$0x2] =	stream.indirect_vreg.gather [hbm4b:s9+s1], $0x80, v4, vm0, $0xb8;
	[tilespmem:$0x1C000] =	vst v63  }
0x5b: {  	s22 =	simm.s32 $0x8000  }
0x5c: {  	[tilespmem:s22], [sflag:$0x2] =	stream.indirect_vreg.gather [hbm4b:s31+s1], $0x80, v3, vm0, $0xb8;
	[tilespmem:$0x1C000] =	vst v63  }
0x5d: {  	s23 =	simm.s32 $0x8800  }
0x5e: {  	[tilespmem:s23], [sflag:$0x2] =	stream.indirect_vreg.gather [hbm4b:s4+s1], $0x80, v3, vm0, $0xb8;
	[tilespmem:$0x1C000] =	vst v63  }
0x5f: {  	s24 =	simm.s32 $0x9000  }
0x60: {  	[tilespmem:s24], [sflag:$0x2] =	stream.indirect_vreg.gather [hbm4b:s9+s1], $0x80, v3, vm0, $0xb8;
	[tilespmem:$0x1C000] =	vst v63  }
0x61: {  	v3 =	vld [tilespmem:$0x30];
	_ =	sdelay $0x4  }
0x62: {  	v63 =	vshrl.u32 v3, $0x3  }
0x63: {  	v4 =	vmul.u32 $0x30, v63  }
0x64: {  	v3 =	vand.u32 $0x7, v3  }
0x65: {  	v3 =	vor.u32 v3, v4  }
0x66: {  	v4 =	vperm.xlane v3, v0;
	_ =	sdelay $0x1  }
0x67: {  	v4 =	vadd.s32 v1, v4;
	_ =	sdelay $0x3  }
0x68: {  	s25 =	simm.s32 $0x9800;
	v3 =	vperm.xlane v3, v2  }
0x69: {  	[tilespmem:s25], [sflag:$0x2] =	stream.indirect_vreg.gather [hbm4b:s31+s1], $0x80, v4, vm0, $0xb8;
	[tilespmem:$0x1C000] =	vst v63  }
0x6a: {  	s26 =	simm.s32 $0xA000;
	v3 =	vadd.s32 v1, v3  }
0x6b: {  	[tilespmem:s26], [sflag:$0x2] =	stream.indirect_vreg.gather [hbm4b:s4+s1], $0x80, v4, vm0, $0xb8;
	[tilespmem:$0x1C000] =	vst v63  }
0x6c: {  	s28 =	simm.s32 $0xA800  }
0x6d: {  	[tilespmem:s28], [sflag:$0x2] =	stream.indirect_vreg.gather [hbm4b:s9+s1], $0x80, v4, vm0, $0xb8;
	[tilespmem:$0x1C000] =	vst v63  }
0x6e: {  	s29 =	simm.s32 $0xB000  }
0x6f: {  	[tilespmem:s29], [sflag:$0x2] =	stream.indirect_vreg.gather [hbm4b:s31+s1], $0x80, v3, vm0, $0xb8;
	[tilespmem:$0x1C000] =	vst v63  }
.Ltmp2:
0x70: {  	_ = 	snop;
	(pc) =	sbr.rel .LBB2_2-.Ltmp2, $4  }
0x71: {  	s30 =	simm.s32 $0xB800  }
0x72: {  	[tilespmem:s30], [sflag:$0x2] =	stream.indirect_vreg.gather [hbm4b:s4+s1], $0x80, v3, vm0, $0xb8;
	[tilespmem:$0x1C000] =	vst v63  }
0x73: {  	s19 =	simm.s32 $0x0;
	s20 =	simm.s32 $0x0;
	s31 =	simm.s32 $0xC000  }
0x74: {  	[tilespmem:s31], [sflag:$0x2] =	stream.indirect_vreg.gather [hbm4b:s9+s1], $0x80, v3, vm0, $0xb8;
	[tilespmem:$0x1C000] =	vst v63  }
.LBB2_21:
0x75: {  	s20 =	sadd.s32 $0x1, s20  }
0x76: {  	p0 =	sne.s32 s20, $0x20  }
.Ltmp3:
0x77: {  	_ = 	snop;
	(pc) =	sbr.rel @!p0 .LBB2_22-.Ltmp3, $2  }
0x78: {  	_ =	sdelay $0x2  }
0x79: {  	s19 =	sadd.s32 $0x1, s19  }
.LBB2_2:
0x7a: {  	s21 =	sand.u32 $0x3, s20  }
0x7b: {  	p0 =	sgt.s32 s21, $0x1  }
.Ltmp4:
0x7c: {  	_ = 	snop;
	(pc) =	sbr.rel @p0 .LBB2_7-.Ltmp4, $2  }
0x7d: {  	_ =	sdelay $0x2  }
0x7e: {  	s22 =	sshrl.u32 s20, $0x1  }
0x7f: {  	p0 =	seq.s32 s21, $0x0  }
.Ltmp5:
0x80: {  	_ = 	snop;
	(pc) =	sbr.rel @!p0 .LBB2_5-.Ltmp5, $2  }
0x81: {  	_ =	sdelay $0x2  }
0x82: {  	p3 =	sgt.u32 s20, $0x1D  }
0x83: {  	p0 =	slt.u32 @!p3 s20, $0x2  }
0x84: {  	p0 =	por p0, p3  }
0x85: {  	s0 =	simm.s32 @!p0 $0x7  }
0x86: {  	_ =	swait.ge @!p0 [sflag:s0], $0x6000  }
0x87: {  	s1 =	sshll.u32 @!p3 s22, $0x7;
	[sflag:s0] =	ssyncset.done @!p0 $0x0  }
0x88: {  	[sflag:s0] =	ssyncadd.s32 @!p0 $0xFFFFA000;
	s0 =	sand.u32 @!p3 $0x3FFFFF80, s1  }
0x89: {  	v3 =	vld @!p3 [tilespmem:s0+$0x80];
	_ =	sdelay $0x4  }
0x8a: {  	v4 =	vshrl.u32 @!p3 v3, $0x3  }
0x8b: {  	v4 =	vmul.u32 @!p3 $0x30, v4  }
0x8c: {  	v5 =	vlaneseq.u32 @!p3;
	v3 =	vand.u32 @!p3 $0x7, v3  }
0x8d: {  	v6 =	vshrl.u32 @!p3 v5, $0x3;
	v3 =	vor.u32 @!p3 v3, v4;
	v4 =	vand.u32 @!p3 $0x7, v5  }
0x8e: {  	v6 =	vmul.u32 @!p3 $0x8, v6;
	v7 =	vperm.xlane @!p3 v3, v4;
	_ =	sdelay $0x1  }
0x8f: {  	v7 =	vadd.s32 @!p3 v6, v7;
	_ =	sdelay $0x2  }
0x90: {  	v5 =	vor.u32 @!p3 $0x8, v5  }
0x91: {  	vm1 =	vmmov @!p3 $0xffff;
	s2 =	simm.s32 @!p3 $0xC800;
	s1 =	simm.s32 @!p3 $0x0;
	s3 =	rddreg [dreg:$0x1];
	v3 =	vperm.xlane @!p3 v3, v5  }
0x92: {  	[tilespmem:s2], [sflag:$0x3] =	stream.indirect_vreg.gather @!p3 [hbm4b:s3+s1], $0x80, v7, vm1, $0xb8;
	[tilespmem:$0x1C000] =	vst v63  }
0x93: {  	s4 =	rddreg [dreg:$0x7];
	v3 =	vadd.s32 @!p3 v6, v3;
	s2 =	simm.s32 @!p3 $0xD000  }
0x94: {  	[tilespmem:s2], [sflag:$0x3] =	stream.indirect_vreg.gather @!p3 [hbm4b:s4+s1], $0x80, v7, vm1, $0xb8;
	[tilespmem:$0x1C000] =	vst v63  }
0x95: {  	s2 =	simm.s32 @!p3 $0xD800  }
0x96: {  	[tilespmem:s2], [sflag:$0x3] =	stream.indirect_vreg.gather @!p3 [hbm4b:s9+s1], $0x80, v7, vm1, $0xb8;
	[tilespmem:$0x1C000] =	vst v63  }
0x97: {  	s2 =	simm.s32 @!p3 $0xE000  }
0x98: {  	[tilespmem:s2], [sflag:$0x3] =	stream.indirect_vreg.gather @!p3 [hbm4b:s3+s1], $0x80, v3, vm1, $0xb8;
	[tilespmem:$0x1C000] =	vst v63  }
0x99: {  	s2 =	simm.s32 @!p3 $0xE800  }
0x9a: {  	[tilespmem:s2], [sflag:$0x3] =	stream.indirect_vreg.gather @!p3 [hbm4b:s4+s1], $0x80, v3, vm1, $0xb8;
	[tilespmem:$0x1C000] =	vst v63  }
0x9b: {  	s2 =	simm.s32 @!p3 $0xF000  }
0x9c: {  	[tilespmem:s2], [sflag:$0x3] =	stream.indirect_vreg.gather @!p3 [hbm4b:s9+s1], $0x80, v3, vm1, $0xb8;
	[tilespmem:$0x1C000] =	vst v63  }
0x9d: {  	v3 =	vld @!p3 [tilespmem:s0+$0x90];
	_ =	sdelay $0x4  }
0x9e: {  	v7 =	vshrl.u32 @!p3 v3, $0x3  }
0x9f: {  	v7 =	vmul.u32 @!p3 $0x30, v7  }
0xa0: {  	v3 =	vand.u32 @!p3 $0x7, v3  }
0xa1: {  	v3 =	vor.u32 @!p3 v3, v7  }
0xa2: {  	v4 =	vperm.xlane @!p3 v3, v4;
	_ =	sdelay $0x1  }
0xa3: {  	v4 =	vadd.s32 @!p3 v6, v4;
	_ =	sdelay $0x3  }
0xa4: {  	s0 =	simm.s32 @!p3 $0xF800;
	v3 =	vperm.xlane @!p3 v3, v5  }
0xa5: {  	[tilespmem:s0], [sflag:$0x3] =	stream.indirect_vreg.gather @!p3 [hbm4b:s3+s1], $0x80, v4, vm1, $0xb8;
	[tilespmem:$0x1C000] =	vst v63  }
0xa6: {  	v3 =	vadd.s32 @!p3 v6, v3;
	s0 =	simm.s32 @!p3 $0x10000  }
0xa7: {  	[tilespmem:s0], [sflag:$0x3] =	stream.indirect_vreg.gather @!p3 [hbm4b:s4+s1], $0x80, v4, vm1, $0xb8;
	[tilespmem:$0x1C000] =	vst v63  }
0xa8: {  	s0 =	simm.s32 @!p3 $0x10800  }
0xa9: {  	[tilespmem:s0], [sflag:$0x3] =	stream.indirect_vreg.gather @!p3 [hbm4b:s9+s1], $0x80, v4, vm1, $0xb8;
	[tilespmem:$0x1C000] =	vst v63  }
0xaa: {  	s0 =	simm.s32 @!p3 $0x11000  }
0xab: {  	[tilespmem:s0], [sflag:$0x3] =	stream.indirect_vreg.gather @!p3 [hbm4b:s3+s1], $0x80, v3, vm1, $0xb8;
	[tilespmem:$0x1C000] =	vst v63  }
0xac: {  	s0 =	simm.s32 @!p3 $0x11800  }
0xad: {  	[tilespmem:s0], [sflag:$0x3] =	stream.indirect_vreg.gather @!p3 [hbm4b:s4+s1], $0x80, v3, vm1, $0xb8;
	[tilespmem:$0x1C000] =	vst v63  }
.Ltmp6:
0xae: {  	p4 =	por @!p3 $0x0, $0x0;
	(pc) =	sbr.rel .LBB2_9-.Ltmp6, $4  }
0xaf: {  	p2 =	por $0x0, $0x0;
	p1 =	por $0x0, $0x0;
	s0 =	simm.s32 @!p3 $0x12000  }
0xb0: {  	[tilespmem:s0], [sflag:$0x3] =	stream.indirect_vreg.gather @!p3 [hbm4b:s9+s1], $0x80, v3, vm1, $0xb8;
	[tilespmem:$0x1C000] =	vst v63  }
0xb1: {  	p2 =	por @!p3 p4, p4;
	p0 =	por $0x0, $0x0;
	s0 =	simm.s32 @!p3 $0x1  }
0xb2: {  	p1 =	por @!p3 p4, p4;
	p0 =	por @!p3 p4, p4;
	s0 =	simm.s32 @p3 $0x1  }
.LBB2_7:
0xb3: {  	p0 =	seq.s32 s21, $0x2  }
.Ltmp7:
0xb4: {  	_ = 	snop;
	(pc) =	sbr.rel @!p0 .LBB2_8-.Ltmp7, $3  }
0xb5: {  	_ =	sdelay $0x1  }
0xb6: {  	p3 =	sgt.u32 s20, $0x1D  }
0xb7: {  	s0 =	sshll.u32 @!p3 s22, $0x7  }
0xb8: {  	s1 =	simm.s32 @!p3 $0x5  }
0xb9: {  	_ =	swait.ge @!p3 [sflag:s1], $0x6000  }
0xba: {  	[sflag:s1] =	ssyncset.done @!p3 $0x0  }
0xbb: {  	s0 =	sand.u32 @!p3 $0x3FFFFF80, s0;
	[sflag:s1] =	ssyncadd.s32 @!p3 $0xFFFFA000  }
0xbc: {  	v3 =	vld @!p3 [tilespmem:s0+$0x80];
	_ =	sdelay $0x4  }
0xbd: {  	v4 =	vshrl.u32 @!p3 v3, $0x3  }
0xbe: {  	v4 =	vmul.u32 @!p3 $0x30, v4  }
0xbf: {  	v5 =	vlaneseq.u32 @!p3;
	v3 =	vand.u32 @!p3 $0x7, v3  }
0xc0: {  	v6 =	vshrl.u32 @!p3 v5, $0x3;
	v3 =	vor.u32 @!p3 v3, v4;
	v4 =	vand.u32 @!p3 $0x7, v5  }
0xc1: {  	v6 =	vmul.u32 @!p3 $0x8, v6;
	v7 =	vperm.xlane @!p3 v3, v4;
	_ =	sdelay $0x1  }
0xc2: {  	v7 =	vadd.s32 @!p3 v6, v7;
	_ =	sdelay $0x2  }
0xc3: {  	v5 =	vor.u32 @!p3 $0x8, v5  }
0xc4: {  	vm1 =	vmmov @!p3 $0xffff;
	s2 =	simm.s32 @!p3 $0x800;
	s1 =	simm.s32 @!p3 $0x0;
	s3 =	rddreg [dreg:$0x1];
	v3 =	vperm.xlane @!p3 v3, v5  }
0xc5: {  	[tilespmem:s2], [sflag:$0x1] =	stream.indirect_vreg.gather @!p3 [hbm4b:s3+s1], $0x80, v7, vm1, $0xb8;
	[tilespmem:$0x1C000] =	vst v63  }
0xc6: {  	s4 =	rddreg [dreg:$0x7];
	v3 =	vadd.s32 @!p3 v6, v3;
	s2 =	simm.s32 @!p3 $0x1000  }
0xc7: {  	[tilespmem:s2], [sflag:$0x1] =	stream.indirect_vreg.gather @!p3 [hbm4b:s4+s1], $0x80, v7, vm1, $0xb8;
	[tilespmem:$0x1C000] =	vst v63  }
0xc8: {  	s2 =	simm.s32 @!p3 $0x1800  }
0xc9: {  	[tilespmem:s2], [sflag:$0x1] =	stream.indirect_vreg.gather @!p3 [hbm4b:s9+s1], $0x80, v7, vm1, $0xb8;
	[tilespmem:$0x1C000] =	vst v63  }
0xca: {  	s2 =	simm.s32 @!p3 $0x2000  }
0xcb: {  	[tilespmem:s2], [sflag:$0x1] =	stream.indirect_vreg.gather @!p3 [hbm4b:s3+s1], $0x80, v3, vm1, $0xb8;
	[tilespmem:$0x1C000] =	vst v63  }
0xcc: {  	s2 =	simm.s32 @!p3 $0x2800  }
0xcd: {  	[tilespmem:s2], [sflag:$0x1] =	stream.indirect_vreg.gather @!p3 [hbm4b:s4+s1], $0x80, v3, vm1, $0xb8;
	[tilespmem:$0x1C000] =	vst v63  }
0xce: {  	s2 =	simm.s32 @!p3 $0x3000  }
0xcf: {  	[tilespmem:s2], [sflag:$0x1] =	stream.indirect_vreg.gather @!p3 [hbm4b:s9+s1], $0x80, v3, vm1, $0xb8;
	[tilespmem:$0x1C000] =	vst v63  }
0xd0: {  	v3 =	vld @!p3 [tilespmem:s0+$0x90];
	_ =	sdelay $0x4  }
0xd1: {  	v7 =	vshrl.u32 @!p3 v3, $0x3  }
0xd2: {  	v7 =	vmul.u32 @!p3 $0x30, v7  }
0xd3: {  	v3 =	vand.u32 @!p3 $0x7, v3  }
0xd4: {  	v3 =	vor.u32 @!p3 v3, v7  }
0xd5: {  	v4 =	vperm.xlane @!p3 v3, v4;
	_ =	sdelay $0x1  }
0xd6: {  	v4 =	vadd.s32 @!p3 v6, v4;
	_ =	sdelay $0x3  }
0xd7: {  	s0 =	simm.s32 @!p3 $0x3800;
	v3 =	vperm.xlane @!p3 v3, v5  }
0xd8: {  	[tilespmem:s0], [sflag:$0x1] =	stream.indirect_vreg.gather @!p3 [hbm4b:s3+s1], $0x80, v4, vm1, $0xb8;
	[tilespmem:$0x1C000] =	vst v63  }
0xd9: {  	v3 =	vadd.s32 @!p3 v6, v3;
	s0 =	simm.s32 @!p3 $0x4000  }
0xda: {  	[tilespmem:s0], [sflag:$0x1] =	stream.indirect_vreg.gather @!p3 [hbm4b:s4+s1], $0x80, v4, vm1, $0xb8;
	[tilespmem:$0x1C000] =	vst v63  }
0xdb: {  	s0 =	simm.s32 @!p3 $0x4800  }
0xdc: {  	[tilespmem:s0], [sflag:$0x1] =	stream.indirect_vreg.gather @!p3 [hbm4b:s9+s1], $0x80, v4, vm1, $0xb8;
	[tilespmem:$0x1C000] =	vst v63  }
0xdd: {  	s0 =	simm.s32 @!p3 $0x5000  }
0xde: {  	[tilespmem:s0], [sflag:$0x1] =	stream.indirect_vreg.gather @!p3 [hbm4b:s3+s1], $0x80, v3, vm1, $0xb8;
	[tilespmem:$0x1C000] =	vst v63  }
0xdf: {  	p4 =	por @!p3 $0x1, $0x1;
	s0 =	simm.s32 @!p3 $0x5800  }
0xe0: {  	[tilespmem:s0], [sflag:$0x1] =	stream.indirect_vreg.gather @!p3 [hbm4b:s4+s1], $0x80, v3, vm1, $0xb8;
	[tilespmem:$0x1C000] =	vst v63  }
.Ltmp8:
0xe1: {  	p1 =	por @!p3 $0x0, $0x0;
	p0 =	por $0x0, $0x0;
	(pc) =	sbr.rel .LBB2_9-.Ltmp8, $4  }
0xe2: {  	p2 =	por $0x0, $0x0;
	p0 =	por @!p3 p1, p1;
	s0 =	simm.s32 @!p3 $0x6000  }
0xe3: {  	[tilespmem:s0], [sflag:$0x1] =	stream.indirect_vreg.gather @!p3 [hbm4b:s9+s1], $0x80, v3, vm1, $0xb8;
	[tilespmem:$0x1C000] =	vst v63  }
0xe4: {  	p2 =	por @!p3 p1, p1;
	p1 =	por $0x1, $0x1;
	s0 =	simm.s32 @!p3 $0x3  }
0xe5: {  	p1 =	por @!p3 p4, p4;
	s0 =	simm.s32 @p3 $0x3  }
.LBB2_5:
0xe6: {  	p0 =	slt.u32 @!p3 s20, $0x2  }
0xe7: {  	p0 =	por p0, p3  }
0xe8: {  	s0 =	simm.s32 @!p0 $0x8  }
0xe9: {  	_ =	swait.ge @!p0 [sflag:s0], $0x6000  }
0xea: {  	s1 =	sshll.u32 @!p3 s22, $0x7;
	[sflag:s0] =	ssyncset.done @!p0 $0x0  }
0xeb: {  	[sflag:s0] =	ssyncadd.s32 @!p0 $0xFFFFA000;
	s0 =	sand.u32 @!p3 $0x3FFFFF80, s1  }
0xec: {  	v3 =	vld @!p3 [tilespmem:s0+$0xA0];
	_ =	sdelay $0x4  }
0xed: {  	v4 =	vshrl.u32 @!p3 v3, $0x3  }
0xee: {  	v4 =	vmul.u32 @!p3 $0x30, v4  }
0xef: {  	v5 =	vlaneseq.u32 @!p3;
	v3 =	vand.u32 @!p3 $0x7, v3  }
0xf0: {  	v6 =	vshrl.u32 @!p3 v5, $0x3;
	v3 =	vor.u32 @!p3 v3, v4;
	v4 =	vand.u32 @!p3 $0x7, v5  }
0xf1: {  	v6 =	vmul.u32 @!p3 $0x8, v6;
	v7 =	vperm.xlane @!p3 v3, v4;
	_ =	sdelay $0x1  }
0xf2: {  	v7 =	vadd.s32 @!p3 v6, v7;
	_ =	sdelay $0x2  }
0xf3: {  	v5 =	vor.u32 @!p3 $0x8, v5  }
0xf4: {  	vm1 =	vmmov @!p3 $0xffff;
	s2 =	simm.s32 @!p3 $0x12800;
	s1 =	simm.s32 @!p3 $0x0;
	s3 =	rddreg [dreg:$0x1];
	v3 =	vperm.xlane @!p3 v3, v5  }
0xf5: {  	[tilespmem:s2], [sflag:$0x4] =	stream.indirect_vreg.gather @!p3 [hbm4b:s3+s1], $0x80, v7, vm1, $0xb8;
	[tilespmem:$0x1C000] =	vst v63  }
0xf6: {  	s4 =	rddreg [dreg:$0x7];
	v3 =	vadd.s32 @!p3 v6, v3;
	s2 =	simm.s32 @!p3 $0x13000  }
0xf7: {  	[tilespmem:s2], [sflag:$0x4] =	stream.indirect_vreg.gather @!p3 [hbm4b:s4+s1], $0x80, v7, vm1, $0xb8;
	[tilespmem:$0x1C000] =	vst v63  }
0xf8: {  	s2 =	simm.s32 @!p3 $0x13800  }
0xf9: {  	[tilespmem:s2], [sflag:$0x4] =	stream.indirect_vreg.gather @!p3 [hbm4b:s9+s1], $0x80, v7, vm1, $0xb8;
	[tilespmem:$0x1C000] =	vst v63  }
0xfa: {  	s2 =	simm.s32 @!p3 $0x14000  }
0xfb: {  	[tilespmem:s2], [sflag:$0x4] =	stream.indirect_vreg.gather @!p3 [hbm4b:s3+s1], $0x80, v3, vm1, $0xb8;
	[tilespmem:$0x1C000] =	vst v63  }
0xfc: {  	s2 =	simm.s32 @!p3 $0x14800  }
0xfd: {  	[tilespmem:s2], [sflag:$0x4] =	stream.indirect_vreg.gather @!p3 [hbm4b:s4+s1], $0x80, v3, vm1, $0xb8;
	[tilespmem:$0x1C000] =	vst v63  }
0xfe: {  	s2 =	simm.s32 @!p3 $0x15000  }
0xff: {  	[tilespmem:s2], [sflag:$0x4] =	stream.indirect_vreg.gather @!p3 [hbm4b:s9+s1], $0x80, v3, vm1, $0xb8;
	[tilespmem:$0x1C000] =	vst v63  }
0x100: {  	v3 =	vld @!p3 [tilespmem:s0+$0xB0];
	_ =	sdelay $0x4  }
0x101: {  	v7 =	vshrl.u32 @!p3 v3, $0x3  }
0x102: {  	v7 =	vmul.u32 @!p3 $0x30, v7  }
0x103: {  	v3 =	vand.u32 @!p3 $0x7, v3  }
0x104: {  	v3 =	vor.u32 @!p3 v3, v7  }
0x105: {  	v4 =	vperm.xlane @!p3 v3, v4;
	_ =	sdelay $0x1  }
0x106: {  	v4 =	vadd.s32 @!p3 v6, v4;
	_ =	sdelay $0x3  }
0x107: {  	s0 =	simm.s32 @!p3 $0x15800;
	v3 =	vperm.xlane @!p3 v3, v5  }
0x108: {  	[tilespmem:s0], [sflag:$0x4] =	stream.indirect_vreg.gather @!p3 [hbm4b:s3+s1], $0x80, v4, vm1, $0xb8;
	[tilespmem:$0x1C000] =	vst v63  }
0x109: {  	v3 =	vadd.s32 @!p3 v6, v3;
	s0 =	simm.s32 @!p3 $0x16000  }
0x10a: {  	[tilespmem:s0], [sflag:$0x4] =	stream.indirect_vreg.gather @!p3 [hbm4b:s4+s1], $0x80, v4, vm1, $0xb8;
	[tilespmem:$0x1C000] =	vst v63  }
0x10b: {  	s0 =	simm.s32 @!p3 $0x16800  }
0x10c: {  	[tilespmem:s0], [sflag:$0x4] =	stream.indirect_vreg.gather @!p3 [hbm4b:s9+s1], $0x80, v4, vm1, $0xb8;
	[tilespmem:$0x1C000] =	vst v63  }
0x10d: {  	s0 =	simm.s32 @!p3 $0x17000  }
0x10e: {  	[tilespmem:s0], [sflag:$0x4] =	stream.indirect_vreg.gather @!p3 [hbm4b:s3+s1], $0x80, v3, vm1, $0xb8;
	[tilespmem:$0x1C000] =	vst v63  }
0x10f: {  	s0 =	simm.s32 @!p3 $0x17800  }
0x110: {  	[tilespmem:s0], [sflag:$0x4] =	stream.indirect_vreg.gather @!p3 [hbm4b:s4+s1], $0x80, v3, vm1, $0xb8;
	[tilespmem:$0x1C000] =	vst v63  }
.Ltmp9:
0x111: {  	p1 =	por @!p3 $0x1, $0x1;
	p2 =	por $0x1, $0x1;
	(pc) =	sbr.rel .LBB2_9-.Ltmp9, $4  }
0x112: {  	p4 =	por @!p3 $0x0, $0x0;
	p2 =	por @!p3 p1, p1;
	s0 =	simm.s32 @!p3 $0x18000  }
0x113: {  	[tilespmem:s0], [sflag:$0x4] =	stream.indirect_vreg.gather @!p3 [hbm4b:s9+s1], $0x80, v3, vm1, $0xb8;
	[tilespmem:$0x1C000] =	vst v63  }
0x114: {  	p1 =	por $0x0, $0x0;
	p0 =	por $0x0, $0x0;
	s0 =	simm.s32 @!p3 $0x2  }
0x115: {  	p1 =	por @!p3 p4, p4;
	p0 =	por @!p3 p4, p4;
	s0 =	simm.s32 @p3 $0x2  }
.LBB2_8:
0x116: {  	s1 =	simm.s32 @!p3 $0x6  }
0x117: {  	_ =	swait.ge @!p3 [sflag:s1], $0x6000  }
0x118: {  	[sflag:s1] =	ssyncset.done @!p3 $0x0  }
0x119: {  	s0 =	sand.u32 @!p3 $0x3FFFFF80, s0;
	[sflag:s1] =	ssyncadd.s32 @!p3 $0xFFFFA000  }
0x11a: {  	v3 =	vld @!p3 [tilespmem:s0+$0xA0];
	_ =	sdelay $0x4  }
0x11b: {  	v4 =	vshrl.u32 @!p3 v3, $0x3  }
0x11c: {  	v4 =	vmul.u32 @!p3 $0x30, v4  }
0x11d: {  	v5 =	vlaneseq.u32 @!p3;
	v3 =	vand.u32 @!p3 $0x7, v3  }
0x11e: {  	v6 =	vshrl.u32 @!p3 v5, $0x3;
	v3 =	vor.u32 @!p3 v3, v4;
	v4 =	vand.u32 @!p3 $0x7, v5  }
0x11f: {  	v6 =	vmul.u32 @!p3 $0x8, v6;
	v7 =	vperm.xlane @!p3 v3, v4;
	_ =	sdelay $0x1  }
0x120: {  	v7 =	vadd.s32 @!p3 v6, v7;
	_ =	sdelay $0x2  }
0x121: {  	v5 =	vor.u32 @!p3 $0x8, v5  }
0x122: {  	vm1 =	vmmov @!p3 $0xffff;
	s2 =	simm.s32 @!p3 $0x6800;
	s1 =	simm.s32 @!p3 $0x0;
	s3 =	rddreg [dreg:$0x1];
	v3 =	vperm.xlane @!p3 v3, v5  }
0x123: {  	[tilespmem:s2], [sflag:$0x2] =	stream.indirect_vreg.gather @!p3 [hbm4b:s3+s1], $0x80, v7, vm1, $0xb8;
	[tilespmem:$0x1C000] =	vst v63  }
0x124: {  	s4 =	rddreg [dreg:$0x7];
	v3 =	vadd.s32 @!p3 v6, v3;
	s2 =	simm.s32 @!p3 $0x7000  }
0x125: {  	[tilespmem:s2], [sflag:$0x2] =	stream.indirect_vreg.gather @!p3 [hbm4b:s4+s1], $0x80, v7, vm1, $0xb8;
	[tilespmem:$0x1C000] =	vst v63  }
0x126: {  	s2 =	simm.s32 @!p3 $0x7800  }
0x127: {  	[tilespmem:s2], [sflag:$0x2] =	stream.indirect_vreg.gather @!p3 [hbm4b:s9+s1], $0x80, v7, vm1, $0xb8;
	[tilespmem:$0x1C000] =	vst v63  }
0x128: {  	s2 =	simm.s32 @!p3 $0x8000  }
0x129: {  	[tilespmem:s2], [sflag:$0x2] =	stream.indirect_vreg.gather @!p3 [hbm4b:s3+s1], $0x80, v3, vm1, $0xb8;
	[tilespmem:$0x1C000] =	vst v63  }
0x12a: {  	s2 =	simm.s32 @!p3 $0x8800  }
0x12b: {  	[tilespmem:s2], [sflag:$0x2] =	stream.indirect_vreg.gather @!p3 [hbm4b:s4+s1], $0x80, v3, vm1, $0xb8;
	[tilespmem:$0x1C000] =	vst v63  }
0x12c: {  	s2 =	simm.s32 @!p3 $0x9000  }
0x12d: {  	[tilespmem:s2], [sflag:$0x2] =	stream.indirect_vreg.gather @!p3 [hbm4b:s9+s1], $0x80, v3, vm1, $0xb8;
	[tilespmem:$0x1C000] =	vst v63  }
0x12e: {  	v3 =	vld @!p3 [tilespmem:s0+$0xB0];
	_ =	sdelay $0x4  }
0x12f: {  	v7 =	vshrl.u32 @!p3 v3, $0x3  }
0x130: {  	v7 =	vmul.u32 @!p3 $0x30, v7  }
0x131: {  	v3 =	vand.u32 @!p3 $0x7, v3  }
0x132: {  	v3 =	vor.u32 @!p3 v3, v7  }
0x133: {  	v4 =	vperm.xlane @!p3 v3, v4;
	_ =	sdelay $0x1  }
0x134: {  	v4 =	vadd.s32 @!p3 v6, v4;
	_ =	sdelay $0x3  }
0x135: {  	s0 =	simm.s32 @!p3 $0x9800;
	v3 =	vperm.xlane @!p3 v3, v5  }
0x136: {  	[tilespmem:s0], [sflag:$0x2] =	stream.indirect_vreg.gather @!p3 [hbm4b:s3+s1], $0x80, v4, vm1, $0xb8;
	[tilespmem:$0x1C000] =	vst v63  }
0x137: {  	v3 =	vadd.s32 @!p3 v6, v3;
	s0 =	simm.s32 @!p3 $0xA000  }
0x138: {  	[tilespmem:s0], [sflag:$0x2] =	stream.indirect_vreg.gather @!p3 [hbm4b:s4+s1], $0x80, v4, vm1, $0xb8;
	[tilespmem:$0x1C000] =	vst v63  }
0x139: {  	s0 =	simm.s32 @!p3 $0xA800  }
0x13a: {  	[tilespmem:s0], [sflag:$0x2] =	stream.indirect_vreg.gather @!p3 [hbm4b:s9+s1], $0x80, v4, vm1, $0xb8;
	[tilespmem:$0x1C000] =	vst v63  }
0x13b: {  	s0 =	simm.s32 @!p3 $0xB000  }
0x13c: {  	[tilespmem:s0], [sflag:$0x2] =	stream.indirect_vreg.gather @!p3 [hbm4b:s3+s1], $0x80, v3, vm1, $0xb8;
	[tilespmem:$0x1C000] =	vst v63  }
0x13d: {  	p4 =	por @!p3 $0x0, $0x0;
	p1 =	por @!p3 $0x1, $0x1;
	s0 =	simm.s32 @!p3 $0xB800  }
0x13e: {  	[tilespmem:s0], [sflag:$0x2] =	stream.indirect_vreg.gather @!p3 [hbm4b:s4+s1], $0x80, v3, vm1, $0xb8;
	[tilespmem:$0x1C000] =	vst v63  }
0x13f: {  	p0 =	por $0x1, $0x1;
	p2 =	por $0x0, $0x0;
	s0 =	simm.s32 @!p3 $0xC000  }
0x140: {  	[tilespmem:s0], [sflag:$0x2] =	stream.indirect_vreg.gather @!p3 [hbm4b:s9+s1], $0x80, v3, vm1, $0xb8;
	[tilespmem:$0x1C000] =	vst v63  }
0x141: {  	p0 =	por @!p3 p1, p1;
	p1 =	por $0x0, $0x0;
	s0 =	simm.s32 @!p3 $0x4  }
0x142: {  	p2 =	por @!p3 p4, p4;
	p1 =	por @!p3 p4, p4;
	s0 =	simm.s32 @p3 $0x4  }
.LBB2_9:
0x143: {  	s1 =	sshll.u32 s19, $0x5  }
0x144: {  	s14 =	sand.u32 $0x60, s1  }
0x145: {  	s3 =	sshrl.u32 s20, $0x4;
	_ =	swait.ge [sflag:s0], $0x6000;
	s2 =	sadd.s32 $0x0, s14  }
0x146: {  	s6 =	simm.s32 $0x80;
	s1 =	smul.u32 $0x3000, s3;
	s2 =	sshrl.u32 s2, $0x3  }
0x147: {  	[sflag:s0] =	ssyncset.done $0x0;
	s3 =	sshll.u32 s22, $0x7;
	s2 =	smul.u32 $0x6000, s2  }
0x148: {  	[sflag:s0] =	ssyncadd.s32 $0xFFFFA000;
	[dreg:$0xb] =	wrdreg s3;
	s3 =	sand.u32 $0x380, s3  }
0x149: {  	s0 =	sand.u32 $0x380, s6;
	s4 =	sshra.s32 s1, $0x2;
	s5 =	sshra.s32 s2, $0x2  }
0x14a: {  	[dreg:$0xa] =	wrdreg s3;
	s15 =	sor.u32 s3, s4;
	s7 =	sadd.s32 $0x800, s5  }
0x14b: {  	v3 =	vld [tilespmem:s15+$0x18800];
	s8 =	sor.u32 s0, s7  }
0x14c: {  	v4 =	vld [tilespmem:s8+$0x0]  }
0x14d: {  	v5 =	vld [tilespmem:s8+$0x10];
	_ =	sdelay $0x3  }
0x14e: {  	s10 =	simm.s32 $0x0;
	v6 =	vunpack.i.l.bf16.f32 v3;
	v3 =	vunpack.i.u.bf16.f32 v3  }
0x14f: {  	s6 =	sand.u32 $0x300, s10;
	v18 =	vadd.f32 v4, v6;
	v13 =	vadd.f32 v5, v3  }
0x150: {  	s1 =	sor.u32 s6, s7;
	v10 =	vld [tilespmem:s8+$0x30]  }
0x151: {  	v4 =	vld [tilespmem:s1+$0x0];
	v7 =	vpack.i.f32.bf16 v13, v18  }
0x152: {  	s16 =	sadd.s32 $0x18800, s15;
	v5 =	vld [tilespmem:s1+$0x10];
	[tilespmem:s8+$0x0] =	vst v7  }
0x153: {  	v9 =	vld [tilespmem:s16+$0x10]  }
0x154: {  	v7 =	vld [tilespmem:s8+$0x20];
	_ =	sdelay $0x2  }
0x155: {  	v11 =	vadd.f32 v4, v6;
	v8 =	vadd.f32 v5, v3  }
0x156: {  	v3 =	vunpack.i.u.bf16.f32 v9;
	v4 =	vunpack.i.l.bf16.f32 v9  }
0x157: {  	v5 =	vld [tilespmem:s1+$0x20];
	v6 =	vpack.i.f32.bf16 v8, v11;
	v20 =	vadd.f32 v7, v4;
	v12 =	vadd.f32 v10, v3  }
0x158: {  	[tilespmem:s1+$0x0] =	vst v6;
	v9 =	vld [tilespmem:s8+$0x50]  }
0x159: {  	v4 =	vld [tilespmem:s16+$0x10];
	v6 =	vpack.i.f32.bf16 v12, v20  }
0x15a: {  	v3 =	vld [tilespmem:s1+$0x30];
	[tilespmem:s8+$0x20] =	vst v6  }
0x15b: {  	v7 =	vld [tilespmem:s16+$0x20]  }
0x15c: {  	v6 =	vld [tilespmem:s8+$0x40];
	_ =	sdelay $0x1  }
0x15d: {  	v14 =	vld [tilespmem:s1+$0x40];
	v10 =	vunpack.i.u.bf16.f32 v4;
	v4 =	vunpack.i.l.bf16.f32 v4  }
0x15e: {  	v15 =	vld [tilespmem:s8+$0x70];
	v17 =	vadd.f32 v3, v10;
	v23 =	vadd.f32 v5, v4  }
0x15f: {  	v27 =	vld [tilespmem:s1+$0x410];
	v4 =	vunpack.i.l.bf16.f32 v7;
	v5 =	vunpack.i.u.bf16.f32 v7  }
0x160: {  	v28 =	vld [tilespmem:s1+$0x420];
	v22 =	vadd.f32 v6, v4;
	v16 =	vadd.f32 v9, v5;
	v5 =	vpack.i.f32.bf16 v17, v23  }
0x161: {  	v29 =	vld [tilespmem:s1+$0x430];
	[tilespmem:s1+$0x20] =	vst v5  }
0x162: {  	v5 =	vpack.i.f32.bf16 v16, v22;
	v7 =	vld [tilespmem:s16+$0x20]  }
0x163: {  	v3 =	vld [tilespmem:s1+$0x50];
	[tilespmem:s8+$0x40] =	vst v5  }
0x164: {  	v5 =	vld [tilespmem:s16+$0x30]  }
0x165: {  	v9 =	vld [tilespmem:s8+$0x60]  }
0x166: {  	v31 =	vld [tilespmem:s1+$0x440]  }
0x167: {  	v33 =	vld [tilespmem:s1+$0x450];
	v19 =	vunpack.i.l.bf16.f32 v7  }
0x168: {  	v34 =	vld [tilespmem:s1+$0x460];
	v7 =	vunpack.i.u.bf16.f32 v7;
	v30 =	vadd.f32 v14, v19  }
0x169: {  	v35 =	vld [tilespmem:s1+$0x470];
	v32 =	vadd.f32 v3, v7;
	v3 =	vunpack.i.l.bf16.f32 v5;
	v5 =	vunpack.i.u.bf16.f32 v5  }
0x16a: {  	v10 =	vld [tilespmem:s1+$0x60];
	v26 =	vadd.f32 v9, v3;
	v24 =	vadd.f32 v15, v5  }
0x16b: {  	v4 =	vld [tilespmem:s1+$0x70];
	v3 =	vpack.i.f32.bf16 v32, v30  }
0x16c: {  	v6 =	vld [tilespmem:s1+$0x400];
	[tilespmem:s1+$0x40] =	vst v3;
	v3 =	vpack.i.f32.bf16 v24, v26  }
0x16d: {  	v5 =	vld [tilespmem:s16+$0x30];
	[tilespmem:s8+$0x60] =	vst v3  }
0x16e: {  	v3 =	vld [tilespmem:s16+$0x40]  }
0x16f: {  	v7 =	vld [tilespmem:s8+$0x400]  }
0x170: {  	v9 =	vld [tilespmem:s8+$0x410];
	_ =	sdelay $0x3  }
0x171: {  	v14 =	vunpack.i.l.bf16.f32 v3;
	v3 =	vunpack.i.u.bf16.f32 v3  }
0x172: {  	v25 =	vadd.f32 v7, v14;
	v21 =	vadd.f32 v9, v3;
	_ =	sdelay $0x1  }
0x173: {  	v3 =	vpack.i.f32.bf16 v21, v25  }
0x174: {  	v7 =	vld [tilespmem:s8+$0x420];
	[tilespmem:s8+$0x400] =	vst v3  }
0x175: {  	v3 =	vld [tilespmem:s16+$0x50]  }
0x176: {  	v9 =	vld [tilespmem:s8+$0x430];
	_ =	sdelay $0x3  }
0x177: {  	v14 =	vunpack.i.u.bf16.f32 v3;
	v3 =	vunpack.i.l.bf16.f32 v3  }
0x178: {  	v19 =	vadd.f32 v7, v3;
	v14 =	vadd.f32 v9, v14;
	_ =	sdelay $0x1  }
0x179: {  	v3 =	vpack.i.f32.bf16 v14, v19  }
0x17a: {  	v9 =	vld [tilespmem:s8+$0x450];
	[tilespmem:s8+$0x420] =	vst v3  }
0x17b: {  	v7 =	vld [tilespmem:s16+$0x60]  }
0x17c: {  	v3 =	vld [tilespmem:s8+$0x440];
	_ =	sdelay $0x3  }
0x17d: {  	v36 =	vunpack.i.u.bf16.f32 v7;
	v7 =	vunpack.i.l.bf16.f32 v7  }
0x17e: {  	v15 =	vadd.f32 v3, v7;
	v7 =	vadd.f32 v9, v36;
	_ =	sdelay $0x1  }
0x17f: {  	v50 =	vunpack.i.u.bf16.f32 v5;
	v5 =	vunpack.i.l.bf16.f32 v5;
	v3 =	vpack.i.f32.bf16 v7, v15  }
0x180: {  	v37 =	vld [tilespmem:s8+$0x470];
	v38 =	vadd.f32 v10, v5;
	v36 =	vadd.f32 v4, v50;
	[tilespmem:s8+$0x440] =	vst v3  }
0x181: {  	v9 =	vld [tilespmem:s16+$0x70]  }
0x182: {  	v4 =	vpack.i.f32.bf16 v36, v38;
	v3 =	vld [tilespmem:s8+$0x460]  }
0x183: {  	[tilespmem:s1+$0x60] =	vst v4  }
0x184: {  	v10 =	vld [tilespmem:s16+$0x40];
	_ =	sdelay $0x1  }
0x185: {  	v4 =	vunpack.i.u.bf16.f32 v9;
	v5 =	vunpack.i.l.bf16.f32 v9  }
0x186: {  	v9 =	vadd.f32 v3, v5;
	v5 =	vadd.f32 v37, v4;
	_ =	sdelay $0x1  }
0x187: {  	s12 =	sadd.s32 $0x1000, s5;
	v4 =	vunpack.i.u.bf16.f32 v10;
	v10 =	vunpack.i.l.bf16.f32 v10;
	v3 =	vpack.i.f32.bf16 v5, v9  }
0x188: {  	s4 =	sor.u32 s0, s12;
	v39 =	vadd.f32 v6, v10;
	v27 =	vadd.f32 v27, v4;
	[tilespmem:s8+$0x460] =	vst v3  }
0x189: {  	v3 =	vld [tilespmem:s4+$0x0]  }
0x18a: {  	v6 =	vpack.i.f32.bf16 v27, v39;
	v51 =	vld [tilespmem:s15+$0x18C00]  }
0x18b: {  	v4 =	vld [tilespmem:s4+$0x10];
	[tilespmem:s1+$0x400] =	vst v6  }
0x18c: {  	v6 =	vld [tilespmem:s16+$0x50];
	_ =	sdelay $0x2  }
0x18d: {  	v40 =	vunpack.i.u.bf16.f32 v51;
	v10 =	vunpack.i.l.bf16.f32 v51  }
0x18e: {  	v10 =	vadd.f32 v3, v10;
	v4 =	vadd.f32 v4, v40  }
0x18f: {  	v52 =	vunpack.i.u.bf16.f32 v6;
	v6 =	vunpack.i.l.bf16.f32 v6  }
0x190: {  	v28 =	vadd.f32 v28, v6;
	v29 =	vadd.f32 v29, v52;
	v3 =	vpack.i.f32.bf16 v4, v10  }
0x191: {  	s18 =	sadd.s32 $0x18C00, s15;
	v54 =	vld [tilespmem:s4+$0x30];
	[tilespmem:s4+$0x0] =	vst v3  }
0x192: {  	v6 =	vpack.i.f32.bf16 v29, v28;
	v53 =	vld [tilespmem:s18+$0x10]  }
0x193: {  	v3 =	vld [tilespmem:s4+$0x20];
	[tilespmem:s1+$0x420] =	vst v6  }
0x194: {  	v41 =	vld [tilespmem:s16+$0x60]  }
0x195: {  	v55 =	vadd.f32 $0.0e+00, v11  }
0x196: {  	v11 =	vmul.f32 v11, v11  }
0x197: {  	v37 =	vadd.f32 v8, v55;
	v42 =	vunpack.i.u.bf16.f32 v53;
	v6 =	vunpack.i.l.bf16.f32 v53  }
0x198: {  	v8 =	vmul.f32 v8, v8;
	v6 =	vadd.f32 v3, v6;
	v3 =	vadd.f32 v54, v42  }
0x199: {  	v37 =	vadd.f32 v23, v37;
	v57 =	vunpack.i.u.bf16.f32 v41;
	v41 =	vunpack.i.l.bf16.f32 v41  }
0x19a: {  	v31 =	vadd.f32 v31, v41;
	v33 =	vadd.f32 v33, v57;
	v56 =	vpack.i.f32.bf16 v3, v6  }
0x19b: {  	v8 =	vadd.f32 v8, v11;
	v11 =	vmul.f32 v23, v23;
	v59 =	vld [tilespmem:s4+$0x40];
	v37 =	vadd.f32 v17, v37;
	[tilespmem:s4+$0x20] =	vst v56  }
0x19c: {  	v23 =	vpack.i.f32.bf16 v33, v31;
	v58 =	vld [tilespmem:s18+$0x20]  }
0x19d: {  	v60 =	vld [tilespmem:s4+$0x50];
	v17 =	vmul.f32 v17, v17;
	v37 =	vadd.f32 v30, v37;
	[tilespmem:s1+$0x440] =	vst v23;
	v23 =	vadd.f32 v11, v8  }
0x19e: {  	v43 =	vld [tilespmem:s16+$0x70]  }
0x19f: {  	v30 =	vmul.f32 v30, v30;
	v17 =	vadd.f32 v17, v23;
	v23 =	vadd.f32 v32, v37  }
0x1a0: {  	v48 =	vmul.f32 v36, v36;
	v32 =	vmul.f32 v32, v32  }
0x1a1: {  	v17 =	vadd.f32 v30, v17;
	v23 =	vadd.f32 v38, v23;
	v8 =	vunpack.i.l.bf16.f32 v58  }
0x1a2: {  	v38 =	vmul.f32 v38, v38;
	v42 =	vunpack.i.u.bf16.f32 v58;
	v11 =	vadd.f32 v59, v8  }
0x1a3: {  	v8 =	vadd.f32 v60, v42;
	v62 =	vunpack.i.l.bf16.f32 v43;
	v17 =	vadd.f32 v32, v17  }
0x1a4: {  	v30 =	vunpack.i.u.bf16.f32 v43;
	v23 =	vadd.f32 v36, v23;
	v34 =	vadd.f32 v34, v62  }
0x1a5: {  	v30 =	vadd.f32 v35, v30;
	v61 =	vpack.i.f32.bf16 v8, v11;
	v17 =	vadd.f32 v38, v17  }
0x1a6: {  	v50 =	vmul.f32 v39, v39;
	v45 =	vld [tilespmem:s4+$0x60];
	v39 =	vadd.f32 v39, v23;
	[tilespmem:s4+$0x40] =	vst v61  }
0x1a7: {  	v46 =	vpack.i.f32.bf16 v30, v34;
	v63 =	vld [tilespmem:s18+$0x30];
	v32 =	vadd.f32 v48, v17  }
0x1a8: {  	v47 =	vld [tilespmem:s4+$0x70];
	v53 =	vmul.f32 v27, v27;
	[tilespmem:s1+$0x460] =	vst v46;
	v27 =	vadd.f32 v27, v39  }
0x1a9: {  	s17 =	sor.u32 s6, s12;
	v49 =	vld [tilespmem:s15+$0x18C00];
	v32 =	vadd.f32 v50, v32  }
0x1aa: {  	v51 =	vld [tilespmem:s17+$0x0];
	v27 =	vadd.f32 v28, v27  }
0x1ab: {  	v55 =	vmul.f32 v28, v28;
	v52 =	vld [tilespmem:s17+$0x10];
	v32 =	vadd.f32 v53, v32  }
0x1ac: {  	v27 =	vadd.f32 v29, v27;
	v17 =	vunpack.i.u.bf16.f32 v63;
	v23 =	vunpack.i.l.bf16.f32 v63  }
0x1ad: {  	v57 =	vmul.f32 v29, v29;
	v23 =	vadd.f32 v45, v23;
	v17 =	vadd.f32 v47, v17  }
0x1ae: {  	v60 =	vmul.f32 v31, v31;
	v54 =	vunpack.i.u.bf16.f32 v49;
	v36 =	vunpack.i.l.bf16.f32 v49  }
0x1af: {  	s23 =	sadd.s32 $0x1400, s5;
	v32 =	vadd.f32 v55, v32;
	v31 =	vadd.f32 v31, v27;
	v37 =	vpack.i.f32.bf16 v17, v23  }
0x1b0: {  	s24 =	sor.u32 s0, s23;
	v29 =	vld [tilespmem:s17+$0x20];
	v36 =	vadd.f32 v51, v36;
	v35 =	vadd.f32 v52, v54;
	[tilespmem:s4+$0x60] =	vst v37  }
0x1b1: {  	v32 =	vadd.f32 v57, v32;
	v56 =	vld [tilespmem:s24+$0x0]  }
0x1b2: {  	v31 =	vadd.f32 v33, v31;
	v58 =	vpack.i.f32.bf16 v35, v36;
	v28 =	vld [tilespmem:s18+$0x40]  }
0x1b3: {  	v62 =	vmul.f32 v33, v33;
	v59 =	vld [tilespmem:s24+$0x10];
	[tilespmem:s17+$0x0] =	vst v58;
	v32 =	vadd.f32 v60, v32  }
0x1b4: {  	v31 =	vadd.f32 v34, v31;
	v61 =	vld [tilespmem:s18+$0x10]  }
0x1b5: {  	v63 =	vld [tilespmem:s17+$0x30];
	v47 =	vmul.f32 v34, v34;
	v32 =	vadd.f32 v62, v32  }
0x1b6: {  	v49 =	vmul.f32 v30, v30;
	v30 =	vadd.f32 v30, v31  }
0x1b7: {  	v32 =	vadd.f32 v47, v32;
	v27 =	vunpack.i.u.bf16.f32 v28;
	v28 =	vunpack.i.l.bf16.f32 v28  }
0x1b8: {  	v52 =	vmul.f32 v36, v36;
	v28 =	vadd.f32 v56, v28;
	v27 =	vadd.f32 v59, v27  }
0x1b9: {  	v36 =	vadd.f32 v36, v30;
	v45 =	vunpack.i.u.bf16.f32 v61;
	v46 =	vunpack.i.l.bf16.f32 v61  }
0x1ba: {  	v37 =	vadd.f32 v29, v46;
	v33 =	vadd.f32 v63, v45;
	v38 =	vpack.i.f32.bf16 v27, v28  }
0x1bb: {  	v57 =	vmul.f32 v35, v35;
	v51 =	vld [tilespmem:s24+$0x30];
	v31 =	vadd.f32 v49, v32;
	[tilespmem:s24+$0x0] =	vst v38  }
0x1bc: {  	v58 =	vadd.f32 v35, v36;
	v45 =	vadd.f32 $0.0e+00, v18;
	v50 =	vpack.i.f32.bf16 v33, v37;
	v48 =	vld [tilespmem:s18+$0x50]  }
0x1bd: {  	v47 =	vmul.f32 v13, v13;
	v29 =	vld [tilespmem:s24+$0x20];
	v18 =	vmul.f32 v18, v18;
	v31 =	vadd.f32 v52, v31;
	[tilespmem:s17+$0x20] =	vst v50  }
0x1be: {  	v32 =	vadd.f32 v37, v58;
	v13 =	vadd.f32 v13, v45;
	v53 =	vld [tilespmem:s18+$0x20]  }
0x1bf: {  	v55 =	vld [tilespmem:s17+$0x50];
	v61 =	vmul.f32 v37, v37;
	v18 =	vadd.f32 v47, v18;
	v31 =	vadd.f32 v57, v31  }
0x1c0: {  	v54 =	vld [tilespmem:s17+$0x40];
	v50 =	vmul.f32 v20, v20;
	v32 =	vadd.f32 v33, v32;
	v20 =	vadd.f32 v20, v13  }
0x1c1: {  	v31 =	vadd.f32 v61, v31;
	v56 =	vunpack.i.u.bf16.f32 v48;
	v30 =	vunpack.i.l.bf16.f32 v48  }
0x1c2: {  	v63 =	vmul.f32 v33, v33;
	v30 =	vadd.f32 v29, v30;
	v29 =	vadd.f32 v51, v56  }
0x1c3: {  	v33 =	vadd.f32 v50, v18;
	v59 =	vunpack.i.l.bf16.f32 v53;
	v38 =	vunpack.i.u.bf16.f32 v53  }
0x1c4: {  	v53 =	vmul.f32 v12, v12;
	v12 =	vadd.f32 v12, v20;
	v60 =	vpack.i.f32.bf16 v29, v30  }
0x1c5: {  	v62 =	vld [tilespmem:s24+$0x40];
	v34 =	vadd.f32 v54, v59;
	v38 =	vadd.f32 v55, v38;
	[tilespmem:s24+$0x20] =	vst v60  }
0x1c6: {  	v57 =	vmul.f32 v16, v16;
	v54 =	vmul.f32 v22, v22;
	v20 =	vadd.f32 v53, v33;
	v46 =	vld [tilespmem:s18+$0x60]  }
0x1c7: {  	v31 =	vadd.f32 v63, v31;
	v48 =	vld [tilespmem:s24+$0x50];
	v12 =	vadd.f32 v22, v12;
	v49 =	vpack.i.f32.bf16 v38, v34  }
0x1c8: {  	v32 =	vadd.f32 v34, v32;
	v34 =	vmul.f32 v34, v34;
	[tilespmem:s17+$0x40] =	vst v49;
	v20 =	vadd.f32 v54, v20  }
0x1c9: {  	v12 =	vadd.f32 v16, v12;
	v36 =	vld [tilespmem:s18+$0x30]  }
0x1ca: {  	v52 =	vld [tilespmem:s17+$0x70];
	v16 =	vadd.f32 v34, v31;
	v31 =	vmul.f32 v26, v26;
	v20 =	vadd.f32 v57, v20  }
0x1cb: {  	v51 =	vld [tilespmem:s17+$0x60];
	v12 =	vadd.f32 v26, v12;
	v13 =	vunpack.i.u.bf16.f32 v46;
	v18 =	vunpack.i.l.bf16.f32 v46  }
0x1cc: {  	v18 =	vadd.f32 v62, v18;
	v13 =	vadd.f32 v48, v13  }
0x1cd: {  	v20 =	vadd.f32 v31, v20;
	v31 =	vmul.f32 v24, v24;
	v24 =	vadd.f32 v24, v12  }
0x1ce: {  	v55 =	vunpack.i.u.bf16.f32 v36;
	v36 =	vunpack.i.l.bf16.f32 v36;
	v35 =	vpack.i.f32.bf16 v13, v18  }
0x1cf: {  	v22 =	vld [tilespmem:s24+$0x60];
	v20 =	vadd.f32 v31, v20;
	v24 =	vadd.f32 v25, v24;
	v25 =	vmul.f32 v25, v25;
	[tilespmem:s24+$0x40] =	vst v35  }
0x1d0: {  	v56 =	vadd.f32 v51, v36;
	v39 =	vadd.f32 v52, v55;
	v58 =	vld [tilespmem:s18+$0x70]  }
0x1d1: {  	v59 =	vmul.f32 v38, v38;
	v60 =	vld [tilespmem:s24+$0x70];
	v20 =	vadd.f32 v25, v20  }
0x1d2: {  	v24 =	vadd.f32 v21, v24;
	v21 =	vmul.f32 v21, v21;
	v61 =	vpack.i.f32.bf16 v39, v56  }
0x1d3: {  	v32 =	vadd.f32 v38, v32;
	[tilespmem:s17+$0x60] =	vst v61  }
0x1d4: {  	s25 =	sor.u32 s6, s23;
	v26 =	vadd.f32 v59, v16;
	v20 =	vadd.f32 v21, v20;
	v33 =	vld [tilespmem:s18+$0x40]  }
0x1d5: {  	v21 =	vadd.f32 v19, v24;
	v63 =	vld [tilespmem:s25+$0x0];
	v12 =	vunpack.i.u.bf16.f32 v58;
	v16 =	vunpack.i.l.bf16.f32 v58  }
0x1d6: {  	v19 =	vmul.f32 v19, v19;
	v16 =	vadd.f32 v22, v16;
	v12 =	vadd.f32 v60, v12  }
0x1d7: {  	v44 =	vmul.f32 v15, v15;
	v62 =	vmul.f32 v56, v56;
	v22 =	vld [tilespmem:s25+$0x10]  }
0x1d8: {  	s10 =	sadd.s32 $0x1800, s5;
	v31 =	vadd.f32 v56, v32;
	v19 =	vadd.f32 v19, v20;
	v40 =	vpack.i.f32.bf16 v12, v16  }
0x1d9: {  	s23 =	sor.u32 s0, s10;
	v20 =	vadd.f32 v14, v21;
	v14 =	vmul.f32 v14, v14;
	v41 =	vunpack.i.l.bf16.f32 v33;
	[tilespmem:s24+$0x60] =	vst v40  }
0x1da: {  	v43 =	vmul.f32 v39, v39;
	v26 =	vadd.f32 v62, v26;
	v32 =	vadd.f32 v63, v41;
	v42 =	vld [tilespmem:s23+$0x0]  }
0x1db: {  	v25 =	vadd.f32 v39, v31;
	v19 =	vadd.f32 v14, v19;
	v31 =	vunpack.i.u.bf16.f32 v33;
	v24 =	vld [tilespmem:s15+$0x19000]  }
0x1dc: {  	v21 =	vadd.f32 v43, v26;
	v26 =	vmul.f32 v32, v32;
	v22 =	vadd.f32 v22, v31;
	v31 =	vld [tilespmem:s23+$0x10]  }
0x1dd: {  	v20 =	vadd.f32 v15, v20;
	v19 =	vadd.f32 v44, v19  }
0x1de: {  	v25 =	vadd.f32 v32, v25;
	v21 =	vadd.f32 v26, v21;
	v26 =	vmul.f32 v7, v7  }
0x1df: {  	v7 =	vadd.f32 v7, v20;
	v32 =	vpack.i.f32.bf16 v22, v32;
	v46 =	vmul.f32 v22, v22  }
0x1e0: {  	v22 =	vadd.f32 v22, v25;
	[tilespmem:s25+$0x0] =	vst v32;
	v14 =	vunpack.i.u.bf16.f32 v24;
	v15 =	vunpack.i.l.bf16.f32 v24  }
0x1e1: {  	v24 =	vld [tilespmem:s18+$0x50];
	v15 =	vadd.f32 v42, v15;
	v14 =	vadd.f32 v31, v14  }
0x1e2: {  	v45 =	vld [tilespmem:s25+$0x30];
	v19 =	vadd.f32 v26, v19;
	v25 =	vmul.f32 v9, v9;
	v7 =	vadd.f32 v9, v7  }
0x1e3: {  	v31 =	vld [tilespmem:s25+$0x20];
	v20 =	vpack.i.f32.bf16 v14, v15  }
0x1e4: {  	s26 =	sadd.s32 $0x2, s14;
	s17 =	sadd.s32 $0x19000, s15;
	v47 =	vld [tilespmem:s23+$0x30];
	v19 =	vadd.f32 v25, v19;
	v25 =	vmul.f32 v5, v5;
	v5 =	vadd.f32 v5, v7;
	[tilespmem:s23+$0x0] =	vst v20  }
0x1e5: {  	s1 =	sshrl.u32 s26, $0x3;
	v9 =	vld [tilespmem:s17+$0x10]  }
0x1e6: {  	s1 =	smul.u32 $0x6000, s1;
	v5 =	vadd.f32 v10, v5;
	v20 =	vld [tilespmem:s23+$0x20];
	v26 =	vunpack.i.l.bf16.f32 v24;
	v24 =	vunpack.i.u.bf16.f32 v24  }
0x1e7: {  	v19 =	vadd.f32 v25, v19;
	v7 =	vadd.f32 v45, v24;
	v24 =	vmul.f32 v10, v10  }
0x1e8: {  	s2 =	simm.s32 $0x180;
	s12 =	sshra.s32 s1, $0x2;
	v26 =	vadd.f32 v31, v26;
	v31 =	vmul.f32 v4, v4;
	v4 =	vadd.f32 v4, v5  }
0x1e9: {  	s7 =	sand.u32 $0x380, s2;
	s3 =	sadd.s32 $0x800, s12;
	v21 =	vadd.f32 v46, v21;
	v24 =	vadd.f32 v24, v19  }
0x1ea: {  	s24 =	sor.u32 s7, s3;
	v10 =	vld [tilespmem:s15+$0x18800];
	v4 =	vadd.f32 v6, v4;
	v19 =	vunpack.i.u.bf16.f32 v9;
	v9 =	vunpack.i.l.bf16.f32 v9  }
0x1eb: {  	v50 =	vmul.f32 v3, v3;
	v48 =	vld [tilespmem:s24+$0x10];
	v20 =	vadd.f32 v20, v9;
	v19 =	vadd.f32 v47, v19  }
0x1ec: {  	v25 =	vld [tilespmem:s24+$0x0];
	v22 =	vadd.f32 v26, v22;
	v3 =	vadd.f32 v3, v4;
	v9 =	vpack.i.f32.bf16 v7, v26  }
0x1ed: {  	v5 =	vadd.f32 v31, v24;
	v26 =	vmul.f32 v26, v26;
	[tilespmem:s25+$0x20] =	vst v9;
	v24 =	vpack.i.f32.bf16 v19, v20  }
0x1ee: {  	v31 =	vadd.f32 v7, v22;
	v9 =	vmul.f32 v6, v6;
	v3 =	vadd.f32 v11, v3;
	v49 =	vld [tilespmem:s18+$0x60];
	[tilespmem:s23+$0x20] =	vst v24  }
0x1ef: {  	v7 =	vmul.f32 v7, v7;
	v21 =	vadd.f32 v26, v21;
	v24 =	vunpack.i.l.bf16.f32 v10;
	v22 =	vld [tilespmem:s17+$0x20]  }
0x1f0: {  	v26 =	vld [tilespmem:s23+$0x40];
	v9 =	vadd.f32 v9, v5;
	v10 =	vunpack.i.u.bf16.f32 v10;
	v3 =	vadd.f32 v8, v3  }
0x1f1: {  	v4 =	vld [tilespmem:s23+$0x50];
	v6 =	vadd.f32 v25, v24;
	v5 =	vadd.f32 v48, v10  }
0x1f2: {  	v25 =	vld [tilespmem:s25+$0x40];
	v51 =	vadd.f32 v7, v21;
	v7 =	vadd.f32 v50, v9;
	v9 =	vmul.f32 v11, v11  }
0x1f3: {  	v52 =	vld [tilespmem:s25+$0x50];
	v3 =	vadd.f32 v23, v3;
	v11 =	vpack.i.f32.bf16 v5, v6;
	v53 =	vunpack.i.l.bf16.f32 v49  }
0x1f4: {  	v7 =	vadd.f32 v9, v7;
	v9 =	vmul.f32 v8, v8;
	[tilespmem:s24+$0x0] =	vst v11;
	v11 =	vld [tilespmem:s24+$0x20];
	v21 =	vunpack.i.l.bf16.f32 v22  }
0x1f5: {  	s8 =	simm.s32 $0x100;
	v3 =	vadd.f32 v17, v3;
	v8 =	vunpack.i.u.bf16.f32 v22;
	v22 =	vadd.f32 v26, v21;
	v26 =	vld [tilespmem:s16+$0x10]  }
0x1f6: {  	s1 =	sand.u32 $0x300, s8;
	v21 =	vadd.f32 v4, v8;
	v4 =	vadd.f32 v9, v7;
	v7 =	vmul.f32 v23, v23;
	v9 =	vld [tilespmem:s24+$0x30]  }
0x1f7: {  	s3 =	sor.u32 s1, s3;
	v25 =	vadd.f32 v25, v53;
	v3 =	vadd.f32 v28, v3;
	v8 =	vunpack.i.u.bf16.f32 v49  }
0x1f8: {  	v55 =	vld [tilespmem:s3+$0x10];
	v54 =	vpack.i.f32.bf16 v21, v22;
	v4 =	vadd.f32 v7, v4;
	v7 =	vmul.f32 v17, v17  }
0x1f9: {  	v23 =	vld [tilespmem:s3+$0x0];
	v34 =	vadd.f32 v52, v8;
	v3 =	vadd.f32 v27, v3;
	[tilespmem:s23+$0x40] =	vst v54  }
0x1fa: {  	v33 =	vld [tilespmem:s17+$0x30];
	v4 =	vadd.f32 v7, v4;
	v7 =	vunpack.i.u.bf16.f32 v26;
	v8 =	vunpack.i.l.bf16.f32 v26  }
0x1fb: {  	v17 =	vmul.f32 v28, v28;
	v26 =	vld [tilespmem:s23+$0x60];
	v8 =	vadd.f32 v11, v8;
	v7 =	vadd.f32 v9, v7  }
0x1fc: {  	v3 =	vadd.f32 v30, v3;
	v11 =	vadd.f32 v25, v31;
	v9 =	vld [tilespmem:s23+$0x70]  }
0x1fd: {  	v28 =	vadd.f32 v17, v4;
	v31 =	vmul.f32 v27, v27;
	v56 =	vpack.i.f32.bf16 v7, v8  }
0x1fe: {  	v3 =	vadd.f32 v29, v3;
	v17 =	vadd.f32 v23, v24;
	[tilespmem:s24+$0x20] =	vst v56  }
0x1ff: {  	v57 =	vpack.i.f32.bf16 v34, v25;
	v4 =	vadd.f32 v55, v10;
	v23 =	vadd.f32 v31, v28;
	v27 =	vld [tilespmem:s16+$0x20]  }
0x200: {  	v10 =	vld [tilespmem:s24+$0x40];
	v31 =	vmul.f32 v30, v30;
	v24 =	vunpack.i.l.bf16.f32 v33;
	v28 =	vunpack.i.u.bf16.f32 v33  }
0x201: {  	v25 =	vmul.f32 v25, v25;
	v26 =	vadd.f32 v26, v24;
	v24 =	vld [tilespmem:s24+$0x50];
	v28 =	vadd.f32 v9, v28  }
0x202: {  	[tilespmem:s25+$0x40] =	vst v57;
	v23 =	vadd.f32 v31, v23;
	v31 =	vmul.f32 v29, v29;
	v9 =	vpack.i.f32.bf16 v4, v17  }
0x203: {  	s2 =	sadd.s32 $0x1C00, s5;
	v3 =	vadd.f32 v18, v3;
	v30 =	vld [tilespmem:s18+$0x70];
	[tilespmem:s3+$0x0] =	vst v9;
	v9 =	vpack.i.f32.bf16 v28, v26  }
0x204: {  	s0 =	sor.u32 s0, s2;
	v25 =	vadd.f32 v25, v51;
	v23 =	vadd.f32 v31, v23;
	v29 =	vld [tilespmem:s16+$0x10];
	[tilespmem:s23+$0x60] =	vst v9;
	v9 =	vunpack.i.l.bf16.f32 v27  }
0x205: {  	v31 =	vmul.f32 v18, v18;
	v27 =	vunpack.i.u.bf16.f32 v27;
	v59 =	vld [tilespmem:s0+$0x0];
	v10 =	vadd.f32 v10, v9  }
0x206: {  	v9 =	vadd.f32 v24, v27;
	v27 =	vadd.f32 v34, v11;
	v11 =	vld [tilespmem:s17+$0x40]  }
0x207: {  	v18 =	vadd.f32 v31, v23;
	v23 =	vmul.f32 v13, v13;
	v31 =	vld [tilespmem:s0+$0x10];
	v24 =	vmul.f32 v34, v34  }
0x208: {  	v62 =	vmul.f32 v12, v12;
	v58 =	vld [tilespmem:s3+$0x30];
	v13 =	vadd.f32 v13, v3;
	v60 =	vpack.i.f32.bf16 v9, v10  }
0x209: {  	v18 =	vadd.f32 v23, v18;
	v23 =	vmul.f32 v16, v16;
	v25 =	vadd.f32 v24, v25;
	v24 =	vld [tilespmem:s3+$0x20];
	[tilespmem:s24+$0x40] =	vst v60  }
0x20a: {  	v63 =	vunpack.i.u.bf16.f32 v30;
	v30 =	vunpack.i.l.bf16.f32 v30;
	v13 =	vadd.f32 v16, v13;
	v34 =	vld [tilespmem:s16+$0x30]  }
0x20b: {  	v16 =	vld [tilespmem:s24+$0x60];
	v23 =	vadd.f32 v23, v18;
	v18 =	vunpack.i.u.bf16.f32 v11;
	v11 =	vunpack.i.l.bf16.f32 v11  }
0x20c: {  	v61 =	vld [tilespmem:s24+$0x70];
	v3 =	vunpack.i.u.bf16.f32 v29;
	v33 =	vadd.f32 v59, v11;
	v31 =	vadd.f32 v31, v18  }
0x20d: {  	v29 =	vunpack.i.l.bf16.f32 v29;
	v23 =	vadd.f32 v62, v23;
	v11 =	vadd.f32 v12, v13;
	v13 =	vld [tilespmem:s25+$0x60]  }
0x20e: {  	v18 =	vadd.f32 v24, v29;
	v24 =	vmul.f32 v15, v15;
	v12 =	vpack.i.f32.bf16 v31, v33  }
0x20f: {  	v3 =	vadd.f32 v58, v3;
	v29 =	vld [tilespmem:s25+$0x70];
	v15 =	vadd.f32 v15, v11;
	v11 =	vunpack.i.l.bf16.f32 v34;
	[tilespmem:s0+$0x0] =	vst v12  }
0x210: {  	v34 =	vunpack.i.u.bf16.f32 v34;
	v23 =	vadd.f32 v24, v23;
	v12 =	vadd.f32 v16, v11;
	v41 =	vld [tilespmem:s17+$0x50]  }
0x211: {  	v40 =	vld [tilespmem:s0+$0x20];
	v24 =	vmul.f32 v14, v14;
	v11 =	vadd.f32 v61, v34;
	v14 =	vadd.f32 v14, v15  }
0x212: {  	v43 =	vmul.f32 v20, v20;
	v16 =	vpack.i.f32.bf16 v3, v18;
	v15 =	vld [tilespmem:s0+$0x30];
	v30 =	vadd.f32 v13, v30  }
0x213: {  	[tilespmem:s3+$0x20] =	vst v16;
	v42 =	vadd.f32 v24, v23;
	v16 =	vpack.i.f32.bf16 v11, v12;
	v14 =	vadd.f32 v20, v14  }
0x214: {  	v13 =	vld [tilespmem:s16+$0x20];
	v23 =	vadd.f32 v29, v63;
	[tilespmem:s24+$0x60] =	vst v16;
	v24 =	vadd.f32 v30, v27  }
0x215: {  	v20 =	vadd.f32 v43, v42;
	v16 =	vld [tilespmem:s16+$0x40];
	v14 =	vadd.f32 v19, v14;
	v32 =	vunpack.i.l.bf16.f32 v41  }
0x216: {  	v27 =	vld [tilespmem:s24+$0x400];
	v19 =	vmul.f32 v19, v19;
	v29 =	vunpack.i.u.bf16.f32 v41;
	v32 =	vadd.f32 v40, v32  }
0x217: {  	v44 =	vld [tilespmem:s24+$0x410];
	v29 =	vadd.f32 v15, v29;
	v14 =	vadd.f32 v22, v14  }
0x218: {  	v45 =	vld [tilespmem:s3+$0x40];
	v15 =	vmul.f32 v30, v30;
	v19 =	vadd.f32 v19, v20;
	v20 =	vmul.f32 v22, v22  }
0x219: {  	v46 =	vld [tilespmem:s3+$0x50];
	v47 =	vunpack.i.u.bf16.f32 v13;
	v22 =	vpack.i.f32.bf16 v29, v32;
	v48 =	vadd.f32 v21, v14  }
0x21a: {  	v19 =	vadd.f32 v20, v19;
	v20 =	vmul.f32 v21, v21;
	v14 =	vunpack.i.l.bf16.f32 v16  }
0x21b: {  	v50 =	vld [tilespmem:s0+$0x50];
	v25 =	vadd.f32 v15, v25;
	[tilespmem:s0+$0x20] =	vst v22;
	v16 =	vunpack.i.u.bf16.f32 v16;
	v14 =	vadd.f32 v27, v14  }
0x21c: {  	v22 =	vunpack.i.l.bf16.f32 v13;
	v49 =	vld [tilespmem:s17+$0x60];
	v13 =	vadd.f32 v44, v16;
	v21 =	vadd.f32 v26, v48  }
0x21d: {  	v22 =	vadd.f32 v45, v22;
	v16 =	vld [tilespmem:s0+$0x40];
	v15 =	vadd.f32 v20, v19;
	v19 =	vmul.f32 v26, v26  }
0x21e: {  	v27 =	vadd.f32 v46, v47;
	v51 =	vpack.i.f32.bf16 v13, v14;
	v21 =	vadd.f32 v28, v21  }
0x21f: {  	v53 =	vld [tilespmem:s24+$0x430];
	v20 =	vadd.f32 $0.0e+00, v17;
	v15 =	vadd.f32 v19, v15;
	v19 =	vmul.f32 v28, v28;
	[tilespmem:s24+$0x400] =	vst v51  }
0x220: {  	v17 =	vmul.f32 v17, v17;
	v26 =	vpack.i.f32.bf16 v27, v22;
	v35 =	vld [tilespmem:s16+$0x50];
	v21 =	vadd.f32 v33, v21  }
0x221: {  	v52 =	vld [tilespmem:s24+$0x420];
	[tilespmem:s3+$0x40] =	vst v26;
	v15 =	vadd.f32 v19, v15;
	v28 =	vunpack.i.l.bf16.f32 v49;
	v26 =	vunpack.i.u.bf16.f32 v49  }
0x222: {  	v54 =	vld [tilespmem:s16+$0x30];
	v28 =	vadd.f32 v16, v28;
	v26 =	vadd.f32 v50, v26;
	v16 =	vmul.f32 v33, v33  }
0x223: {  	v55 =	vadd.f32 v4, v20;
	v20 =	vld [tilespmem:s3+$0x60];
	v4 =	vmul.f32 v4, v4;
	v19 =	vadd.f32 v31, v21  }
0x224: {  	v57 =	vld [tilespmem:s3+$0x70];
	v31 =	vmul.f32 v31, v31;
	v21 =	vpack.i.f32.bf16 v26, v28;
	v56 =	vadd.f32 v16, v15  }
0x225: {  	v19 =	vadd.f32 v32, v19;
	v15 =	vunpack.i.u.bf16.f32 v35;
	v16 =	vunpack.i.l.bf16.f32 v35  }
0x226: {  	v32 =	vmul.f32 v32, v32;
	[tilespmem:s0+$0x40] =	vst v21;
	v16 =	vadd.f32 v52, v16;
	v15 =	vadd.f32 v53, v15  }
0x227: {  	v58 =	vunpack.i.u.bf16.f32 v54;
	v60 =	vunpack.i.l.bf16.f32 v54;
	v21 =	vld [tilespmem:s17+$0x70];
	v31 =	vadd.f32 v31, v56  }
0x228: {  	v59 =	vld [tilespmem:s0+$0x60];
	v19 =	vadd.f32 v29, v19;
	v36 =	vadd.f32 v20, v60;
	v62 =	vpack.i.f32.bf16 v15, v16  }
0x229: {  	v61 =	vld [tilespmem:s0+$0x70];
	v29 =	vmul.f32 v29, v29;
	v63 =	vadd.f32 v57, v58;
	v20 =	vadd.f32 v32, v31;
	[tilespmem:s24+$0x420] =	vst v62  }
0x22a: {  	v4 =	vadd.f32 v4, v17;
	v19 =	vadd.f32 v28, v19;
	v42 =	vld [tilespmem:s16+$0x60]  }
0x22b: {  	v31 =	vld [tilespmem:s24+$0x440];
	v17 =	vadd.f32 v29, v20;
	v20 =	vmul.f32 v28, v28;
	v29 =	vpack.i.f32.bf16 v63, v36  }
0x22c: {  	v28 =	vld [tilespmem:s24+$0x450];
	v44 =	vadd.f32 v26, v19;
	v43 =	vunpack.i.l.bf16.f32 v21;
	v21 =	vunpack.i.u.bf16.f32 v21;
	[tilespmem:s3+$0x60] =	vst v29  }
0x22d: {  	v17 =	vadd.f32 v20, v17;
	v20 =	vmul.f32 v26, v26;
	v19 =	vadd.f32 v59, v43;
	v29 =	vld [tilespmem:s16+$0x40]  }
0x22e: {  	v21 =	vadd.f32 v61, v21  }
0x22f: {  	v26 =	vld [tilespmem:s3+$0x400];
	v45 =	vadd.f32 v20, v17;
	v47 =	vmul.f32 v19, v19;
	v20 =	vunpack.i.l.bf16.f32 v42  }
0x230: {  	v46 =	vld [tilespmem:s3+$0x410];
	v49 =	vmul.f32 v21, v21;
	v17 =	vunpack.i.u.bf16.f32 v42;
	v20 =	vadd.f32 v31, v20  }
0x231: {  	v17 =	vadd.f32 v28, v17;
	v28 =	vpack.i.f32.bf16 v23, v30;
	v30 =	vadd.f32 v18, v55  }
0x232: {  	v31 =	vadd.f32 v19, v44;
	v48 =	vadd.f32 v47, v45;
	v52 =	vunpack.i.u.bf16.f32 v29  }
0x233: {  	v51 =	vld [tilespmem:s24+$0x460];
	v29 =	vunpack.i.l.bf16.f32 v29;
	v50 =	vpack.i.f32.bf16 v17, v20;
	v30 =	vadd.f32 v3, v30  }
0x234: {  	v18 =	vmul.f32 v18, v18;
	v31 =	vadd.f32 v21, v31;
	v26 =	vadd.f32 v26, v29;
	v29 =	vld [tilespmem:s24+$0x470];
	[tilespmem:s24+$0x440] =	vst v50  }
0x235: {  	[tilespmem:s25+$0x60] =	vst v28;
	v33 =	vadd.f32 v49, v48;
	v28 =	vadd.f32 v46, v52;
	v53 =	vld [tilespmem:s16+$0x70]  }
0x236: {  	v3 =	vmul.f32 v3, v3;
	v4 =	vadd.f32 v18, v4;
	v18 =	vld [tilespmem:s15+$0x19000];
	(xrf2) =	vadd.scan.msk.f32 $0xffff, v31;
	v31 =	vmul.f32 v23, v23  }
0x237: {  	s5 =	sor.u32 s6, s10;
	v24 =	vadd.f32 v23, v24;
	v56 =	vld [tilespmem:s3+$0x420];
	v23 =	vadd.f32 v22, v30;
	v54 =	vpack.i.f32.bf16 v28, v26;
	(xrf2) =	vadd.scan.msk.f32 $0xffff, v33  }
0x238: {  	v30 =	vld [tilespmem:s5+$0x0];
	v3 =	vadd.f32 v3, v4;
	v31 =	vadd.f32 v31, v25;
	v25 =	vmul.f32 v22, v22  }
0x239: {  	v55 =	vld [tilespmem:s5+$0x10];
	[tilespmem:s3+$0x400] =	vst v54;
	v4 =	vadd.f32 v27, v23;
	v27 =	vmul.f32 v27, v27  }
0x23a: {  	v33 =	vld [tilespmem:s16+$0x50];
	v3 =	vadd.f32 v25, v3;
	v22 =	vunpack.i.u.bf16.f32 v53;
	v23 =	vunpack.i.l.bf16.f32 v53  }
0x23b: {  	v58 =	vunpack.i.u.bf16.f32 v18;
	v23 =	vadd.f32 v51, v23;
	v22 =	vadd.f32 v29, v22;
	v29 =	vld [tilespmem:s3+$0x430]  }
0x23c: {  	v18 =	vunpack.i.l.bf16.f32 v18;
	v25 =	vmul.f32 v36, v36;
	v4 =	vadd.f32 v36, v4  }
0x23d: {  	v18 =	vadd.f32 v30, v18;
	v3 =	vadd.f32 v27, v3;
	v59 =	vpack.i.f32.bf16 v22, v23  }
0x23e: {  	s8 =	sadd.s32 $0x1000, s12;
	v60 =	vld [tilespmem:s3+$0x440];
	v57 =	vmul.f32 v63, v63;
	v4 =	vadd.f32 v63, v4;
	v27 =	vadd.f32 v55, v58;
	[tilespmem:s24+$0x460] =	vst v59  }
0x23f: {  	s10 =	sor.u32 s7, s8;
	v30 =	vunpack.i.l.bf16.f32 v33;
	v3 =	vadd.f32 v25, v3;
	v25 =	vunpack.i.u.bf16.f32 v33;
	v63 =	vld [tilespmem:s15+$0x18C00]  }
0x240: {  	v30 =	vadd.f32 v56, v30;
	v61 =	vld [tilespmem:s10+$0x0];
	v62, _, _ =	vpop (xrf2);
	v29 =	vadd.f32 v29, v25;
	v25 =	vpack.i.f32.bf16 v27, v18  }
0x241: {  	v49 =	vmul.f32 v28, v28;
	v4 =	vadd.f32 v26, v4;
	v45 =	vld [tilespmem:s10+$0x10];
	(v2sf) =	vpush v62, $0xF;
	v44, _, _ =	vpop (xrf2);
	[tilespmem:s5+$0x0] =	vst v25  }
0x242: {  	v3 =	vadd.f32 v57, v3;
	(v2sf) =	vpush v44, $0xF;
	v25 =	vmul.f32 v26, v26;
	v47 =	vld [tilespmem:s17+$0x10]  }
0x243: {  	v46 =	vld [tilespmem:s5+$0x20];
	v50 =	vadd.f32 v18, v24;
	v4 =	vadd.f32 v28, v4;
	v26 =	vpack.i.f32.bf16 v29, v30  }
0x244: {  	v48 =	vld [tilespmem:s5+$0x30];
	v18 =	vmul.f32 v18, v18;
	[tilespmem:s3+$0x420] =	vst v26;
	v3 =	vadd.f32 v25, v3;
	v25 =	vunpack.i.l.bf16.f32 v63  }
0x245: {  	v4 =	vadd.f32 v30, v4;
	v26 =	vld [tilespmem:s16+$0x60];
	v24 =	vunpack.i.u.bf16.f32 v63;
	v25 =	vadd.f32 v61, v25  }
0x246: {  	v28 =	vld [tilespmem:s3+$0x450];
	v30 =	vmul.f32 v30, v30;
	v24 =	vadd.f32 v45, v24;
	v3 =	vadd.f32 v49, v3  }
0x247: {  	v18 =	vadd.f32 v18, v31;
	v51 =	vunpack.i.u.bf16.f32 v47  }
0x248: {  	v32 =	vld [tilespmem:s3+$0x460];
	v33 =	vunpack.i.l.bf16.f32 v47;
	v35 =	vpack.i.f32.bf16 v24, v25;
	v3 =	vadd.f32 v30, v3  }
0x249: {  	v59 =	vld [tilespmem:s5+$0x50];
	v58 =	vmul.f32 v29, v29;
	v33 =	vadd.f32 v46, v33;
	v34 =	vadd.f32 v48, v51;
	[tilespmem:s10+$0x0] =	vst v35  }
0x24a: {  	v30 =	vadd.f32 v27, v50;
	v53 =	vunpack.i.u.bf16.f32 v26;
	v26 =	vunpack.i.l.bf16.f32 v26;
	v54 =	vld [tilespmem:s18+$0x10]  }
0x24b: {  	v52 =	vld [tilespmem:s10+$0x20];
	v26 =	vadd.f32 v60, v26;
	v28 =	vadd.f32 v28, v53;
	v55 =	vpack.i.f32.bf16 v34, v33  }
0x24c: {  	v56 =	vld [tilespmem:s10+$0x30];
	v4 =	vadd.f32 v29, v4;
	v3 =	vadd.f32 v58, v3;
	v60 =	vmul.f32 v27, v27;
	[tilespmem:s5+$0x20] =	vst v55  }
0x24d: {  	v30 =	vadd.f32 v33, v30;
	v29 =	vpack.i.f32.bf16 v28, v26;
	v31 =	vld [tilespmem:s17+$0x20];
	v63 =	vmul.f32 v26, v26  }
0x24e: {  	v57 =	vld [tilespmem:s5+$0x40];
	v33 =	vmul.f32 v33, v33;
	v4 =	vadd.f32 v26, v4;
	v18 =	vadd.f32 v60, v18;
	[tilespmem:s3+$0x440] =	vst v29  }
0x24f: {  	v51 =	vmul.f32 v34, v34;
	v29 =	vld [tilespmem:s16+$0x70];
	v61 =	vunpack.i.u.bf16.f32 v54;
	v3 =	vadd.f32 v63, v3  }
0x250: {  	v62 =	vld [tilespmem:s3+$0x470];
	v27 =	vunpack.i.l.bf16.f32 v54;
	v18 =	vadd.f32 v33, v18;
	v4 =	vadd.f32 v28, v4;
	s24 =	spop (v2sf)  }
0x251: {  	v45 =	vmul.f32 v28, v28;
	v27 =	vadd.f32 v52, v27;
	v26 =	vadd.f32 v56, v61;
	s4 =	smul.f32 $1.302083370e-03, s24;
	s25 =	spop (v2sf)  }
0x252: {  	v28 =	vadd.f32 v34, v30;
	v18 =	vadd.f32 v51, v18;
	v46 =	vunpack.i.l.bf16.f32 v31;
	s23 =	smul.f32 $1.302083370e-03, s25  }
0x253: {  	v47 =	vpack.i.f32.bf16 v26, v27;
	v31 =	vunpack.i.u.bf16.f32 v31;
	v48 =	vadd.f32 v57, v46;
	s26 =	smul.f32 s4, s4  }
0x254: {  	v53 =	vld [tilespmem:s10+$0x40];
	[tilespmem:s10+$0x20] =	vst v47;
	v31 =	vadd.f32 v59, v31;
	v49 =	vunpack.i.u.bf16.f32 v29;
	v29 =	vunpack.i.l.bf16.f32 v29  }
0x255: {  	v50 =	vld [tilespmem:s18+$0x20];
	v29 =	vadd.f32 v32, v29;
	v52 =	vadd.f32 v62, v49;
	s23 =	ssub.f32 s23, s26  }
0x256: {  	v54 =	vld [tilespmem:s10+$0x50];
	v30 =	vpack.i.f32.bf16 v31, v48;
	v55 =	vadd.f32 v48, v28;
	v33 =	vmul.f32 v48, v48  }
0x257: {  	v3 =	vadd.f32 v45, v3;
	v62 =	vld [tilespmem:s5+$0x60];
	[tilespmem:s5+$0x40] =	vst v30;
	v30 =	vpack.i.f32.bf16 v52, v29;
	s23 =	sadd.f32 $9.999999960e-13, s23;
	v4 =	vadd.f32 v29, v4  }
0x258: {  	v56 =	vld [tilespmem:s17+$0x30];
	v57 =	vmul.f32 v52, v52;
	v18 =	vadd.f32 v33, v18;
	v35 =	vadd.f32 v31, v55;
	[tilespmem:s3+$0x460] =	vst v30  }
0x259: {  	s24 =	sor.u32 s1, s8;
	v31 =	vmul.f32 v31, v31;
	v30 =	vmul.f32 v29, v29;
	v58 =	vld [tilespmem:s15+$0x18C00];
	v28 =	vmov s23  }
0x25a: {  	v59 =	vld [tilespmem:s24+$0x0];
	v29 =	vunpack.i.l.bf16.f32 v50;
	v38 =	vunpack.i.u.bf16.f32 v50;
	v4 =	vadd.f32 v52, v4  }
0x25b: {  	v61 =	vld [tilespmem:s24+$0x10];
	v60 =	vshrl.u32 v28, $0x1;
	v44 =	vmul.f32 $5.000000000e-01, v28;
	v29 =	vadd.f32 v53, v29  }
0x25c: {  	v63 =	vld [tilespmem:s5+$0x70];
	v28 =	vadd.f32 v54, v38;
	v3 =	vadd.f32 v30, v3;
	v30 =	vsub.s32 $0x5F3759DF, v60  }
0x25d: {  	v18 =	vadd.f32 v31, v18;
	v42 =	vmul.f32 v30, v44;
	v48 =	vunpack.i.l.bf16.f32 v56  }
0x25e: {  	v38 =	vpack.i.f32.bf16 v28, v29;
	v3 =	vadd.f32 v57, v3;
	v34 =	vadd.f32 v62, v48  }
0x25f: {  	v49 =	vld [tilespmem:s10+$0x60];
	[tilespmem:s10+$0x40] =	vst v38;
	v45 =	vunpack.i.u.bf16.f32 v58;
	v46 =	vunpack.i.l.bf16.f32 v58;
	v36 =	vmul.f32 v30, v42  }
0x260: {  	v37 =	vunpack.i.u.bf16.f32 v56;
	v47 =	vld [tilespmem:s18+$0x30];
	v38 =	vadd.f32 v59, v46;
	v32 =	vadd.f32 v61, v45  }
0x261: {  	v50 =	vld [tilespmem:s10+$0x70];
	v33 =	vadd.f32 v63, v37;
	v36 =	vsub.f32 $1.500000000e+00, v36  }
0x262: {  	v55 =	vld [tilespmem:s24+$0x30];
	v35 =	vadd.f32 v34, v35;
	v51 =	vmul.f32 v38, v38;
	v52 =	vpack.i.f32.bf16 v32, v38  }
0x263: {  	v53 =	vld [tilespmem:s24+$0x20];
	v4 =	vadd.f32 v38, v4;
	[tilespmem:s24+$0x0] =	vst v52;
	v36 =	vmul.f32 v30, v36;
	v30 =	vpack.i.f32.bf16 v33, v34  }
0x264: {  	v60 =	vadd.f32 v33, v35;
	v34 =	vmul.f32 v34, v34;
	v33 =	vmul.f32 v33, v33;
	v54 =	vld [tilespmem:s18+$0x10];
	[tilespmem:s5+$0x60] =	vst v30  }
0x265: {  	s6 =	sor.u32 s6, s2;
	v3 =	vadd.f32 v51, v3;
	v30 =	vunpack.i.u.bf16.f32 v47;
	v31 =	vunpack.i.l.bf16.f32 v47;
	v57 =	vld [tilespmem:s17+$0x40]  }
0x266: {  	v56 =	vmul.f32 v36, v44;
	v31 =	vadd.f32 v49, v31;
	v30 =	vadd.f32 v50, v30;
	v58 =	vld [tilespmem:s6+$0x0]  }
0x267: {  	v4 =	vadd.f32 v32, v4;
	v32 =	vmul.f32 v32, v32;
	v18 =	vadd.f32 v34, v18;
	v61 =	vld [tilespmem:s6+$0x10]  }
0x268: {  	s25 =	sadd.s32 $0x1400, s12;
	v59 =	vmul.f32 v56, v36;
	v62 =	vpack.i.f32.bf16 v30, v31  }
0x269: {  	s26 =	sor.u32 s7, s25;
	v32 =	vadd.f32 v32, v3;
	v18 =	vadd.f32 v33, v18;
	[tilespmem:s10+$0x60] =	vst v62;
	v37 =	vunpack.i.l.bf16.f32 v54  }
0x26a: {  	v41 =	vsub.f32 $1.500000000e+00, v59;
	v45 =	vunpack.i.u.bf16.f32 v54;
	v42 =	vld [tilespmem:s26+$0x0];
	v37 =	vadd.f32 v53, v37  }
0x26b: {  	v48 =	vld [tilespmem:s18+$0x40];
	v38 =	vadd.f32 v55, v45;
	v63 =	vunpack.i.u.bf16.f32 v57;
	v39 =	vunpack.i.l.bf16.f32 v57  }
0x26c: {  	v50 =	vld [tilespmem:s26+$0x10];
	v39 =	vadd.f32 v58, v39;
	v35 =	vadd.f32 v61, v63  }
0x26d: {  	v46 =	vld [tilespmem:s24+$0x40];
	v3 =	vmul.f32 v41, v36;
	v49 =	vpack.i.f32.bf16 v38, v37;
	v51 =	vmul.f32 v37, v37  }
0x26e: {  	v56 =	vld [tilespmem:s6+$0x20];
	v4 =	vadd.f32 v37, v4;
	v54 =	vmul.f32 v38, v38;
	[tilespmem:s24+$0x20] =	vst v49;
	v55 =	vpack.i.f32.bf16 v35, v39  }
0x26f: {  	v34 =	vadd.f32 v39, v60;
	v39 =	vmul.f32 v39, v39;
	v36 =	vld [tilespmem:s18+$0x20];
	v40 =	vadd.f32 v51, v32  }
0x270: {  	v53 =	vld [tilespmem:s24+$0x50];
	v38 =	vadd.f32 v38, v4;
	[tilespmem:s6+$0x0] =	vst v55;
	v4 =	vunpack.i.u.bf16.f32 v48;
	v57 =	vunpack.i.l.bf16.f32 v48  }
0x271: {  	v52 =	vmul.f32 v3, v44;
	v47 =	vld [tilespmem:s17+$0x50];
	v33 =	vadd.f32 v42, v57;
	v32 =	vadd.f32 v50, v4  }
0x272: {  	v59 =	vld [tilespmem:s6+$0x30];
	v60 =	vmul.f32 v35, v35;
	v18 =	vadd.f32 v39, v18  }
0x273: {  	v58 =	vmul.f32 v52, v3;
	v40 =	vadd.f32 v54, v40;
	v42 =	vpack.i.f32.bf16 v32, v33  }
0x274: {  	v18 =	vadd.f32 v60, v18;
	[tilespmem:s26+$0x0] =	vst v42;
	v4 =	vunpack.i.u.bf16.f32 v36;
	v36 =	vunpack.i.l.bf16.f32 v36  }
0x275: {  	v61 =	vld [tilespmem:s18+$0x50];
	v36 =	vadd.f32 v46, v36;
	v37 =	vadd.f32 v53, v4  }
0x276: {  	v48 =	vld [tilespmem:s26+$0x30];
	v4 =	vsub.f32 $1.500000000e+00, v58;
	v62 =	vunpack.i.u.bf16.f32 v47;
	v63 =	vunpack.i.l.bf16.f32 v47  }
0x277: {  	v42 =	vld [tilespmem:s26+$0x20];
	v44 =	vadd.f32 v56, v63;
	v41 =	vadd.f32 v59, v62  }
0x278: {  	v53 =	vadd.f32 v35, v34;
	v52 =	vpack.i.f32.bf16 v37, v36;
	v49 =	vmul.f32 v36, v36  }
0x279: {  	v36 =	vadd.f32 v36, v38;
	v60 =	vmul.f32 v37, v37;
	[tilespmem:s24+$0x40] =	vst v52;
	v55 =	vpack.i.f32.bf16 v41, v44  }
0x27a: {  	v46 =	vmul.f32 v44, v44;
	v54 =	vadd.f32 v49, v40;
	v40 =	vld [tilespmem:s18+$0x30];
	v57 =	vunpack.i.u.bf16.f32 v61  }
0x27b: {  	v56 =	vld [tilespmem:s24+$0x60];
	v58 =	vunpack.i.l.bf16.f32 v61;
	v61 =	vadd.f32 v44, v53;
	v36 =	vadd.f32 v37, v36  }
0x27c: {  	v62 =	vmul.f32 v41, v41;
	v35 =	vadd.f32 v42, v58;
	v34 =	vadd.f32 v48, v57  }
0x27d: {  	v59 =	vld [tilespmem:s24+$0x70];
	[tilespmem:s6+$0x20] =	vst v55;
	v55 =	vadd.f32 $0.0e+00, v6;
	v6 =	vmul.f32 v6, v6;
	v18 =	vadd.f32 v46, v18  }
0x27e: {  	v63 =	vld [tilespmem:s17+$0x60];
	v57 =	vmul.f32 v5, v5;
	v38 =	vadd.f32 v60, v54;
	v52 =	vpack.i.f32.bf16 v34, v35  }
0x27f: {  	v58 =	vld [tilespmem:s26+$0x50];
	v5 =	vadd.f32 v5, v55;
	v18 =	vadd.f32 v62, v18;
	[tilespmem:s26+$0x20] =	vst v52;
	v53 =	vunpack.i.l.bf16.f32 v40  }
0x280: {  	v6 =	vadd.f32 v57, v6;
	v62 =	vmul.f32 v8, v8;
	v42 =	vadd.f32 v56, v53;
	v56 =	vld [tilespmem:s18+$0x60]  }
0x281: {  	v51 =	vmul.f32 v7, v7;
	v41 =	vadd.f32 v41, v61;
	v54 =	vld [tilespmem:s26+$0x40];
	v5 =	vadd.f32 v8, v5  }
0x282: {  	v46 =	vld [tilespmem:s6+$0x40];
	v55 =	vmul.f32 v9, v9;
	v40 =	vunpack.i.u.bf16.f32 v40;
	v6 =	vadd.f32 v62, v6  }
0x283: {  	v52 =	vmul.f32 v10, v10;
	v39 =	vadd.f32 v59, v40;
	v5 =	vadd.f32 v7, v5  }
0x284: {  	v60 =	vunpack.i.u.bf16.f32 v63;
	v6 =	vadd.f32 v51, v6;
	v61 =	vadd.f32 v42, v36  }
0x285: {  	v5 =	vadd.f32 v10, v5;
	v8 =	vunpack.i.u.bf16.f32 v56;
	v50 =	vunpack.i.l.bf16.f32 v56  }
0x286: {  	v59 =	vld [tilespmem:s6+$0x50];
	v45 =	vunpack.i.l.bf16.f32 v63;
	v37 =	vadd.f32 v54, v50;
	v36 =	vadd.f32 v58, v8  }
0x287: {  	v45 =	vadd.f32 v46, v45;
	v63 =	vpack.i.f32.bf16 v39, v42;
	v6 =	vadd.f32 v52, v6  }
0x288: {  	v10 =	vld [tilespmem:s26+$0x60];
	[tilespmem:s24+$0x60] =	vst v63;
	v5 =	vadd.f32 v9, v5;
	v8 =	vmul.f32 v42, v42;
	v53 =	vpack.i.f32.bf16 v36, v37  }
0x289: {  	v7 =	vld [tilespmem:s18+$0x40];
	v6 =	vadd.f32 v55, v6;
	v54 =	vadd.f32 v39, v61;
	[tilespmem:s26+$0x40] =	vst v53  }
0x28a: {  	v39 =	vmul.f32 v39, v39;
	v58 =	vmul.f32 v12, v12;
	v8 =	vadd.f32 v8, v38;
	v56 =	vld [tilespmem:s18+$0x70]  }
0x28b: {  	s5 =	sor.u32 s1, s25;
	v9 =	vld [tilespmem:s26+$0x70];
	v40 =	vadd.f32 v59, v60;
	v5 =	vadd.f32 v12, v5  }
0x28c: {  	v60 =	vmul.f32 v11, v11;
	v6 =	vadd.f32 v58, v6;
	v39 =	vadd.f32 v39, v8;
	v8 =	vld [tilespmem:s5+$0x10]  }
0x28d: {  	v41 =	vadd.f32 v45, v41;
	v46 =	vmul.f32 v45, v45;
	v57 =	vld [tilespmem:s5+$0x0];
	v5 =	vadd.f32 v11, v5  }
0x28e: {  	v59 =	vmul.f32 v40, v40;
	v12 =	vunpack.i.u.bf16.f32 v7;
	v6 =	vadd.f32 v60, v6  }
0x28f: {  	v5 =	vadd.f32 v14, v5;
	v11 =	vunpack.i.u.bf16.f32 v56;
	v43 =	vunpack.i.l.bf16.f32 v56  }
0x290: {  	v61 =	vunpack.i.l.bf16.f32 v7;
	v10 =	vadd.f32 v10, v43;
	v7 =	vadd.f32 v9, v11  }
0x291: {  	v60 =	vmul.f32 v26, v26;
	v12 =	vadd.f32 v8, v12;
	v9 =	vmul.f32 v14, v14  }
0x292: {  	s10 =	sadd.s32 $0x1800, s12;
	v5 =	vadd.f32 v13, v5;
	v11 =	vadd.f32 v57, v61;
	v8 =	vpack.i.f32.bf16 v7, v10  }
0x293: {  	s24 =	sor.u32 s7, s10;
	v48 =	vmul.f32 v12, v12;
	v6 =	vadd.f32 v9, v6;
	v9 =	vmul.f32 v13, v13;
	[tilespmem:s26+$0x60] =	vst v8  }
0x294: {  	v13 =	vpack.i.f32.bf16 v12, v11;
	v38 =	vadd.f32 v11, v54;
	v8 =	vadd.f32 v46, v18;
	v14 =	vld [tilespmem:s24+$0x0]  }
0x295: {  	v6 =	vadd.f32 v9, v6;
	v9 =	vadd.f32 v16, v5;
	v16 =	vmul.f32 v16, v16;
	v62 =	vld [tilespmem:s15+$0x19000]  }
0x296: {  	v11 =	vmul.f32 v11, v11;
	[tilespmem:s5+$0x0] =	vst v13;
	v13 =	vmul.f32 v15, v15;
	v63 =	vld [tilespmem:s24+$0x10];
	v5 =	vadd.f32 v59, v8  }
0x297: {  	v46 =	vld [tilespmem:s18+$0x50];
	v8 =	vpack.i.f32.bf16 v21, v19;
	v6 =	vadd.f32 v16, v6;
	v9 =	vadd.f32 v15, v9  }
0x298: {  	v19 =	vld [tilespmem:s5+$0x20];
	v15 =	vadd.f32 v11, v39;
	v16 =	vadd.f32 v12, v38;
	v11 =	vpack.i.f32.bf16 v40, v45  }
0x299: {  	v6 =	vadd.f32 v13, v6;
	v9 =	vadd.f32 v20, v9;
	v20 =	vmul.f32 v20, v20  }
0x29a: {  	v21 =	vld [tilespmem:s5+$0x30];
	v50 =	vadd.f32 v48, v15;
	v47 =	vunpack.i.u.bf16.f32 v62;
	v13 =	vunpack.i.l.bf16.f32 v62  }
0x29b: {  	[tilespmem:s6+$0x40] =	vst v11;
	v11 =	vmul.f32 v17, v17;
	v13 =	vadd.f32 v14, v13;
	v12 =	vadd.f32 v63, v47  }
0x29c: {  	v6 =	vadd.f32 v20, v6;
	v20 =	vunpack.i.l.bf16.f32 v46;
	v9 =	vadd.f32 v17, v9  }
0x29d: {  	s8 =	sadd.s32 $0x4, s14;
	v49 =	vunpack.i.u.bf16.f32 v46;
	v19 =	vadd.f32 v19, v20;
	v20 =	vmul.f32 v23, v23  }
0x29e: {  	s2 =	sshrl.u32 s8, $0x3;
	v14 =	vld [tilespmem:s17+$0x70];
	v17 =	vpack.i.f32.bf16 v12, v13;
	v6 =	vadd.f32 v11, v6;
	v9 =	vadd.f32 v23, v9  }
0x29f: {  	s2 =	smul.u32 $0x6000, s2;
	v57 =	vmul.f32 v27, v27;
	v21 =	vadd.f32 v21, v49;
	[tilespmem:s24+$0x0] =	vst v17;
	v17 =	vld [tilespmem:s24+$0x20];
	v16 =	vadd.f32 v19, v16  }
0x2a0: {  	v15 =	vmul.f32 v22, v22;
	v23 =	vld [tilespmem:s17+$0x10];
	v6 =	vadd.f32 v20, v6;
	v9 =	vadd.f32 v22, v9  }
0x2a1: {  	s29 =	simm.s32 $0x280;
	v18 =	vadd.f32 v40, v41;
	s26 =	sshra.s32 s2, $0x2;
	v48 =	vmul.f32 v28, v28;
	v20 =	vld [tilespmem:s24+$0x30];
	v55 =	vadd.f32 v21, v16  }
0x2a2: {  	s28 =	sand.u32 $0x380, s29;
	s2 =	sadd.s32 $0x800, s26;
	v16 =	vld [tilespmem:s15+$0x18800];
	v6 =	vadd.f32 v15, v6;
	v15 =	vmul.f32 v25, v25;
	v9 =	vadd.f32 v25, v9  }
0x2a3: {  	v51 =	vld [tilespmem:s6+$0x60];
	s23 =	sor.u32 s28, s2;
	v45 =	vmul.f32 v12, v12;
	v52 =	vpack.i.f32.bf16 v21, v19;
	v54 =	vmul.f32 v19, v19  }
0x2a4: {  	[tilespmem:s5+$0x20] =	vst v52;
	v53 =	vunpack.i.l.bf16.f32 v14;
	v25 =	vld [tilespmem:s23+$0x0];
	v6 =	vadd.f32 v15, v6;
	v9 =	vadd.f32 v24, v9  }
0x2a5: {  	v56 =	vld [tilespmem:s18+$0x60];
	v15 =	vunpack.i.u.bf16.f32 v23;
	v19 =	vunpack.i.l.bf16.f32 v23;
	v23 =	vmul.f32 v24, v24  }
0x2a6: {  	v19 =	vadd.f32 v17, v19;
	v15 =	vadd.f32 v20, v15;
	v17 =	vmul.f32 v21, v21;
	v21 =	vld [tilespmem:s23+$0x10]  }
0x2a7: {  	v22 =	vld [tilespmem:s5+$0x40];
	v20 =	vadd.f32 v54, v50;
	v9 =	vadd.f32 v27, v9;
	v27 =	vunpack.i.l.bf16.f32 v16  }
0x2a8: {  	v24 =	vld [tilespmem:s5+$0x50];
	v6 =	vadd.f32 v23, v6;
	v23 =	vadd.f32 v51, v53;
	v58 =	vpack.i.f32.bf16 v15, v19  }
0x2a9: {  	s8 =	simm.s32 $0x200;
	v59 =	vld [tilespmem:s24+$0x40];
	v61 =	vunpack.i.u.bf16.f32 v16;
	v16 =	vadd.f32 v25, v27;
	v9 =	vadd.f32 v26, v9;
	[tilespmem:s24+$0x20] =	vst v58  }
0x2aa: {  	s25 =	sand.u32 $0x300, s8;
	v43 =	vunpack.i.l.bf16.f32 v56;
	v17 =	vadd.f32 v17, v20;
	v38 =	vadd.f32 v57, v6;
	v40 =	vld [tilespmem:s17+$0x20]  }
0x2ab: {  	s2 =	sor.u32 s25, s2;
	v25 =	vld [tilespmem:s24+$0x50];
	v20 =	vunpack.i.u.bf16.f32 v56;
	v9 =	vadd.f32 v29, v9;
	v6 =	vadd.f32 v21, v61  }
0x2ac: {  	v62 =	vld [tilespmem:s2+$0x0];
	v26 =	vmul.f32 v29, v29;
	v21 =	vadd.f32 v22, v43;
	v22 =	vadd.f32 v60, v38  }
0x2ad: {  	v54 =	vmul.f32 v33, v33;
	v63 =	vadd.f32 v24, v20;
	v20 =	vld [tilespmem:s2+$0x10];
	v9 =	vadd.f32 v28, v9  }
0x2ae: {  	v56 =	vmul.f32 v32, v32;
	v24 =	vpack.i.f32.bf16 v6, v16;
	v22 =	vadd.f32 v26, v22  }
0x2af: {  	v9 =	vadd.f32 v31, v9;
	v26 =	vunpack.i.u.bf16.f32 v40;
	v29 =	vunpack.i.l.bf16.f32 v40  }
0x2b0: {  	v49 =	vld [tilespmem:s23+$0x20];
	v28 =	vmul.f32 v31, v31;
	[tilespmem:s23+$0x0] =	vst v24;
	v24 =	vadd.f32 v59, v29;
	v38 =	vadd.f32 v25, v26  }
0x2b1: {  	v52 =	vmul.f32 v21, v21;
	v22 =	vadd.f32 v48, v22;
	v26 =	vld [tilespmem:s16+$0x10];
	v9 =	vadd.f32 v30, v9  }
0x2b2: {  	v50 =	vld [tilespmem:s23+$0x30];
	v29 =	vadd.f32 v62, v27;
	v27 =	vadd.f32 v20, v61;
	v51 =	vpack.i.f32.bf16 v38, v24  }
0x2b3: {  	v31 =	vld [tilespmem:s24+$0x60];
	v20 =	vadd.f32 v28, v22;
	v22 =	vmul.f32 v30, v30;
	v9 =	vadd.f32 v33, v9;
	[tilespmem:s24+$0x40] =	vst v51  }
0x2b4: {  	v53 =	vadd.f32 v52, v17;
	v25 =	vpack.i.f32.bf16 v63, v21;
	v21 =	vadd.f32 v21, v55;
	v28 =	vld [tilespmem:s17+$0x30]  }
0x2b5: {  	v58 =	vmul.f32 v63, v63;
	v30 =	vld [tilespmem:s24+$0x70];
	v22 =	vadd.f32 v22, v20;
	v9 =	vadd.f32 v32, v9  }
0x2b6: {  	v17 =	vpack.i.f32.bf16 v27, v29;
	v41 =	vadd.f32 v63, v21;
	v20 =	vunpack.i.l.bf16.f32 v26  }
0x2b7: {  	v55 =	vld [tilespmem:s5+$0x60];
	v26 =	vunpack.i.u.bf16.f32 v26;
	v22 =	vadd.f32 v54, v22;
	v21 =	vadd.f32 v35, v9  }
0x2b8: {  	v52 =	vmul.f32 v36, v36;
	v59 =	vld [tilespmem:s2+$0x30];
	[tilespmem:s2+$0x0] =	vst v17;
	v20 =	vadd.f32 v49, v20;
	v17 =	vadd.f32 v50, v26  }
0x2b9: {  	v26 =	vld [tilespmem:s16+$0x10];
	v21 =	vadd.f32 v34, v21;
	v57 =	vunpack.i.u.bf16.f32 v28;
	v28 =	vunpack.i.l.bf16.f32 v28  }
0x2ba: {  	v62 =	vmul.f32 v34, v34;
	[tilespmem:s5+$0x40] =	vst v25;
	v25 =	vld [tilespmem:s2+$0x20];
	v31 =	vadd.f32 v31, v28;
	v28 =	vadd.f32 v30, v57  }
0x2bb: {  	v42 =	vld [tilespmem:s18+$0x70];
	v22 =	vadd.f32 v56, v22;
	v60 =	vpack.i.f32.bf16 v17, v20;
	v30 =	vmul.f32 v35, v35  }
0x2bc: {  	v51 =	vld [tilespmem:s23+$0x40];
	v9 =	vadd.f32 v58, v53;
	[tilespmem:s23+$0x20] =	vst v60;
	v21 =	vadd.f32 v37, v21;
	v61 =	vpack.i.f32.bf16 v28, v31  }
0x2bd: {  	s3 =	sadd.s32 $0x1C00, s12;
	v49 =	vmul.f32 v37, v37;
	v56 =	vmul.f32 v10, v10;
	v63 =	vld [tilespmem:s16+$0x20];
	v22 =	vadd.f32 v30, v22;
	[tilespmem:s24+$0x60] =	vst v61  }
0x2be: {  	s7 =	sor.u32 s7, s3;
	v47 =	vunpack.i.l.bf16.f32 v26;
	v30 =	vunpack.i.u.bf16.f32 v26;
	v21 =	vadd.f32 v36, v21;
	v50 =	vld [tilespmem:s17+$0x40]  }
0x2bf: {  	v26 =	vunpack.i.u.bf16.f32 v14;
	v32 =	vadd.f32 v25, v47;
	v48 =	vld [tilespmem:s7+$0x0];
	v22 =	vadd.f32 v62, v22  }
0x2c0: {  	v14 =	vunpack.i.l.bf16.f32 v42;
	v30 =	vadd.f32 v59, v30;
	v25 =	vld [tilespmem:s7+$0x10];
	v10 =	vadd.f32 v10, v21  }
0x2c1: {  	v54 =	vld [tilespmem:s23+$0x50];
	v42 =	vunpack.i.u.bf16.f32 v42;
	v14 =	vadd.f32 v55, v14;
	v22 =	vadd.f32 v49, v22  }
0x2c2: {  	v59 =	vmul.f32 v7, v7;
	v53 =	vpack.i.f32.bf16 v30, v32;
	v7 =	vadd.f32 v7, v10  }
0x2c3: {  	v55 =	vunpack.i.l.bf16.f32 v63;
	[tilespmem:s2+$0x20] =	vst v53;
	v10 =	vld [tilespmem:s5+$0x70];
	v22 =	vadd.f32 v52, v22;
	v40 =	vunpack.i.l.bf16.f32 v50  }
0x2c4: {  	v57 =	vld [tilespmem:s16+$0x20];
	v7 =	vadd.f32 v13, v7;
	v21 =	vunpack.i.u.bf16.f32 v50;
	v34 =	vadd.f32 v48, v40  }
0x2c5: {  	v39 =	vunpack.i.u.bf16.f32 v63;
	v40 =	vadd.f32 v25, v21;
	v35 =	vadd.f32 v56, v22  }
0x2c6: {  	v58 =	vld [tilespmem:s2+$0x40];
	v61 =	vmul.f32 v13, v13;
	v22 =	vadd.f32 v51, v55;
	v21 =	vadd.f32 v54, v39  }
0x2c7: {  	v25 =	vld [tilespmem:s2+$0x50];
	v12 =	vadd.f32 v12, v7;
	v48 =	vmul.f32 v19, v19;
	v56 =	vmul.f32 v24, v24  }
0x2c8: {  	v10 =	vadd.f32 v10, v42;
	v60 =	vpack.i.f32.bf16 v40, v34;
	v35 =	vadd.f32 v59, v35  }
0x2c9: {  	v46 =	vld [tilespmem:s7+$0x30];
	v62 =	vunpack.i.u.bf16.f32 v57;
	v36 =	vunpack.i.l.bf16.f32 v57;
	v19 =	vadd.f32 v19, v12  }
0x2ca: {  	v13 =	vld [tilespmem:s7+$0x20];
	v39 =	vpack.i.f32.bf16 v21, v22;
	v12 =	vadd.f32 v14, v41;
	v59 =	vadd.f32 $0.0e+00, v29;
	[tilespmem:s7+$0x0] =	vst v60  }
0x2cb: {  	v29 =	vmul.f32 v29, v29;
	[tilespmem:s23+$0x40] =	vst v39;
	v36 =	vadd.f32 v58, v36;
	v63 =	vld [tilespmem:s17+$0x50];
	v35 =	vadd.f32 v61, v35  }
0x2cc: {  	v37 =	vpack.i.f32.bf16 v10, v14;
	v19 =	vadd.f32 v15, v19;
	v7 =	vadd.f32 v25, v62;
	v25 =	vld [tilespmem:s16+$0x30]  }
0x2cd: {  	v49 =	vld [tilespmem:s23+$0x60];
	v14 =	vmul.f32 v14, v14;
	v15 =	vmul.f32 v15, v15;
	v47 =	vadd.f32 v45, v35  }
0x2ce: {  	v51 =	vld [tilespmem:s23+$0x70];
	v61 =	vmul.f32 v38, v38;
	v41 =	vadd.f32 v27, v59;
	v19 =	vadd.f32 v24, v19  }
0x2cf: {  	v12 =	vadd.f32 v10, v12;
	v50 =	vpack.i.f32.bf16 v7, v36;
	v33 =	vadd.f32 v48, v47  }
0x2d0: {  	v53 =	vld [tilespmem:s2+$0x60];
	v19 =	vadd.f32 v38, v19;
	v52 =	vunpack.i.l.bf16.f32 v63;
	v43 =	vunpack.i.u.bf16.f32 v63  }
0x2d1: {  	v57 =	vld [tilespmem:s2+$0x70];
	[tilespmem:s2+$0x40] =	vst v50;
	v13 =	vadd.f32 v13, v52;
	v39 =	vadd.f32 v46, v43;
	v54 =	vunpack.i.l.bf16.f32 v25  }
0x2d2: {  	v55 =	vld [tilespmem:s16+$0x30];
	v15 =	vadd.f32 v15, v33;
	v24 =	vunpack.i.u.bf16.f32 v25;
	v19 =	vadd.f32 v31, v19  }
0x2d3: {  	v60 =	vld [tilespmem:s7+$0x40];
	v25 =	vadd.f32 v49, v54;
	v24 =	vadd.f32 v51, v24;
	v58 =	vpack.i.f32.bf16 v39, v13  }
0x2d4: {  	v9 =	vadd.f32 v14, v9;
	v48 =	vld [tilespmem:s7+$0x50];
	v31 =	vmul.f32 v31, v31;
	v15 =	vadd.f32 v56, v15;
	[tilespmem:s7+$0x20] =	vst v58  }
0x2d5: {  	v52 =	vmul.f32 v27, v27;
	v19 =	vadd.f32 v28, v19;
	v63 =	vpack.i.f32.bf16 v24, v25;
	v62 =	vld [tilespmem:s17+$0x60]  }
0x2d6: {  	v27 =	vld [tilespmem:s23+$0x410];
	v54 =	vadd.f32 v32, v41;
	v28 =	vmul.f32 v28, v28;
	[tilespmem:s23+$0x60] =	vst v63;
	v15 =	vadd.f32 v61, v15  }
0x2d7: {  	v58 =	vmul.f32 v30, v30;
	v49 =	vunpack.i.l.bf16.f32 v55;
	v19 =	vadd.f32 v34, v19;
	v50 =	vld [tilespmem:s16+$0x40]  }
0x2d8: {  	v51 =	vld [tilespmem:s23+$0x400];
	v43 =	vunpack.i.u.bf16.f32 v55;
	v35 =	vadd.f32 v53, v49;
	v15 =	vadd.f32 v31, v15  }
0x2d9: {  	v34 =	vmul.f32 v34, v34;
	v43 =	vadd.f32 v57, v43;
	v19 =	vadd.f32 v40, v19  }
0x2da: {  	v15 =	vadd.f32 v28, v15;
	v31 =	vunpack.i.l.bf16.f32 v62;
	v38 =	vunpack.i.u.bf16.f32 v62  }
0x2db: {  	v53 =	vmul.f32 v40, v40;
	v31 =	vadd.f32 v60, v31;
	v38 =	vadd.f32 v48, v38  }
0x2dc: {  	v28 =	vunpack.i.l.bf16.f32 v50;
	v33 =	vunpack.i.u.bf16.f32 v50;
	v15 =	vadd.f32 v34, v15  }
0x2dd: {  	v57 =	vld [tilespmem:s7+$0x60];
	v44 =	vpack.i.f32.bf16 v43, v35;
	v28 =	vadd.f32 v51, v28;
	v27 =	vadd.f32 v27, v33  }
0x2de: {  	v30 =	vadd.f32 v30, v54;
	[tilespmem:s2+$0x60] =	vst v44;
	v19 =	vadd.f32 v13, v19;
	v62 =	vld [tilespmem:s23+$0x430];
	v42 =	vpack.i.f32.bf16 v38, v31  }
0x2df: {  	v13 =	vmul.f32 v13, v13;
	v33 =	vld [tilespmem:s16+$0x40];
	v15 =	vadd.f32 v53, v15;
	[tilespmem:s7+$0x40] =	vst v42;
	v56 =	vpack.i.f32.bf16 v27, v28  }
0x2e0: {  	v32 =	vmul.f32 v32, v32;
	v29 =	vadd.f32 v52, v29;
	v19 =	vadd.f32 v39, v19;
	v55 =	vld [tilespmem:s17+$0x70];
	[tilespmem:s23+$0x400] =	vst v56  }
0x2e1: {  	v30 =	vadd.f32 v36, v30;
	v13 =	vadd.f32 v13, v15;
	v15 =	vmul.f32 v39, v39;
	v59 =	vld [tilespmem:s16+$0x50]  }
0x2e2: {  	v29 =	vadd.f32 v32, v29;
	v60 =	vld [tilespmem:s23+$0x420];
	v19 =	vadd.f32 v31, v19  }
0x2e3: {  	v63 =	vld [tilespmem:s7+$0x70];
	v48 =	vadd.f32 v7, v30;
	v13 =	vadd.f32 v15, v13;
	v15 =	vmul.f32 v31, v31  }
0x2e4: {  	v49 =	vld [tilespmem:s2+$0x400];
	v51 =	vmul.f32 v38, v38;
	v42 =	vadd.f32 v58, v29;
	v19 =	vadd.f32 v38, v19  }
0x2e5: {  	v50 =	vunpack.i.u.bf16.f32 v33;
	v13 =	vadd.f32 v15, v13;
	v15 =	vld [tilespmem:s2+$0x410];
	v29 =	vunpack.i.l.bf16.f32 v55  }
0x2e6: {  	[tilespmem:s5+$0x60] =	vst v37;
	v29 =	vadd.f32 v57, v29;
	v30 =	vunpack.i.u.bf16.f32 v59;
	v31 =	vunpack.i.l.bf16.f32 v59  }
0x2e7: {  	s5 =	sor.u32 s1, s10;
	v37 =	vld [tilespmem:s15+$0x19000];
	v52 =	vunpack.i.u.bf16.f32 v55;
	v32 =	vadd.f32 v60, v31;
	v31 =	vadd.f32 v62, v30  }
0x2e8: {  	v53 =	vld [tilespmem:s5+$0x0];
	v33 =	vunpack.i.l.bf16.f32 v33;
	v13 =	vadd.f32 v51, v13;
	v30 =	vadd.f32 v63, v52  }
0x2e9: {  	v58 =	vld [tilespmem:s23+$0x440];
	v54 =	vmul.f32 v29, v29;
	v19 =	vadd.f32 v29, v19;
	v56 =	vpack.i.f32.bf16 v31, v32  }
0x2ea: {  	v61 =	vmul.f32 v36, v36;
	v33 =	vadd.f32 v49, v33;
	v55 =	vld [tilespmem:s5+$0x10];
	v15 =	vadd.f32 v15, v50;
	[tilespmem:s23+$0x420] =	vst v56  }
0x2eb: {  	v57 =	vmul.f32 v30, v30;
	v13 =	vadd.f32 v54, v13;
	v19 =	vadd.f32 v30, v19;
	v59 =	vld [tilespmem:s16+$0x60]  }
0x2ec: {  	v7 =	vmul.f32 v7, v7;
	v39 =	vadd.f32 v61, v42;
	v49 =	vld [tilespmem:s2+$0x430];
	v62 =	vpack.i.f32.bf16 v15, v33  }
0x2ed: {  	v60 =	vld [tilespmem:s23+$0x450];
	v13 =	vadd.f32 v57, v13;
	(xrf2) =	vadd.scan.msk.f32 $0xffff, v19;
	v19 =	vadd.f32 v35, v48;
	[tilespmem:s2+$0x400] =	vst v62  }
0x2ee: {  	v61 =	vunpack.i.u.bf16.f32 v37;
	v39 =	vadd.f32 v7, v39;
	v7 =	vunpack.i.l.bf16.f32 v37;
	v48 =	vld [tilespmem:s16+$0x50]  }
0x2ef: {  	v36 =	vadd.f32 v53, v7;
	v63 =	vld [tilespmem:s2+$0x420];
	(xrf2) =	vadd.scan.msk.f32 $0xffff, v13;
	v13 =	vmul.f32 v35, v35;
	v19 =	vadd.f32 v43, v19  }
0x2f0: {  	v53 =	vmul.f32 v43, v43;
	v37 =	vadd.f32 v55, v61;
	v7 =	vunpack.i.u.bf16.f32 v59  }
0x2f1: {  	v50 =	vunpack.i.l.bf16.f32 v59;
	v13 =	vadd.f32 v13, v39;
	v19 =	vadd.f32 v33, v19  }
0x2f2: {  	v14 =	vld [tilespmem:s5+$0x30];
	v52 =	vpack.i.f32.bf16 v37, v36;
	v34 =	vadd.f32 v58, v50;
	v7 =	vadd.f32 v60, v7  }
0x2f3: {  	v51 =	vld [tilespmem:s5+$0x20];
	[tilespmem:s5+$0x0] =	vst v52;
	v58 =	vmul.f32 v10, v10;
	v56 =	vunpack.i.u.bf16.f32 v48;
	v35 =	vunpack.i.l.bf16.f32 v48  }
0x2f4: {  	v55 =	vld [tilespmem:s17+$0x10];
	v42 =	vpack.i.f32.bf16 v7, v34;
	v35 =	vadd.f32 v63, v35;
	v38 =	vadd.f32 v49, v56  }
0x2f5: {  	v12 =	vadd.f32 v36, v12;
	v54 =	vmul.f32 v33, v33;
	v57 =	vld [tilespmem:s23+$0x460];
	v13 =	vadd.f32 v53, v13;
	[tilespmem:s23+$0x440] =	vst v42  }
0x2f6: {  	v36 =	vmul.f32 v36, v36;
	v43 =	vadd.f32 v58, v9;
	v59 =	vld [tilespmem:s16+$0x70];
	v9 =	vpack.i.f32.bf16 v38, v35  }
0x2f7: {  	v12 =	vadd.f32 v37, v12;
	v10 =	vmul.f32 v15, v15;
	v60 =	vld [tilespmem:s23+$0x470];
	v13 =	vadd.f32 v54, v13  }
0x2f8: {  	v37 =	vmul.f32 v37, v37;
	v15 =	vadd.f32 v15, v19;
	v36 =	vadd.f32 v36, v43;
	v19, _, _ =	vpop (xrf2)  }
0x2f9: {  	v61 =	vld [tilespmem:s2+$0x440];
	v13 =	vadd.f32 v10, v13;
	[tilespmem:s2+$0x420] =	vst v9;
	v10 =	vunpack.i.l.bf16.f32 v55;
	(v2sf) =	vpush v19, $0xF;
	v9, _, _ =	vpop (xrf2)  }
0x2fa: {  	v19 =	vld [tilespmem:s16+$0x60];
	v62 =	vadd.f32 v51, v10;
	(v2sf) =	vpush v9, $0xF;
	v9 =	vunpack.i.u.bf16.f32 v55  }
0x2fb: {  	v63 =	vld [tilespmem:s2+$0x450];
	v14 =	vadd.f32 v14, v9;
	v9 =	vunpack.i.u.bf16.f32 v59;
	v10 =	vunpack.i.l.bf16.f32 v59  }
0x2fc: {  	v48 =	vmul.f32 v35, v35;
	v10 =	vadd.f32 v57, v10;
	v9 =	vadd.f32 v60, v9  }
0x2fd: {  	v11 =	vmov s4;
	v49 =	vld [tilespmem:s5+$0x40];
	v15 =	vadd.f32 v35, v15;
	v50 =	vpack.i.f32.bf16 v14, v62  }
0x2fe: {  	s8 =	sadd.s32 $0x1000, s26;
	v51 =	vld [tilespmem:s5+$0x50];
	v36 =	vadd.f32 v37, v36;
	v13 =	vadd.f32 v48, v13;
	[tilespmem:s5+$0x20] =	vst v50;
	v52 =	vpack.i.f32.bf16 v9, v10  }
0x2ff: {  	s4 =	sor.u32 s28, s8;
	v33 =	vmul.f32 v62, v62;
	v53 =	vunpack.i.u.bf16.f32 v19;
	v19 =	vunpack.i.l.bf16.f32 v19;
	v42 =	vld [tilespmem:s17+$0x20];
	[tilespmem:s23+$0x460] =	vst v52  }
0x300: {  	v54 =	vmul.f32 v38, v38;
	v19 =	vadd.f32 v61, v19;
	v40 =	vadd.f32 v63, v53;
	v55 =	vld [tilespmem:s4+$0x0]  }
0x301: {  	v57 =	vadd.f32 v62, v12;
	v33 =	vadd.f32 v33, v36;
	v48 =	vmul.f32 v14, v14;
	v56 =	vld [tilespmem:s15+$0x18C00]  }
0x302: {  	v15 =	vadd.f32 v38, v15;
	v13 =	vadd.f32 v54, v13;
	v12 =	vpack.i.f32.bf16 v40, v19;
	v58 =	vld [tilespmem:s4+$0x10]  }
0x303: {  	v62 =	vld [tilespmem:s2+$0x470];
	v14 =	vadd.f32 v14, v57;
	v33 =	vadd.f32 v48, v33;
	[tilespmem:s2+$0x440] =	vst v12;
	v12 =	vmul.f32 v19, v19  }
0x304: {  	v15 =	vadd.f32 v19, v15;
	v59 =	vld [tilespmem:s16+$0x70];
	v60 =	vunpack.i.u.bf16.f32 v42;
	v42 =	vunpack.i.l.bf16.f32 v42  }
0x305: {  	v61 =	vld [tilespmem:s2+$0x460];
	v63 =	vadd.f32 v12, v13;
	v39 =	vadd.f32 v49, v42  }
0x306: {  	v37 =	vadd.f32 v51, v60;
	v12 =	vunpack.i.u.bf16.f32 v56;
	v13 =	vunpack.i.l.bf16.f32 v56  }
0x307: {  	v13 =	vadd.f32 v55, v13;
	v12 =	vadd.f32 v58, v12  }
0x308: {  	v38 =	vld [tilespmem:s4+$0x20];
	v19 =	vmul.f32 v40, v40;
	v15 =	vadd.f32 v40, v15;
	v47 =	vpack.i.f32.bf16 v37, v39  }
0x309: {  	v58 =	vld [tilespmem:s5+$0x60];
	s12 =	spop (v2sf);
	v49 =	vunpack.i.l.bf16.f32 v59;
	v51 =	vunpack.i.u.bf16.f32 v59;
	[tilespmem:s5+$0x40] =	vst v47;
	v50 =	vpack.i.f32.bf16 v12, v13  }
0x30a: {  	v53 =	vmul.f32 v39, v39;
	s10 =	smul.f32 $1.302083370e-03, s12;
	v35 =	vadd.f32 v61, v49;
	v52 =	vadd.f32 v62, v51;
	s23 =	spop (v2sf);
	v36 =	vld [tilespmem:s17+$0x30];
	[tilespmem:s4+$0x0] =	vst v50  }
0x30b: {  	v19 =	vadd.f32 v19, v63;
	v14 =	vadd.f32 v39, v14;
	v55 =	vmul.f32 v37, v37;
	s12 =	smul.f32 $1.302083370e-03, s23;
	v54 =	vld [tilespmem:s18+$0x10]  }
0x30c: {  	v59 =	vld [tilespmem:s5+$0x70];
	v33 =	vadd.f32 v53, v33;
	s24 =	smul.f32 s10, s10;
	v56 =	vmul.f32 v35, v35;
	v46 =	vpack.i.f32.bf16 v52, v35  }
0x30d: {  	v57 =	vld [tilespmem:s4+$0x30];
	v37 =	vadd.f32 v37, v14;
	v15 =	vadd.f32 v35, v15;
	v35 =	vmul.f32 v23, v23;
	[tilespmem:s2+$0x460] =	vst v46  }
0x30e: {  	v33 =	vadd.f32 v55, v33;
	s12 =	ssub.f32 s12, s24;
	v19 =	vadd.f32 v56, v19;
	v46 =	vld [tilespmem:s15+$0x18C00]  }
0x30f: {  	v60 =	vmul.f32 v52, v52;
	s2 =	sor.u32 s25, s8;
	v40 =	vadd.f32 v52, v15;
	v5 =	vadd.f32 v35, v5  }
0x310: {  	v61 =	vld [tilespmem:s2+$0x0];
	s12 =	sadd.f32 $9.999999960e-13, s12;
	v62 =	vunpack.i.u.bf16.f32 v36;
	v36 =	vunpack.i.l.bf16.f32 v36;
	v14 =	vunpack.i.u.bf16.f32 v54  }
0x311: {  	v63 =	vld [tilespmem:s2+$0x10];
	v15 =	vunpack.i.l.bf16.f32 v54;
	v36 =	vadd.f32 v58, v36;
	v41 =	vadd.f32 v59, v62  }
0x312: {  	v53 =	vmov s12;
	v15 =	vadd.f32 v38, v15;
	v14 =	vadd.f32 v57, v14  }
0x313: {  	v54 =	vshrl.u32 v53, $0x1;
	v48 =	vmul.f32 $5.000000000e-01, v53;
	v56 =	vunpack.i.l.bf16.f32 v46  }
0x314: {  	v38 =	vld [tilespmem:s6+$0x70];
	v57 =	vunpack.i.u.bf16.f32 v46;
	v59 =	vpack.i.f32.bf16 v41, v36;
	v37 =	vadd.f32 v36, v37  }
0x315: {  	v36 =	vmul.f32 v36, v36;
	v44 =	vsub.s32 $0x5F3759DF, v54;
	v39 =	vadd.f32 v61, v56  }
0x316: {  	v45 =	vld [tilespmem:s2+$0x20];
	v55 =	vpack.i.f32.bf16 v14, v15;
	v42 =	vadd.f32 v63, v57;
	v51 =	vmul.f32 v44, v48  }
0x317: {  	v52 =	vld [tilespmem:s4+$0x50];
	v19 =	vadd.f32 v60, v19;
	[tilespmem:s4+$0x20] =	vst v55;
	v33 =	vadd.f32 v36, v33;
	v62 =	vmul.f32 v39, v39  }
0x318: {  	v58 =	vld [tilespmem:s18+$0x20];
	v40 =	vadd.f32 v39, v40;
	v39 =	vpack.i.f32.bf16 v42, v39;
	v60 =	vmul.f32 v44, v51  }
0x319: {  	v61 =	vld [tilespmem:s4+$0x40];
	v47 =	vadd.f32 v41, v37;
	v41 =	vmul.f32 v41, v41;
	[tilespmem:s2+$0x0] =	vst v39;
	v26 =	vadd.f32 v38, v26  }
0x31a: {  	v63 =	vmul.f32 v42, v42;
	v51 =	vadd.f32 v62, v19;
	v55 =	vld [tilespmem:s18+$0x10];
	v43 =	vsub.f32 $1.500000000e+00, v60  }
0x31b: {  	v50 =	vld [tilespmem:s2+$0x30];
	[tilespmem:s5+$0x60] =	vst v59;
	v33 =	vadd.f32 v41, v33;
	v40 =	vadd.f32 v42, v40;
	v62 =	vmul.f32 v26, v26  }
0x31c: {  	s30 =	sor.u32 s1, s3;
	v42 =	vld [tilespmem:s17+$0x40];
	v39 =	vadd.f32 v63, v51;
	v37 =	vmul.f32 v44, v43;
	v43 =	vadd.f32 v23, v18  }
0x31d: {  	v46 =	vld [tilespmem:s30+$0x0];
	v18 =	vunpack.i.l.bf16.f32 v58;
	v56 =	vunpack.i.u.bf16.f32 v58;
	v5 =	vadd.f32 v62, v5  }
0x31e: {  	v36 =	vmul.f32 v4, v3;
	v44 =	vld [tilespmem:s30+$0x10];
	v19 =	vadd.f32 v61, v18;
	v18 =	vadd.f32 v52, v56  }
0x31f: {  	v57 =	vmul.f32 v37, v48;
	v59 =	vunpack.i.u.bf16.f32 v55;
	v60 =	vunpack.i.l.bf16.f32 v55  }
0x320: {  	v53 =	vld [tilespmem:s2+$0x40];
	v58 =	vpack.i.f32.bf16 v18, v19;
	v3 =	vadd.f32 v45, v60;
	v4 =	vadd.f32 v50, v59  }
0x321: {  	v63 =	vld [tilespmem:s4+$0x60];
	v61 =	vunpack.i.u.bf16.f32 v42;
	v42 =	vunpack.i.l.bf16.f32 v42;
	v43 =	vadd.f32 v26, v43;
	[tilespmem:s4+$0x40] =	vst v58  }
0x322: {  	v46 =	vadd.f32 v46, v42;
	v38 =	vmul.f32 v57, v37;
	v41 =	vld [tilespmem:s18+$0x30];
	v52 =	vpack.i.f32.bf16 v4, v3  }
0x323: {  	v55 =	vld [tilespmem:s4+$0x70];
	v58 =	vmul.f32 v3, v3;
	v44 =	vadd.f32 v44, v61;
	v3 =	vadd.f32 v3, v40;
	[tilespmem:s2+$0x20] =	vst v52  }
0x324: {  	v40 =	vadd.f32 v46, v47;
	v38 =	vsub.f32 $1.500000000e+00, v38;
	v59 =	vld [tilespmem:s18+$0x20]  }
0x325: {  	v54 =	vld [tilespmem:s2+$0x50];
	v62 =	vmul.f32 v4, v4;
	v39 =	vadd.f32 v58, v39;
	v3 =	vadd.f32 v4, v3  }
0x326: {  	v38 =	vmul.f32 v38, v37;
	v37 =	vpack.i.f32.bf16 v26, v23;
	v23 =	vpack.i.f32.bf16 v44, v46  }
0x327: {  	v35 =	vld [tilespmem:s30+$0x20];
	v40 =	vadd.f32 v44, v40;
	[tilespmem:s30+$0x0] =	vst v23;
	v61 =	vunpack.i.u.bf16.f32 v41;
	v26 =	vunpack.i.l.bf16.f32 v41  }
0x328: {  	v46 =	vmul.f32 v46, v46;
	v26 =	vadd.f32 v63, v26;
	v23 =	vadd.f32 v55, v61;
	v63 =	vld [tilespmem:s17+$0x50]  }
0x329: {  	v49 =	vld [tilespmem:s30+$0x30];
	(xrf2) =	vadd.scan.msk.f32 $0xffff, v43;
	v60 =	vmul.f32 v38, v48;
	v57 =	vunpack.i.u.bf16.f32 v59;
	v45 =	vunpack.i.l.bf16.f32 v59  }
0x32a: {  	s23 =	sadd.s32 $0x1400, s26;
	(xrf2) =	vadd.scan.msk.f32 $0xffff, v5;
	v48 =	vpack.i.f32.bf16 v23, v26;
	v45 =	vadd.f32 v53, v45;
	v58 =	vadd.f32 v54, v57  }
0x32b: {  	s24 =	sor.u32 s28, s23;
	v50 =	vld [tilespmem:s2+$0x60];
	v39 =	vadd.f32 v62, v39;
	v5 =	vadd.f32 v46, v33;
	v41 =	vpack.i.f32.bf16 v30, v29;
	[tilespmem:s4+$0x60] =	vst v48  }
0x32c: {  	v4 =	vmul.f32 v60, v38;
	v53 =	vld [tilespmem:s24+$0x0];
	v29 =	vpack.i.f32.bf16 v58, v45;
	v62 =	vadd.f32 v45, v3  }
0x32d: {  	v30 =	vld [tilespmem:s18+$0x40];
	v45 =	vmul.f32 v45, v45;
	v60 =	vunpack.i.u.bf16.f32 v63;
	v61 =	vunpack.i.l.bf16.f32 v63  }
0x32e: {  	[tilespmem:s2+$0x40] =	vst v29;
	v29 =	vld [tilespmem:s24+$0x10];
	v35 =	vadd.f32 v35, v61;
	v33 =	vadd.f32 v49, v60  }
0x32f: {  	v59 =	vmul.f32 v44, v44;
	v4 =	vsub.f32 $1.500000000e+00, v4;
	v63 =	vld [tilespmem:s18+$0x30];
	v39 =	vadd.f32 v45, v39  }
0x330: {  	v54 =	vld [tilespmem:s2+$0x70];
	v44 =	vadd.f32 v58, v62;
	v58 =	vmul.f32 v58, v58;
	v55 =	vpack.i.f32.bf16 v33, v35  }
0x331: {  	v5 =	vadd.f32 v59, v5;
	v40 =	vadd.f32 v35, v40;
	[tilespmem:s30+$0x20] =	vst v55  }
0x332: {  	v39 =	vadd.f32 v58, v39;
	v57 =	vunpack.i.u.bf16.f32 v30;
	v30 =	vunpack.i.l.bf16.f32 v30;
	v59 =	vld [tilespmem:s17+$0x60]  }
0x333: {  	v35 =	vmul.f32 v35, v35;
	v61, _, _ =	vpop (xrf2);
	v30 =	vadd.f32 v53, v30;
	v29 =	vadd.f32 v29, v57  }
0x334: {  	v56 =	vld [tilespmem:s30+$0x40];
	(v2sf) =	vpush v61, $0xF;
	v60 =	vunpack.i.u.bf16.f32 v63;
	v47 =	vunpack.i.l.bf16.f32 v63  }
0x335: {  	v52 =	vld [tilespmem:s30+$0x50];
	v47 =	vadd.f32 v50, v47;
	v45 =	vadd.f32 v54, v60;
	v62 =	vpack.i.f32.bf16 v29, v30  }
0x336: {  	v58 =	vld [tilespmem:s24+$0x30];
	v5 =	vadd.f32 v35, v5;
	v53, _, _ =	vpop (xrf2);
	v63 =	vmul.f32 v33, v33;
	v33 =	vadd.f32 v33, v40;
	[tilespmem:s24+$0x0] =	vst v62  }
0x337: {  	(v2sf) =	vpush v53, $0xF;
	v54 =	vpack.i.f32.bf16 v45, v47;
	v55 =	vld [tilespmem:s18+$0x50];
	v57 =	vunpack.i.u.bf16.f32 v59  }
0x338: {  	v35 =	vld [tilespmem:s24+$0x20];
	[tilespmem:s2+$0x60] =	vst v54;
	v48 =	vunpack.i.l.bf16.f32 v59;
	v59 =	vadd.f32 v47, v44;
	v47 =	vmul.f32 v47, v47  }
0x339: {  	s5 =	sor.u32 s25, s23;
	v5 =	vadd.f32 v63, v5;
	v44 =	vmul.f32 v4, v38;
	v51 =	vld [tilespmem:s18+$0x40];
	v4 =	vadd.f32 v56, v48  }
0x33a: {  	v38 =	vadd.f32 v52, v57;
	v60 =	vld [tilespmem:s5+$0x0];
	v39 =	vadd.f32 v47, v39  }
0x33b: {  	v61 =	vmul.f32 v45, v45;
	v45 =	vadd.f32 v45, v59;
	v62 =	vadd.f32 v4, v33  }
0x33c: {  	v63 =	vld [tilespmem:s5+$0x10];
	v52 =	vpack.i.f32.bf16 v38, v4;
	v57 =	vunpack.i.u.bf16.f32 v55;
	v46 =	vunpack.i.l.bf16.f32 v55  }
0x33d: {  	v4 =	vmul.f32 v4, v4;
	v35 =	vadd.f32 v35, v46;
	v33 =	vadd.f32 v58, v57  }
0x33e: {  	v59 =	vmul.f32 v38, v38;
	v39 =	vadd.f32 v61, v39;
	v58 =	vunpack.i.l.bf16.f32 v51  }
0x33f: {  	v4 =	vadd.f32 v4, v5;
	v46 =	vadd.f32 v60, v58;
	v60 =	vpack.i.f32.bf16 v33, v35  }
0x340: {  	v55 =	vld [tilespmem:s24+$0x50];
	v5 =	vadd.f32 v38, v62;
	v62 =	vadd.f32 $0.0e+00, v16;
	v51 =	vunpack.i.u.bf16.f32 v51;
	[tilespmem:s24+$0x20] =	vst v60  }
0x341: {  	v16 =	vmul.f32 v16, v16;
	v47 =	vadd.f32 v63, v51;
	v63 =	vmul.f32 v6, v6;
	v51 =	vld [tilespmem:s18+$0x60]  }
0x342: {  	v38 =	vld [tilespmem:s24+$0x40];
	v6 =	vadd.f32 v6, v62;
	v60 =	vmul.f32 v20, v20;
	v61 =	vmul.f32 v46, v46  }
0x343: {  	v45 =	vadd.f32 v46, v45;
	v46 =	vpack.i.f32.bf16 v47, v46;
	v16 =	vadd.f32 v63, v16  }
0x344: {  	v43 =	vmov s10;
	v4 =	vadd.f32 v59, v4;
	v6 =	vadd.f32 v20, v6;
	[tilespmem:s5+$0x0] =	vst v46  }
0x345: {  	[tilespmem:s30+$0x40] =	vst v52;
	v52 =	vmul.f32 v17, v17;
	v59 =	vadd.f32 v61, v39;
	v62 =	vld [tilespmem:s18+$0x50];
	v16 =	vadd.f32 v60, v16  }
0x346: {  	v53 =	vld [tilespmem:s5+$0x20];
	v6 =	vadd.f32 v17, v6;
	v20 =	vunpack.i.u.bf16.f32 v51;
	v63 =	vunpack.i.l.bf16.f32 v51  }
0x347: {  	v40 =	vld [tilespmem:s5+$0x30];
	v61 =	vmul.f32 v47, v47;
	v39 =	vadd.f32 v38, v63;
	v38 =	vadd.f32 v55, v20  }
0x348: {  	v45 =	vadd.f32 v47, v45;
	v17 =	vmul.f32 v22, v22;
	v16 =	vadd.f32 v52, v16  }
0x349: {  	v6 =	vadd.f32 v22, v6;
	v20 =	vadd.f32 v61, v59;
	v57 =	vpack.i.f32.bf16 v38, v39  }
0x34a: {  	v22 =	vld [tilespmem:s24+$0x60];
	v16 =	vadd.f32 v17, v16;
	v59 =	vmul.f32 v21, v21;
	v47 =	vunpack.i.l.bf16.f32 v62;
	[tilespmem:s24+$0x40] =	vst v57  }
0x34b: {  	v6 =	vadd.f32 v21, v6;
	v58 =	vunpack.i.u.bf16.f32 v62;
	v47 =	vadd.f32 v53, v47;
	v60 =	vld [tilespmem:s18+$0x70]  }
0x34c: {  	v21 =	vld [tilespmem:s24+$0x70];
	v62 =	vmul.f32 v25, v25;
	v40 =	vadd.f32 v40, v58;
	v48 =	vadd.f32 v59, v16  }
0x34d: {  	[tilespmem:s7+$0x60] =	vst v41;
	v41 =	vmul.f32 v7, v7;
	v6 =	vadd.f32 v25, v6;
	v45 =	vadd.f32 v47, v45  }
0x34e: {  	v49 =	vld [tilespmem:s17+$0x70];
	v53 =	vpack.i.f32.bf16 v40, v47;
	v47 =	vmul.f32 v47, v47;
	v48 =	vadd.f32 v62, v48  }
0x34f: {  	v42 =	vld [tilespmem:s30+$0x60];
	v63 =	vmul.f32 v24, v24;
	v6 =	vadd.f32 v24, v6;
	[tilespmem:s5+$0x20] =	vst v53;
	v45 =	vadd.f32 v40, v45  }
0x350: {  	v53 =	vld [tilespmem:s18+$0x60];
	v20 =	vadd.f32 v47, v20;
	v24 =	vunpack.i.u.bf16.f32 v60;
	v25 =	vunpack.i.l.bf16.f32 v60  }
0x351: {  	v54 =	vld [tilespmem:s5+$0x40];
	v57 =	vmul.f32 v40, v40;
	v25 =	vadd.f32 v22, v25;
	v40 =	vadd.f32 v21, v24  }
0x352: {  	v56 =	vld [tilespmem:s5+$0x50];
	v21 =	vadd.f32 v63, v48;
	v22 =	vadd.f32 v28, v6;
	v24 =	vmul.f32 v28, v28  }
0x353: {  	s4 =	sadd.s32 $0x1800, s26;
	v61 =	vunpack.i.l.bf16.f32 v49;
	v58 =	vadd.f32 v57, v20;
	v28 =	vpack.i.f32.bf16 v40, v25  }
0x354: {  	s8 =	spop (v2sf);
	v21 =	vadd.f32 v24, v21;
	v22 =	vadd.f32 v27, v22;
	v24 =	vmul.f32 v27, v27;
	[tilespmem:s24+$0x60] =	vst v28;
	s24 =	sor.u32 s28, s4  }
0x355: {  	[tilespmem:s0+$0x60] =	vst v8;
	s10 =	simm.s32 $0x1A080;
	s2 =	smul.f32 $1.302083370e-03, s8;
	v6 =	vadd.f32 v42, v61;
	v8 =	vunpack.i.u.bf16.f32 v53;
	v20 =	vunpack.i.l.bf16.f32 v53;
	v27 =	vld [tilespmem:s24+$0x0]  }
0x356: {  	[tilespmem:s10+$0x0] =	vst v11;
	v11 =	vadd.f32 v24, v21;
	v21 =	vadd.f32 v32, v22;
	v22 =	vmul.f32 v32, v32;
	v24 =	vld [tilespmem:s15+$0x19000]  }
0x357: {  	s31 =	simm.s32 $0x1B080;
	s12 =	spop (v2sf);
	v46 =	vmov s2;
	v28 =	vadd.f32 v54, v20;
	v20 =	vadd.f32 v56, v8;
	v59 =	vld [tilespmem:s24+$0x10]  }
0x358: {  	[tilespmem:s31+$0x0] =	vst v36;
	s23 =	smul.f32 $1.302083370e-03, s12;
	v11 =	vadd.f32 v22, v11;
	v60 =	vadd.f32 v31, v21;
	v31 =	vmul.f32 v31, v31  }
0x359: {  	[tilespmem:s6+$0x60] =	vst v37;
	s2 =	smul.f32 s2, s2;
	v63 =	vmul.f32 v34, v34;
	v8 =	vunpack.i.u.bf16.f32 v49;
	v61 =	vpack.i.f32.bf16 v20, v28  }
0x35a: {  	s1 =	simm.s32 $0x1A180;
	v3 =	vld [tilespmem:s30+$0x70];
	v62 =	vmul.f32 v28, v28;
	v22 =	vadd.f32 v28, v45;
	[tilespmem:s5+$0x40] =	vst v61;
	v31 =	vadd.f32 v31, v11  }
0x35b: {  	s0 =	simm.s32 $0x1B180;
	[tilespmem:s1+$0x0] =	vst v43;
	s2 =	ssub.f32 s23, s2;
	v36 =	vadd.f32 v34, v60;
	v34 =	vld [tilespmem:s18+$0x70];
	v11 =	vunpack.i.u.bf16.f32 v24;
	v24 =	vunpack.i.l.bf16.f32 v24  }
0x35c: {  	s6 =	simm.s32 $0x1A180;
	s7 =	simm.s32 $0x4;
	[tilespmem:s0+$0x0] =	vst v44;
	v17 =	vld [tilespmem:s5+$0x60];
	v21 =	vmul.f32 v20, v20;
	v28 =	vadd.f32 v27, v24;
	v27 =	vadd.f32 v59, v11  }
0x35d: {  	s12 =	simm.s32 $0x1B180;
	[tilespmem:s10+$0xFFFFFF80] =	vst v46;
	s10 =	sor.u32 s25, s4;
	s3 =	sadd.f32 $9.999999960e-13, s2;
	v16 =	vld [tilespmem:s5+$0x70];
	v11 =	vmul.f32 v6, v6;
	v24 =	vadd.f32 v62, v58;
	v37 =	vadd.f32 v63, v31  }
.LBB2_10:
0x35e: {  	s7 =	sadd.s32 $0x2, s7;
	v20 =	vadd.f32 v20, v22;
	v7 =	vadd.f32 v7, v36;
	v22 =	vpack.i.f32.bf16 v27, v28  }
0x35f: {  	v31 =	vmul.f32 v10, v10;
	s2 =	sadd.s32 s14, s7;
	p3 =	slt.u32 s7, $0x1E;
	v21 =	vadd.f32 v21, v24;
	v24 =	vadd.f32 v41, v37;
	[tilespmem:s24+$0x0] =	vst v22;
	v22 =	vld [tilespmem:s24+$0x20]  }
0x360: {  	s2 =	sshrl.u32 s2, $0x3;
	v32 =	vunpack.i.u.bf16.f32 v34;
	v34 =	vunpack.i.l.bf16.f32 v34;
	v7 =	vadd.f32 v10, v7;
	v10 =	vld [tilespmem:s17+$0x10]  }
0x361: {  	s2 =	smul.u32 $0x6000, s2;
	v17 =	vadd.f32 v17, v34;
	v24 =	vadd.f32 v31, v24;
	v31 =	vmul.f32 v9, v9;
	v34 =	vld [tilespmem:s24+$0x30]  }
0x362: {  	v16 =	vadd.f32 v16, v32;
	v7 =	vadd.f32 v9, v7;
	v9 =	vmov s3  }
0x363: {  	s29 =	sadd.s32 $0x100, s29;
	s4 =	sshra.s32 s2, $0x2;
	v20 =	vadd.f32 v17, v20;
	v24 =	vadd.f32 v31, v24;
	v31 =	vmul.f32 v13, v13  }
0x364: {  	s8 =	sand.u32 $0x380, s29;
	s2 =	sadd.s32 $0xFFFFFF80, s29;
	v32 =	vpack.i.f32.bf16 v16, v17;
	v17 =	vmul.f32 v17, v17;
	s3 =	sadd.s32 $0x800, s4;
	v7 =	vadd.f32 v13, v7  }
0x365: {  	s23 =	sand.u32 $0x300, s2;
	v13 =	vld [tilespmem:s15+$0x18800];
	s2 =	sor.u32 s8, s3;
	[tilespmem:s5+$0x60] =	vst v32;
	v24 =	vadd.f32 v31, v24;
	v31 =	vunpack.i.u.bf16.f32 v10;
	v10 =	vunpack.i.l.bf16.f32 v10  }
0x366: {  	v37 =	vmul.f32 v12, v12;
	s3 =	sor.u32 s23, s3;
	v36 =	vld [tilespmem:s2+$0x0];
	v32 =	vadd.f32 v22, v10;
	v31 =	vadd.f32 v34, v31  }
0x367: {  	v41 =	vmul.f32 v16, v16;
	v21 =	vadd.f32 v17, v21;
	v12 =	vadd.f32 v12, v7;
	v10 =	vld [tilespmem:s2+$0x10]  }
0x368: {  	v17 =	vadd.f32 v37, v24;
	v24 =	vmul.f32 v15, v15;
	v22 =	vld [tilespmem:s3+$0x0];
	v34 =	vpack.i.f32.bf16 v31, v32  }
0x369: {  	v7 =	vadd.f32 v16, v20;
	v37 =	vshrl.u32 v9, $0x1;
	v12 =	vadd.f32 v15, v12;
	[tilespmem:s24+$0x20] =	vst v34;
	v15 =	vld [tilespmem:s24+$0x40]  }
0x36a: {  	v24 =	vadd.f32 v24, v17;
	v34 =	vmul.f32 v14, v14;
	v20 =	vunpack.i.l.bf16.f32 v13;
	v42 =	vld [tilespmem:s17+$0x20]  }
0x36b: {  	v43 =	vunpack.i.u.bf16.f32 v13;
	v12 =	vadd.f32 v14, v12;
	v17 =	vadd.f32 v36, v20;
	v14 =	vld [tilespmem:s24+$0x50]  }
0x36c: {  	v13 =	vmul.f32 v19, v19;
	v44 =	vld [tilespmem:s3+$0x10];
	v16 =	vadd.f32 v10, v43;
	v10 =	vadd.f32 v34, v24  }
0x36d: {  	v12 =	vadd.f32 v19, v12;
	v20 =	vadd.f32 v22, v20;
	v24 =	vld [tilespmem:s3+$0x20];
	v22 =	vmul.f32 $5.000000000e-01, v9  }
0x36e: {  	v19 =	vmul.f32 v18, v18;
	v45 =	vld [tilespmem:s3+$0x30];
	v9 =	vpack.i.f32.bf16 v16, v17;
	v10 =	vadd.f32 v13, v10  }
0x36f: {  	v12 =	vadd.f32 v18, v12;
	v13 =	vld [tilespmem:s3+$0x40];
	v18 =	vunpack.i.u.bf16.f32 v42;
	v34 =	vunpack.i.l.bf16.f32 v42  }
0x370: {  	v42 =	vmul.f32 v20, v20;
	[tilespmem:s2+$0x0] =	vst v9;
	v46 =	vld [tilespmem:s2+$0x20];
	v36 =	vadd.f32 v15, v34;
	v34 =	vadd.f32 v14, v18  }
0x371: {  	v10 =	vadd.f32 v19, v10;
	v15 =	vmul.f32 v26, v26;
	v9 =	vadd.f32 v44, v43;
	v14 =	vld [tilespmem:s16+$0x10]  }
0x372: {  	v18 =	vadd.f32 $0.0e+00, v20;
	v12 =	vadd.f32 v26, v12;
	v19 =	vld [tilespmem:s2+$0x30];
	v26 =	vpack.i.f32.bf16 v34, v36  }
0x373: {  	v10 =	vadd.f32 v15, v10;
	v15 =	vmul.f32 v23, v23;
	v20 =	vpack.i.f32.bf16 v9, v20;
	[tilespmem:s24+$0x40] =	vst v26;
	v43 =	vld [tilespmem:s24+$0x60]  }
0x374: {  	v12 =	vadd.f32 v23, v12;
	v18 =	vadd.f32 v9, v18;
	v44 =	vmul.f32 v9, v9;
	[tilespmem:s3+$0x0] =	vst v20;
	v47 =	vld [tilespmem:s17+$0x30]  }
0x375: {  	v9 =	vadd.f32 v41, v21;
	v10 =	vadd.f32 v15, v10;
	v15 =	vmul.f32 v30, v30;
	v48 =	vld [tilespmem:s24+$0x70]  }
0x376: {  	v12 =	vadd.f32 v30, v12;
	v49 =	vld [tilespmem:s16+$0x10];
	v20 =	vunpack.i.u.bf16.f32 v14;
	v14 =	vunpack.i.l.bf16.f32 v14  }
0x377: {  	v10 =	vadd.f32 v15, v10;
	v50 =	vld [tilespmem:s3+$0x50];
	v21 =	vadd.f32 v46, v14;
	v14 =	vmul.f32 v29, v29  }
0x378: {  	v12 =	vadd.f32 v29, v12;
	v20 =	vadd.f32 v19, v20;
	v29 =	vsub.s32 $0x5F3759DF, v37;
	v23 =	vld [tilespmem:s3+$0x60]  }
0x379: {  	v26 =	vld [tilespmem:s3+$0x70];
	v10 =	vadd.f32 v14, v10;
	v14 =	vunpack.i.u.bf16.f32 v47;
	v19 =	vunpack.i.l.bf16.f32 v47  }
0x37a: {  	v30 =	vmul.f32 v35, v35;
	v15 =	vld [tilespmem:s3+$0x400];
	v41 =	vadd.f32 v43, v19;
	v37 =	vadd.f32 v48, v14  }
0x37b: {  	v12 =	vadd.f32 v35, v12;
	v43 =	vpack.i.f32.bf16 v20, v21;
	v14 =	vunpack.i.u.bf16.f32 v49;
	v19 =	vld [tilespmem:s3+$0x410]  }
0x37c: {  	s5 =	sadd.s32 $0x1C00, s26;
	s26 =	smov.u32 s4;
	v10 =	vadd.f32 v30, v10;
	v30 =	vmul.f32 v33, v33;
	[tilespmem:s2+$0x20] =	vst v43;
	v43 =	vld [tilespmem:s2+$0x40];
	v35 =	vpack.i.f32.bf16 v37, v41  }
0x37d: {  	s4 =	sor.u32 s25, s5;
	s5 =	sor.u32 s28, s5;
	s28 =	smov.u32 s8;
	v12 =	vadd.f32 v33, v12;
	v46 =	vunpack.i.l.bf16.f32 v49;
	v45 =	vadd.f32 v45, v14;
	v14 =	vld [tilespmem:s16+$0x20];
	[tilespmem:s24+$0x60] =	vst v35  }
0x37e: {  	s25 =	smov.u32 s23;
	v24 =	vadd.f32 v24, v46;
	v10 =	vadd.f32 v30, v10;
	v30 =	vmul.f32 v39, v39;
	v46 =	vld [tilespmem:s5+$0x0]  }
0x37f: {  	v42 =	vadd.f32 v44, v42;
	v12 =	vadd.f32 v39, v12;
	v35 =	vmul.f32 v45, v45;
	v39 =	vld [tilespmem:s17+$0x40]  }
0x380: {  	v33 =	vpack.i.f32.bf16 v45, v24;
	v10 =	vadd.f32 v30, v10;
	v30 =	vmul.f32 v38, v38;
	v44 =	vld [tilespmem:s5+$0x10]  }
0x381: {  	v47 =	vadd.f32 v24, v18;
	v48 =	vmul.f32 v24, v24;
	v12 =	vadd.f32 v38, v12;
	[tilespmem:s3+$0x20] =	vst v33;
	v18 =	vld [tilespmem:s2+$0x50]  }
0x382: {  	v49 =	vmul.f32 v25, v25;
	v10 =	vadd.f32 v30, v10;
	v38 =	vld [tilespmem:s16+$0x20];
	v24 =	vunpack.i.l.bf16.f32 v14  }
0x383: {  	v12 =	vadd.f32 v25, v12;
	v51 =	vunpack.i.u.bf16.f32 v14;
	v30 =	vld [tilespmem:s3+$0x420];
	v24 =	vadd.f32 v43, v24  }
0x384: {  	v43 =	vadd.f32 v49, v10;
	v33 =	vld [tilespmem:s3+$0x430];
	v14 =	vunpack.i.u.bf16.f32 v39;
	v25 =	vunpack.i.l.bf16.f32 v39  }
0x385: {  	v39 =	vmul.f32 v40, v40;
	v10 =	vld [tilespmem:s3+$0x440];
	v46 =	vadd.f32 v46, v25;
	v49 =	vadd.f32 v44, v14  }
0x386: {  	v14 =	vld [tilespmem:s3+$0x450];
	v25 =	vadd.f32 v18, v51;
	v18 =	vadd.f32 v40, v12;
	v40 =	vmul.f32 v29, v22  }
0x387: {  	v39 =	vadd.f32 v39, v43;
	v43 =	vmul.f32 v28, v28;
	v12 =	vld [tilespmem:s3+$0x460];
	v44 =	vpack.i.f32.bf16 v49, v46  }
0x388: {  	v51 =	vunpack.i.u.bf16.f32 v38;
	v38 =	vunpack.i.l.bf16.f32 v38;
	v18 =	vadd.f32 v28, v18;
	[tilespmem:s5+$0x0] =	vst v44;
	v28 =	vld [tilespmem:s5+$0x20]  }
0x389: {  	v44 =	vpack.i.f32.bf16 v25, v24;
	v39 =	vadd.f32 v43, v39;
	v43 =	vmul.f32 v27, v27;
	v52 =	vld [tilespmem:s17+$0x50]  }
0x38a: {  	v38 =	vadd.f32 v13, v38;
	[tilespmem:s2+$0x40] =	vst v44;
	v27 =	vadd.f32 v27, v18;
	v44 =	vld [tilespmem:s5+$0x30];
	v18 =	vmul.f32 v29, v40  }
0x38b: {  	v40 =	vadd.f32 v50, v51;
	v39 =	vadd.f32 v43, v39;
	v43 =	vmul.f32 v32, v32;
	v50 =	vld [tilespmem:s16+$0x30]  }
0x38c: {  	v42 =	vadd.f32 v48, v42;
	v48 =	vmul.f32 v38, v38;
	v13 =	vld [tilespmem:s3+$0x470];
	v27 =	vadd.f32 v32, v27  }
0x38d: {  	v32 =	vadd.f32 v45, v47;
	v45 =	vpack.i.f32.bf16 v40, v38;
	v39 =	vadd.f32 v43, v39;
	v47 =	vld [tilespmem:s2+$0x60]  }
0x38e: {  	[tilespmem:s3+$0x40] =	vst v45;
	v45 =	vld [tilespmem:s2+$0x70];
	v27 =	vadd.f32 v31, v27;
	v43 =	vunpack.i.u.bf16.f32 v52;
	v51 =	vunpack.i.l.bf16.f32 v52  }
0x38f: {  	v31 =	vmul.f32 v31, v31;
	v52 =	vld [tilespmem:s16+$0x30];
	v51 =	vadd.f32 v28, v51;
	v53 =	vadd.f32 v44, v43  }
0x390: {  	v32 =	vadd.f32 v38, v32;
	v28 =	vunpack.i.l.bf16.f32 v50;
	v44 =	vld [tilespmem:s15+$0x19000];
	v27 =	vadd.f32 v36, v27  }
0x391: {  	v31 =	vadd.f32 v31, v39;
	v36 =	vmul.f32 v36, v36;
	v43 =	vld [tilespmem:s10+$0x0];
	v38 =	vpack.i.f32.bf16 v53, v51  }
0x392: {  	v39 =	vunpack.i.u.bf16.f32 v50;
	v28 =	vadd.f32 v47, v28;
	v47 =	vadd.f32 v34, v27;
	[tilespmem:s5+$0x20] =	vst v38;
	v38 =	vld [tilespmem:s5+$0x40]  }
0x393: {  	v31 =	vadd.f32 v36, v31;
	v34 =	vmul.f32 v34, v34;
	v27 =	vadd.f32 v45, v39;
	v36 =	vld [tilespmem:s17+$0x60]  }
0x394: {  	v39 =	vunpack.i.u.bf16.f32 v52;
	v45 =	vunpack.i.l.bf16.f32 v52;
	v47 =	vadd.f32 v41, v47;
	v50 =	vld [tilespmem:s5+$0x50]  }
0x395: {  	v31 =	vadd.f32 v34, v31;
	v34 =	vmul.f32 v41, v41;
	v52 =	vpack.i.f32.bf16 v27, v28;
	v54 =	vld [tilespmem:s10+$0x10]  }
0x396: {  	v55 =	vmul.f32 v40, v40;
	v45 =	vadd.f32 v23, v45;
	[tilespmem:s2+$0x60] =	vst v52;
	v41 =	vld [tilespmem:s10+$0x20];
	v23 =	vadd.f32 v37, v47  }
0x397: {  	v47 =	vadd.f32 v26, v39;
	v31 =	vadd.f32 v34, v31;
	v34 =	vmul.f32 v37, v37;
	v26 =	vld [tilespmem:s16+$0x40]  }
0x398: {  	v37 =	vld [tilespmem:s2+$0x400];
	v23 =	vadd.f32 v46, v23;
	v39 =	vunpack.i.u.bf16.f32 v36;
	v36 =	vunpack.i.l.bf16.f32 v36  }
0x399: {  	v52 =	vpack.i.f32.bf16 v47, v45;
	v56 =	vld [tilespmem:s2+$0x410];
	v36 =	vadd.f32 v38, v36;
	v38 =	vadd.f32 v50, v39  }
0x39a: {  	v35 =	vadd.f32 v35, v42;
	v31 =	vadd.f32 v34, v31;
	v34 =	vmul.f32 v46, v46;
	[tilespmem:s3+$0x60] =	vst v52;
	v42 =	vld [tilespmem:s10+$0x30]  }
0x39b: {  	v46 =	vadd.f32 v40, v32;
	v23 =	vadd.f32 v49, v23;
	v50 =	vld [tilespmem:s16+$0x40];
	v32 =	vpack.i.f32.bf16 v38, v36  }
0x39c: {  	v34 =	vadd.f32 v34, v31;
	v49 =	vmul.f32 v49, v49;
	v40 =	vunpack.i.l.bf16.f32 v26;
	v39 =	vld [tilespmem:s10+$0x40];
	[tilespmem:s5+$0x40] =	vst v32  }
0x39d: {  	v26 =	vunpack.i.u.bf16.f32 v26;
	v23 =	vadd.f32 v51, v23;
	v32 =	vadd.f32 v37, v40;
	v37 =	vld [tilespmem:s17+$0x70]  }
0x39e: {  	v31 =	vadd.f32 v56, v26;
	v26 =	vadd.f32 v49, v34;
	v34 =	vmul.f32 v51, v51;
	v49 =	vld [tilespmem:s5+$0x60]  }
0x39f: {  	v48 =	vadd.f32 v48, v35;
	v51 =	vmul.f32 v45, v45;
	v23 =	vadd.f32 v53, v23;
	v40 =	vld [tilespmem:s10+$0x50]  }
0x3a0: {  	v35 =	vpack.i.f32.bf16 v31, v32;
	v26 =	vadd.f32 v34, v26;
	v34 =	vmul.f32 v53, v53;
	v52 =	vld [tilespmem:s5+$0x70]  }
0x3a1: {  	v53 =	vunpack.i.u.bf16.f32 v50;
	v50 =	vunpack.i.l.bf16.f32 v50;
	v23 =	vadd.f32 v36, v23;
	[tilespmem:s2+$0x400] =	vst v35;
	v35 =	vld [tilespmem:s10+$0x60]  }
0x3a2: {  	v56 =	vld [tilespmem:s16+$0x50];
	v26 =	vadd.f32 v34, v26;
	v34 =	vmul.f32 v36, v36;
	v36 =	vunpack.i.l.bf16.f32 v37  }
0x3a3: {  	v57 =	vmul.f32 v47, v47;
	v59 =	vadd.f32 v38, v23;
	v58 =	vld [tilespmem:s2+$0x420];
	v23 =	vadd.f32 v49, v36  }
0x3a4: {  	v36 =	vmul.f32 v38, v38;
	v49 =	vld [tilespmem:s2+$0x430];
	v34 =	vadd.f32 v34, v26;
	v26 =	vunpack.i.u.bf16.f32 v37  }
0x3a5: {  	v37 =	vunpack.i.u.bf16.f32 v44;
	v38 =	vld [tilespmem:s10+$0x70];
	v26 =	vadd.f32 v52, v26;
	v52 =	vadd.f32 v23, v59  }
0x3a6: {  	v15 =	vadd.f32 v15, v50;
	v34 =	vadd.f32 v36, v34;
	v36 =	vmul.f32 v23, v23  }
0x3a7: {  	v19 =	vadd.f32 v19, v53;
	v50 =	vunpack.i.u.bf16.f32 v56;
	v52 =	vadd.f32 v26, v52  }
0x3a8: {  	v53 =	vunpack.i.l.bf16.f32 v56;
	v59 =	vmul.f32 v26, v26;
	v56 =	vadd.f32 v36, v34  }
0x3a9: {  	v60 =	vpack.i.f32.bf16 v19, v15;
	v36 =	vadd.f32 v58, v53;
	v34 =	vadd.f32 v49, v50;
	(xrf2) =	vadd.scan.msk.f32 $0xffff, v52  }
0x3aa: {  	v45 =	vadd.f32 v45, v46;
	v46 =	vmul.f32 v15, v15;
	[tilespmem:s3+$0x400] =	vst v60;
	v49 =	vadd.f32 v59, v56  }
0x3ab: {  	v48 =	vadd.f32 v55, v48;
	v50 =	vmul.f32 v19, v19;
	v52 =	vld [tilespmem:s16+$0x50];
	v53 =	vpack.i.f32.bf16 v34, v36  }
0x3ac: {  	v45 =	vadd.f32 v47, v45;
	v44 =	vunpack.i.l.bf16.f32 v44;
	[tilespmem:s2+$0x420] =	vst v53;
	v47 =	vld [tilespmem:s2+$0x440];
	(xrf2) =	vadd.scan.msk.f32 $0xffff, v49  }
0x3ad: {  	v48 =	vadd.f32 v51, v48;
	v43 =	vadd.f32 v43, v44;
	v49 =	vld [tilespmem:s16+$0x60]  }
0x3ae: {  	v15 =	vadd.f32 v15, v45;
	v45 =	vadd.f32 v54, v37;
	v44 =	vld [tilespmem:s2+$0x450]  }
0x3af: {  	v37 =	vadd.f32 v57, v48;
	v48 =	vadd.f32 v43, v7;
	v51 =	vmul.f32 v43, v43  }
0x3b0: {  	v15 =	vadd.f32 v19, v15;
	v7 =	vunpack.i.u.bf16.f32 v52;
	v19 =	vunpack.i.l.bf16.f32 v52  }
0x3b1: {  	v19 =	vadd.f32 v30, v19;
	v30 =	vadd.f32 v33, v7;
	v7 =	vpack.i.f32.bf16 v45, v43  }
0x3b2: {  	v33 =	vadd.f32 v46, v37;
	v43 =	vunpack.i.u.bf16.f32 v49;
	v37 =	vunpack.i.l.bf16.f32 v49;
	[tilespmem:s10+$0x0] =	vst v7  }
0x3b3: {  	v46 =	vpack.i.f32.bf16 v30, v19;
	v37 =	vadd.f32 v47, v37;
	v7 =	vadd.f32 v44, v43;
	v43 =	vld [tilespmem:s17+$0x10];
	v44, _, _ =	vpop (xrf2)  }
0x3b4: {  	v33 =	vadd.f32 v50, v33;
	v15 =	vadd.f32 v19, v15;
	v19 =	vmul.f32 v19, v19;
	[tilespmem:s3+$0x420] =	vst v46  }
0x3b5: {  	v50 =	vadd.f32 v51, v9;
	v46 =	vmul.f32 v30, v30;
	v47 =	vld [tilespmem:s16+$0x60];
	v49 =	vpack.i.f32.bf16 v7, v37  }
0x3b6: {  	v9 =	vadd.f32 v19, v33;
	v33 =	vmul.f32 v45, v45;
	[tilespmem:s2+$0x440] =	vst v49;
	v19 =	vld [tilespmem:s2+$0x460];
	(v2sf) =	vpush v44, $0xF;
	v44, _, _ =	vpop (xrf2)  }
0x3b7: {  	v15 =	vadd.f32 v30, v15;
	v30 =	vld [tilespmem:s16+$0x70];
	(v2sf) =	vpush v44, $0xF  }
0x3b8: {  	v44 =	vadd.f32 v46, v9;
	v9 =	vld [tilespmem:s2+$0x470];
	v46 =	vunpack.i.u.bf16.f32 v43;
	v43 =	vunpack.i.l.bf16.f32 v43  }
0x3b9: {  	v41 =	vadd.f32 v41, v43;
	v42 =	vadd.f32 v42, v46  }
0x3ba: {  	v45 =	vadd.f32 v45, v48;
	v43 =	vunpack.i.u.bf16.f32 v47;
	v46 =	vunpack.i.l.bf16.f32 v47  }
0x3bb: {  	v46 =	vadd.f32 v10, v46;
	v14 =	vadd.f32 v14, v43;
	v10 =	vpack.i.f32.bf16 v42, v41  }
0x3bc: {  	v45 =	vadd.f32 v41, v45;
	v43 =	vunpack.i.u.bf16.f32 v30;
	v30 =	vunpack.i.l.bf16.f32 v30;
	[tilespmem:s10+$0x20] =	vst v10  }
0x3bd: {  	v47 =	vpack.i.f32.bf16 v14, v46;
	v10 =	vadd.f32 v19, v30;
	v9 =	vadd.f32 v9, v43;
	v19 =	vld [tilespmem:s17+$0x20]  }
0x3be: {  	v15 =	vadd.f32 v46, v15;
	v30 =	vmul.f32 v46, v46;
	v43 =	vmul.f32 v14, v14;
	[tilespmem:s3+$0x440] =	vst v47  }
0x3bf: {  	s8 =	sadd.s32 $0x1000, s26;
	v33 =	vadd.f32 v33, v50;
	v41 =	vmul.f32 v41, v41;
	v46 =	vld [tilespmem:s16+$0x70];
	v47 =	vpack.i.f32.bf16 v9, v10  }
0x3c0: {  	s24 =	sor.u32 s25, s8;
	v30 =	vadd.f32 v30, v44;
	v14 =	vadd.f32 v14, v15;
	v15 =	vmul.f32 v42, v42;
	[tilespmem:s2+$0x460] =	vst v47;
	s2 =	sor.u32 s28, s8  }
0x3c1: {  	v33 =	vadd.f32 v41, v33;
	v41 =	vadd.f32 v42, v45;
	v44 =	vld [tilespmem:s2+$0x0]  }
0x3c2: {  	v30 =	vadd.f32 v43, v30;
	v42 =	vld [tilespmem:s15+$0x18C00];
	v43 =	vunpack.i.u.bf16.f32 v19;
	v19 =	vunpack.i.l.bf16.f32 v19  }
0x3c3: {  	v45 =	vld [tilespmem:s2+$0x10];
	v19 =	vadd.f32 v39, v19;
	v39 =	vadd.f32 v40, v43  }
0x3c4: {  	v15 =	vadd.f32 v15, v33;
	v40 =	vunpack.i.u.bf16.f32 v46;
	v43 =	vunpack.i.l.bf16.f32 v46  }
0x3c5: {  	v33 =	vadd.f32 v12, v43;
	v40 =	vadd.f32 v13, v40;
	v12 =	vpack.i.f32.bf16 v39, v19;
	s8 =	spop (v2sf)  }
0x3c6: {  	v41 =	vadd.f32 v19, v41;
	v19 =	vmul.f32 v19, v19;
	v43 =	vmul.f32 v39, v39;
	[tilespmem:s10+$0x40] =	vst v12;
	s23 =	smul.f32 $1.302083370e-03, s8;
	s8 =	spop (v2sf)  }
0x3c7: {  	v12 =	vpack.i.f32.bf16 v40, v33;
	v46 =	vunpack.i.u.bf16.f32 v42;
	v13 =	vunpack.i.l.bf16.f32 v42;
	v42 =	vld [tilespmem:s17+$0x30];
	s8 =	smul.f32 $1.302083370e-03, s8  }
0x3c8: {  	v47 =	vmul.f32 v33, v33;
	[tilespmem:s3+$0x460] =	vst v12;
	v13 =	vadd.f32 v44, v13;
	v12 =	vadd.f32 v45, v46;
	s3 =	smul.f32 s23, s23  }
0x3c9: {  	v14 =	vadd.f32 v33, v14;
	v33 =	vmul.f32 v40, v40;
	v15 =	vadd.f32 v19, v15;
	v44 =	vld [tilespmem:s15+$0x18C00]  }
0x3ca: {  	v39 =	vadd.f32 v39, v41;
	v19 =	vadd.f32 v47, v30;
	v30 =	vld [tilespmem:s24+$0x0];
	v45 =	vpack.i.f32.bf16 v12, v13;
	s3 =	ssub.f32 s8, s3  }
0x3cb: {  	v40 =	vadd.f32 v40, v14;
	v41 =	vadd.f32 v43, v15;
	[tilespmem:s2+$0x0] =	vst v45;
	v14 =	vld [tilespmem:s2+$0x20]  }
0x3cc: {  	v19 =	vadd.f32 v33, v19;
	v15 =	vld [tilespmem:s18+$0x10];
	v33 =	vunpack.i.u.bf16.f32 v42;
	v42 =	vunpack.i.l.bf16.f32 v42;
	s3 =	sadd.f32 $9.999999960e-13, s3  }
0x3cd: {  	v43 =	vld [tilespmem:s2+$0x30];
	v42 =	vadd.f32 v35, v42;
	v45 =	vadd.f32 v38, v33  }
0x3ce: {  	v33 =	vunpack.i.u.bf16.f32 v44;
	v35 =	vunpack.i.l.bf16.f32 v44;
	v44 =	vld [tilespmem:s24+$0x10];
	v38 =	vmov s3  }
0x3cf: {  	v46 =	vadd.f32 v30, v35;
	v47 =	vld [tilespmem:s24+$0x20];
	v30 =	vshrl.u32 v38, $0x1;
	v48 =	vmul.f32 $5.000000000e-01, v38  }
0x3d0: {  	v35 =	vpack.i.f32.bf16 v45, v42;
	v39 =	vadd.f32 v42, v39;
	v49 =	vld [tilespmem:s24+$0x30];
	v50 =	vsub.s32 $0x5F3759DF, v30  }
0x3d1: {  	v30 =	vld [tilespmem:s24+$0x40];
	v51 =	vunpack.i.u.bf16.f32 v15;
	v15 =	vunpack.i.l.bf16.f32 v15;
	[tilespmem:s10+$0x60] =	vst v35;
	v35 =	vmul.f32 v50, v48  }
0x3d2: {  	v52 =	vmul.f32 v46, v46;
	v38 =	vld [tilespmem:s24+$0x50];
	v15 =	vadd.f32 v14, v15;
	v14 =	vadd.f32 v43, v51  }
0x3d3: {  	v40 =	vadd.f32 v46, v40;
	v43 =	vadd.f32 v44, v33;
	v33 =	vld [tilespmem:s24+$0x60];
	v44 =	vmul.f32 v50, v35  }
0x3d4: {  	v42 =	vmul.f32 v42, v42;
	v19 =	vadd.f32 v52, v19;
	v35 =	vld [tilespmem:s24+$0x70];
	v51 =	vpack.i.f32.bf16 v14, v15  }
0x3d5: {  	v46 =	vpack.i.f32.bf16 v43, v46;
	v40 =	vadd.f32 v43, v40;
	[tilespmem:s2+$0x20] =	vst v51;
	v51 =	vld [tilespmem:s17+$0x40];
	v44 =	vsub.f32 $1.500000000e+00, v44  }
0x3d6: {  	v41 =	vadd.f32 v42, v41;
	v39 =	vadd.f32 v45, v39;
	v43 =	vmul.f32 v43, v43;
	[tilespmem:s24+$0x0] =	vst v46;
	v46 =	vld [tilespmem:s18+$0x20]  }
0x3d7: {  	v5 =	vadd.f32 v6, v5;
	v45 =	vmul.f32 v45, v45;
	v42 =	vld [tilespmem:s2+$0x40];
	v44 =	vmul.f32 v50, v44  }
0x3d8: {  	v3 =	vadd.f32 v3, v8;
	v43 =	vadd.f32 v43, v19;
	v50 =	vld [tilespmem:s2+$0x50]  }
0x3d9: {  	v11 =	vadd.f32 v11, v4;
	v41 =	vadd.f32 v45, v41;
	v8 =	vld [tilespmem:s18+$0x10];
	v19 =	vmul.f32 v44, v48  }
0x3da: {  	v4 =	vadd.f32 v3, v5;
	v45 =	vunpack.i.u.bf16.f32 v51;
	v51 =	vunpack.i.l.bf16.f32 v51;
	v52 =	vld [tilespmem:s4+$0x0]  }
0x3db: {  	v55 =	vmul.f32 v3, v3;
	v5 =	vunpack.i.l.bf16.f32 v46;
	v53 =	vld [tilespmem:s4+$0x10];
	v54 =	vmul.f32 v19, v44  }
0x3dc: {  	v56 =	vsub.f32 $1.500000000e+00, v18;
	v46 =	vunpack.i.u.bf16.f32 v46;
	v19 =	vadd.f32 v42, v5;
	v42 =	vld [tilespmem:s4+$0x20];
	(xrf2) =	vadd.scan.msk.f32 $0xffff, v4  }
0x3dd: {  	v3 =	vpack.i.f32.bf16 v3, v6;
	v18 =	vadd.f32 v50, v46;
	v46 =	vld [tilespmem:s4+$0x30];
	v50 =	vsub.f32 $1.500000000e+00, v54  }
0x3de: {  	v6 =	vunpack.i.u.bf16.f32 v8;
	v5 =	vunpack.i.l.bf16.f32 v8;
	v4 =	vld [tilespmem:s4+$0x40];
	[tilespmem:s30+$0x60] =	vst v3;
	v3 =	vadd.f32 v55, v11;
	s30 =	smov.u32 s4  }
0x3df: {  	v8 =	vadd.f32 v47, v5;
	v11 =	vpack.i.f32.bf16 v18, v19;
	v5 =	vld [tilespmem:s30+$0x50];
	v44 =	vmul.f32 v50, v44  }
0x3e0: {  	v47 =	vadd.f32 v49, v6;
	[tilespmem:s2+$0x40] =	vst v11;
	v11 =	vadd.f32 v52, v51;
	v6 =	vld [tilespmem:s30+$0x60];
	(xrf2) =	vadd.scan.msk.f32 $0xffff, v3  }
0x3e1: {  	v3 =	vadd.f32 v8, v40;
	v40 =	vmul.f32 v8, v8;
	v49 =	vld [tilespmem:s18+$0x30];
	v48 =	vmul.f32 v44, v48  }
0x3e2: {  	v45 =	vadd.f32 v53, v45;
	v8 =	vpack.i.f32.bf16 v47, v8;
	v50 =	vmul.f32 v47, v47;
	v51 =	vld [tilespmem:s2+$0x60]  }
0x3e3: {  	[tilespmem:s24+$0x20] =	vst v8;
	v8 =	vadd.f32 v40, v43;
	v40 =	vadd.f32 v47, v3;
	v43 =	vld [tilespmem:s2+$0x70];
	v47 =	vmul.f32 v48, v44  }
0x3e4: {  	v39 =	vadd.f32 v11, v39;
	v3 =	vpack.i.f32.bf16 v45, v11;
	v11 =	vmul.f32 v11, v11;
	v48 =	vld [tilespmem:s18+$0x20]  }
0x3e5: {  	v8 =	vadd.f32 v50, v8;
	[tilespmem:s30+$0x0] =	vst v3;
	v50 =	vmul.f32 v45, v45;
	v3 =	vld [tilespmem:s30+$0x70];
	v47 =	vsub.f32 $1.500000000e+00, v47  }
0x3e6: {  	v23 =	vpack.i.f32.bf16 v26, v23;
	v11 =	vadd.f32 v11, v41;
	v52 =	vunpack.i.u.bf16.f32 v49;
	v41 =	vld [tilespmem:s17+$0x50];
	v53, _, _ =	vpop (xrf2)  }
0x3e7: {  	s1 =	sadd.s32 $0x100, s1;
	v26 =	vunpack.i.l.bf16.f32 v49;
	v49 =	vmov s23;
	[tilespmem:s5+$0x60] =	vst v23;
	v54 =	vmul.f32 v47, v44  }
0x3e8: {  	s0 =	sadd.s32 $0x100, s0;
	v26 =	vadd.f32 v51, v26;
	v23 =	vadd.f32 v43, v52;
	[tilespmem:s1+$0x0] =	vst v49;
	v43 =	vmul.f32 v29, v56  }
0x3e9: {  	v39 =	vadd.f32 v45, v39;
	v29 =	vunpack.i.u.bf16.f32 v48;
	v47 =	vunpack.i.l.bf16.f32 v48;
	[tilespmem:s0+$0x0] =	vst v54  }
0x3ea: {  	s3 =	sadd.s32 $0x1400, s26;
	v30 =	vadd.f32 v30, v47;
	v29 =	vadd.f32 v38, v29;
	v38 =	vpack.i.f32.bf16 v23, v26;
	v44, _, _ =	vpop (xrf2)  }
0x3eb: {  	s5 =	sor.u32 s25, s3;
	v11 =	vadd.f32 v50, v11;
	[tilespmem:s2+$0x60] =	vst v38;
	s2 =	sor.u32 s28, s3;
	v38 =	vunpack.i.u.bf16.f32 v41;
	v41 =	vunpack.i.l.bf16.f32 v41  }
0x3ec: {  	v45 =	vpack.i.f32.bf16 v29, v30;
	v40 =	vadd.f32 v30, v40;
	v30 =	vmul.f32 v30, v30;
	v47 =	vld [tilespmem:s2+$0x0]  }
0x3ed: {  	v41 =	vadd.f32 v42, v41;
	v38 =	vadd.f32 v46, v38;
	[tilespmem:s24+$0x40] =	vst v45;
	v45 =	vmul.f32 v29, v29;
	v48 =	vld [tilespmem:s18+$0x40]  }
0x3ee: {  	v8 =	vadd.f32 v30, v8;
	v40 =	vadd.f32 v29, v40;
	v29 =	vld [tilespmem:s2+$0x10];
	v30 =	vmul.f32 v43, v22  }
0x3ef: {  	v46 =	vpack.i.f32.bf16 v38, v41;
	v39 =	vadd.f32 v41, v39;
	v41 =	vmul.f32 v41, v41;
	v42 =	vld [tilespmem:s18+$0x30]  }
0x3f0: {  	v8 =	vadd.f32 v45, v8;
	[tilespmem:s30+$0x20] =	vst v46;
	v45 =	vmul.f32 v38, v38;
	(v2sf) =	vpush v53, $0xF  }
0x3f1: {  	v11 =	vadd.f32 v41, v11;
	v38 =	vadd.f32 v38, v39;
	v41 =	vmul.f32 v30, v43;
	v39 =	vld [tilespmem:s17+$0x60]  }
0x3f2: {  	v46 =	vunpack.i.u.bf16.f32 v48;
	v30 =	vunpack.i.l.bf16.f32 v48;
	(v2sf) =	vpush v44, $0xF  }
0x3f3: {  	v30 =	vadd.f32 v47, v30;
	v29 =	vadd.f32 v29, v46  }
0x3f4: {  	v11 =	vadd.f32 v45, v11;
	v44 =	vunpack.i.u.bf16.f32 v42;
	v42 =	vunpack.i.l.bf16.f32 v42  }
0x3f5: {  	v33 =	vadd.f32 v33, v42;
	v35 =	vadd.f32 v35, v44;
	v42 =	vpack.i.f32.bf16 v29, v30  }
0x3f6: {  	v41 =	vsub.f32 $1.500000000e+00, v41;
	[tilespmem:s2+$0x0] =	vst v42;
	v42 =	vld [tilespmem:s2+$0x20];
	v44 =	vunpack.i.u.bf16.f32 v39;
	v39 =	vunpack.i.l.bf16.f32 v39  }
0x3f7: {  	v45 =	vpack.i.f32.bf16 v35, v33;
	v40 =	vadd.f32 v33, v40;
	v33 =	vmul.f32 v33, v33;
	v46 =	vld [tilespmem:s18+$0x50]  }
0x3f8: {  	v4 =	vadd.f32 v4, v39;
	v5 =	vadd.f32 v5, v44;
	[tilespmem:s24+$0x60] =	vst v45;
	v45 =	vmul.f32 v35, v35;
	v47 =	vld [tilespmem:s2+$0x30]  }
0x3f9: {  	v41 =	vmul.f32 v41, v43;
	v8 =	vadd.f32 v33, v8;
	v39 =	vadd.f32 v35, v40;
	v40 =	vld [tilespmem:s18+$0x40]  }
0x3fa: {  	v33 =	vpack.i.f32.bf16 v5, v4;
	v38 =	vadd.f32 v4, v38;
	v4 =	vmul.f32 v4, v4;
	v43 =	vld [tilespmem:s5+$0x0]  }
0x3fb: {  	v48 =	vmul.f32 v5, v5;
	v44 =	vadd.f32 v45, v8;
	v45 =	vld [tilespmem:s5+$0x10];
	[tilespmem:s30+$0x40] =	vst v33;
	v8 =	vmul.f32 v41, v22  }
0x3fc: {  	v4 =	vadd.f32 v4, v11;
	v22 =	vld [tilespmem:s5+$0x20];
	v33 =	vunpack.i.u.bf16.f32 v46;
	v35 =	vunpack.i.l.bf16.f32 v46  }
0x3fd: {  	v11 =	vld [tilespmem:s5+$0x30];
	v35 =	vadd.f32 v42, v35;
	v33 =	vadd.f32 v47, v33;
	v42 =	vmul.f32 v8, v41  }
0x3fe: {  	v5 =	vadd.f32 v5, v38;
	v46 =	vunpack.i.u.bf16.f32 v40;
	v40 =	vunpack.i.l.bf16.f32 v40;
	v8 =	vld [tilespmem:s5+$0x40]  }
0x3ff: {  	v4 =	vadd.f32 v48, v4;
	v38 =	vadd.f32 v43, v40;
	v43 =	vld [tilespmem:s5+$0x50];
	v40 =	vpack.i.f32.bf16 v33, v35;
	s3 =	spop (v2sf)  }
0x400: {  	v42 =	vsub.f32 $1.500000000e+00, v42;
	v45 =	vadd.f32 v45, v46;
	[tilespmem:s2+$0x20] =	vst v40;
	v40 =	vld [tilespmem:s2+$0x40];
	s4 =	smul.f32 $1.302083370e-03, s3  }
0x401: {  	v47 =	vadd.f32 $0.0e+00, v17;
	v39 =	vadd.f32 v38, v39;
	v46 =	vmul.f32 v38, v38;
	v48 =	vld [tilespmem:s18+$0x60];
	s3 =	spop (v2sf)  }
0x402: {  	v50 =	vmul.f32 v16, v16;
	v49 =	vmul.f32 v17, v17;
	v38 =	vpack.i.f32.bf16 v45, v38;
	v51 =	vld [tilespmem:s2+$0x50];
	s3 =	smul.f32 $1.302083370e-03, s3  }
0x403: {  	s8 =	smul.f32 s4, s4;
	[tilespmem:s5+$0x0] =	vst v38;
	v38 =	vadd.f32 v46, v44;
	v44 =	vmul.f32 v45, v45;
	v17 =	vld [tilespmem:s5+$0x60];
	v46 =	vadd.f32 v16, v47  }
0x404: {  	v45 =	vadd.f32 v45, v39;
	v39 =	vadd.f32 v50, v49;
	v49 =	vmul.f32 v21, v21;
	v47 =	vld [tilespmem:s18+$0x50]  }
0x405: {  	v41 =	vmul.f32 v42, v41;
	s3 =	ssub.f32 s3, s8;
	v44 =	vadd.f32 v44, v38;
	v16 =	vld [tilespmem:s5+$0x70];
	v21 =	vadd.f32 v21, v46  }
0x406: {  	v42 =	vadd.f32 v49, v39;
	v38 =	vunpack.i.u.bf16.f32 v48;
	v39 =	vunpack.i.l.bf16.f32 v48;
	v46 =	vld [tilespmem:s17+$0x70]  }
0x407: {  	v48 =	vmul.f32 v20, v20;
	s3 =	sadd.f32 $9.999999960e-13, s3;
	v39 =	vadd.f32 v40, v39;
	v38 =	vadd.f32 v51, v38;
	[tilespmem:s31+$0xFFFFFF80] =	vst v41;
	s31 =	smov.u32 s12;
	s12 =	smov.u32 s0  }
0x408: {  	v20 =	vadd.f32 v20, v21;
	v21 =	vmov s4  }
0x409: {  	v41 =	vmul.f32 v24, v24;
	v40 =	vadd.f32 v48, v42;
	v42 =	vpack.i.f32.bf16 v38, v39;
	[tilespmem:s6+$0xFFFFFF80] =	vst v21;
	s6 =	smov.u32 s1  }
0x40a: {  	v21 =	vunpack.i.u.bf16.f32 v47;
	v47 =	vunpack.i.l.bf16.f32 v47;
	v20 =	vadd.f32 v24, v20;
	[tilespmem:s2+$0x40] =	vst v42;
	v24 =	vld [tilespmem:s2+$0x60]  }
0x40b: {  	v22 =	vadd.f32 v22, v47;
	v40 =	vadd.f32 v41, v40;
	v41 =	vmul.f32 v25, v25;
	v42 =	vld [tilespmem:s18+$0x70]  }
0x40c: {  	v11 =	vadd.f32 v11, v21;
	v20 =	vadd.f32 v25, v20;
	v47 =	vunpack.i.l.bf16.f32 v46;
	v21 =	vld [tilespmem:s2+$0x70]  }
0x40d: {  	v25 =	vadd.f32 v22, v45;
	v40 =	vadd.f32 v41, v40;
	v41 =	vmul.f32 v28, v28  }
0x40e: {  	v45 =	vpack.i.f32.bf16 v11, v22;
	v22 =	vmul.f32 v22, v22;
	v20 =	vadd.f32 v28, v20  }
0x40f: {  	v28 =	vadd.f32 v11, v25;
	v41 =	vadd.f32 v41, v40;
	[tilespmem:s5+$0x20] =	vst v45;
	v45 =	vmul.f32 v27, v27  }
0x410: {  	v20 =	vadd.f32 v27, v20;
	v48 =	vld [tilespmem:s18+$0x60];
	v27 =	vunpack.i.u.bf16.f32 v42;
	v25 =	vunpack.i.l.bf16.f32 v42  }
0x411: {  	v11 =	vmul.f32 v11, v11;
	v25 =	vadd.f32 v24, v25;
	v40 =	vadd.f32 v21, v27  }
0x412: {  	v21 =	vadd.f32 v45, v41;
	v20 =	vadd.f32 v32, v20;
	v24 =	vmul.f32 v32, v32  }
0x413: {  	s4 =	sadd.s32 $0x1800, s26;
	v6 =	vadd.f32 v6, v47;
	v22 =	vadd.f32 v22, v44;
	v27 =	vpack.i.f32.bf16 v40, v25  }
0x414: {  	s10 =	sor.u32 s25, s4;
	s24 =	sor.u32 s28, s4;
	v21 =	vadd.f32 v24, v21;
	v20 =	vadd.f32 v31, v20;
	v24 =	vmul.f32 v31, v31;
	[tilespmem:s2+$0x60] =	vst v27  }
0x415: {  	v31 =	vadd.f32 v11, v22;
	v11 =	vunpack.i.u.bf16.f32 v48;
	v22 =	vunpack.i.l.bf16.f32 v48;
	v27 =	vld [tilespmem:s24+$0x0]  }
0x416: {  	v32 =	vmul.f32 v36, v36;
	v21 =	vadd.f32 v24, v21;
	v24 =	vadd.f32 v36, v20;
	v41 =	vld [tilespmem:s15+$0x19000]  }
0x417: {  	v36 =	vadd.f32 v8, v22;
	v20 =	vadd.f32 v43, v11;
	v8 =	vunpack.i.u.bf16.f32 v46;
	v11 =	vld [tilespmem:s24+$0x10]  }
0x418: {  	v32 =	vadd.f32 v32, v21;
	v24 =	vadd.f32 v34, v24;
	v34 =	vmul.f32 v34, v34  }
.Ltmp10:
0x419: {  	v21 =	vpack.i.f32.bf16 v20, v36;
	v22 =	vadd.f32 v36, v28;
	v42 =	vmul.f32 v36, v36;
	(pc) =	sbr.rel @p3 .LBB2_10-.Ltmp10, $4  }
0x41a: {  	v32 =	vadd.f32 v34, v32;
	v36 =	vadd.f32 v37, v24;
	[tilespmem:s5+$0x40] =	vst v21;
	v21 =	vmul.f32 v20, v20  }
0x41b: {  	v37 =	vmul.f32 v37, v37;
	v34 =	vld [tilespmem:s18+$0x70];
	v24 =	vunpack.i.u.bf16.f32 v41;
	v28 =	vunpack.i.l.bf16.f32 v41  }
0x41c: {  	v28 =	vadd.f32 v27, v28;
	v27 =	vadd.f32 v11, v24;
	v11 =	vmul.f32 v6, v6  }
0x41d: {  	v37 =	vadd.f32 v37, v32;
	v41 =	vmul.f32 v7, v7;
	v24 =	vadd.f32 v42, v31  }
0x41e: {  	v31 =	vpack.i.f32.bf16 v27, v28  }
0x41f: {  	v53 =	vld [tilespmem:s24+$0x20];
	v7 =	vadd.f32 v7, v36;
	[tilespmem:s24+$0x0] =	vst v31  }
0x420: {  	v55 =	vmul.f32 v10, v10;
	v37 =	vadd.f32 v41, v37;
	v32 =	vld [tilespmem:s17+$0x10]  }
0x421: {  	v42 =	vld [tilespmem:s24+$0x30];
	v7 =	vadd.f32 v10, v7  }
0x422: {  	v58 =	vmul.f32 v9, v9;
	v57 =	vadd.f32 v55, v37  }
0x423: {  	v7 =	vadd.f32 v9, v7  }
0x424: {  	v61 =	vmul.f32 v13, v13;
	v36 =	vadd.f32 v58, v57  }
0x425: {  	v7 =	vadd.f32 v13, v7;
	v43 =	vunpack.i.u.bf16.f32 v32;
	v32 =	vunpack.i.l.bf16.f32 v32  }
0x426: {  	v32 =	vadd.f32 v53, v32;
	v31 =	vadd.f32 v42, v43  }
0x427: {  	v63 =	vmul.f32 v12, v12;
	v50 =	vmul.f32 v15, v15;
	v36 =	vadd.f32 v61, v36  }
0x428: {  	v48 =	vunpack.i.l.bf16.f32 v34;
	v45 =	vadd.f32 v12, v7;
	v54 =	vpack.i.f32.bf16 v31, v32  }
0x429: {  	v62 =	vunpack.i.u.bf16.f32 v34;
	v12 =	vadd.f32 v17, v48;
	v49 =	vadd.f32 v63, v36;
	[tilespmem:s24+$0x20] =	vst v54  }
0x42a: {  	v7 =	vadd.f32 v16, v62;
	v51 =	vadd.f32 v15, v45;
	v59 =	vld [tilespmem:s17+$0x20]  }
0x42b: {  	v60 =	vld [tilespmem:s24+$0x50];
	v53 =	vmul.f32 v14, v14;
	v9 =	vadd.f32 v50, v49  }
0x42c: {  	v54 =	vpack.i.f32.bf16 v7, v12;
	v13 =	vadd.f32 v14, v51  }
0x42d: {  	v56 =	vld [tilespmem:s24+$0x40];
	v55 =	vmul.f32 v19, v19;
	[tilespmem:s5+$0x60] =	vst v54;
	v9 =	vadd.f32 v53, v9  }
0x42e: {  	v57 =	vld [tilespmem:s15+$0x19000];
	v13 =	vadd.f32 v19, v13  }
0x42f: {  	v9 =	vadd.f32 v55, v9;
	v46 =	vunpack.i.u.bf16.f32 v59;
	v47 =	vunpack.i.l.bf16.f32 v59;
	v59 =	vld [tilespmem:s10+$0x0]  }
0x430: {  	v58 =	vmul.f32 v18, v18;
	v13 =	vadd.f32 v18, v13;
	v10 =	vadd.f32 v60, v46;
	v60 =	vld [tilespmem:s10+$0x10];
	_ =	sdelay $0x1  }
0x431: {  	v61 =	vmul.f32 v26, v26;
	v9 =	vadd.f32 v58, v9;
	v13 =	vadd.f32 v26, v13  }
0x432: {  	v41 =	vadd.f32 v56, v47;
	v48 =	vunpack.i.u.bf16.f32 v57  }
0x433: {  	v49 =	vunpack.i.l.bf16.f32 v57;
	v15 =	vadd.f32 v61, v9;
	v47 =	vadd.f32 v23, v13  }
0x434: {  	v13 =	vadd.f32 v59, v49;
	v9 =	vadd.f32 v60, v48  }
0x435: {  	v52 =	vpack.i.f32.bf16 v10, v41  }
0x436: {  	[tilespmem:s24+$0x40] =	vst v52;
	v52 =	vpack.i.f32.bf16 v9, v13  }
0x437: {  	v63 =	vld [tilespmem:s10+$0x20];
	[tilespmem:s10+$0x0] =	vst v52  }
0x438: {  	v45 =	vmul.f32 v23, v23;
	v54 =	vld [tilespmem:s17+$0x10]  }
0x439: {  	v46 =	vld [tilespmem:s10+$0x30]  }
0x43a: {  	v51 =	vmul.f32 v30, v30;
	v15 =	vadd.f32 v45, v15;
	v56 =	vld [tilespmem:s17+$0x30]  }
0x43b: {  	v23 =	vadd.f32 v30, v47  }
0x43c: {  	v14 =	vld [tilespmem:s24+$0x60];
	v53 =	vmul.f32 v29, v29;
	v15 =	vadd.f32 v51, v15  }
0x43d: {  	v62 =	vld [tilespmem:s24+$0x70];
	v23 =	vadd.f32 v29, v23;
	v58 =	vunpack.i.u.bf16.f32 v54;
	v29 =	vunpack.i.l.bf16.f32 v54  }
0x43e: {  	v26 =	vadd.f32 v63, v29;
	v29 =	vadd.f32 v46, v58  }
0x43f: {  	v15 =	vadd.f32 v53, v15;
	v23 =	vadd.f32 v35, v23;
	v55 =	vunpack.i.u.bf16.f32 v56  }
0x440: {  	v16 =	vunpack.i.l.bf16.f32 v56;
	v56 =	vmul.f32 v35, v35;
	v61 =	vpack.i.f32.bf16 v29, v26  }
0x441: {  	v42 =	vld [tilespmem:s10+$0x40];
	v14 =	vadd.f32 v14, v16;
	v23 =	vadd.f32 v33, v23;
	[tilespmem:s10+$0x20] =	vst v61  }
0x442: {  	v57 =	vmul.f32 v33, v33;
	v16 =	vadd.f32 v62, v55;
	v15 =	vadd.f32 v56, v15;
	v36 =	vld [tilespmem:s17+$0x20]  }
0x443: {  	v50 =	vld [tilespmem:s10+$0x50];
	v23 =	vadd.f32 v39, v23  }
0x444: {  	s4 =	sadd.s32 $0x1C00, s26;
	v59 =	vmul.f32 v39, v39;
	v34 =	vpack.i.f32.bf16 v16, v14;
	v15 =	vadd.f32 v57, v15  }
0x445: {  	s2 =	sor.u32 s28, s4;
	[tilespmem:s24+$0x60] =	vst v34;
	v23 =	vadd.f32 v38, v23  }
0x446: {  	v20 =	vadd.f32 v20, v22;
	v62 =	vmul.f32 v38, v38;
	v60 =	vld [tilespmem:s2+$0x0];
	v15 =	vadd.f32 v59, v15  }
0x447: {  	v34 =	vld [tilespmem:s17+$0x40];
	v23 =	vadd.f32 v25, v23;
	v47 =	vunpack.i.u.bf16.f32 v36;
	v48 =	vunpack.i.l.bf16.f32 v36  }
0x448: {  	v63 =	vld [tilespmem:s2+$0x10];
	v35 =	vadd.f32 v42, v48;
	v17 =	vadd.f32 v50, v47  }
0x449: {  	v5 =	vadd.f32 v6, v5;
	v43 =	vmul.f32 v25, v25;
	v15 =	vadd.f32 v62, v15  }
0x44a: {  	v3 =	vadd.f32 v3, v8;
	v23 =	vadd.f32 v40, v23;
	v53 =	vpack.i.f32.bf16 v17, v35  }
0x44b: {  	v4 =	vadd.f32 v11, v4;
	v19 =	vld [tilespmem:s10+$0x60];
	v15 =	vadd.f32 v43, v15;
	[tilespmem:s10+$0x40] =	vst v53  }
0x44c: {  	v44 =	vunpack.i.u.bf16.f32 v34;
	v45 =	vunpack.i.l.bf16.f32 v34;
	v23 =	vadd.f32 v28, v23;
	v56 =	vld [tilespmem:s17+$0x30]  }
0x44d: {  	v30 =	vld [tilespmem:s10+$0x70];
	v46 =	vmul.f32 v40, v40;
	v25 =	vadd.f32 v60, v45;
	v18 =	vadd.f32 v63, v44  }
0x44e: {  	v21 =	vadd.f32 v21, v24;
	v23 =	vadd.f32 v27, v23  }
0x44f: {  	v15 =	vadd.f32 v46, v15;
	v49 =	vpack.i.f32.bf16 v18, v25;
	v50 =	vmul.f32 v28, v28  }
0x450: {  	v5 =	vadd.f32 v3, v5;
	v54 =	vmul.f32 v27, v27;
	[tilespmem:s2+$0x0] =	vst v49;
	v23 =	vadd.f32 v32, v23  }
0x451: {  	v52 =	vld [tilespmem:s17+$0x50];
	v15 =	vadd.f32 v50, v15;
	v59 =	vunpack.i.u.bf16.f32 v56;
	v27 =	vunpack.i.l.bf16.f32 v56  }
0x452: {  	v37 =	vmul.f32 v12, v12;
	v51 =	vld [tilespmem:s2+$0x20];
	v19 =	vadd.f32 v19, v27;
	v27 =	vadd.f32 v30, v59  }
0x453: {  	v12 =	vadd.f32 v12, v20;
	v57 =	vmul.f32 v32, v32;
	v55 =	vld [tilespmem:s2+$0x30];
	v23 =	vadd.f32 v31, v23  }
0x454: {  	v62 =	vmul.f32 v41, v41;
	v15 =	vadd.f32 v54, v15;
	v36 =	vpack.i.f32.bf16 v27, v19  }
0x455: {  	v31 =	vmul.f32 v31, v31;
	v60 =	vadd.f32 v41, v23;
	v41 =	vmul.f32 v7, v7;
	[tilespmem:s10+$0x60] =	vst v36  }
0x456: {  	s4 =	sor.u32 s25, s4;
	v7 =	vadd.f32 v7, v12;
	v58 =	vunpack.i.l.bf16.f32 v52;
	v15 =	vadd.f32 v57, v15;
	v39 =	vld [tilespmem:s17+$0x40]  }
0x457: {  	v28 =	vunpack.i.u.bf16.f32 v52;
	v32 =	vadd.f32 v51, v58;
	v22 =	vadd.f32 v10, v60;
	v40 =	vld [tilespmem:s4+$0x0]  }
0x458: {  	v28 =	vadd.f32 v55, v28;
	v15 =	vadd.f32 v31, v15;
	v42 =	vld [tilespmem:s4+$0x10]  }
0x459: {  	v7 =	vadd.f32 v13, v7;
	v22 =	vadd.f32 v14, v22  }
0x45a: {  	v21 =	vadd.f32 v37, v21;
	v10 =	vmul.f32 v10, v10;
	v15 =	vadd.f32 v62, v15  }
0x45b: {  	v61 =	vpack.i.f32.bf16 v28, v32;
	v7 =	vadd.f32 v9, v7;
	v22 =	vadd.f32 v16, v22  }
0x45c: {  	v10 =	vadd.f32 v10, v15;
	v47 =	vunpack.i.u.bf16.f32 v39;
	v20 =	vunpack.i.l.bf16.f32 v39  }
0x45d: {  	v43 =	vld [tilespmem:s2+$0x50];
	v44 =	vmul.f32 v16, v16;
	[tilespmem:s2+$0x20] =	vst v61;
	v20 =	vadd.f32 v40, v20;
	v15 =	vadd.f32 v42, v47  }
0x45e: {  	v50 =	vmul.f32 v13, v13;
	v21 =	vadd.f32 v41, v21;
	v38 =	vld [tilespmem:s17+$0x60];
	v7 =	vadd.f32 v26, v7  }
0x45f: {  	v63 =	vld [tilespmem:s2+$0x40];
	v49 =	vmul.f32 v25, v25;
	v45 =	vadd.f32 v25, v22;
	v24 =	vpack.i.f32.bf16 v15, v20  }
0x460: {  	v54 =	vmul.f32 v9, v9;
	v53 =	vadd.f32 v50, v21;
	v7 =	vadd.f32 v29, v7;
	v52 =	vld [tilespmem:s4+$0x20];
	[tilespmem:s4+$0x0] =	vst v24  }
0x461: {  	v51 =	vmul.f32 v18, v18;
	v14 =	vmul.f32 v14, v14;
	v16 =	vadd.f32 v18, v45;
	v55 =	vld [tilespmem:s17+$0x50]  }
0x462: {  	v58 =	vmul.f32 v26, v26;
	v18 =	vadd.f32 v54, v53;
	v7 =	vadd.f32 v35, v7;
	v56 =	vld [tilespmem:s4+$0x30]  }
0x463: {  	v10 =	vadd.f32 v14, v10;
	v46 =	vunpack.i.l.bf16.f32 v38;
	v48 =	vunpack.i.u.bf16.f32 v38  }
0x464: {  	v60 =	vmul.f32 v29, v29;
	v22 =	vadd.f32 v63, v46;
	v12 =	vadd.f32 v43, v48  }
0x465: {  	v57 =	vmul.f32 v32, v32;
	v16 =	vadd.f32 v32, v16;
	v18 =	vadd.f32 v58, v18  }
0x466: {  	v10 =	vadd.f32 v44, v10;
	v62 =	vunpack.i.u.bf16.f32 v55;
	v23 =	vunpack.i.l.bf16.f32 v55  }
0x467: {  	v36 =	vmul.f32 v35, v35;
	v13 =	vadd.f32 v52, v23;
	v33 =	vadd.f32 v56, v62  }
0x468: {  	v59 =	vpack.i.f32.bf16 v12, v22;
	v16 =	vadd.f32 v28, v16;
	v14 =	vadd.f32 v60, v18  }
0x469: {  	v38 =	vmul.f32 v17, v17;
	v45 =	vld [tilespmem:s4+$0x50];
	v10 =	vadd.f32 v49, v10;
	[tilespmem:s2+$0x40] =	vst v59;
	v24 =	vpack.i.f32.bf16 v33, v13  }
0x46a: {  	v32 =	vmul.f32 v28, v28;
	v61 =	vld [tilespmem:s17+$0x70];
	v34 =	vadd.f32 v22, v16;
	v14 =	vadd.f32 v36, v14;
	[tilespmem:s4+$0x20] =	vst v24  }
0x46b: {  	v46 =	vmul.f32 v27, v27;
	v10 =	vadd.f32 v51, v10;
	v42 =	vadd.f32 v17, v7;
	v43 =	vld [tilespmem:s17+$0x60]  }
0x46c: {  	v44 =	vmul.f32 v19, v19;
	v39 =	vld [tilespmem:s4+$0x40];
	v41 =	vadd.f32 v12, v34;
	v14 =	vadd.f32 v38, v14  }
0x46d: {  	v63 =	vld [tilespmem:s2+$0x60];
	v22 =	vmul.f32 v22, v22;
	v10 =	vadd.f32 v57, v10;
	v19 =	vadd.f32 v19, v42  }
0x46e: {  	v12 =	vmul.f32 v12, v12;
	v49 =	vmul.f32 v20, v20;
	v14 =	vadd.f32 v44, v14  }
0x46f: {  	v37 =	vld [tilespmem:s2+$0x70];
	v53 =	vmul.f32 v15, v15;
	v10 =	vadd.f32 v32, v10;
	v19 =	vadd.f32 v27, v19  }
0x470: {  	v14 =	vadd.f32 v46, v14;
	v48 =	vunpack.i.u.bf16.f32 v43;
	v17 =	vunpack.i.l.bf16.f32 v43  }
0x471: {  	v40 =	vunpack.i.l.bf16.f32 v61;
	v16 =	vadd.f32 v39, v17;
	v50 =	vadd.f32 v45, v48  }
0x472: {  	v21 =	vunpack.i.u.bf16.f32 v61;
	v7 =	vadd.f32 v63, v40;
	v52 =	vadd.f32 v20, v19  }
0x473: {  	v10 =	vadd.f32 v22, v10;
	v14 =	vadd.f32 v49, v14;
	v54 =	vpack.i.f32.bf16 v50, v16  }
0x474: {  	v9 =	vadd.f32 v37, v21;
	v51 =	vmul.f32 v7, v7;
	v15 =	vadd.f32 v15, v52;
	[tilespmem:s4+$0x40] =	vst v54  }
0x475: {  	v10 =	vadd.f32 v12, v10;
	v14 =	vadd.f32 v53, v14;
	v57 =	vmul.f32 v13, v13;
	v20 =	vld [tilespmem:s17+$0x70]  }
0x476: {  	v58 =	vld [tilespmem:s4+$0x60];
	v47 =	vadd.f32 v7, v41;
	v13 =	vadd.f32 v13, v15  }
0x477: {  	v10 =	vadd.f32 v51, v10;
	v59 =	vmul.f32 v33, v33;
	v14 =	vadd.f32 v57, v14  }
0x478: {  	v60 =	vld [tilespmem:s4+$0x70];
	v55 =	vmul.f32 v9, v9;
	v56 =	vadd.f32 v9, v47;
	v13 =	vadd.f32 v33, v13  }
0x479: {  	v19 =	vmul.f32 v3, v3;
	v61 =	vadd.f32 v59, v14;
	v62 =	vmul.f32 v16, v16  }
0x47a: {  	v10 =	vadd.f32 v55, v10;
	v13 =	vadd.f32 v16, v13;
	v63 =	vunpack.i.l.bf16.f32 v20  }
0x47b: {  	(xrf2) =	vadd.scan.msk.f32 $0xffff, v56;
	v18 =	vmul.f32 v50, v50;
	v11 =	vadd.f32 v62, v61;
	v12 =	vadd.f32 v58, v63  }
0x47c: {  	v4 =	vadd.f32 v19, v4;
	(xrf2) =	vadd.scan.msk.f32 $0xffff, v10;
	v13 =	vadd.f32 v50, v13;
	v20 =	vunpack.i.u.bf16.f32 v20  }
0x47d: {  	v10 =	vadd.f32 v18, v11;
	v8 =	vadd.f32 v60, v20;
	v21 =	vmul.f32 v12, v12  }
0x47e: {  	(xrf2) =	vadd.scan.msk.f32 $0xffff, v5;
	v13 =	vadd.f32 v12, v13  }
0x47f: {  	(xrf2) =	vadd.scan.msk.f32 $0xffff, v4;
	v23 =	vmul.f32 v8, v8;
	v22 =	vadd.f32 v21, v10  }
0x480: {  	v24 =	vadd.f32 v8, v13  }
0x481: {  	v5 =	vadd.f32 v23, v22  }
0x482: {  	(xrf2) =	vadd.scan.msk.f32 $0xffff, v24  }
0x483: {  	(xrf2) =	vadd.scan.msk.f32 $0xffff, v5;
	_ =	sdelay $0x1  }
0x484: {  	v25, _, _ =	vpop (xrf2)  }
0x485: {  	(v2sf) =	vpush v25, $0xF;
	v26, _, _ =	vpop (xrf2)  }
0x486: {  	(v2sf) =	vpush v26, $0xF  }
0x487: {  	v27, _, _ =	vpop (xrf2)  }
0x488: {  	v28, _, _ =	vpop (xrf2);
	(v2sf) =	vpush v27, $0xF  }
0x489: {  	(v2sf) =	vpush v28, $0xF;
	_ =	sdelay $0x1  }
0x48a: {  	v29, _, _ =	vpop (xrf2)  }
0x48b: {  	(v2sf) =	vpush v29, $0xF;
	v30, _, _ =	vpop (xrf2)  }
0x48c: {  	(v2sf) =	vpush v30, $0xF;
	_ =	sdelay $0x6  }
0x48d: {  	s8 =	spop (v2sf)  }
0x48e: {  	s8 =	smul.f32 $1.302083370e-03, s8;
	s7 =	spop (v2sf)  }
0x48f: {  	s10 =	smul.f32 $1.302083370e-03, s7  }
0x490: {  	s15 =	smul.f32 s8, s8;
	s16 =	spop (v2sf)  }
0x491: {  	s17 =	spop (v2sf);
	s18 =	smul.f32 $1.302083370e-03, s16  }
0x492: {  	s5 =	ssub.f32 s10, s15;
	s15 =	smul.f32 $1.302083370e-03, s17  }
0x493: {  	s16 =	smul.f32 s18, s18  }
0x494: {  	s23 =	sadd.f32 $9.999999960e-13, s5;
	s24 =	spop (v2sf)  }
0x495: {  	v32 =	vmov s3;
	s5 =	smul.f32 $1.302083370e-03, s24;
	s25 =	spop (v2sf)  }
0x496: {  	v34 =	vshrl.u32 v32, $0x1;
	v5 =	vmul.f32 $5.000000000e-01, v32;
	s28 =	smul.f32 $1.302083370e-03, s25  }
0x497: {  	v11 =	vsub.s32 $0x5F3759DF, v34;
	s29 =	smul.f32 s5, s5  }
0x498: {  	v36 =	vmul.f32 v11, v5;
	s26 =	ssub.f32 s15, s16  }
0x499: {  	v31 =	vmov s23;
	s3 =	ssub.f32 s28, s29  }
0x49a: {  	v14 =	vmul.f32 v11, v36;
	v33 =	vshrl.u32 v31, $0x1;
	v4 =	vmul.f32 $5.000000000e-01, v31;
	s10 =	sadd.f32 $9.999999960e-13, s26  }
0x49b: {  	v10 =	vsub.s32 $0x5F3759DF, v33;
	s3 =	sadd.f32 $9.999999960e-13, s3  }
0x49c: {  	v42 =	vsub.f32 $1.500000000e+00, v14;
	v35 =	vmul.f32 v10, v4;
	v37 =	vmov s10  }
0x49d: {  	v38 =	vshrl.u32 v37, $0x1;
	v15 =	vmul.f32 $5.000000000e-01, v37;
	v39 =	vmov s3  }
0x49e: {  	v16 =	vsub.s32 $0x5F3759DF, v38;
	v41 =	vshrl.u32 v39, $0x1;
	v17 =	vmul.f32 $5.000000000e-01, v39  }
0x49f: {  	v13 =	vmul.f32 v10, v35;
	v40 =	vmul.f32 v16, v15;
	v43 =	vsub.s32 $0x5F3759DF, v41  }
0x4a0: {  	v11 =	vmul.f32 v11, v42;
	v19 =	vmul.f32 v43, v17  }
0x4a1: {  	v13 =	vsub.f32 $1.500000000e+00, v13;
	v18 =	vmul.f32 v16, v40  }
0x4a2: {  	v48 =	vmul.f32 v11, v5;
	v46 =	vmul.f32 v43, v19  }
0x4a3: {  	v10 =	vmul.f32 v10, v13;
	v45 =	vsub.f32 $1.500000000e+00, v18  }
0x4a4: {  	v51 =	vmul.f32 v48, v11;
	v49 =	vsub.f32 $1.500000000e+00, v46  }
0x4a5: {  	v44 =	vmul.f32 v10, v4;
	v13 =	vmul.f32 v16, v45  }
0x4a6: {  	v53 =	vsub.f32 $1.500000000e+00, v51;
	v14 =	vmul.f32 v43, v49  }
0x4a7: {  	v47 =	vmul.f32 v44, v10;
	v52 =	vmul.f32 v13, v15  }
0x4a8: {  	v11 =	vmul.f32 v53, v11;
	v55 =	vmul.f32 v14, v17  }
0x4a9: {  	v50 =	vsub.f32 $1.500000000e+00, v47;
	v54 =	vmul.f32 v52, v13  }
0x4aa: {  	v5 =	vmul.f32 v11, v5;
	v57 =	vmul.f32 v55, v14  }
0x4ab: {  	v10 =	vmul.f32 v50, v10;
	v56 =	vsub.f32 $1.500000000e+00, v54  }
0x4ac: {  	v5 =	vmul.f32 v5, v11;
	v58 =	vsub.f32 $1.500000000e+00, v57  }
0x4ad: {  	v3 =	vpack.i.f32.bf16 v3, v6;
	v4 =	vmul.f32 v10, v4;
	v13 =	vmul.f32 v56, v13  }
0x4ae: {  	[tilespmem:s30+$0x60] =	vst v3;
	v3 =	vpack.i.f32.bf16 v9, v7;
	v5 =	vsub.f32 $1.500000000e+00, v5;
	v14 =	vmul.f32 v58, v14  }
0x4af: {  	s1 =	sadd.s32 $0x100, s1;
	[tilespmem:s2+$0x60] =	vst v3;
	v3 =	vmov s8;
	v4 =	vmul.f32 v4, v10;
	v59 =	vmul.f32 v13, v15  }
0x4b0: {  	[tilespmem:s1+$0x0] =	vst v3;
	v3 =	vmul.f32 v5, v11;
	v60 =	vmul.f32 v14, v17  }
0x4b1: {  	v4 =	vsub.f32 $1.500000000e+00, v4;
	v6 =	vmul.f32 v59, v13  }
0x4b2: {  	[tilespmem:s31+$0xFFFFFF80] =	vst v3;
	v3 =	vmov s18;
	v62 =	vmul.f32 v60, v14  }
0x4b3: {  	[tilespmem:s6+$0xFFFFFF80] =	vst v3;
	v3 =	vpack.i.f32.bf16 v8, v12;
	v4 =	vmul.f32 v4, v10;
	v61 =	vsub.f32 $1.500000000e+00, v6  }
0x4b4: {  	s30 =	sadd.s32 $0x100, s0;
	[tilespmem:s4+$0x60] =	vst v3;
	v5 =	vsub.f32 $1.500000000e+00, v62  }
0x4b5: {  	v3 =	vmov s5;
	[tilespmem:s30+$0x0] =	vst v4;
	v4 =	vmul.f32 v61, v13  }
0x4b6: {  	[tilespmem:s1+$0xFFFFFF80] =	vst v3;
	v63 =	vmul.f32 v5, v14  }
0x4b7: {  	[tilespmem:s12+$0xFFFFFF80] =	vst v4  }
0x4b8: {  	s0 =	simm.s32 $0x0;
	s2 =	simm.s32 $0x1B000;
	s1 =	simm.s32 $0x1A000;
	[tilespmem:s30+$0xFFFFFF80] =	vst v63  }
.LBB2_12:
0x4b9: {  	s3 =	sshrl.u32 s14, $0x3  }
0x4ba: {  	s3 =	smul.u32 $0x6000, s3;
	_ =	sdelay $0x1  }
0x4bb: {  	s4 =	sand.u32 $0x380, s0;
	s3 =	sshra.s32 s3, $0x2  }
0x4bc: {  	v4 =	vld [tilespmem:s1+$0x0];
	s3 =	sor.u32 s4, s3  }
0x4bd: {  	v5 =	vld [tilespmem:s3+$0x800]  }
0x4be: {  	v6 =	vld [tilespmem:s3+$0x820]  }
0x4bf: {  	v7 =	vld [tilespmem:s3+$0x840]  }
0x4c0: {  	v3 =	vld [tilespmem:s2+$0x0]  }
0x4c1: {  	v9 =	vld [tilespmem:s3+$0x860]  }
0x4c2: {  	v8 =	vunpack.i.l.bf16.f32 v5  }
0x4c3: {  	v11 =	vld [tilespmem:s3+$0xC00];
	v5 =	vunpack.i.u.bf16.f32 v5;
	v10 =	vunpack.i.l.bf16.f32 v6;
	v8 =	vsub.f32 v8, v4  }
0x4c4: {  	v6 =	vunpack.i.u.bf16.f32 v6;
	v12 =	vunpack.i.l.bf16.f32 v7;
	v5 =	vsub.f32 v5, v4  }
0x4c5: {  	v41 =	vld [tilespmem:s3+$0xC20];
	v7 =	vunpack.i.u.bf16.f32 v7;
	v10 =	vsub.f32 v10, v4;
	v8 =	vmul.f32 v8, v3  }
0x4c6: {  	v44 =	vunpack.i.l.bf16.f32 v9;
	v6 =	vsub.f32 v6, v4;
	v5 =	vmul.f32 v5, v3  }
0x4c7: {  	v46 =	vld [tilespmem:s3+$0xC40];
	v9 =	vunpack.i.u.bf16.f32 v9;
	v40 =	vsub.f32 v12, v4;
	v39 =	vmul.f32 v10, v3;
	[tilespmem:s3+$0x800] =	vst v8  }
0x4c8: {  	v49 =	vunpack.i.l.bf16.f32 v11;
	v43 =	vsub.f32 v7, v4;
	v42 =	vmul.f32 v6, v3;
	[tilespmem:s3+$0x810] =	vst v5  }
0x4c9: {  	v51 =	vld [tilespmem:s3+$0xC60];
	v50 =	vunpack.i.u.bf16.f32 v11;
	v7 =	vsub.f32 v44, v4;
	v45 =	vmul.f32 v40, v3;
	[tilespmem:s3+$0x820] =	vst v39  }
0x4ca: {  	v57 =	vld [tilespmem:s3+$0x1000];
	v54 =	vunpack.i.l.bf16.f32 v41;
	v48 =	vsub.f32 v9, v4;
	v47 =	vmul.f32 v43, v3;
	[tilespmem:s3+$0x830] =	vst v42  }
0x4cb: {  	v63 =	vld [tilespmem:s3+$0x1020];
	v56 =	vunpack.i.u.bf16.f32 v41;
	v9 =	vsub.f32 v49, v4;
	v7 =	vmul.f32 v7, v3;
	[tilespmem:s3+$0x840] =	vst v45  }
0x4cc: {  	v60 =	vunpack.i.l.bf16.f32 v46;
	v53 =	vsub.f32 v50, v4;
	v52 =	vmul.f32 v48, v3;
	[tilespmem:s3+$0x850] =	vst v47  }
0x4cd: {  	v31 =	vld [tilespmem:s3+$0x1400];
	v62 =	vunpack.i.u.bf16.f32 v46;
	v59 =	vsub.f32 v56, v4;
	v55 =	vmul.f32 v9, v3;
	[tilespmem:s3+$0x860] =	vst v7  }
0x4ce: {  	v18 =	vunpack.i.u.bf16.f32 v51;
	v15 =	vsub.f32 v62, v4;
	v58 =	vmul.f32 v53, v3;
	[tilespmem:s3+$0x870] =	vst v52  }
0x4cf: {  	v24 =	vunpack.i.u.bf16.f32 v57;
	v21 =	vsub.f32 v18, v4;
	v14 =	vmul.f32 v59, v3;
	[tilespmem:s3+$0xC00] =	vst v55  }
0x4d0: {  	v19 =	vld [tilespmem:s3+$0x1040];
	v30 =	vunpack.i.u.bf16.f32 v63;
	v27 =	vsub.f32 v24, v4;
	v20 =	vmul.f32 v15, v3;
	[tilespmem:s3+$0xC10] =	vst v58  }
0x4d1: {  	v25 =	vld [tilespmem:s3+$0x1060];
	v16 =	vunpack.i.l.bf16.f32 v51;
	v33 =	vsub.f32 v30, v4;
	v26 =	vmul.f32 v21, v3;
	[tilespmem:s3+$0xC30] =	vst v14  }
0x4d2: {  	v37 =	vld [tilespmem:s3+$0x1420];
	v9 =	vsub.f32 v60, v4;
	v32 =	vmul.f32 v27, v3;
	v48 =	vunpack.i.u.bf16.f32 v31;
	[tilespmem:s3+$0xC50] =	vst v20  }
0x4d3: {  	v22 =	vunpack.i.l.bf16.f32 v57;
	v38 =	vmul.f32 v33, v3;
	v51 =	vsub.f32 v48, v4;
	[tilespmem:s3+$0xC70] =	vst v26  }
0x4d4: {  	v28 =	vunpack.i.l.bf16.f32 v63;
	v8 =	vsub.f32 v54, v4;
	v17 =	vmul.f32 v9, v3;
	[tilespmem:s3+$0x1010] =	vst v32  }
0x4d5: {  	v36 =	vunpack.i.u.bf16.f32 v19;
	v9 =	vsub.f32 v22, v4;
	[tilespmem:s3+$0x1030] =	vst v38;
	v56 =	vmul.f32 v51, v3  }
0x4d6: {  	v39 =	vsub.f32 v36, v4;
	v42 =	vunpack.i.u.bf16.f32 v25;
	v61 =	vmul.f32 v8, v3;
	[tilespmem:s3+$0xC40] =	vst v17  }
0x4d7: {  	v43 =	vld [tilespmem:s3+$0x1440];
	v54 =	vunpack.i.u.bf16.f32 v37;
	v45 =	vsub.f32 v42, v4;
	v29 =	vmul.f32 v9, v3;
	[tilespmem:s3+$0x1410] =	vst v56  }
0x4d8: {  	v34 =	vunpack.i.l.bf16.f32 v19;
	v49 =	vld [tilespmem:s3+$0x1460];
	v57 =	vsub.f32 v54, v4;
	v44 =	vmul.f32 v39, v3;
	[tilespmem:s3+$0xC20] =	vst v61  }
0x4d9: {  	v46 =	vunpack.i.l.bf16.f32 v31;
	v8 =	vsub.f32 v16, v4;
	v50 =	vmul.f32 v45, v3;
	[tilespmem:s3+$0x1000] =	vst v29  }
0x4da: {  	v40 =	vunpack.i.l.bf16.f32 v25;
	v9 =	vsub.f32 v34, v4;
	v62 =	vmul.f32 v57, v3;
	[tilespmem:s3+$0x1050] =	vst v44  }
0x4db: {  	v52 =	vunpack.i.l.bf16.f32 v37;
	v55 =	vld [tilespmem:s3+$0x1800];
	v23 =	vmul.f32 v8, v3;
	v8 =	vsub.f32 v28, v4;
	[tilespmem:s3+$0x1070] =	vst v50  }
0x4dc: {  	v60 =	vunpack.i.u.bf16.f32 v43;
	v41 =	vmul.f32 v9, v3;
	v9 =	vsub.f32 v46, v4;
	[tilespmem:s3+$0x1430] =	vst v62  }
0x4dd: {  	v22 =	vld [tilespmem:s3+$0x1860];
	v15 =	vunpack.i.u.bf16.f32 v49;
	v63 =	vsub.f32 v60, v4;
	[tilespmem:s3+$0xC60] =	vst v23;
	v35 =	vmul.f32 v8, v3  }
0x4de: {  	v13 =	vunpack.i.l.bf16.f32 v49;
	v16 =	vld [tilespmem:s3+$0x1840];
	v18 =	vsub.f32 v15, v4;
	[tilespmem:s3+$0x1040] =	vst v41;
	v53 =	vmul.f32 v9, v3  }
0x4df: {  	v58 =	vunpack.i.l.bf16.f32 v43;
	v8 =	vsub.f32 v40, v4;
	v17 =	vmul.f32 v63, v3;
	[tilespmem:s3+$0x1020] =	vst v35  }
0x4e0: {  	v34 =	vld [tilespmem:s3+$0x1C20];
	v21 =	vunpack.i.u.bf16.f32 v55;
	v9 =	vsub.f32 v58, v4;
	v23 =	vmul.f32 v18, v3;
	[tilespmem:s3+$0x1400] =	vst v53  }
0x4e1: {  	v19 =	vunpack.i.l.bf16.f32 v55;
	v24 =	vsub.f32 v21, v4;
	v47 =	vmul.f32 v8, v3;
	[tilespmem:s3+$0x1450] =	vst v17  }
0x4e2: {  	v61 =	vld [tilespmem:s3+$0x1820];
	v37 =	vunpack.i.l.bf16.f32 v22;
	v8 =	vsub.f32 v52, v4;
	v14 =	vmul.f32 v9, v3;
	[tilespmem:s3+$0x1470] =	vst v23  }
0x4e3: {  	v33 =	vunpack.i.u.bf16.f32 v16;
	v9 =	vsub.f32 v19, v4;
	v29 =	vmul.f32 v24, v3;
	[tilespmem:s3+$0x1060] =	vst v47  }
0x4e4: {  	v28 =	vld [tilespmem:s3+$0x1C00];
	v39 =	vunpack.i.u.bf16.f32 v22;
	v36 =	vsub.f32 v33, v4;
	v59 =	vmul.f32 v8, v3;
	[tilespmem:s3+$0x1440] =	vst v14  }
0x4e5: {  	v42 =	vsub.f32 v39, v4;
	v51 =	vunpack.i.u.bf16.f32 v34;
	v26 =	vmul.f32 v9, v3;
	[tilespmem:s3+$0x1810] =	vst v29  }
0x4e6: {  	v40 =	vld [tilespmem:s3+$0x1C40];
	v31 =	vunpack.i.l.bf16.f32 v16;
	v53 =	vsub.f32 v51, v4;
	v41 =	vmul.f32 v36, v3;
	[tilespmem:s3+$0x1420] =	vst v59  }
0x4e7: {  	v27 =	vunpack.i.u.bf16.f32 v61;
	v8 =	vsub.f32 v13, v4;
	v47 =	vmul.f32 v42, v3;
	[tilespmem:s3+$0x1800] =	vst v26  }
0x4e8: {  	v25 =	vunpack.i.l.bf16.f32 v61;
	v30 =	vsub.f32 v27, v4;
	v57 =	vmul.f32 v53, v3;
	[tilespmem:s3+$0x1850] =	vst v41  }
0x4e9: {  	v45 =	vunpack.i.u.bf16.f32 v28;
	v9 =	vsub.f32 v31, v4;
	v20 =	vmul.f32 v8, v3;
	[tilespmem:s3+$0x1870] =	vst v47  }
0x4ea: {  	v43 =	vunpack.i.l.bf16.f32 v28;
	v48 =	vsub.f32 v45, v4;
	v35 =	vmul.f32 v30, v3;
	[tilespmem:s3+$0x1C30] =	vst v57  }
0x4eb: {  	v46 =	vld [tilespmem:s3+$0x1C60];
	v54 =	vunpack.i.l.bf16.f32 v40;
	v8 =	vsub.f32 v25, v4;
	v38 =	vmul.f32 v9, v3;
	[tilespmem:s3+$0x1460] =	vst v20  }
0x4ec: {  	v56 =	vunpack.i.u.bf16.f32 v40;
	v9 =	vsub.f32 v43, v4;
	v52 =	vmul.f32 v48, v3;
	[tilespmem:s3+$0x1830] =	vst v35  }
0x4ed: {  	v58 =	vsub.f32 v56, v4;
	v32 =	vmul.f32 v8, v3;
	v8 =	vsub.f32 v37, v4;
	[tilespmem:s3+$0x1840] =	vst v38  }
0x4ee: {  	v49 =	vunpack.i.l.bf16.f32 v34;
	v50 =	vmul.f32 v9, v3;
	v9 =	vsub.f32 v54, v4;
	[tilespmem:s3+$0x1C10] =	vst v52  }
0x4ef: {  	v62 =	vmul.f32 v58, v3;
	[tilespmem:s3+$0x1820] =	vst v32;
	v44 =	vmul.f32 v8, v3;
	v8 =	vsub.f32 v49, v4  }
0x4f0: {  	v61 =	vunpack.i.u.bf16.f32 v46;
	v59 =	vunpack.i.l.bf16.f32 v46;
	[tilespmem:s3+$0x1C00] =	vst v50  }
0x4f1: {  	p3 =	sne.s32 s0, $0xF80;
	v60 =	vmul.f32 v9, v3;
	[tilespmem:s3+$0x1C50] =	vst v62;
	v55 =	vmul.f32 v8, v3;
	v8 =	vsub.f32 v59, v4  }
.Ltmp11:
0x4f2: {  	[tilespmem:s3+$0x1860] =	vst v44;
	v4 =	vsub.f32 v61, v4;
	(pc) =	sbr.rel @p3 .LBB2_12-.Ltmp11, $4  }
0x4f3: {  	[tilespmem:s3+$0x1C40] =	vst v60;
	v63 =	vmul.f32 v8, v3  }
0x4f4: {  	[tilespmem:s3+$0x1C20] =	vst v55;
	v3 =	vmul.f32 v4, v3  }
0x4f5: {  	s1 =	sadd.s32 $0x80, s1;
	[tilespmem:s3+$0x1C60] =	vst v63  }
0x4f6: {  	s2 =	sadd.s32 $0x80, s2;
	s14 =	sadd.s32 $0x1, s14;
	s0 =	sadd.s32 $0x80, s0;
	[tilespmem:s3+$0x1C70] =	vst v3  }
0x4f7: {  	p3 =	sne.s32 s21, $0x0  }
.Ltmp12:
0x4f8: {  	_ = 	snop;
	(pc) =	sbr.rel @p3 .LBB2_15-.Ltmp12, $4  }
0x4f9: {  	_ = 	snop  }
0x4fa: {  	s0 =	rddreg [dreg:$0x4]  }
0x4fb: {  	s0 =	sor.u32 s0, s22  }
0x4fc: {  	s0 =	sshrl.u32 s0, $0x3  }
0x4fd: {  	s1 =	smul.u32 $0x1800, s0;
	s2 =	rddreg [dreg:$0xb]  }
0x4fe: {  	s2 =	sand.u32 $0x300, s2  }
0x4ff: {  	s1 =	sor.u32 s2, s1  }
0x500: {  	s6 =	rddreg [dreg:$0x2];
	s1 =	sshrl.u32 s1, $0x3  }
0x501: {  	s7 =	simm.s32 $0x800;
	s1 =	sadd.s32 s6, s1  }
0x502: {  	[hbm4b:s1+s11] =	stream.strided.scatter [tilespmem:s7], [sflag:$0x5], $0x400, s13, s11, $0x38;
	[tilespmem:$0x1C000] =	vst v63  }
0x503: {  	s3 =	simm.s32 $0xC00;
	s8 =	sadd.s32 $0x80, s1  }
0x504: {  	[hbm4b:s8+s11] =	stream.strided.scatter [tilespmem:s3], [sflag:$0x5], $0x400, s13, s11, $0x38;
	[tilespmem:$0x1C000] =	vst v63  }
0x505: {  	s12 =	simm.s32 $0x1000;
	s10 =	sadd.s32 $0x100, s1  }
0x506: {  	[hbm4b:s10+s11] =	stream.strided.scatter [tilespmem:s12], [sflag:$0x5], $0x400, s13, s11, $0x38;
	[tilespmem:$0x1C000] =	vst v63  }
0x507: {  	s15 =	simm.s32 $0x1400;
	s14 =	sadd.s32 $0x180, s1  }
0x508: {  	[hbm4b:s14+s11] =	stream.strided.scatter [tilespmem:s15], [sflag:$0x5], $0x400, s13, s11, $0x38;
	[tilespmem:$0x1C000] =	vst v63  }
0x509: {  	s17 =	simm.s32 $0x1800;
	s16 =	sadd.s32 $0x200, s1  }
0x50a: {  	[hbm4b:s16+s11] =	stream.strided.scatter [tilespmem:s17], [sflag:$0x5], $0x400, s13, s11, $0x38;
	[tilespmem:$0x1C000] =	vst v63  }
0x50b: {  	s21 =	simm.s32 $0x1C00;
	s18 =	sadd.s32 $0x280, s1  }
0x50c: {  	[hbm4b:s18+s11] =	stream.strided.scatter [tilespmem:s21], [sflag:$0x5], $0x400, s13, s11, $0x38;
	[tilespmem:$0x1C000] =	vst v63  }
0x50d: {  	s23 =	simm.s32 $0x2000;
	s22 =	sadd.s32 $0x60000, s1  }
0x50e: {  	[hbm4b:s22+s11] =	stream.strided.scatter [tilespmem:s23], [sflag:$0x5], $0x400, s13, s11, $0x38;
	[tilespmem:$0x1C000] =	vst v63  }
0x50f: {  	s4 =	simm.s32 $0x2400;
	s24 =	sadd.s32 $0x80, s22  }
0x510: {  	[hbm4b:s24+s11] =	stream.strided.scatter [tilespmem:s4], [sflag:$0x5], $0x400, s13, s11, $0x38;
	[tilespmem:$0x1C000] =	vst v63  }
0x511: {  	s26 =	simm.s32 $0x2800;
	s25 =	sadd.s32 $0x100, s22  }
0x512: {  	[hbm4b:s25+s11] =	stream.strided.scatter [tilespmem:s26], [sflag:$0x5], $0x400, s13, s11, $0x38;
	[tilespmem:$0x1C000] =	vst v63  }
0x513: {  	s29 =	simm.s32 $0x2C00;
	s28 =	sadd.s32 $0x180, s22  }
0x514: {  	[hbm4b:s28+s11] =	stream.strided.scatter [tilespmem:s29], [sflag:$0x5], $0x400, s13, s11, $0x38;
	[tilespmem:$0x1C000] =	vst v63  }
0x515: {  	s31 =	simm.s32 $0x3000;
	s30 =	sadd.s32 $0x200, s22  }
0x516: {  	[hbm4b:s30+s11] =	stream.strided.scatter [tilespmem:s31], [sflag:$0x5], $0x400, s13, s11, $0x38;
	[tilespmem:$0x1C000] =	vst v63  }
0x517: {  	s2 =	sadd.s32 $0x280, s22;
	s4 =	simm.s32 $0x3400  }
0x518: {  	[hbm4b:s2+s11] =	stream.strided.scatter [tilespmem:s4], [sflag:$0x5], $0x400, s13, s11, $0x38;
	[tilespmem:$0x1C000] =	vst v63  }
0x519: {  	s6 =	simm.s32 $0x3800;
	s5 =	sadd.s32 $0xC0000, s1  }
0x51a: {  	[hbm4b:s5+s11] =	stream.strided.scatter [tilespmem:s6], [sflag:$0x5], $0x400, s13, s11, $0x38;
	[tilespmem:$0x1C000] =	vst v63  }
0x51b: {  	s7 =	sadd.s32 $0x80, s5;
	s8 =	simm.s32 $0x3C00  }
0x51c: {  	[hbm4b:s7+s11] =	stream.strided.scatter [tilespmem:s8], [sflag:$0x5], $0x400, s13, s11, $0x38;
	[tilespmem:$0x1C000] =	vst v63  }
0x51d: {  	s10 =	sadd.s32 $0x100, s5;
	s12 =	simm.s32 $0x4000  }
0x51e: {  	[hbm4b:s10+s11] =	stream.strided.scatter [tilespmem:s12], [sflag:$0x5], $0x400, s13, s11, $0x38;
	[tilespmem:$0x1C000] =	vst v63  }
0x51f: {  	s14 =	sadd.s32 $0x180, s5;
	s15 =	simm.s32 $0x4400  }
0x520: {  	[hbm4b:s14+s11] =	stream.strided.scatter [tilespmem:s15], [sflag:$0x5], $0x400, s13, s11, $0x38;
	[tilespmem:$0x1C000] =	vst v63  }
0x521: {  	s16 =	sadd.s32 $0x200, s5;
	s17 =	simm.s32 $0x4800  }
0x522: {  	[hbm4b:s16+s11] =	stream.strided.scatter [tilespmem:s17], [sflag:$0x5], $0x400, s13, s11, $0x38;
	[tilespmem:$0x1C000] =	vst v63  }
0x523: {  	s18 =	simm.s32 $0x4C00;
	s2 =	sadd.s32 $0x280, s5  }
0x524: {  	[hbm4b:s2+s11] =	stream.strided.scatter [tilespmem:s18], [sflag:$0x5], $0x400, s13, s11, $0x38;
	[tilespmem:$0x1C000] =	vst v63  }
0x525: {  	s1 =	sadd.s32 $0x120000, s1;
	s21 =	simm.s32 $0x5000  }
0x526: {  	[hbm4b:s1+s11] =	stream.strided.scatter [tilespmem:s21], [sflag:$0x5], $0x400, s13, s11, $0x38;
	[tilespmem:$0x1C000] =	vst v63  }
0x527: {  	s22 =	sadd.s32 $0x80, s1;
	s23 =	simm.s32 $0x5400  }
0x528: {  	[hbm4b:s22+s11] =	stream.strided.scatter [tilespmem:s23], [sflag:$0x5], $0x400, s13, s11, $0x38;
	[tilespmem:$0x1C000] =	vst v63  }
0x529: {  	s24 =	sadd.s32 $0x100, s1;
	s25 =	simm.s32 $0x5800  }
0x52a: {  	[hbm4b:s24+s11] =	stream.strided.scatter [tilespmem:s25], [sflag:$0x5], $0x400, s13, s11, $0x38;
	[tilespmem:$0x1C000] =	vst v63  }
0x52b: {  	s26 =	sadd.s32 $0x180, s1;
	s28 =	simm.s32 $0x5C00  }
0x52c: {  	[hbm4b:s26+s11] =	stream.strided.scatter [tilespmem:s28], [sflag:$0x5], $0x400, s13, s11, $0x38;
	[tilespmem:$0x1C000] =	vst v63  }
0x52d: {  	s29 =	sadd.s32 $0x200, s1;
	s30 =	simm.s32 $0x6000  }
0x52e: {  	[hbm4b:s29+s11] =	stream.strided.scatter [tilespmem:s30], [sflag:$0x5], $0x400, s13, s11, $0x38;
	[tilespmem:$0x1C000] =	vst v63  }
0x52f: {  	s31 =	simm.s32 $0x6400;
	s1 =	sadd.s32 $0x280, s1  }
0x530: {  	[hbm4b:s1+s11] =	stream.strided.scatter [tilespmem:s31], [sflag:$0x5], $0x400, s13, s11, $0x38;
	[tilespmem:$0x1C000] =	vst v63  }
.LBB2_15:
.Ltmp13:
0x531: {  	(pc) =	sbr.rel @!p2 .LBB2_17-.Ltmp13, $1  }
0x532: {  	_ =	sdelay $0x3  }
0x533: {  	s1 =	smul.u32 $0x1800, s0;
	s2 =	rddreg [dreg:$0xb]  }
0x534: {  	s2 =	sand.u32 $0x300, s2  }
0x535: {  	s1 =	sor.u32 s2, s1  }
0x536: {  	s1 =	sshrl.u32 s1, $0x3  }
0x537: {  	s6 =	rddreg [dreg:$0x2];
	s1 =	sor.u32 $0x180000, s1  }
0x538: {  	s7 =	simm.s32 $0x6800;
	s1 =	sadd.s32 s6, s1  }
0x539: {  	[hbm4b:s1+s11] =	stream.strided.scatter [tilespmem:s7], [sflag:$0x6], $0x400, s13, s11, $0x38;
	[tilespmem:$0x1C000] =	vst v63  }
0x53a: {  	s3 =	simm.s32 $0x6C00;
	s8 =	sadd.s32 $0x80, s1  }
0x53b: {  	[hbm4b:s8+s11] =	stream.strided.scatter [tilespmem:s3], [sflag:$0x6], $0x400, s13, s11, $0x38;
	[tilespmem:$0x1C000] =	vst v63  }
0x53c: {  	s12 =	simm.s32 $0x7000;
	s10 =	sadd.s32 $0x100, s1  }
0x53d: {  	[hbm4b:s10+s11] =	stream.strided.scatter [tilespmem:s12], [sflag:$0x6], $0x400, s13, s11, $0x38;
	[tilespmem:$0x1C000] =	vst v63  }
0x53e: {  	s15 =	simm.s32 $0x7400;
	s14 =	sadd.s32 $0x180, s1  }
0x53f: {  	[hbm4b:s14+s11] =	stream.strided.scatter [tilespmem:s15], [sflag:$0x6], $0x400, s13, s11, $0x38;
	[tilespmem:$0x1C000] =	vst v63  }
0x540: {  	s17 =	simm.s32 $0x7800;
	s16 =	sadd.s32 $0x200, s1  }
0x541: {  	[hbm4b:s16+s11] =	stream.strided.scatter [tilespmem:s17], [sflag:$0x6], $0x400, s13, s11, $0x38;
	[tilespmem:$0x1C000] =	vst v63  }
0x542: {  	s21 =	simm.s32 $0x7C00;
	s18 =	sadd.s32 $0x280, s1  }
0x543: {  	[hbm4b:s18+s11] =	stream.strided.scatter [tilespmem:s21], [sflag:$0x6], $0x400, s13, s11, $0x38;
	[tilespmem:$0x1C000] =	vst v63  }
0x544: {  	s23 =	simm.s32 $0x8000;
	s22 =	sadd.s32 $0x60000, s1  }
0x545: {  	[hbm4b:s22+s11] =	stream.strided.scatter [tilespmem:s23], [sflag:$0x6], $0x400, s13, s11, $0x38;
	[tilespmem:$0x1C000] =	vst v63  }
0x546: {  	s4 =	simm.s32 $0x8400;
	s24 =	sadd.s32 $0x80, s22  }
0x547: {  	[hbm4b:s24+s11] =	stream.strided.scatter [tilespmem:s4], [sflag:$0x6], $0x400, s13, s11, $0x38;
	[tilespmem:$0x1C000] =	vst v63  }
0x548: {  	s26 =	simm.s32 $0x8800;
	s25 =	sadd.s32 $0x100, s22  }
0x549: {  	[hbm4b:s25+s11] =	stream.strided.scatter [tilespmem:s26], [sflag:$0x6], $0x400, s13, s11, $0x38;
	[tilespmem:$0x1C000] =	vst v63  }
0x54a: {  	s29 =	simm.s32 $0x8C00;
	s28 =	sadd.s32 $0x180, s22  }
0x54b: {  	[hbm4b:s28+s11] =	stream.strided.scatter [tilespmem:s29], [sflag:$0x6], $0x400, s13, s11, $0x38;
	[tilespmem:$0x1C000] =	vst v63  }
0x54c: {  	s31 =	simm.s32 $0x9000;
	s30 =	sadd.s32 $0x200, s22  }
0x54d: {  	[hbm4b:s30+s11] =	stream.strided.scatter [tilespmem:s31], [sflag:$0x6], $0x400, s13, s11, $0x38;
	[tilespmem:$0x1C000] =	vst v63  }
0x54e: {  	s2 =	sadd.s32 $0x280, s22;
	s4 =	simm.s32 $0x9400  }
0x54f: {  	[hbm4b:s2+s11] =	stream.strided.scatter [tilespmem:s4], [sflag:$0x6], $0x400, s13, s11, $0x38;
	[tilespmem:$0x1C000] =	vst v63  }
0x550: {  	s6 =	simm.s32 $0x9800;
	s5 =	sadd.s32 $0xC0000, s1  }
0x551: {  	[hbm4b:s5+s11] =	stream.strided.scatter [tilespmem:s6], [sflag:$0x6], $0x400, s13, s11, $0x38;
	[tilespmem:$0x1C000] =	vst v63  }
0x552: {  	s7 =	sadd.s32 $0x80, s5;
	s8 =	simm.s32 $0x9C00  }
0x553: {  	[hbm4b:s7+s11] =	stream.strided.scatter [tilespmem:s8], [sflag:$0x6], $0x400, s13, s11, $0x38;
	[tilespmem:$0x1C000] =	vst v63  }
0x554: {  	s10 =	sadd.s32 $0x100, s5;
	s12 =	simm.s32 $0xA000  }
0x555: {  	[hbm4b:s10+s11] =	stream.strided.scatter [tilespmem:s12], [sflag:$0x6], $0x400, s13, s11, $0x38;
	[tilespmem:$0x1C000] =	vst v63  }
0x556: {  	s14 =	sadd.s32 $0x180, s5;
	s15 =	simm.s32 $0xA400  }
0x557: {  	[hbm4b:s14+s11] =	stream.strided.scatter [tilespmem:s15], [sflag:$0x6], $0x400, s13, s11, $0x38;
	[tilespmem:$0x1C000] =	vst v63  }
0x558: {  	s16 =	sadd.s32 $0x200, s5;
	s17 =	simm.s32 $0xA800  }
0x559: {  	[hbm4b:s16+s11] =	stream.strided.scatter [tilespmem:s17], [sflag:$0x6], $0x400, s13, s11, $0x38;
	[tilespmem:$0x1C000] =	vst v63  }
0x55a: {  	s18 =	simm.s32 $0xAC00;
	s2 =	sadd.s32 $0x280, s5  }
0x55b: {  	[hbm4b:s2+s11] =	stream.strided.scatter [tilespmem:s18], [sflag:$0x6], $0x400, s13, s11, $0x38;
	[tilespmem:$0x1C000] =	vst v63  }
0x55c: {  	s1 =	sadd.s32 $0x120000, s1;
	s21 =	simm.s32 $0xB000  }
0x55d: {  	[hbm4b:s1+s11] =	stream.strided.scatter [tilespmem:s21], [sflag:$0x6], $0x400, s13, s11, $0x38;
	[tilespmem:$0x1C000] =	vst v63  }
0x55e: {  	s22 =	sadd.s32 $0x80, s1;
	s23 =	simm.s32 $0xB400  }
0x55f: {  	[hbm4b:s22+s11] =	stream.strided.scatter [tilespmem:s23], [sflag:$0x6], $0x400, s13, s11, $0x38;
	[tilespmem:$0x1C000] =	vst v63  }
0x560: {  	s24 =	sadd.s32 $0x100, s1;
	s25 =	simm.s32 $0xB800  }
0x561: {  	[hbm4b:s24+s11] =	stream.strided.scatter [tilespmem:s25], [sflag:$0x6], $0x400, s13, s11, $0x38;
	[tilespmem:$0x1C000] =	vst v63  }
0x562: {  	s26 =	sadd.s32 $0x180, s1;
	s28 =	simm.s32 $0xBC00  }
0x563: {  	[hbm4b:s26+s11] =	stream.strided.scatter [tilespmem:s28], [sflag:$0x6], $0x400, s13, s11, $0x38;
	[tilespmem:$0x1C000] =	vst v63  }
0x564: {  	s29 =	sadd.s32 $0x200, s1;
	s30 =	simm.s32 $0xC000  }
0x565: {  	[hbm4b:s29+s11] =	stream.strided.scatter [tilespmem:s30], [sflag:$0x6], $0x400, s13, s11, $0x38;
	[tilespmem:$0x1C000] =	vst v63  }
0x566: {  	s31 =	simm.s32 $0xC400;
	s1 =	sadd.s32 $0x280, s1  }
0x567: {  	[hbm4b:s1+s11] =	stream.strided.scatter [tilespmem:s31], [sflag:$0x6], $0x400, s13, s11, $0x38;
	[tilespmem:$0x1C000] =	vst v63  }
.LBB2_17:
.Ltmp14:
0x568: {  	(pc) =	sbr.rel @!p1 .LBB2_19-.Ltmp14, $1  }
0x569: {  	_ =	sdelay $0x3  }
0x56a: {  	s1 =	smul.u32 $0x1800, s0  }
0x56b: {  	s2 =	rddreg [dreg:$0xa]  }
0x56c: {  	s1 =	sor.u32 s2, s1  }
0x56d: {  	s6 =	rddreg [dreg:$0x2];
	s1 =	sshrl.u32 s1, $0x3  }
0x56e: {  	s7 =	simm.s32 $0xC800;
	s1 =	sadd.s32 s6, s1  }
0x56f: {  	[hbm4b:s1+s11] =	stream.strided.scatter [tilespmem:s7], [sflag:$0x7], $0x400, s13, s11, $0x38;
	[tilespmem:$0x1C000] =	vst v63  }
0x570: {  	s3 =	simm.s32 $0xCC00;
	s8 =	sadd.s32 $0x80, s1  }
0x571: {  	[hbm4b:s8+s11] =	stream.strided.scatter [tilespmem:s3], [sflag:$0x7], $0x400, s13, s11, $0x38;
	[tilespmem:$0x1C000] =	vst v63  }
0x572: {  	s12 =	simm.s32 $0xD000;
	s10 =	sadd.s32 $0x100, s1  }
0x573: {  	[hbm4b:s10+s11] =	stream.strided.scatter [tilespmem:s12], [sflag:$0x7], $0x400, s13, s11, $0x38;
	[tilespmem:$0x1C000] =	vst v63  }
0x574: {  	s15 =	simm.s32 $0xD400;
	s14 =	sadd.s32 $0x180, s1  }
0x575: {  	[hbm4b:s14+s11] =	stream.strided.scatter [tilespmem:s15], [sflag:$0x7], $0x400, s13, s11, $0x38;
	[tilespmem:$0x1C000] =	vst v63  }
0x576: {  	s17 =	simm.s32 $0xD800;
	s16 =	sadd.s32 $0x200, s1  }
0x577: {  	[hbm4b:s16+s11] =	stream.strided.scatter [tilespmem:s17], [sflag:$0x7], $0x400, s13, s11, $0x38;
	[tilespmem:$0x1C000] =	vst v63  }
0x578: {  	s21 =	simm.s32 $0xDC00;
	s18 =	sadd.s32 $0x280, s1  }
0x579: {  	[hbm4b:s18+s11] =	stream.strided.scatter [tilespmem:s21], [sflag:$0x7], $0x400, s13, s11, $0x38;
	[tilespmem:$0x1C000] =	vst v63  }
0x57a: {  	s23 =	simm.s32 $0xE000;
	s22 =	sadd.s32 $0x60000, s1  }
0x57b: {  	[hbm4b:s22+s11] =	stream.strided.scatter [tilespmem:s23], [sflag:$0x7], $0x400, s13, s11, $0x38;
	[tilespmem:$0x1C000] =	vst v63  }
0x57c: {  	s4 =	simm.s32 $0xE400;
	s24 =	sadd.s32 $0x80, s22  }
0x57d: {  	[hbm4b:s24+s11] =	stream.strided.scatter [tilespmem:s4], [sflag:$0x7], $0x400, s13, s11, $0x38;
	[tilespmem:$0x1C000] =	vst v63  }
0x57e: {  	s26 =	simm.s32 $0xE800;
	s25 =	sadd.s32 $0x100, s22  }
0x57f: {  	[hbm4b:s25+s11] =	stream.strided.scatter [tilespmem:s26], [sflag:$0x7], $0x400, s13, s11, $0x38;
	[tilespmem:$0x1C000] =	vst v63  }
0x580: {  	s29 =	simm.s32 $0xEC00;
	s28 =	sadd.s32 $0x180, s22  }
0x581: {  	[hbm4b:s28+s11] =	stream.strided.scatter [tilespmem:s29], [sflag:$0x7], $0x400, s13, s11, $0x38;
	[tilespmem:$0x1C000] =	vst v63  }
0x582: {  	s31 =	simm.s32 $0xF000;
	s30 =	sadd.s32 $0x200, s22  }
0x583: {  	[hbm4b:s30+s11] =	stream.strided.scatter [tilespmem:s31], [sflag:$0x7], $0x400, s13, s11, $0x38;
	[tilespmem:$0x1C000] =	vst v63  }
0x584: {  	s2 =	sadd.s32 $0x280, s22;
	s4 =	simm.s32 $0xF400  }
0x585: {  	[hbm4b:s2+s11] =	stream.strided.scatter [tilespmem:s4], [sflag:$0x7], $0x400, s13, s11, $0x38;
	[tilespmem:$0x1C000] =	vst v63  }
0x586: {  	s6 =	simm.s32 $0xF800;
	s5 =	sadd.s32 $0xC0000, s1  }
0x587: {  	[hbm4b:s5+s11] =	stream.strided.scatter [tilespmem:s6], [sflag:$0x7], $0x400, s13, s11, $0x38;
	[tilespmem:$0x1C000] =	vst v63  }
0x588: {  	s7 =	sadd.s32 $0x80, s5;
	s8 =	simm.s32 $0xFC00  }
0x589: {  	[hbm4b:s7+s11] =	stream.strided.scatter [tilespmem:s8], [sflag:$0x7], $0x400, s13, s11, $0x38;
	[tilespmem:$0x1C000] =	vst v63  }
0x58a: {  	s10 =	sadd.s32 $0x100, s5;
	s12 =	simm.s32 $0x10000  }
0x58b: {  	[hbm4b:s10+s11] =	stream.strided.scatter [tilespmem:s12], [sflag:$0x7], $0x400, s13, s11, $0x38;
	[tilespmem:$0x1C000] =	vst v63  }
0x58c: {  	s14 =	sadd.s32 $0x180, s5;
	s15 =	simm.s32 $0x10400  }
0x58d: {  	[hbm4b:s14+s11] =	stream.strided.scatter [tilespmem:s15], [sflag:$0x7], $0x400, s13, s11, $0x38;
	[tilespmem:$0x1C000] =	vst v63  }
0x58e: {  	s16 =	sadd.s32 $0x200, s5;
	s17 =	simm.s32 $0x10800  }
0x58f: {  	[hbm4b:s16+s11] =	stream.strided.scatter [tilespmem:s17], [sflag:$0x7], $0x400, s13, s11, $0x38;
	[tilespmem:$0x1C000] =	vst v63  }
0x590: {  	s18 =	simm.s32 $0x10C00;
	s2 =	sadd.s32 $0x280, s5  }
0x591: {  	[hbm4b:s2+s11] =	stream.strided.scatter [tilespmem:s18], [sflag:$0x7], $0x400, s13, s11, $0x38;
	[tilespmem:$0x1C000] =	vst v63  }
0x592: {  	s1 =	sadd.s32 $0x120000, s1;
	s21 =	simm.s32 $0x11000  }
0x593: {  	[hbm4b:s1+s11] =	stream.strided.scatter [tilespmem:s21], [sflag:$0x7], $0x400, s13, s11, $0x38;
	[tilespmem:$0x1C000] =	vst v63  }
0x594: {  	s22 =	sadd.s32 $0x80, s1;
	s23 =	simm.s32 $0x11400  }
0x595: {  	[hbm4b:s22+s11] =	stream.strided.scatter [tilespmem:s23], [sflag:$0x7], $0x400, s13, s11, $0x38;
	[tilespmem:$0x1C000] =	vst v63  }
0x596: {  	s24 =	sadd.s32 $0x100, s1;
	s25 =	simm.s32 $0x11800  }
0x597: {  	[hbm4b:s24+s11] =	stream.strided.scatter [tilespmem:s25], [sflag:$0x7], $0x400, s13, s11, $0x38;
	[tilespmem:$0x1C000] =	vst v63  }
0x598: {  	s26 =	sadd.s32 $0x180, s1;
	s28 =	simm.s32 $0x11C00  }
0x599: {  	[hbm4b:s26+s11] =	stream.strided.scatter [tilespmem:s28], [sflag:$0x7], $0x400, s13, s11, $0x38;
	[tilespmem:$0x1C000] =	vst v63  }
0x59a: {  	s29 =	sadd.s32 $0x200, s1;
	s30 =	simm.s32 $0x12000  }
0x59b: {  	[hbm4b:s29+s11] =	stream.strided.scatter [tilespmem:s30], [sflag:$0x7], $0x400, s13, s11, $0x38;
	[tilespmem:$0x1C000] =	vst v63  }
0x59c: {  	s31 =	simm.s32 $0x12400;
	s1 =	sadd.s32 $0x280, s1  }
0x59d: {  	[hbm4b:s1+s11] =	stream.strided.scatter [tilespmem:s31], [sflag:$0x7], $0x400, s13, s11, $0x38;
	[tilespmem:$0x1C000] =	vst v63  }
.LBB2_19:
.Ltmp15:
0x59e: {  	(pc) =	sbr.rel @!p0 .LBB2_21-.Ltmp15, $1  }
0x59f: {  	_ =	sdelay $0x3  }
0x5a0: {  	s0 =	smul.u32 $0x1800, s0  }
0x5a1: {  	s1 =	rddreg [dreg:$0xa]  }
0x5a2: {  	s0 =	sor.u32 s1, s0  }
0x5a3: {  	s0 =	sshrl.u32 s0, $0x3  }
0x5a4: {  	s6 =	rddreg [dreg:$0x2];
	s0 =	sor.u32 $0x180000, s0  }
0x5a5: {  	s7 =	simm.s32 $0x12800;
	s0 =	sadd.s32 s6, s0  }
0x5a6: {  	[hbm4b:s0+s11] =	stream.strided.scatter [tilespmem:s7], [sflag:$0x8], $0x400, s13, s11, $0x38;
	[tilespmem:$0x1C000] =	vst v63  }
0x5a7: {  	s2 =	simm.s32 $0x12C00;
	s8 =	sadd.s32 $0x80, s0  }
0x5a8: {  	[hbm4b:s8+s11] =	stream.strided.scatter [tilespmem:s2], [sflag:$0x8], $0x400, s13, s11, $0x38;
	[tilespmem:$0x1C000] =	vst v63  }
0x5a9: {  	s12 =	simm.s32 $0x13000;
	s10 =	sadd.s32 $0x100, s0  }
0x5aa: {  	[hbm4b:s10+s11] =	stream.strided.scatter [tilespmem:s12], [sflag:$0x8], $0x400, s13, s11, $0x38;
	[tilespmem:$0x1C000] =	vst v63  }
0x5ab: {  	s15 =	simm.s32 $0x13400;
	s14 =	sadd.s32 $0x180, s0  }
0x5ac: {  	[hbm4b:s14+s11] =	stream.strided.scatter [tilespmem:s15], [sflag:$0x8], $0x400, s13, s11, $0x38;
	[tilespmem:$0x1C000] =	vst v63  }
0x5ad: {  	s17 =	simm.s32 $0x13800;
	s16 =	sadd.s32 $0x200, s0  }
0x5ae: {  	[hbm4b:s16+s11] =	stream.strided.scatter [tilespmem:s17], [sflag:$0x8], $0x400, s13, s11, $0x38;
	[tilespmem:$0x1C000] =	vst v63  }
0x5af: {  	s21 =	simm.s32 $0x13C00;
	s18 =	sadd.s32 $0x280, s0  }
0x5b0: {  	[hbm4b:s18+s11] =	stream.strided.scatter [tilespmem:s21], [sflag:$0x8], $0x400, s13, s11, $0x38;
	[tilespmem:$0x1C000] =	vst v63  }
0x5b1: {  	s23 =	simm.s32 $0x14000;
	s22 =	sadd.s32 $0x60000, s0  }
0x5b2: {  	[hbm4b:s22+s11] =	stream.strided.scatter [tilespmem:s23], [sflag:$0x8], $0x400, s13, s11, $0x38;
	[tilespmem:$0x1C000] =	vst v63  }
0x5b3: {  	s3 =	simm.s32 $0x14400;
	s24 =	sadd.s32 $0x80, s22  }
0x5b4: {  	[hbm4b:s24+s11] =	stream.strided.scatter [tilespmem:s3], [sflag:$0x8], $0x400, s13, s11, $0x38;
	[tilespmem:$0x1C000] =	vst v63  }
0x5b5: {  	s26 =	simm.s32 $0x14800;
	s25 =	sadd.s32 $0x100, s22  }
0x5b6: {  	[hbm4b:s25+s11] =	stream.strided.scatter [tilespmem:s26], [sflag:$0x8], $0x400, s13, s11, $0x38;
	[tilespmem:$0x1C000] =	vst v63  }
0x5b7: {  	s29 =	simm.s32 $0x14C00;
	s28 =	sadd.s32 $0x180, s22  }
0x5b8: {  	[hbm4b:s28+s11] =	stream.strided.scatter [tilespmem:s29], [sflag:$0x8], $0x400, s13, s11, $0x38;
	[tilespmem:$0x1C000] =	vst v63  }
0x5b9: {  	s31 =	simm.s32 $0x15000;
	s30 =	sadd.s32 $0x200, s22  }
0x5ba: {  	[hbm4b:s30+s11] =	stream.strided.scatter [tilespmem:s31], [sflag:$0x8], $0x400, s13, s11, $0x38;
	[tilespmem:$0x1C000] =	vst v63  }
0x5bb: {  	s4 =	simm.s32 $0x15400;
	s1 =	sadd.s32 $0x280, s22  }
0x5bc: {  	[hbm4b:s1+s11] =	stream.strided.scatter [tilespmem:s4], [sflag:$0x8], $0x400, s13, s11, $0x38;
	[tilespmem:$0x1C000] =	vst v63  }
0x5bd: {  	s6 =	simm.s32 $0x15800;
	s5 =	sadd.s32 $0xC0000, s0  }
0x5be: {  	[hbm4b:s5+s11] =	stream.strided.scatter [tilespmem:s6], [sflag:$0x8], $0x400, s13, s11, $0x38;
	[tilespmem:$0x1C000] =	vst v63  }
0x5bf: {  	s7 =	sadd.s32 $0x80, s5;
	s8 =	simm.s32 $0x15C00  }
0x5c0: {  	[hbm4b:s7+s11] =	stream.strided.scatter [tilespmem:s8], [sflag:$0x8], $0x400, s13, s11, $0x38;
	[tilespmem:$0x1C000] =	vst v63  }
0x5c1: {  	s10 =	sadd.s32 $0x100, s5;
	s12 =	simm.s32 $0x16000  }
0x5c2: {  	[hbm4b:s10+s11] =	stream.strided.scatter [tilespmem:s12], [sflag:$0x8], $0x400, s13, s11, $0x38;
	[tilespmem:$0x1C000] =	vst v63  }
0x5c3: {  	s14 =	sadd.s32 $0x180, s5;
	s15 =	simm.s32 $0x16400  }
0x5c4: {  	[hbm4b:s14+s11] =	stream.strided.scatter [tilespmem:s15], [sflag:$0x8], $0x400, s13, s11, $0x38;
	[tilespmem:$0x1C000] =	vst v63  }
0x5c5: {  	s16 =	sadd.s32 $0x200, s5;
	s17 =	simm.s32 $0x16800  }
0x5c6: {  	[hbm4b:s16+s11] =	stream.strided.scatter [tilespmem:s17], [sflag:$0x8], $0x400, s13, s11, $0x38;
	[tilespmem:$0x1C000] =	vst v63  }
0x5c7: {  	s18 =	simm.s32 $0x16C00;
	s1 =	sadd.s32 $0x280, s5  }
0x5c8: {  	[hbm4b:s1+s11] =	stream.strided.scatter [tilespmem:s18], [sflag:$0x8], $0x400, s13, s11, $0x38;
	[tilespmem:$0x1C000] =	vst v63  }
0x5c9: {  	s0 =	sadd.s32 $0x120000, s0;
	s21 =	simm.s32 $0x17000  }
0x5ca: {  	[hbm4b:s0+s11] =	stream.strided.scatter [tilespmem:s21], [sflag:$0x8], $0x400, s13, s11, $0x38;
	[tilespmem:$0x1C000] =	vst v63  }
0x5cb: {  	s22 =	sadd.s32 $0x80, s0;
	s23 =	simm.s32 $0x17400  }
0x5cc: {  	[hbm4b:s22+s11] =	stream.strided.scatter [tilespmem:s23], [sflag:$0x8], $0x400, s13, s11, $0x38;
	[tilespmem:$0x1C000] =	vst v63  }
0x5cd: {  	s24 =	sadd.s32 $0x100, s0;
	s25 =	simm.s32 $0x17800  }
0x5ce: {  	[hbm4b:s24+s11] =	stream.strided.scatter [tilespmem:s25], [sflag:$0x8], $0x400, s13, s11, $0x38;
	[tilespmem:$0x1C000] =	vst v63  }
0x5cf: {  	s26 =	sadd.s32 $0x180, s0;
	s28 =	simm.s32 $0x17C00  }
0x5d0: {  	[hbm4b:s26+s11] =	stream.strided.scatter [tilespmem:s28], [sflag:$0x8], $0x400, s13, s11, $0x38;
	[tilespmem:$0x1C000] =	vst v63  }
.Ltmp16:
0x5d1: {  	_ = 	snop;
	(pc) =	sbr.rel .LBB2_21-.Ltmp16, $4  }
0x5d2: {  	s29 =	sadd.s32 $0x200, s0;
	s30 =	simm.s32 $0x18000  }
0x5d3: {  	[hbm4b:s29+s11] =	stream.strided.scatter [tilespmem:s30], [sflag:$0x8], $0x400, s13, s11, $0x38;
	[tilespmem:$0x1C000] =	vst v63  }
0x5d4: {  	s31 =	simm.s32 $0x18400;
	s0 =	sadd.s32 $0x280, s0  }
0x5d5: {  	[hbm4b:s0+s11] =	stream.strided.scatter [tilespmem:s31], [sflag:$0x8], $0x400, s13, s11, $0x38;
	[tilespmem:$0x1C000] =	vst v63  }
.LBB2_23:
0x5d6: {  	_ =	sfence.sel $0x180000  }
0x5d7: {  	[bflag:$0x0] =	sbarrier.arrive $0xFFFF  }
0x5d8: {  	_ =	strace $0x90000047  }
0x5d9: {  	s0 =	stileid.u32;
	[bflag:$0x2] =	sbarrier.arrive $0xFFFF  }
0x5da: {  	p0 =	sne.s32 s0, $0x0;
	s0 =	rddreg [dreg:$0x3]  }
0x5db: {  	s0 =	sadd.s32 @!p0 $0x100000, s0  }
0x5dc: {  	[sflag:s0] =	ssyncadd.tile.s32 @!p0 $0x1;
	_ =	shalt  }
.Lfunc_end2:
_tile_overlayer_lowered:
.L_overlay_start_2:
0x5dd: {  	(tag) =	ssettag $0x2  }
0x5de: {  	s0 =	rddreg [dreg:$0x0];
	s2 =	stileid.u32  }
0x5df: {  	s1 =	rddreg [dreg:$0x1];
	p0 =	sne.s32 s2, $0x0  }
0x5e0: {  	s3 =	rddreg [dreg:$0x2];
	[bflag:$0x3] =	sbarrier.arrive $0xFFFF;
	s2 =	simm.s32 @!p0 $0x1C09  }
0x5e1: {  	[timem:s3], [sflag:s2] =	dma.local @!p0 [hbm:s0], s1  }
0x5e2: {  	s0 =	simm.s32 @!p0 $0x9  }
0x5e3: {  	_ =	swait.ge @!p0 [sflag:s0], s1  }
0x5e4: {  	s1 =	ssub.s32 @!p0 $0x0, s1;
	[sflag:s0] =	ssyncset.done @!p0 $0x0  }
0x5e5: {  	[sflag:s0] =	ssyncadd.s32 @!p0 s1  }
0x5e6: {  	[bflag:$0x3] =	sbarrier.arrive $0xFFFF  }
0x5e7: {  	_ =	shalt  }

</sc_bundles>
